<compile_context>
chip_gen: v7x
topology: tpu7x:2x2x1
jax: 0.10.2.dev20260603
libtpu: 0.0.44.dev20260713+nightly
codegen_flags: <defaults>
</compile_context>

<pallas_src>
import functools

import jax
import jax.numpy as jnp
from jax import lax
from jax.experimental import pallas as pl
from jax.experimental.pallas import tpu as pltpu
from jax.experimental.pallas import tpu_sc as plsc

_R = 1024
_C = 100000
_K = 200
_NW = 32
_L = 16
_NA = _K // 8
_NC = _R // 128
_AMAX = 7
_A0 = (0, 7, 13, 19)


@functools.partial(
    pl.kernel,
    mesh=plsc.VectorSubcoreMesh(core_axis_name="c", subcore_axis_name="s"),
    out_type=jax.ShapeDtypeStruct((_NA, _NC, 8, 128), jnp.float32),
    scratch_types=[
        pltpu.VMEM((_AMAX * 8 * 128,), jnp.int32),
        pltpu.VMEM((_AMAX * 8, 128), jnp.int32),
        pltpu.VMEM((_AMAX * 8, 128), jnp.float32),
        pltpu.SemaphoreType.DMA,
        pltpu.SemaphoreType.DMA,
    ],
)
def _sc_gather(tbl_hbm, idx_hbm, out_hbm, idx_v, pidx_v, out_v, sem, sem_wb):
    cid = lax.axis_index("c")
    sid = lax.axis_index("s")
    wid = sid * 2 + cid
    c0 = wid & 7
    t = wid >> 3
    a0 = jnp.where(t == 0, 0, t * 6 + 1)
    na = jnp.where(t == 0, 7, 6)

    def stage(k, carry):
        pltpu.async_copy(
            idx_hbm.at[pl.ds(((a0 + k) * _NC + c0) * 1024, 1024)],
            idx_v.at[pl.ds(k * 1024, 1024)], sem)
        return carry

    lax.fori_loop(0, na, stage, 0)

    def stage_wait(k, carry):
        pltpu.make_async_copy(
            idx_hbm.at[pl.ds(((a0 + k) * _NC + c0) * 1024, 1024)],
            idx_v.at[pl.ds(k * 1024, 1024)], sem).wait()
        return carry

    lax.fori_loop(0, na, stage_wait, 0)

    def conv_fire(k, carry):
        for b in range(8):
            jl = k * 8 + b
            for v in range(128 // _L):
                sbase = (c0 << 10) + v * _L + lax.iota(jnp.int32, _L)
                q = idx_v[pl.ds(jl * 128 + v * _L, _L)]
                pidx_v[jl, pl.ds(v * _L, _L)] = (
                    ((q >> 3) << 13) + ((q & 7) << 7) + sbase)
            pltpu.async_copy(tbl_hbm.at[pidx_v.at[jl]], out_v.at[jl], sem)
        return carry

    lax.fori_loop(0, na, conv_fire, 0)

    def drain_wb(k, carry):
        for b in range(8):
            jl = k * 8 + b
            pltpu.make_async_copy(
                tbl_hbm.at[pidx_v.at[jl]], out_v.at[jl], sem).wait()
        pltpu.async_copy(out_v.at[pl.ds(k * 8, 8)], out_hbm.at[a0 + k, c0],
                         sem_wb)
        return carry

    lax.fori_loop(0, na, drain_wb, 0)

    def wb_wait(k, carry):
        pltpu.make_async_copy(out_v.at[pl.ds(k * 8, 8)],
                              out_hbm.at[a0 + k, c0], sem_wb).wait()
        return carry

    lax.fori_loop(0, na, wb_wait, 0)


def kernel(input_tensor, indices):
    tbl = (input_tensor.T.reshape(_C // 8, 8, _R // 128, 128)
           .transpose(0, 2, 1, 3).reshape(-1))
    idx = (indices.T.reshape(_NA, 8, _NC, 128)
           .transpose(0, 2, 1, 3).reshape(-1))
    out = _sc_gather(tbl, idx)
    return out.transpose(0, 2, 1, 3).reshape(_K, _R).T

# --- scband reference (transcript-rebuilt; emitter-appended) ---
"""Pipeline reference for scband-onnx-gather-elements-1580547974463 (READ-ONLY COPY).

The authoritative reference and input builder live on the scoring server;
editing this copy changes nothing except your own understanding.
"""

import jax, jax.numpy as jnp
import numpy as np


def setup_inputs(seed: int = 0) -> dict:
    key = jax.random.key(seed)
    k1, k2 = jax.random.split(key)
    input_tensor = jax.random.normal(k1, (1024, 100000), dtype=jnp.float32)
    indices = jax.random.randint(k2, (1024, 200), 0, 100000, dtype=jnp.int32)
    return {"input_tensor": input_tensor, "indices": indices}


def reference(input_tensor, indices):
    # torch.gather(input, dim=1, index=indices) == jnp.take_along_axis(input, indices, axis=1)
    return jnp.take_along_axis(input_tensor, indices, axis=1)

if __name__ == "__main__":
    import jax
    _d = setup_inputs()
    print(jax.jit(kernel)(*tuple(_d.values())))

</pallas_src>

<mosaic_0001>
#map = affine_map<(d0, d1) -> (0)>
#map1 = affine_map<(d0, d1) -> (0, 0, 0, 0)>
module attributes {stable_mosaic.version = 14 : i64} {
  func.func @_sc_gather(%arg0: i32, %arg1: i32, %arg2: memref<102400000xf32, #tpu.memory_space<hbm>>, %arg3: memref<204800xi32, #tpu.memory_space<hbm>>, %arg4: memref<25x8x8x128xf32, #tpu.memory_space<hbm>>, %arg5: memref<7168xi32, #tpu.memory_space<vmem>>, %arg6: memref<56x128xi32, #tpu.memory_space<vmem>>, %arg7: memref<56x128xf32, #tpu.memory_space<vmem>>, %arg8: memref<!tpu.dma_semaphore, #tpu.memory_space<semaphore_mem>>, %arg9: memref<!tpu.dma_semaphore, #tpu.memory_space<semaphore_mem>>) attributes {dimension_semantics = [#tpu.dimension_semantics<core_parallel>, #tpu.dimension_semantics<subcore_parallel>], iteration_bounds = array<i64: 2, 16>, scalar_prefetch = 0 : i64, scratch_operands = 5 : i64, tpu.core_type = #tpu.core_type<sc_vector_subcore>, window_params = [{transform_indices = #map}, {transform_indices = #map}, {transform_indices = #map1}]} {
    %mul3A = arith.constant 2 : i32
    %mul3A_0 = arith.muli %arg1, %mul3A : i32
    %add3A = arith.addi %mul3A_0, %arg0 : i32
    %and3A = arith.constant 7 : i32
    %and3A_1 = arith.andi %add3A, %and3A : i32
    %shift_right_arithmetic3A = arith.constant 3 : i32
    %shift_right_arithmetic3A_2 = arith.shrsi %add3A, %shift_right_arithmetic3A : i32
    %eq3A = arith.constant 0 : i32
    %eq3A_3 = arith.cmpi eq, %shift_right_arithmetic3A_2, %eq3A : i32
    %mul3A_4 = arith.constant 6 : i32
    %mul3A_5 = arith.muli %shift_right_arithmetic3A_2, %mul3A_4 : i32
    %add3A_6 = arith.constant 1 : i32
    %add3A_7 = arith.addi %mul3A_5, %add3A_6 : i32
    %jit3A = arith.constant 0 : i32
    %select_n3A = arith.select %eq3A_3, %jit3A, %add3A_7 : i32
    %eq3A_8 = arith.constant 0 : i32
    %eq3A_9 = arith.cmpi eq, %shift_right_arithmetic3A_2, %eq3A_8 : i32
    %jit3A_10 = arith.constant 7 : i32
    %jit3A_11 = arith.constant 6 : i32
    %select_n3A_12 = arith.select %eq3A_9, %jit3A_10, %jit3A_11 : i32
    %while3A = arith.constant 0 : i32
    %while3A_13 = arith.constant 0 : i32
    %while3A_14 = arith.subi %select_n3A_12, %while3A_13 : i32
    %while3A_15 = arith.addi %while3A_13, %while3A_14 : i32
    %while3A_16 = arith.constant 1 : i32
    %while3A_17 = arith.divsi %while3A_14, %while3A_16 : i32
    %while3A_18 = arith.muli %while3A_17, %while3A_16 : i32
    %while3A_19 = arith.addi %while3A_13, %while3A_18 : i32
    %while3A_20 = arith.constant 1 : i32
    scf.for %while3A_62 = %while3A_13 to %while3A_19 step %while3A_20  : i32 {
      %add3A_63 = arith.addi %select_n3A, %while3A_62 : i32
      %mul3A_64 = arith.constant 8 : i32
      %mul3A_65 = arith.muli %add3A_63, %mul3A_64 : i32
      %add3A_66 = arith.addi %mul3A_65, %and3A_1 : i32
      %mul3A_67 = arith.constant 1024 : i32
      %mul3A_68 = arith.muli %add3A_66, %mul3A_67 : i32
      %mul3A_69 = arith.constant 1024 : i32
      %mul3A_70 = arith.muli %while3A_62, %mul3A_69 : i32
      %dma_start3A = tpu.memref_slice %arg5[%mul3A_70] : memref<7168xi32, #tpu.memory_space<vmem>> -> memref<1024xi32, #tpu.memory_space<vmem>>
      %dma_start3A_71 = tpu.memref_slice %arg3[%mul3A_68] : memref<204800xi32, #tpu.memory_space<hbm>> -> memref<1024xi32, #tpu.memory_space<hbm>>
      %dma_start3A_72 = tpu.memref_slice %arg5[%mul3A_70] : memref<7168xi32, #tpu.memory_space<vmem>> -> memref<1024xi32, #tpu.memory_space<vmem>>
      %dma_start3A_73 = tpu.memref_slice %arg3[%mul3A_68] : memref<204800xi32, #tpu.memory_space<hbm>> -> memref<1024xi32, #tpu.memory_space<hbm>>
      tpu.enqueue_dma source(%dma_start3A_73 : memref<1024xi32, #tpu.memory_space<hbm>>) target(%dma_start3A_72 : memref<1024xi32, #tpu.memory_space<vmem>>) target_semaphore(%arg8 : memref<!tpu.dma_semaphore, #tpu.memory_space<semaphore_mem>>)
    }
    %while3A_21 = arith.constant 1 : i32
    scf.for %while3A_62 = %while3A_19 to %while3A_15 step %while3A_21  : i32 {
      %add3A_63 = arith.addi %select_n3A, %while3A_62 : i32
      %mul3A_64 = arith.constant 8 : i32
      %mul3A_65 = arith.muli %add3A_63, %mul3A_64 : i32
      %add3A_66 = arith.addi %mul3A_65, %and3A_1 : i32
      %mul3A_67 = arith.constant 1024 : i32
      %mul3A_68 = arith.muli %add3A_66, %mul3A_67 : i32
      %mul3A_69 = arith.constant 1024 : i32
      %mul3A_70 = arith.muli %while3A_62, %mul3A_69 : i32
      %dma_start3A = tpu.memref_slice %arg5[%mul3A_70] : memref<7168xi32, #tpu.memory_space<vmem>> -> memref<1024xi32, #tpu.memory_space<vmem>>
      %dma_start3A_71 = tpu.memref_slice %arg3[%mul3A_68] : memref<204800xi32, #tpu.memory_space<hbm>> -> memref<1024xi32, #tpu.memory_space<hbm>>
      %dma_start3A_72 = tpu.memref_slice %arg5[%mul3A_70] : memref<7168xi32, #tpu.memory_space<vmem>> -> memref<1024xi32, #tpu.memory_space<vmem>>
      %dma_start3A_73 = tpu.memref_slice %arg3[%mul3A_68] : memref<204800xi32, #tpu.memory_space<hbm>> -> memref<1024xi32, #tpu.memory_space<hbm>>
      tpu.enqueue_dma source(%dma_start3A_73 : memref<1024xi32, #tpu.memory_space<hbm>>) target(%dma_start3A_72 : memref<1024xi32, #tpu.memory_space<vmem>>) target_semaphore(%arg8 : memref<!tpu.dma_semaphore, #tpu.memory_space<semaphore_mem>>)
    }
    %while3A_22 = arith.constant 0 : i32
    %while3A_23 = arith.constant 0 : i32
    %while3A_24 = arith.subi %select_n3A_12, %while3A_23 : i32
    %while3A_25 = arith.addi %while3A_23, %while3A_24 : i32
    %while3A_26 = arith.constant 1 : i32
    %while3A_27 = arith.divsi %while3A_24, %while3A_26 : i32
    %while3A_28 = arith.muli %while3A_27, %while3A_26 : i32
    %while3A_29 = arith.addi %while3A_23, %while3A_28 : i32
    %while3A_30 = arith.constant 1 : i32
    scf.for %while3A_62 = %while3A_23 to %while3A_29 step %while3A_30  : i32 {
      %add3A_63 = arith.addi %select_n3A, %while3A_62 : i32
      %mul3A_64 = arith.constant 8 : i32
      %mul3A_65 = arith.muli %add3A_63, %mul3A_64 : i32
      %add3A_66 = arith.addi %mul3A_65, %and3A_1 : i32
      %mul3A_67 = arith.constant 1024 : i32
      %mul3A_68 = arith.muli %add3A_66, %mul3A_67 : i32
      %mul3A_69 = arith.constant 1024 : i32
      %mul3A_70 = arith.muli %while3A_62, %mul3A_69 : i32
      %dma_wait3A = tpu.memref_slice %arg5[%mul3A_70] : memref<7168xi32, #tpu.memory_space<vmem>> -> memref<1024xi32, #tpu.memory_space<vmem>>
      %dma_wait3A_71 = tpu.memref_slice %arg3[%mul3A_68] : memref<204800xi32, #tpu.memory_space<hbm>> -> memref<1024xi32, #tpu.memory_space<hbm>>
      %dma_wait3A_72 = tpu.memref_slice %arg5[%mul3A_70] : memref<7168xi32, #tpu.memory_space<vmem>> -> memref<1024xi32, #tpu.memory_space<vmem>>
      %dma_wait3A_73 = tpu.memref_slice %arg3[%mul3A_68] : memref<204800xi32, #tpu.memory_space<hbm>> -> memref<1024xi32, #tpu.memory_space<hbm>>
      tpu.wait_dma2 semaphore(%arg8 : memref<!tpu.dma_semaphore, #tpu.memory_space<semaphore_mem>>) src(%dma_wait3A_73 : memref<1024xi32, #tpu.memory_space<hbm>>) dst(%dma_wait3A_72 : memref<1024xi32, #tpu.memory_space<vmem>>)
    }
    %while3A_31 = arith.constant 1 : i32
    scf.for %while3A_62 = %while3A_29 to %while3A_25 step %while3A_31  : i32 {
      %add3A_63 = arith.addi %select_n3A, %while3A_62 : i32
      %mul3A_64 = arith.constant 8 : i32
      %mul3A_65 = arith.muli %add3A_63, %mul3A_64 : i32
      %add3A_66 = arith.addi %mul3A_65, %and3A_1 : i32
      %mul3A_67 = arith.constant 1024 : i32
      %mul3A_68 = arith.muli %add3A_66, %mul3A_67 : i32
      %mul3A_69 = arith.constant 1024 : i32
      %mul3A_70 = arith.muli %while3A_62, %mul3A_69 : i32
      %dma_wait3A = tpu.memref_slice %arg5[%mul3A_70] : memref<7168xi32, #tpu.memory_space<vmem>> -> memref<1024xi32, #tpu.memory_space<vmem>>
      %dma_wait3A_71 = tpu.memref_slice %arg3[%mul3A_68] : memref<204800xi32, #tpu.memory_space<hbm>> -> memref<1024xi32, #tpu.memory_space<hbm>>
      %dma_wait3A_72 = tpu.memref_slice %arg5[%mul3A_70] : memref<7168xi32, #tpu.memory_space<vmem>> -> memref<1024xi32, #tpu.memory_space<vmem>>
      %dma_wait3A_73 = tpu.memref_slice %arg3[%mul3A_68] : memref<204800xi32, #tpu.memory_space<hbm>> -> memref<1024xi32, #tpu.memory_space<hbm>>
      tpu.wait_dma2 semaphore(%arg8 : memref<!tpu.dma_semaphore, #tpu.memory_space<semaphore_mem>>) src(%dma_wait3A_73 : memref<1024xi32, #tpu.memory_space<hbm>>) dst(%dma_wait3A_72 : memref<1024xi32, #tpu.memory_space<vmem>>)
    }
    %while3A_32 = arith.constant 0 : i32
    %while3A_33 = arith.constant 0 : i32
    %while3A_34 = arith.subi %select_n3A_12, %while3A_33 : i32
    %while3A_35 = arith.addi %while3A_33, %while3A_34 : i32
    %while3A_36 = arith.constant 1 : i32
    %while3A_37 = arith.divsi %while3A_34, %while3A_36 : i32
    %while3A_38 = arith.muli %while3A_37, %while3A_36 : i32
    %while3A_39 = arith.addi %while3A_33, %while3A_38 : i32
    %while3A_40 = arith.constant 1 : i32
    scf.for %while3A_62 = %while3A_33 to %while3A_39 step %while3A_40  : i32 {
      %mul3A_63 = arith.constant 8 : i32
      %mul3A_64 = arith.muli %while3A_62, %mul3A_63 : i32
      %add3A_65 = arith.constant 0 : i32
      %add3A_66 = arith.addi %mul3A_64, %add3A_65 : i32
      %shift_left3A = arith.constant 10 : i32
      %shift_left3A_67 = arith.shli %and3A_1, %shift_left3A : i32
      %add3A_68 = arith.constant 0 : i32
      %add3A_69 = arith.addi %shift_left3A_67, %add3A_68 : i32
      %iota3A = tpu.iota {dimensions = array<i32: 0>} : vector<16xi32>
      %add3A_70 = vector.broadcast %add3A_69 : i32 to vector<16xi32>
      %add3A_71 = arith.addi %add3A_70, %iota3A : vector<16xi32>
      %mul3A_72 = arith.constant 128 : i32
      %mul3A_73 = arith.muli %add3A_66, %mul3A_72 : i32
      %add3A_74 = arith.constant 0 : i32
      %add3A_75 = arith.addi %mul3A_73, %add3A_74 : i32
      %get3A = arith.index_cast %add3A_75 : i32 to index
      %get3A_76 = tpu.vector_load %arg5[%get3A] {strides = array<i32>} : memref<7168xi32, #tpu.memory_space<vmem>>, vector<16xi32>,
      %get3A_77 = vector.shape_cast %get3A_76 : vector<16xi32> to vector<16xi32>
      %shift_right_arithmetic3A_78 = arith.constant 3 : i32
      %shift_right_arithmetic3A_79 = vector.broadcast %shift_right_arithmetic3A_78 : i32 to vector<16xi32>
      %shift_right_arithmetic3A_80 = arith.shrsi %get3A_77, %shift_right_arithmetic3A_79 : vector<16xi32>
      %shift_left3A_81 = arith.constant 13 : i32
      %shift_left3A_82 = vector.broadcast %shift_left3A_81 : i32 to vector<16xi32>
      %shift_left3A_83 = arith.shli %shift_right_arithmetic3A_80, %shift_left3A_82 : vector<16xi32>
      %and3A_84 = arith.constant 7 : i32
      %and3A_85 = vector.broadcast %and3A_84 : i32 to vector<16xi32>
      %and3A_86 = arith.andi %get3A_77, %and3A_85 : vector<16xi32>
      %shift_left3A_87 = arith.constant 7 : i32
      %shift_left3A_88 = vector.broadcast %shift_left3A_87 : i32 to vector<16xi32>
      %shift_left3A_89 = arith.shli %and3A_86, %shift_left3A_88 : vector<16xi32>
      %add3A_90 = arith.addi %shift_left3A_83, %shift_left3A_89 : vector<16xi32>
      %add3A_91 = arith.addi %add3A_90, %add3A_71 : vector<16xi32>
      %swap3A = arith.index_cast %add3A_66 : i32 to index
      %swap3A_92 = arith.constant 0 : index
      %swap3A_93 = tpu.vector_load %arg6[%swap3A, %swap3A_92] {strides = array<i32>} : memref<56x128xi32, #tpu.memory_space<vmem>>, vector<1x16xi32>,
      %swap3A_94 = vector.shape_cast %swap3A_93 : vector<1x16xi32> to vector<16xi32>
      %swap3A_95 = vector.shape_cast %add3A_91 : vector<16xi32> to vector<1x16xi32>
      tpu.vector_store %arg6[%swap3A, %swap3A_92], %swap3A_95 {strides = array<i32>} : memref<56x128xi32, #tpu.memory_space<vmem>>, vector<1x16xi32>,
      %shift_left3A_96 = arith.constant 10 : i32
      %shift_left3A_97 = arith.shli %and3A_1, %shift_left3A_96 : i32
      %add3A_98 = arith.constant 16 : i32
      %add3A_99 = arith.addi %shift_left3A_97, %add3A_98 : i32
      %iota3A_100 = tpu.iota {dimensions = array<i32: 0>} : vector<16xi32>
      %add3A_101 = vector.broadcast %add3A_99 : i32 to vector<16xi32>
      %add3A_102 = arith.addi %add3A_101, %iota3A_100 : vector<16xi32>
      %mul3A_103 = arith.constant 128 : i32
      %mul3A_104 = arith.muli %add3A_66, %mul3A_103 : i32
      %add3A_105 = arith.constant 16 : i32
      %add3A_106 = arith.addi %mul3A_104, %add3A_105 : i32
      %get3A_107 = arith.index_cast %add3A_106 : i32 to index
      %get3A_108 = tpu.vector_load %arg5[%get3A_107] {strides = array<i32>} : memref<7168xi32, #tpu.memory_space<vmem>>, vector<16xi32>,
      %get3A_109 = vector.shape_cast %get3A_108 : vector<16xi32> to vector<16xi32>
      %shift_right_arithmetic3A_110 = arith.constant 3 : i32
      %shift_right_arithmetic3A_111 = vector.broadcast %shift_right_arithmetic3A_110 : i32 to vector<16xi32>
      %shift_right_arithmetic3A_112 = arith.shrsi %get3A_109, %shift_right_arithmetic3A_111 : vector<16xi32>
      %shift_left3A_113 = arith.constant 13 : i32
      %shift_left3A_114 = vector.broadcast %shift_left3A_113 : i32 to vector<16xi32>
      %shift_left3A_115 = arith.shli %shift_right_arithmetic3A_112, %shift_left3A_114 : vector<16xi32>
      %and3A_116 = arith.constant 7 : i32
      %and3A_117 = vector.broadcast %and3A_116 : i32 to vector<16xi32>
      %and3A_118 = arith.andi %get3A_109, %and3A_117 : vector<16xi32>
      %shift_left3A_119 = arith.constant 7 : i32
      %shift_left3A_120 = vector.broadcast %shift_left3A_119 : i32 to vector<16xi32>
      %shift_left3A_121 = arith.shli %and3A_118, %shift_left3A_120 : vector<16xi32>
      %add3A_122 = arith.addi %shift_left3A_115, %shift_left3A_121 : vector<16xi32>
      %add3A_123 = arith.addi %add3A_122, %add3A_102 : vector<16xi32>
      %swap3A_124 = arith.index_cast %add3A_66 : i32 to index
      %swap3A_125 = arith.constant 16 : index
      %swap3A_126 = tpu.vector_load %arg6[%swap3A_124, %swap3A_125] {strides = array<i32>} : memref<56x128xi32, #tpu.memory_space<vmem>>, vector<1x16xi32>,
      %swap3A_127 = vector.shape_cast %swap3A_126 : vector<1x16xi32> to vector<16xi32>
      %swap3A_128 = vector.shape_cast %add3A_123 : vector<16xi32> to vector<1x16xi32>
      tpu.vector_store %arg6[%swap3A_124, %swap3A_125], %swap3A_128 {strides = array<i32>} : memref<56x128xi32, #tpu.memory_space<vmem>>, vector<1x16xi32>,
      %shift_left3A_129 = arith.constant 10 : i32
      %shift_left3A_130 = arith.shli %and3A_1, %shift_left3A_129 : i32
      %add3A_131 = arith.constant 32 : i32
      %add3A_132 = arith.addi %shift_left3A_130, %add3A_131 : i32
      %iota3A_133 = tpu.iota {dimensions = array<i32: 0>} : vector<16xi32>
      %add3A_134 = vector.broadcast %add3A_132 : i32 to vector<16xi32>
      %add3A_135 = arith.addi %add3A_134, %iota3A_133 : vector<16xi32>
      %mul3A_136 = arith.constant 128 : i32
      %mul3A_137 = arith.muli %add3A_66, %mul3A_136 : i32
      %add3A_138 = arith.constant 32 : i32
      %add3A_139 = arith.addi %mul3A_137, %add3A_138 : i32
      %get3A_140 = arith.index_cast %add3A_139 : i32 to index
      %get3A_141 = tpu.vector_load %arg5[%get3A_140] {strides = array<i32>} : memref<7168xi32, #tpu.memory_space<vmem>>, vector<16xi32>,
      %get3A_142 = vector.shape_cast %get3A_141 : vector<16xi32> to vector<16xi32>
      %shift_right_arithmetic3A_143 = arith.constant 3 : i32
      %shift_right_arithmetic3A_144 = vector.broadcast %shift_right_arithmetic3A_143 : i32 to vector<16xi32>
      %shift_right_arithmetic3A_145 = arith.shrsi %get3A_142, %shift_right_arithmetic3A_144 : vector<16xi32>
      %shift_left3A_146 = arith.constant 13 : i32
      %shift_left3A_147 = vector.broadcast %shift_left3A_146 : i32 to vector<16xi32>
      %shift_left3A_148 = arith.shli %shift_right_arithmetic3A_145, %shift_left3A_147 : vector<16xi32>
      %and3A_149 = arith.constant 7 : i32
      %and3A_150 = vector.broadcast %and3A_149 : i32 to vector<16xi32>
      %and3A_151 = arith.andi %get3A_142, %and3A_150 : vector<16xi32>
      %shift_left3A_152 = arith.constant 7 : i32
      %shift_left3A_153 = vector.broadcast %shift_left3A_152 : i32 to vector<16xi32>
      %shift_left3A_154 = arith.shli %and3A_151, %shift_left3A_153 : vector<16xi32>
      %add3A_155 = arith.addi %shift_left3A_148, %shift_left3A_154 : vector<16xi32>
      %add3A_156 = arith.addi %add3A_155, %add3A_135 : vector<16xi32>
      %swap3A_157 = arith.index_cast %add3A_66 : i32 to index
      %swap3A_158 = arith.constant 32 : index
      %swap3A_159 = tpu.vector_load %arg6[%swap3A_157, %swap3A_158] {strides = array<i32>} : memref<56x128xi32, #tpu.memory_space<vmem>>, vector<1x16xi32>,
      %swap3A_160 = vector.shape_cast %swap3A_159 : vector<1x16xi32> to vector<16xi32>
      %swap3A_161 = vector.shape_cast %add3A_156 : vector<16xi32> to vector<1x16xi32>
      tpu.vector_store %arg6[%swap3A_157, %swap3A_158], %swap3A_161 {strides = array<i32>} : memref<56x128xi32, #tpu.memory_space<vmem>>, vector<1x16xi32>,
      %shift_left3A_162 = arith.constant 10 : i32
      %shift_left3A_163 = arith.shli %and3A_1, %shift_left3A_162 : i32
      %add3A_164 = arith.constant 48 : i32
      %add3A_165 = arith.addi %shift_left3A_163, %add3A_164 : i32
      %iota3A_166 = tpu.iota {dimensions = array<i32: 0>} : vector<16xi32>
      %add3A_167 = vector.broadcast %add3A_165 : i32 to vector<16xi32>
      %add3A_168 = arith.addi %add3A_167, %iota3A_166 : vector<16xi32>
      %mul3A_169 = arith.constant 128 : i32
      %mul3A_170 = arith.muli %add3A_66, %mul3A_169 : i32
      %add3A_171 = arith.constant 48 : i32
      %add3A_172 = arith.addi %mul3A_170, %add3A_171 : i32
      %get3A_173 = arith.index_cast %add3A_172 : i32 to index
      %get3A_174 = tpu.vector_load %arg5[%get3A_173] {strides = array<i32>} : memref<7168xi32, #tpu.memory_space<vmem>>, vector<16xi32>,
      %get3A_175 = vector.shape_cast %get3A_174 : vector<16xi32> to vector<16xi32>
      %shift_right_arithmetic3A_176 = arith.constant 3 : i32
      %shift_right_arithmetic3A_177 = vector.broadcast %shift_right_arithmetic3A_176 : i32 to vector<16xi32>
      %shift_right_arithmetic3A_178 = arith.shrsi %get3A_175, %shift_right_arithmetic3A_177 : vector<16xi32>
      %shift_left3A_179 = arith.constant 13 : i32
      %shift_left3A_180 = vector.broadcast %shift_left3A_179 : i32 to vector<16xi32>
      %shift_left3A_181 = arith.shli %shift_right_arithmetic3A_178, %shift_left3A_180 : vector<16xi32>
      %and3A_182 = arith.constant 7 : i32
      %and3A_183 = vector.broadcast %and3A_182 : i32 to vector<16xi32>
      %and3A_184 = arith.andi %get3A_175, %and3A_183 : vector<16xi32>
      %shift_left3A_185 = arith.constant 7 : i32
      %shift_left3A_186 = vector.broadcast %shift_left3A_185 : i32 to vector<16xi32>
      %shift_left3A_187 = arith.shli %and3A_184, %shift_left3A_186 : vector<16xi32>
      %add3A_188 = arith.addi %shift_left3A_181, %shift_left3A_187 : vector<16xi32>
      %add3A_189 = arith.addi %add3A_188, %add3A_168 : vector<16xi32>
      %swap3A_190 = arith.index_cast %add3A_66 : i32 to index
      %swap3A_191 = arith.constant 48 : index
      %swap3A_192 = tpu.vector_load %arg6[%swap3A_190, %swap3A_191] {strides = array<i32>} : memref<56x128xi32, #tpu.memory_space<vmem>>, vector<1x16xi32>,
      %swap3A_193 = vector.shape_cast %swap3A_192 : vector<1x16xi32> to vector<16xi32>
      %swap3A_194 = vector.shape_cast %add3A_189 : vector<16xi32> to vector<1x16xi32>
      tpu.vector_store %arg6[%swap3A_190, %swap3A_191], %swap3A_194 {strides = array<i32>} : memref<56x128xi32, #tpu.memory_space<vmem>>, vector<1x16xi32>,
      %shift_left3A_195 = arith.constant 10 : i32
      %shift_left3A_196 = arith.shli %and3A_1, %shift_left3A_195 : i32
      %add3A_197 = arith.constant 64 : i32
      %add3A_198 = arith.addi %shift_left3A_196, %add3A_197 : i32
      %iota3A_199 = tpu.iota {dimensions = array<i32: 0>} : vector<16xi32>
      %add3A_200 = vector.broadcast %add3A_198 : i32 to vector<16xi32>
      %add3A_201 = arith.addi %add3A_200, %iota3A_199 : vector<16xi32>
      %mul3A_202 = arith.constant 128 : i32
      %mul3A_203 = arith.muli %add3A_66, %mul3A_202 : i32
      %add3A_204 = arith.constant 64 : i32
      %add3A_205 = arith.addi %mul3A_203, %add3A_204 : i32
      %get3A_206 = arith.index_cast %add3A_205 : i32 to index
      %get3A_207 = tpu.vector_load %arg5[%get3A_206] {strides = array<i32>} : memref<7168xi32, #tpu.memory_space<vmem>>, vector<16xi32>,
      %get3A_208 = vector.shape_cast %get3A_207 : vector<16xi32> to vector<16xi32>
      %shift_right_arithmetic3A_209 = arith.constant 3 : i32
      %shift_right_arithmetic3A_210 = vector.broadcast %shift_right_arithmetic3A_209 : i32 to vector<16xi32>
      %shift_right_arithmetic3A_211 = arith.shrsi %get3A_208, %shift_right_arithmetic3A_210 : vector<16xi32>
      %shift_left3A_212 = arith.constant 13 : i32
      %shift_left3A_213 = vector.broadcast %shift_left3A_212 : i32 to vector<16xi32>
      %shift_left3A_214 = arith.shli %shift_right_arithmetic3A_211, %shift_left3A_213 : vector<16xi32>
      %and3A_215 = arith.constant 7 : i32
      %and3A_216 = vector.broadcast %and3A_215 : i32 to vector<16xi32>
      %and3A_217 = arith.andi %get3A_208, %and3A_216 : vector<16xi32>
      %shift_left3A_218 = arith.constant 7 : i32
      %shift_left3A_219 = vector.broadcast %shift_left3A_218 : i32 to vector<16xi32>
      %shift_left3A_220 = arith.shli %and3A_217, %shift_left3A_219 : vector<16xi32>
      %add3A_221 = arith.addi %shift_left3A_214, %shift_left3A_220 : vector<16xi32>
      %add3A_222 = arith.addi %add3A_221, %add3A_201 : vector<16xi32>
      %swap3A_223 = arith.index_cast %add3A_66 : i32 to index
      %swap3A_224 = arith.constant 64 : index
      %swap3A_225 = tpu.vector_load %arg6[%swap3A_223, %swap3A_224] {strides = array<i32>} : memref<56x128xi32, #tpu.memory_space<vmem>>, vector<1x16xi32>,
      %swap3A_226 = vector.shape_cast %swap3A_225 : vector<1x16xi32> to vector<16xi32>
      %swap3A_227 = vector.shape_cast %add3A_222 : vector<16xi32> to vector<1x16xi32>
      tpu.vector_store %arg6[%swap3A_223, %swap3A_224], %swap3A_227 {strides = array<i32>} : memref<56x128xi32, #tpu.memory_space<vmem>>, vector<1x16xi32>,
      %shift_left3A_228 = arith.constant 10 : i32
      %shift_left3A_229 = arith.shli %and3A_1, %shift_left3A_228 : i32
      %add3A_230 = arith.constant 80 : i32
      %add3A_231 = arith.addi %shift_left3A_229, %add3A_230 : i32
      %iota3A_232 = tpu.iota {dimensions = array<i32: 0>} : vector<16xi32>
      %add3A_233 = vector.broadcast %add3A_231 : i32 to vector<16xi32>
      %add3A_234 = arith.addi %add3A_233, %iota3A_232 : vector<16xi32>
      %mul3A_235 = arith.constant 128 : i32
      %mul3A_236 = arith.muli %add3A_66, %mul3A_235 : i32
      %add3A_237 = arith.constant 80 : i32
      %add3A_238 = arith.addi %mul3A_236, %add3A_237 : i32
      %get3A_239 = arith.index_cast %add3A_238 : i32 to index
      %get3A_240 = tpu.vector_load %arg5[%get3A_239] {strides = array<i32>} : memref<7168xi32, #tpu.memory_space<vmem>>, vector<16xi32>,
      %get3A_241 = vector.shape_cast %get3A_240 : vector<16xi32> to vector<16xi32>
      %shift_right_arithmetic3A_242 = arith.constant 3 : i32
      %shift_right_arithmetic3A_243 = vector.broadcast %shift_right_arithmetic3A_242 : i32 to vector<16xi32>
      %shift_right_arithmetic3A_244 = arith.shrsi %get3A_241, %shift_right_arithmetic3A_243 : vector<16xi32>
      %shift_left3A_245 = arith.constant 13 : i32
      %shift_left3A_246 = vector.broadcast %shift_left3A_245 : i32 to vector<16xi32>
      %shift_left3A_247 = arith.shli %shift_right_arithmetic3A_244, %shift_left3A_246 : vector<16xi32>
      %and3A_248 = arith.constant 7 : i32
      %and3A_249 = vector.broadcast %and3A_248 : i32 to vector<16xi32>
      %and3A_250 = arith.andi %get3A_241, %and3A_249 : vector<16xi32>
      %shift_left3A_251 = arith.constant 7 : i32
      %shift_left3A_252 = vector.broadcast %shift_left3A_251 : i32 to vector<16xi32>
      %shift_left3A_253 = arith.shli %and3A_250, %shift_left3A_252 : vector<16xi32>
      %add3A_254 = arith.addi %shift_left3A_247, %shift_left3A_253 : vector<16xi32>
      %add3A_255 = arith.addi %add3A_254, %add3A_234 : vector<16xi32>
      %swap3A_256 = arith.index_cast %add3A_66 : i32 to index
      %swap3A_257 = arith.constant 80 : index
      %swap3A_258 = tpu.vector_load %arg6[%swap3A_256, %swap3A_257] {strides = array<i32>} : memref<56x128xi32, #tpu.memory_space<vmem>>, vector<1x16xi32>,
      %swap3A_259 = vector.shape_cast %swap3A_258 : vector<1x16xi32> to vector<16xi32>
      %swap3A_260 = vector.shape_cast %add3A_255 : vector<16xi32> to vector<1x16xi32>
      tpu.vector_store %arg6[%swap3A_256, %swap3A_257], %swap3A_260 {strides = array<i32>} : memref<56x128xi32, #tpu.memory_space<vmem>>, vector<1x16xi32>,
      %shift_left3A_261 = arith.constant 10 : i32
      %shift_left3A_262 = arith.shli %and3A_1, %shift_left3A_261 : i32
      %add3A_263 = arith.constant 96 : i32
      %add3A_264 = arith.addi %shift_left3A_262, %add3A_263 : i32
      %iota3A_265 = tpu.iota {dimensions = array<i32: 0>} : vector<16xi32>
      %add3A_266 = vector.broadcast %add3A_264 : i32 to vector<16xi32>
      %add3A_267 = arith.addi %add3A_266, %iota3A_265 : vector<16xi32>
      %mul3A_268 = arith.constant 128 : i32
      %mul3A_269 = arith.muli %add3A_66, %mul3A_268 : i32
      %add3A_270 = arith.constant 96 : i32
      %add3A_271 = arith.addi %mul3A_269, %add3A_270 : i32
      %get3A_272 = arith.index_cast %add3A_271 : i32 to index
      %get3A_273 = tpu.vector_load %arg5[%get3A_272] {strides = array<i32>} : memref<7168xi32, #tpu.memory_space<vmem>>, vector<16xi32>,
      %get3A_274 = vector.shape_cast %get3A_273 : vector<16xi32> to vector<16xi32>
      %shift_right_arithmetic3A_275 = arith.constant 3 : i32
      %shift_right_arithmetic3A_276 = vector.broadcast %shift_right_arithmetic3A_275 : i32 to vector<16xi32>
      %shift_right_arithmetic3A_277 = arith.shrsi %get3A_274, %shift_right_arithmetic3A_276 : vector<16xi32>
      %shift_left3A_278 = arith.constant 13 : i32
      %shift_left3A_279 = vector.broadcast %shift_left3A_278 : i32 to vector<16xi32>
      %shift_left3A_280 = arith.shli %shift_right_arithmetic3A_277, %shift_left3A_279 : vector<16xi32>
      %and3A_281 = arith.constant 7 : i32
      %and3A_282 = vector.broadcast %and3A_281 : i32 to vector<16xi32>
      %and3A_283 = arith.andi %get3A_274, %and3A_282 : vector<16xi32>
      %shift_left3A_284 = arith.constant 7 : i32
      %shift_left3A_285 = vector.broadcast %shift_left3A_284 : i32 to vector<16xi32>
      %shift_left3A_286 = arith.shli %and3A_283, %shift_left3A_285 : vector<16xi32>
      %add3A_287 = arith.addi %shift_left3A_280, %shift_left3A_286 : vector<16xi32>
      %add3A_288 = arith.addi %add3A_287, %add3A_267 : vector<16xi32>
      %swap3A_289 = arith.index_cast %add3A_66 : i32 to index
      %swap3A_290 = arith.constant 96 : index
      %swap3A_291 = tpu.vector_load %arg6[%swap3A_289, %swap3A_290] {strides = array<i32>} : memref<56x128xi32, #tpu.memory_space<vmem>>, vector<1x16xi32>,
      %swap3A_292 = vector.shape_cast %swap3A_291 : vector<1x16xi32> to vector<16xi32>
      %swap3A_293 = vector.shape_cast %add3A_288 : vector<16xi32> to vector<1x16xi32>
      tpu.vector_store %arg6[%swap3A_289, %swap3A_290], %swap3A_293 {strides = array<i32>} : memref<56x128xi32, #tpu.memory_space<vmem>>, vector<1x16xi32>,
      %shift_left3A_294 = arith.constant 10 : i32
      %shift_left3A_295 = arith.shli %and3A_1, %shift_left3A_294 : i32
      %add3A_296 = arith.constant 112 : i32
      %add3A_297 = arith.addi %shift_left3A_295, %add3A_296 : i32
      %iota3A_298 = tpu.iota {dimensions = array<i32: 0>} : vector<16xi32>
      %add3A_299 = vector.broadcast %add3A_297 : i32 to vector<16xi32>
      %add3A_300 = arith.addi %add3A_299, %iota3A_298 : vector<16xi32>
      %mul3A_301 = arith.constant 128 : i32
      %mul3A_302 = arith.muli %add3A_66, %mul3A_301 : i32
      %add3A_303 = arith.constant 112 : i32
      %add3A_304 = arith.addi %mul3A_302, %add3A_303 : i32
      %get3A_305 = arith.index_cast %add3A_304 : i32 to index
      %get3A_306 = tpu.vector_load %arg5[%get3A_305] {strides = array<i32>} : memref<7168xi32, #tpu.memory_space<vmem>>, vector<16xi32>,
      %get3A_307 = vector.shape_cast %get3A_306 : vector<16xi32> to vector<16xi32>
      %shift_right_arithmetic3A_308 = arith.constant 3 : i32
      %shift_right_arithmetic3A_309 = vector.broadcast %shift_right_arithmetic3A_308 : i32 to vector<16xi32>
      %shift_right_arithmetic3A_310 = arith.shrsi %get3A_307, %shift_right_arithmetic3A_309 : vector<16xi32>
      %shift_left3A_311 = arith.constant 13 : i32
      %shift_left3A_312 = vector.broadcast %shift_left3A_311 : i32 to vector<16xi32>
      %shift_left3A_313 = arith.shli %shift_right_arithmetic3A_310, %shift_left3A_312 : vector<16xi32>
      %and3A_314 = arith.constant 7 : i32
      %and3A_315 = vector.broadcast %and3A_314 : i32 to vector<16xi32>
      %and3A_316 = arith.andi %get3A_307, %and3A_315 : vector<16xi32>
      %shift_left3A_317 = arith.constant 7 : i32
      %shift_left3A_318 = vector.broadcast %shift_left3A_317 : i32 to vector<16xi32>
      %shift_left3A_319 = arith.shli %and3A_316, %shift_left3A_318 : vector<16xi32>
      %add3A_320 = arith.addi %shift_left3A_313, %shift_left3A_319 : vector<16xi32>
      %add3A_321 = arith.addi %add3A_320, %add3A_300 : vector<16xi32>
      %swap3A_322 = arith.index_cast %add3A_66 : i32 to index
      %swap3A_323 = arith.constant 112 : index
      %swap3A_324 = tpu.vector_load %arg6[%swap3A_322, %swap3A_323] {strides = array<i32>} : memref<56x128xi32, #tpu.memory_space<vmem>>, vector<1x16xi32>,
      %swap3A_325 = vector.shape_cast %swap3A_324 : vector<1x16xi32> to vector<16xi32>
      %swap3A_326 = vector.shape_cast %add3A_321 : vector<16xi32> to vector<1x16xi32>
      tpu.vector_store %arg6[%swap3A_322, %swap3A_323], %swap3A_326 {strides = array<i32>} : memref<56x128xi32, #tpu.memory_space<vmem>>, vector<1x16xi32>,
      %dma_start3A = arith.constant 0 : i32
      %dma_start3A_327 = tpu.memref_slice %arg7[%add3A_66, %dma_start3A] : memref<56x128xf32, #tpu.memory_space<vmem>> -> memref<1x128xf32, #tpu.memory_space<vmem>>
      %dma_start3A_328 = tpu.memref_squeeze %dma_start3A_327 : memref<1x128xf32, #tpu.memory_space<vmem>> -> memref<128xf32, #tpu.memory_space<vmem>>
      %dma_start3A_329 = arith.constant 0 : i32
      %dma_start3A_330 = tpu.memref_slice %arg6[%add3A_66, %dma_start3A_329] : memref<56x128xi32, #tpu.memory_space<vmem>> -> memref<1x128xi32, #tpu.memory_space<vmem>>
      %dma_start3A_331 = tpu.memref_squeeze %dma_start3A_330 : memref<1x128xi32, #tpu.memory_space<vmem>> -> memref<128xi32, #tpu.memory_space<vmem>>
      %dma_start3A_332 = arith.constant 0 : i32
      %dma_start3A_333 = tpu.memref_slice %arg2[%dma_start3A_332] : memref<102400000xf32, #tpu.memory_space<hbm>> -> memref<102400000xf32, #tpu.memory_space<hbm>>
      tpu.enqueue_indirect_dma source(%dma_start3A_333 : memref<102400000xf32, #tpu.memory_space<hbm>>) target(%dma_start3A_328 : memref<128xf32, #tpu.memory_space<vmem>>) offsets(%dma_start3A_331 : memref<128xi32, #tpu.memory_space<vmem>>) semaphore(%arg8 : memref<!tpu.dma_semaphore, #tpu.memory_space<semaphore_mem>>)
      %mul3A_334 = arith.constant 8 : i32
      %mul3A_335 = arith.muli %while3A_62, %mul3A_334 : i32
      %add3A_336 = arith.constant 1 : i32
      %add3A_337 = arith.addi %mul3A_335, %add3A_336 : i32
      %shift_left3A_338 = arith.constant 10 : i32
      %shift_left3A_339 = arith.shli %and3A_1, %shift_left3A_338 : i32
      %add3A_340 = arith.constant 0 : i32
      %add3A_341 = arith.addi %shift_left3A_339, %add3A_340 : i32
      %iota3A_342 = tpu.iota {dimensions = array<i32: 0>} : vector<16xi32>
      %add3A_343 = vector.broadcast %add3A_341 : i32 to vector<16xi32>
      %add3A_344 = arith.addi %add3A_343, %iota3A_342 : vector<16xi32>
      %mul3A_345 = arith.constant 128 : i32
      %mul3A_346 = arith.muli %add3A_337, %mul3A_345 : i32
      %add3A_347 = arith.constant 0 : i32
      %add3A_348 = arith.addi %mul3A_346, %add3A_347 : i32
      %get3A_349 = arith.index_cast %add3A_348 : i32 to index
      %get3A_350 = tpu.vector_load %arg5[%get3A_349] {strides = array<i32>} : memref<7168xi32, #tpu.memory_space<vmem>>, vector<16xi32>,
      %get3A_351 = vector.shape_cast %get3A_350 : vector<16xi32> to vector<16xi32>
      %shift_right_arithmetic3A_352 = arith.constant 3 : i32
      %shift_right_arithmetic3A_353 = vector.broadcast %shift_right_arithmetic3A_352 : i32 to vector<16xi32>
      %shift_right_arithmetic3A_354 = arith.shrsi %get3A_351, %shift_right_arithmetic3A_353 : vector<16xi32>
      %shift_left3A_355 = arith.constant 13 : i32
      %shift_left3A_356 = vector.broadcast %shift_left3A_355 : i32 to vector<16xi32>
      %shift_left3A_357 = arith.shli %shift_right_arithmetic3A_354, %shift_left3A_356 : vector<16xi32>
      %and3A_358 = arith.constant 7 : i32
      %and3A_359 = vector.broadcast %and3A_358 : i32 to vector<16xi32>
      %and3A_360 = arith.andi %get3A_351, %and3A_359 : vector<16xi32>
      %shift_left3A_361 = arith.constant 7 : i32
      %shift_left3A_362 = vector.broadcast %shift_left3A_361 : i32 to vector<16xi32>
      %shift_left3A_363 = arith.shli %and3A_360, %shift_left3A_362 : vector<16xi32>
      %add3A_364 = arith.addi %shift_left3A_357, %shift_left3A_363 : vector<16xi32>
      %add3A_365 = arith.addi %add3A_364, %add3A_344 : vector<16xi32>
      %swap3A_366 = arith.index_cast %add3A_337 : i32 to index
      %swap3A_367 = arith.constant 0 : index
      %swap3A_368 = tpu.vector_load %arg6[%swap3A_366, %swap3A_367] {strides = array<i32>} : memref<56x128xi32, #tpu.memory_space<vmem>>, vector<1x16xi32>,
      %swap3A_369 = vector.shape_cast %swap3A_368 : vector<1x16xi32> to vector<16xi32>
      %swap3A_370 = vector.shape_cast %add3A_365 : vector<16xi32> to vector<1x16xi32>
      tpu.vector_store %arg6[%swap3A_366, %swap3A_367], %swap3A_370 {strides = array<i32>} : memref<56x128xi32, #tpu.memory_space<vmem>>, vector<1x16xi32>,
      %shift_left3A_371 = arith.constant 10 : i32
      %shift_left3A_372 = arith.shli %and3A_1, %shift_left3A_371 : i32
      %add3A_373 = arith.constant 16 : i32
      %add3A_374 = arith.addi %shift_left3A_372, %add3A_373 : i32
      %iota3A_375 = tpu.iota {dimensions = array<i32: 0>} : vector<16xi32>
      %add3A_376 = vector.broadcast %add3A_374 : i32 to vector<16xi32>
      %add3A_377 = arith.addi %add3A_376, %iota3A_375 : vector<16xi32>
      %mul3A_378 = arith.constant 128 : i32
      %mul3A_379 = arith.muli %add3A_337, %mul3A_378 : i32
      %add3A_380 = arith.constant 16 : i32
      %add3A_381 = arith.addi %mul3A_379, %add3A_380 : i32
      %get3A_382 = arith.index_cast %add3A_381 : i32 to index
      %get3A_383 = tpu.vector_load %arg5[%get3A_382] {strides = array<i32>} : memref<7168xi32, #tpu.memory_space<vmem>>, vector<16xi32>,
      %get3A_384 = vector.shape_cast %get3A_383 : vector<16xi32> to vector<16xi32>
      %shift_right_arithmetic3A_385 = arith.constant 3 : i32
      %shift_right_arithmetic3A_386 = vector.broadcast %shift_right_arithmetic3A_385 : i32 to vector<16xi32>
      %shift_right_arithmetic3A_387 = arith.shrsi %get3A_384, %shift_right_arithmetic3A_386 : vector<16xi32>
      %shift_left3A_388 = arith.constant 13 : i32
      %shift_left3A_389 = vector.broadcast %shift_left3A_388 : i32 to vector<16xi32>
      %shift_left3A_390 = arith.shli %shift_right_arithmetic3A_387, %shift_left3A_389 : vector<16xi32>
      %and3A_391 = arith.constant 7 : i32
      %and3A_392 = vector.broadcast %and3A_391 : i32 to vector<16xi32>
      %and3A_393 = arith.andi %get3A_384, %and3A_392 : vector<16xi32>
      %shift_left3A_394 = arith.constant 7 : i32
      %shift_left3A_395 = vector.broadcast %shift_left3A_394 : i32 to vector<16xi32>
      %shift_left3A_396 = arith.shli %and3A_393, %shift_left3A_395 : vector<16xi32>
      %add3A_397 = arith.addi %shift_left3A_390, %shift_left3A_396 : vector<16xi32>
      %add3A_398 = arith.addi %add3A_397, %add3A_377 : vector<16xi32>
      %swap3A_399 = arith.index_cast %add3A_337 : i32 to index
      %swap3A_400 = arith.constant 16 : index
      %swap3A_401 = tpu.vector_load %arg6[%swap3A_399, %swap3A_400] {strides = array<i32>} : memref<56x128xi32, #tpu.memory_space<vmem>>, vector<1x16xi32>,
      %swap3A_402 = vector.shape_cast %swap3A_401 : vector<1x16xi32> to vector<16xi32>
      %swap3A_403 = vector.shape_cast %add3A_398 : vector<16xi32> to vector<1x16xi32>
      tpu.vector_store %arg6[%swap3A_399, %swap3A_400], %swap3A_403 {strides = array<i32>} : memref<56x128xi32, #tpu.memory_space<vmem>>, vector<1x16xi32>,
      %shift_left3A_404 = arith.constant 10 : i32
      %shift_left3A_405 = arith.shli %and3A_1, %shift_left3A_404 : i32
      %add3A_406 = arith.constant 32 : i32
      %add3A_407 = arith.addi %shift_left3A_405, %add3A_406 : i32
      %iota3A_408 = tpu.iota {dimensions = array<i32: 0>} : vector<16xi32>
      %add3A_409 = vector.broadcast %add3A_407 : i32 to vector<16xi32>
      %add3A_410 = arith.addi %add3A_409, %iota3A_408 : vector<16xi32>
      %mul3A_411 = arith.constant 128 : i32
      %mul3A_412 = arith.muli %add3A_337, %mul3A_411 : i32
      %add3A_413 = arith.constant 32 : i32
      %add3A_414 = arith.addi %mul3A_412, %add3A_413 : i32
      %get3A_415 = arith.index_cast %add3A_414 : i32 to index
      %get3A_416 = tpu.vector_load %arg5[%get3A_415] {strides = array<i32>} : memref<7168xi32, #tpu.memory_space<vmem>>, vector<16xi32>,
      %get3A_417 = vector.shape_cast %get3A_416 : vector<16xi32> to vector<16xi32>
      %shift_right_arithmetic3A_418 = arith.constant 3 : i32
      %shift_right_arithmetic3A_419 = vector.broadcast %shift_right_arithmetic3A_418 : i32 to vector<16xi32>
      %shift_right_arithmetic3A_420 = arith.shrsi %get3A_417, %shift_right_arithmetic3A_419 : vector<16xi32>
      %shift_left3A_421 = arith.constant 13 : i32
      %shift_left3A_422 = vector.broadcast %shift_left3A_421 : i32 to vector<16xi32>
      %shift_left3A_423 = arith.shli %shift_right_arithmetic3A_420, %shift_left3A_422 : vector<16xi32>
      %and3A_424 = arith.constant 7 : i32
      %and3A_425 = vector.broadcast %and3A_424 : i32 to vector<16xi32>
      %and3A_426 = arith.andi %get3A_417, %and3A_425 : vector<16xi32>
      %shift_left3A_427 = arith.constant 7 : i32
      %shift_left3A_428 = vector.broadcast %shift_left3A_427 : i32 to vector<16xi32>
      %shift_left3A_429 = arith.shli %and3A_426, %shift_left3A_428 : vector<16xi32>
      %add3A_430 = arith.addi %shift_left3A_423, %shift_left3A_429 : vector<16xi32>
      %add3A_431 = arith.addi %add3A_430, %add3A_410 : vector<16xi32>
      %swap3A_432 = arith.index_cast %add3A_337 : i32 to index
      %swap3A_433 = arith.constant 32 : index
      %swap3A_434 = tpu.vector_load %arg6[%swap3A_432, %swap3A_433] {strides = array<i32>} : memref<56x128xi32, #tpu.memory_space<vmem>>, vector<1x16xi32>,
      %swap3A_435 = vector.shape_cast %swap3A_434 : vector<1x16xi32> to vector<16xi32>
      %swap3A_436 = vector.shape_cast %add3A_431 : vector<16xi32> to vector<1x16xi32>
      tpu.vector_store %arg6[%swap3A_432, %swap3A_433], %swap3A_436 {strides = array<i32>} : memref<56x128xi32, #tpu.memory_space<vmem>>, vector<1x16xi32>,
      %shift_left3A_437 = arith.constant 10 : i32
      %shift_left3A_438 = arith.shli %and3A_1, %shift_left3A_437 : i32
      %add3A_439 = arith.constant 48 : i32
      %add3A_440 = arith.addi %shift_left3A_438, %add3A_439 : i32
      %iota3A_441 = tpu.iota {dimensions = array<i32: 0>} : vector<16xi32>
      %add3A_442 = vector.broadcast %add3A_440 : i32 to vector<16xi32>
      %add3A_443 = arith.addi %add3A_442, %iota3A_441 : vector<16xi32>
      %mul3A_444 = arith.constant 128 : i32
      %mul3A_445 = arith.muli %add3A_337, %mul3A_444 : i32
      %add3A_446 = arith.constant 48 : i32
      %add3A_447 = arith.addi %mul3A_445, %add3A_446 : i32
      %get3A_448 = arith.index_cast %add3A_447 : i32 to index
      %get3A_449 = tpu.vector_load %arg5[%get3A_448] {strides = array<i32>} : memref<7168xi32, #tpu.memory_space<vmem>>, vector<16xi32>,
      %get3A_450 = vector.shape_cast %get3A_449 : vector<16xi32> to vector<16xi32>
      %shift_right_arithmetic3A_451 = arith.constant 3 : i32
      %shift_right_arithmetic3A_452 = vector.broadcast %shift_right_arithmetic3A_451 : i32 to vector<16xi32>
      %shift_right_arithmetic3A_453 = arith.shrsi %get3A_450, %shift_right_arithmetic3A_452 : vector<16xi32>
      %shift_left3A_454 = arith.constant 13 : i32
      %shift_left3A_455 = vector.broadcast %shift_left3A_454 : i32 to vector<16xi32>
      %shift_left3A_456 = arith.shli %shift_right_arithmetic3A_453, %shift_left3A_455 : vector<16xi32>
      %and3A_457 = arith.constant 7 : i32
      %and3A_458 = vector.broadcast %and3A_457 : i32 to vector<16xi32>
      %and3A_459 = arith.andi %get3A_450, %and3A_458 : vector<16xi32>
      %shift_left3A_460 = arith.constant 7 : i32
      %shift_left3A_461 = vector.broadcast %shift_left3A_460 : i32 to vector<16xi32>
      %shift_left3A_462 = arith.shli %and3A_459, %shift_left3A_461 : vector<16xi32>
      %add3A_463 = arith.addi %shift_left3A_456, %shift_left3A_462 : vector<16xi32>
      %add3A_464 = arith.addi %add3A_463, %add3A_443 : vector<16xi32>
      %swap3A_465 = arith.index_cast %add3A_337 : i32 to index
      %swap3A_466 = arith.constant 48 : index
      %swap3A_467 = tpu.vector_load %arg6[%swap3A_465, %swap3A_466] {strides = array<i32>} : memref<56x128xi32, #tpu.memory_space<vmem>>, vector<1x16xi32>,
      %swap3A_468 = vector.shape_cast %swap3A_467 : vector<1x16xi32> to vector<16xi32>
      %swap3A_469 = vector.shape_cast %add3A_464 : vector<16xi32> to vector<1x16xi32>
      tpu.vector_store %arg6[%swap3A_465, %swap3A_466], %swap3A_469 {strides = array<i32>} : memref<56x128xi32, #tpu.memory_space<vmem>>, vector<1x16xi32>,
      %shift_left3A_470 = arith.constant 10 : i32
      %shift_left3A_471 = arith.shli %and3A_1, %shift_left3A_470 : i32
      %add3A_472 = arith.constant 64 : i32
      %add3A_473 = arith.addi %shift_left3A_471, %add3A_472 : i32
      %iota3A_474 = tpu.iota {dimensions = array<i32: 0>} : vector<16xi32>
      %add3A_475 = vector.broadcast %add3A_473 : i32 to vector<16xi32>
      %add3A_476 = arith.addi %add3A_475, %iota3A_474 : vector<16xi32>
      %mul3A_477 = arith.constant 128 : i32
      %mul3A_478 = arith.muli %add3A_337, %mul3A_477 : i32
      %add3A_479 = arith.constant 64 : i32
      %add3A_480 = arith.addi %mul3A_478, %add3A_479 : i32
      %get3A_481 = arith.index_cast %add3A_480 : i32 to index
      %get3A_482 = tpu.vector_load %arg5[%get3A_481] {strides = array<i32>} : memref<7168xi32, #tpu.memory_space<vmem>>, vector<16xi32>,
      %get3A_483 = vector.shape_cast %get3A_482 : vector<16xi32> to vector<16xi32>
      %shift_right_arithmetic3A_484 = arith.constant 3 : i32
      %shift_right_arithmetic3A_485 = vector.broadcast %shift_right_arithmetic3A_484 : i32 to vector<16xi32>
      %shift_right_arithmetic3A_486 = arith.shrsi %get3A_483, %shift_right_arithmetic3A_485 : vector<16xi32>
      %shift_left3A_487 = arith.constant 13 : i32
      %shift_left3A_488 = vector.broadcast %shift_left3A_487 : i32 to vector<16xi32>
      %shift_left3A_489 = arith.shli %shift_right_arithmetic3A_486, %shift_left3A_488 : vector<16xi32>
      %and3A_490 = arith.constant 7 : i32
      %and3A_491 = vector.broadcast %and3A_490 : i32 to vector<16xi32>
      %and3A_492 = arith.andi %get3A_483, %and3A_491 : vector<16xi32>
      %shift_left3A_493 = arith.constant 7 : i32
      %shift_left3A_494 = vector.broadcast %shift_left3A_493 : i32 to vector<16xi32>
      %shift_left3A_495 = arith.shli %and3A_492, %shift_left3A_494 : vector<16xi32>
      %add3A_496 = arith.addi %shift_left3A_489, %shift_left3A_495 : vector<16xi32>
      %add3A_497 = arith.addi %add3A_496, %add3A_476 : vector<16xi32>
      %swap3A_498 = arith.index_cast %add3A_337 : i32 to index
      %swap3A_499 = arith.constant 64 : index
      %swap3A_500 = tpu.vector_load %arg6[%swap3A_498, %swap3A_499] {strides = array<i32>} : memref<56x128xi32, #tpu.memory_space<vmem>>, vector<1x16xi32>,
      %swap3A_501 = vector.shape_cast %swap3A_500 : vector<1x16xi32> to vector<16xi32>
      %swap3A_502 = vector.shape_cast %add3A_497 : vector<16xi32> to vector<1x16xi32>
      tpu.vector_store %arg6[%swap3A_498, %swap3A_499], %swap3A_502 {strides = array<i32>} : memref<56x128xi32, #tpu.memory_space<vmem>>, vector<1x16xi32>,
      %shift_left3A_503 = arith.constant 10 : i32
      %shift_left3A_504 = arith.shli %and3A_1, %shift_left3A_503 : i32
      %add3A_505 = arith.constant 80 : i32
      %add3A_506 = arith.addi %shift_left3A_504, %add3A_505 : i32
      %iota3A_507 = tpu.iota {dimensions = array<i32: 0>} : vector<16xi32>
      %add3A_508 = vector.broadcast %add3A_506 : i32 to vector<16xi32>
      %add3A_509 = arith.addi %add3A_508, %iota3A_507 : vector<16xi32>
      %mul3A_510 = arith.constant 128 : i32
      %mul3A_511 = arith.muli %add3A_337, %mul3A_510 : i32
      %add3A_512 = arith.constant 80 : i32
      %add3A_513 = arith.addi %mul3A_511, %add3A_512 : i32
      %get3A_514 = arith.index_cast %add3A_513 : i32 to index
      %get3A_515 = tpu.vector_load %arg5[%get3A_514] {strides = array<i32>} : memref<7168xi32, #tpu.memory_space<vmem>>, vector<16xi32>,
      %get3A_516 = vector.shape_cast %get3A_515 : vector<16xi32> to vector<16xi32>
      %shift_right_arithmetic3A_517 = arith.constant 3 : i32
      %shift_right_arithmetic3A_518 = vector.broadcast %shift_right_arithmetic3A_517 : i32 to vector<16xi32>
      %shift_right_arithmetic3A_519 = arith.shrsi %get3A_516, %shift_right_arithmetic3A_518 : vector<16xi32>
      %shift_left3A_520 = arith.constant 13 : i32
      %shift_left3A_521 = vector.broadcast %shift_left3A_520 : i32 to vector<16xi32>
      %shift_left3A_522 = arith.shli %shift_right_arithmetic3A_519, %shift_left3A_521 : vector<16xi32>
      %and3A_523 = arith.constant 7 : i32
      %and3A_524 = vector.broadcast %and3A_523 : i32 to vector<16xi32>
      %and3A_525 = arith.andi %get3A_516, %and3A_524 : vector<16xi32>
      %shift_left3A_526 = arith.constant 7 : i32
      %shift_left3A_527 = vector.broadcast %shift_left3A_526 : i32 to vector<16xi32>
      %shift_left3A_528 = arith.shli %and3A_525, %shift_left3A_527 : vector<16xi32>
      %add3A_529 = arith.addi %shift_left3A_522, %shift_left3A_528 : vector<16xi32>
      %add3A_530 = arith.addi %add3A_529, %add3A_509 : vector<16xi32>
      %swap3A_531 = arith.index_cast %add3A_337 : i32 to index
      %swap3A_532 = arith.constant 80 : index
      %swap3A_533 = tpu.vector_load %arg6[%swap3A_531, %swap3A_532] {strides = array<i32>} : memref<56x128xi32, #tpu.memory_space<vmem>>, vector<1x16xi32>,
      %swap3A_534 = vector.shape_cast %swap3A_533 : vector<1x16xi32> to vector<16xi32>
      %swap3A_535 = vector.shape_cast %add3A_530 : vector<16xi32> to vector<1x16xi32>
      tpu.vector_store %arg6[%swap3A_531, %swap3A_532], %swap3A_535 {strides = array<i32>} : memref<56x128xi32, #tpu.memory_space<vmem>>, vector<1x16xi32>,
      %shift_left3A_536 = arith.constant 10 : i32
      %shift_left3A_537 = arith.shli %and3A_1, %shift_left3A_536 : i32
      %add3A_538 = arith.constant 96 : i32
      %add3A_539 = arith.addi %shift_left3A_537, %add3A_538 : i32
      %iota3A_540 = tpu.iota {dimensions = array<i32: 0>} : vector<16xi32>
      %add3A_541 = vector.broadcast %add3A_539 : i32 to vector<16xi32>
      %add3A_542 = arith.addi %add3A_541, %iota3A_540 : vector<16xi32>
      %mul3A_543 = arith.constant 128 : i32
      %mul3A_544 = arith.muli %add3A_337, %mul3A_543 : i32
      %add3A_545 = arith.constant 96 : i32
      %add3A_546 = arith.addi %mul3A_544, %add3A_545 : i32
      %get3A_547 = arith.index_cast %add3A_546 : i32 to index
      %get3A_548 = tpu.vector_load %arg5[%get3A_547] {strides = array<i32>} : memref<7168xi32, #tpu.memory_space<vmem>>, vector<16xi32>,
      %get3A_549 = vector.shape_cast %get3A_548 : vector<16xi32> to vector<16xi32>
      %shift_right_arithmetic3A_550 = arith.constant 3 : i32
      %shift_right_arithmetic3A_551 = vector.broadcast %shift_right_arithmetic3A_550 : i32 to vector<16xi32>
      %shift_right_arithmetic3A_552 = arith.shrsi %get3A_549, %shift_right_arithmetic3A_551 : vector<16xi32>
      %shift_left3A_553 = arith.constant 13 : i32
      %shift_left3A_554 = vector.broadcast %shift_left3A_553 : i32 to vector<16xi32>
      %shift_left3A_555 = arith.shli %shift_right_arithmetic3A_552, %shift_left3A_554 : vector<16xi32>
      %and3A_556 = arith.constant 7 : i32
      %and3A_557 = vector.broadcast %and3A_556 : i32 to vector<16xi32>
      %and3A_558 = arith.andi %get3A_549, %and3A_557 : vector<16xi32>
      %shift_left3A_559 = arith.constant 7 : i32
      %shift_left3A_560 = vector.broadcast %shift_left3A_559 : i32 to vector<16xi32>
      %shift_left3A_561 = arith.shli %and3A_558, %shift_left3A_560 : vector<16xi32>
      %add3A_562 = arith.addi %shift_left3A_555, %shift_left3A_561 : vector<16xi32>
      %add3A_563 = arith.addi %add3A_562, %add3A_542 : vector<16xi32>
      %swap3A_564 = arith.index_cast %add3A_337 : i32 to index
      %swap3A_565 = arith.constant 96 : index
      %swap3A_566 = tpu.vector_load %arg6[%swap3A_564, %swap3A_565] {strides = array<i32>} : memref<56x128xi32, #tpu.memory_space<vmem>>, vector<1x16xi32>,
      %swap3A_567 = vector.shape_cast %swap3A_566 : vector<1x16xi32> to vector<16xi32>
      %swap3A_568 = vector.shape_cast %add3A_563 : vector<16xi32> to vector<1x16xi32>
      tpu.vector_store %arg6[%swap3A_564, %swap3A_565], %swap3A_568 {strides = array<i32>} : memref<56x128xi32, #tpu.memory_space<vmem>>, vector<1x16xi32>,
      %shift_left3A_569 = arith.constant 10 : i32
      %shift_left3A_570 = arith.shli %and3A_1, %shift_left3A_569 : i32
      %add3A_571 = arith.constant 112 : i32
      %add3A_572 = arith.addi %shift_left3A_570, %add3A_571 : i32
      %iota3A_573 = tpu.iota {dimensions = array<i32: 0>} : vector<16xi32>
      %add3A_574 = vector.broadcast %add3A_572 : i32 to vector<16xi32>
      %add3A_575 = arith.addi %add3A_574, %iota3A_573 : vector<16xi32>
      %mul3A_576 = arith.constant 128 : i32
      %mul3A_577 = arith.muli %add3A_337, %mul3A_576 : i32
      %add3A_578 = arith.constant 112 : i32
      %add3A_579 = arith.addi %mul3A_577, %add3A_578 : i32
      %get3A_580 = arith.index_cast %add3A_579 : i32 to index
      %get3A_581 = tpu.vector_load %arg5[%get3A_580] {strides = array<i32>} : memref<7168xi32, #tpu.memory_space<vmem>>, vector<16xi32>,
      %get3A_582 = vector.shape_cast %get3A_581 : vector<16xi32> to vector<16xi32>
      %shift_right_arithmetic3A_583 = arith.constant 3 : i32
      %shift_right_arithmetic3A_584 = vector.broadcast %shift_right_arithmetic3A_583 : i32 to vector<16xi32>
      %shift_right_arithmetic3A_585 = arith.shrsi %get3A_582, %shift_right_arithmetic3A_584 : vector<16xi32>
      %shift_left3A_586 = arith.constant 13 : i32
      %shift_left3A_587 = vector.broadcast %shift_left3A_586 : i32 to vector<16xi32>
      %shift_left3A_588 = arith.shli %shift_right_arithmetic3A_585, %shift_left3A_587 : vector<16xi32>
      %and3A_589 = arith.constant 7 : i32
      %and3A_590 = vector.broadcast %and3A_589 : i32 to vector<16xi32>
      %and3A_591 = arith.andi %get3A_582, %and3A_590 : vector<16xi32>
      %shift_left3A_592 = arith.constant 7 : i32
      %shift_left3A_593 = vector.broadcast %shift_left3A_592 : i32 to vector<16xi32>
      %shift_left3A_594 = arith.shli %and3A_591, %shift_left3A_593 : vector<16xi32>
      %add3A_595 = arith.addi %shift_left3A_588, %shift_left3A_594 : vector<16xi32>
      %add3A_596 = arith.addi %add3A_595, %add3A_575 : vector<16xi32>
      %swap3A_597 = arith.index_cast %add3A_337 : i32 to index
      %swap3A_598 = arith.constant 112 : index
      %swap3A_599 = tpu.vector_load %arg6[%swap3A_597, %swap3A_598] {strides = array<i32>} : memref<56x128xi32, #tpu.memory_space<vmem>>, vector<1x16xi32>,
      %swap3A_600 = vector.shape_cast %swap3A_599 : vector<1x16xi32> to vector<16xi32>
      %swap3A_601 = vector.shape_cast %add3A_596 : vector<16xi32> to vector<1x16xi32>
      tpu.vector_store %arg6[%swap3A_597, %swap3A_598], %swap3A_601 {strides = array<i32>} : memref<56x128xi32, #tpu.memory_space<vmem>>, vector<1x16xi32>,
      %dma_start3A_602 = arith.constant 0 : i32
      %dma_start3A_603 = tpu.memref_slice %arg7[%add3A_337, %dma_start3A_602] : memref<56x128xf32, #tpu.memory_space<vmem>> -> memref<1x128xf32, #tpu.memory_space<vmem>>
      %dma_start3A_604 = tpu.memref_squeeze %dma_start3A_603 : memref<1x128xf32, #tpu.memory_space<vmem>> -> memref<128xf32, #tpu.memory_space<vmem>>
      %dma_start3A_605 = arith.constant 0 : i32
      %dma_start3A_606 = tpu.memref_slice %arg6[%add3A_337, %dma_start3A_605] : memref<56x128xi32, #tpu.memory_space<vmem>> -> memref<1x128xi32, #tpu.memory_space<vmem>>
      %dma_start3A_607 = tpu.memref_squeeze %dma_start3A_606 : memref<1x128xi32, #tpu.memory_space<vmem>> -> memref<128xi32, #tpu.memory_space<vmem>>
      %dma_start3A_608 = arith.constant 0 : i32
      %dma_start3A_609 = tpu.memref_slice %arg2[%dma_start3A_608] : memref<102400000xf32, #tpu.memory_space<hbm>> -> memref<102400000xf32, #tpu.memory_space<hbm>>
      tpu.enqueue_indirect_dma source(%dma_start3A_609 : memref<102400000xf32, #tpu.memory_space<hbm>>) target(%dma_start3A_604 : memref<128xf32, #tpu.memory_space<vmem>>) offsets(%dma_start3A_607 : memref<128xi32, #tpu.memory_space<vmem>>) semaphore(%arg8 : memref<!tpu.dma_semaphore, #tpu.memory_space<semaphore_mem>>)
      %mul3A_610 = arith.constant 8 : i32
      %mul3A_611 = arith.muli %while3A_62, %mul3A_610 : i32
      %add3A_612 = arith.constant 2 : i32
      %add3A_613 = arith.addi %mul3A_611, %add3A_612 : i32
      %shift_left3A_614 = arith.constant 10 : i32
      %shift_left3A_615 = arith.shli %and3A_1, %shift_left3A_614 : i32
      %add3A_616 = arith.constant 0 : i32
      %add3A_617 = arith.addi %shift_left3A_615, %add3A_616 : i32
      %iota3A_618 = tpu.iota {dimensions = array<i32: 0>} : vector<16xi32>
      %add3A_619 = vector.broadcast %add3A_617 : i32 to vector<16xi32>
      %add3A_620 = arith.addi %add3A_619, %iota3A_618 : vector<16xi32>
      %mul3A_621 = arith.constant 128 : i32
      %mul3A_622 = arith.muli %add3A_613, %mul3A_621 : i32
      %add3A_623 = arith.constant 0 : i32
      %add3A_624 = arith.addi %mul3A_622, %add3A_623 : i32
      %get3A_625 = arith.index_cast %add3A_624 : i32 to index
      %get3A_626 = tpu.vector_load %arg5[%get3A_625] {strides = array<i32>} : memref<7168xi32, #tpu.memory_space<vmem>>, vector<16xi32>,
      %get3A_627 = vector.shape_cast %get3A_626 : vector<16xi32> to vector<16xi32>
      %shift_right_arithmetic3A_628 = arith.constant 3 : i32
      %shift_right_arithmetic3A_629 = vector.broadcast %shift_right_arithmetic3A_628 : i32 to vector<16xi32>
      %shift_right_arithmetic3A_630 = arith.shrsi %get3A_627, %shift_right_arithmetic3A_629 : vector<16xi32>
      %shift_left3A_631 = arith.constant 13 : i32
      %shift_left3A_632 = vector.broadcast %shift_left3A_631 : i32 to vector<16xi32>
      %shift_left3A_633 = arith.shli %shift_right_arithmetic3A_630, %shift_left3A_632 : vector<16xi32>
      %and3A_634 = arith.constant 7 : i32
      %and3A_635 = vector.broadcast %and3A_634 : i32 to vector<16xi32>
      %and3A_636 = arith.andi %get3A_627, %and3A_635 : vector<16xi32>
      %shift_left3A_637 = arith.constant 7 : i32
      %shift_left3A_638 = vector.broadcast %shift_left3A_637 : i32 to vector<16xi32>
      %shift_left3A_639 = arith.shli %and3A_636, %shift_left3A_638 : vector<16xi32>
      %add3A_640 = arith.addi %shift_left3A_633, %shift_left3A_639 : vector<16xi32>
      %add3A_641 = arith.addi %add3A_640, %add3A_620 : vector<16xi32>
      %swap3A_642 = arith.index_cast %add3A_613 : i32 to index
      %swap3A_643 = arith.constant 0 : index
      %swap3A_644 = tpu.vector_load %arg6[%swap3A_642, %swap3A_643] {strides = array<i32>} : memref<56x128xi32, #tpu.memory_space<vmem>>, vector<1x16xi32>,
      %swap3A_645 = vector.shape_cast %swap3A_644 : vector<1x16xi32> to vector<16xi32>
      %swap3A_646 = vector.shape_cast %add3A_641 : vector<16xi32> to vector<1x16xi32>
      tpu.vector_store %arg6[%swap3A_642, %swap3A_643], %swap3A_646 {strides = array<i32>} : memref<56x128xi32, #tpu.memory_space<vmem>>, vector<1x16xi32>,
      %shift_left3A_647 = arith.constant 10 : i32
      %shift_left3A_648 = arith.shli %and3A_1, %shift_left3A_647 : i32
      %add3A_649 = arith.constant 16 : i32
      %add3A_650 = arith.addi %shift_left3A_648, %add3A_649 : i32
      %iota3A_651 = tpu.iota {dimensions = array<i32: 0>} : vector<16xi32>
      %add3A_652 = vector.broadcast %add3A_650 : i32 to vector<16xi32>
      %add3A_653 = arith.addi %add3A_652, %iota3A_651 : vector<16xi32>
      %mul3A_654 = arith.constant 128 : i32
      %mul3A_655 = arith.muli %add3A_613, %mul3A_654 : i32
      %add3A_656 = arith.constant 16 : i32
      %add3A_657 = arith.addi %mul3A_655, %add3A_656 : i32
      %get3A_658 = arith.index_cast %add3A_657 : i32 to index
      %get3A_659 = tpu.vector_load %arg5[%get3A_658] {strides = array<i32>} : memref<7168xi32, #tpu.memory_space<vmem>>, vector<16xi32>,
      %get3A_660 = vector.shape_cast %get3A_659 : vector<16xi32> to vector<16xi32>
      %shift_right_arithmetic3A_661 = arith.constant 3 : i32
      %shift_right_arithmetic3A_662 = vector.broadcast %shift_right_arithmetic3A_661 : i32 to vector<16xi32>
      %shift_right_arithmetic3A_663 = arith.shrsi %get3A_660, %shift_right_arithmetic3A_662 : vector<16xi32>
      %shift_left3A_664 = arith.constant 13 : i32
      %shift_left3A_665 = vector.broadcast %shift_left3A_664 : i32 to vector<16xi32>
      %shift_left3A_666 = arith.shli %shift_right_arithmetic3A_663, %shift_left3A_665 : vector<16xi32>
      %and3A_667 = arith.constant 7 : i32
      %and3A_668 = vector.broadcast %and3A_667 : i32 to vector<16xi32>
      %and3A_669 = arith.andi %get3A_660, %and3A_668 : vector<16xi32>
      %shift_left3A_670 = arith.constant 7 : i32
      %shift_left3A_671 = vector.broadcast %shift_left3A_670 : i32 to vector<16xi32>
      %shift_left3A_672 = arith.shli %and3A_669, %shift_left3A_671 : vector<16xi32>
      %add3A_673 = arith.addi %shift_left3A_666, %shift_left3A_672 : vector<16xi32>
      %add3A_674 = arith.addi %add3A_673, %add3A_653 : vector<16xi32>
      %swap3A_675 = arith.index_cast %add3A_613 : i32 to index
      %swap3A_676 = arith.constant 16 : index
      %swap3A_677 = tpu.vector_load %arg6[%swap3A_675, %swap3A_676] {strides = array<i32>} : memref<56x128xi32, #tpu.memory_space<vmem>>, vector<1x16xi32>,
      %swap3A_678 = vector.shape_cast %swap3A_677 : vector<1x16xi32> to vector<16xi32>
      %swap3A_679 = vector.shape_cast %add3A_674 : vector<16xi32> to vector<1x16xi32>
      tpu.vector_store %arg6[%swap3A_675, %swap3A_676], %swap3A_679 {strides = array<i32>} : memref<56x128xi32, #tpu.memory_space<vmem>>, vector<1x16xi32>,
      %shift_left3A_680 = arith.constant 10 : i32
      %shift_left3A_681 = arith.shli %and3A_1, %shift_left3A_680 : i32
      %add3A_682 = arith.constant 32 : i32
      %add3A_683 = arith.addi %shift_left3A_681, %add3A_682 : i32
      %iota3A_684 = tpu.iota {dimensions = array<i32: 0>} : vector<16xi32>
      %add3A_685 = vector.broadcast %add3A_683 : i32 to vector<16xi32>
      %add3A_686 = arith.addi %add3A_685, %iota3A_684 : vector<16xi32>
      %mul3A_687 = arith.constant 128 : i32
      %mul3A_688 = arith.muli %add3A_613, %mul3A_687 : i32
      %add3A_689 = arith.constant 32 : i32
      %add3A_690 = arith.addi %mul3A_688, %add3A_689 : i32
      %get3A_691 = arith.index_cast %add3A_690 : i32 to index
      %get3A_692 = tpu.vector_load %arg5[%get3A_691] {strides = array<i32>} : memref<7168xi32, #tpu.memory_space<vmem>>, vector<16xi32>,
      %get3A_693 = vector.shape_cast %get3A_692 : vector<16xi32> to vector<16xi32>
      %shift_right_arithmetic3A_694 = arith.constant 3 : i32
      %shift_right_arithmetic3A_695 = vector.broadcast %shift_right_arithmetic3A_694 : i32 to vector<16xi32>
      %shift_right_arithmetic3A_696 = arith.shrsi %get3A_693, %shift_right_arithmetic3A_695 : vector<16xi32>
      %shift_left3A_697 = arith.constant 13 : i32
      %shift_left3A_698 = vector.broadcast %shift_left3A_697 : i32 to vector<16xi32>
      %shift_left3A_699 = arith.shli %shift_right_arithmetic3A_696, %shift_left3A_698 : vector<16xi32>
      %and3A_700 = arith.constant 7 : i32
      %and3A_701 = vector.broadcast %and3A_700 : i32 to vector<16xi32>
      %and3A_702 = arith.andi %get3A_693, %and3A_701 : vector<16xi32>
      %shift_left3A_703 = arith.constant 7 : i32
      %shift_left3A_704 = vector.broadcast %shift_left3A_703 : i32 to vector<16xi32>
      %shift_left3A_705 = arith.shli %and3A_702, %shift_left3A_704 : vector<16xi32>
      %add3A_706 = arith.addi %shift_left3A_699, %shift_left3A_705 : vector<16xi32>
      %add3A_707 = arith.addi %add3A_706, %add3A_686 : vector<16xi32>
      %swap3A_708 = arith.index_cast %add3A_613 : i32 to index
      %swap3A_709 = arith.constant 32 : index
      %swap3A_710 = tpu.vector_load %arg6[%swap3A_708, %swap3A_709] {strides = array<i32>} : memref<56x128xi32, #tpu.memory_space<vmem>>, vector<1x16xi32>,
      %swap3A_711 = vector.shape_cast %swap3A_710 : vector<1x16xi32> to vector<16xi32>
      %swap3A_712 = vector.shape_cast %add3A_707 : vector<16xi32> to vector<1x16xi32>
      tpu.vector_store %arg6[%swap3A_708, %swap3A_709], %swap3A_712 {strides = array<i32>} : memref<56x128xi32, #tpu.memory_space<vmem>>, vector<1x16xi32>,
      %shift_left3A_713 = arith.constant 10 : i32
      %shift_left3A_714 = arith.shli %and3A_1, %shift_left3A_713 : i32
      %add3A_715 = arith.constant 48 : i32
      %add3A_716 = arith.addi %shift_left3A_714, %add3A_715 : i32
      %iota3A_717 = tpu.iota {dimensions = array<i32: 0>} : vector<16xi32>
      %add3A_718 = vector.broadcast %add3A_716 : i32 to vector<16xi32>
      %add3A_719 = arith.addi %add3A_718, %iota3A_717 : vector<16xi32>
      %mul3A_720 = arith.constant 128 : i32
      %mul3A_721 = arith.muli %add3A_613, %mul3A_720 : i32
      %add3A_722 = arith.constant 48 : i32
      %add3A_723 = arith.addi %mul3A_721, %add3A_722 : i32
      %get3A_724 = arith.index_cast %add3A_723 : i32 to index
      %get3A_725 = tpu.vector_load %arg5[%get3A_724] {strides = array<i32>} : memref<7168xi32, #tpu.memory_space<vmem>>, vector<16xi32>,
      %get3A_726 = vector.shape_cast %get3A_725 : vector<16xi32> to vector<16xi32>
      %shift_right_arithmetic3A_727 = arith.constant 3 : i32
      %shift_right_arithmetic3A_728 = vector.broadcast %shift_right_arithmetic3A_727 : i32 to vector<16xi32>
      %shift_right_arithmetic3A_729 = arith.shrsi %get3A_726, %shift_right_arithmetic3A_728 : vector<16xi32>
      %shift_left3A_730 = arith.constant 13 : i32
      %shift_left3A_731 = vector.broadcast %shift_left3A_730 : i32 to vector<16xi32>
      %shift_left3A_732 = arith.shli %shift_right_arithmetic3A_729, %shift_left3A_731 : vector<16xi32>
      %and3A_733 = arith.constant 7 : i32
      %and3A_734 = vector.broadcast %and3A_733 : i32 to vector<16xi32>
      %and3A_735 = arith.andi %get3A_726, %and3A_734 : vector<16xi32>
      %shift_left3A_736 = arith.constant 7 : i32
      %shift_left3A_737 = vector.broadcast %shift_left3A_736 : i32 to vector<16xi32>
      %shift_left3A_738 = arith.shli %and3A_735, %shift_left3A_737 : vector<16xi32>
      %add3A_739 = arith.addi %shift_left3A_732, %shift_left3A_738 : vector<16xi32>
      %add3A_740 = arith.addi %add3A_739, %add3A_719 : vector<16xi32>
      %swap3A_741 = arith.index_cast %add3A_613 : i32 to index
      %swap3A_742 = arith.constant 48 : index
      %swap3A_743 = tpu.vector_load %arg6[%swap3A_741, %swap3A_742] {strides = array<i32>} : memref<56x128xi32, #tpu.memory_space<vmem>>, vector<1x16xi32>,
      %swap3A_744 = vector.shape_cast %swap3A_743 : vector<1x16xi32> to vector<16xi32>
      %swap3A_745 = vector.shape_cast %add3A_740 : vector<16xi32> to vector<1x16xi32>
      tpu.vector_store %arg6[%swap3A_741, %swap3A_742], %swap3A_745 {strides = array<i32>} : memref<56x128xi32, #tpu.memory_space<vmem>>, vector<1x16xi32>,
      %shift_left3A_746 = arith.constant 10 : i32
      %shift_left3A_747 = arith.shli %and3A_1, %shift_left3A_746 : i32
      %add3A_748 = arith.constant 64 : i32
      %add3A_749 = arith.addi %shift_left3A_747, %add3A_748 : i32
      %iota3A_750 = tpu.iota {dimensions = array<i32: 0>} : vector<16xi32>
      %add3A_751 = vector.broadcast %add3A_749 : i32 to vector<16xi32>
      %add3A_752 = arith.addi %add3A_751, %iota3A_750 : vector<16xi32>
      %mul3A_753 = arith.constant 128 : i32
      %mul3A_754 = arith.muli %add3A_613, %mul3A_753 : i32
      %add3A_755 = arith.constant 64 : i32
      %add3A_756 = arith.addi %mul3A_754, %add3A_755 : i32
      %get3A_757 = arith.index_cast %add3A_756 : i32 to index
      %get3A_758 = tpu.vector_load %arg5[%get3A_757] {strides = array<i32>} : memref<7168xi32, #tpu.memory_space<vmem>>, vector<16xi32>,
      %get3A_759 = vector.shape_cast %get3A_758 : vector<16xi32> to vector<16xi32>
      %shift_right_arithmetic3A_760 = arith.constant 3 : i32
      %shift_right_arithmetic3A_761 = vector.broadcast %shift_right_arithmetic3A_760 : i32 to vector<16xi32>
      %shift_right_arithmetic3A_762 = arith.shrsi %get3A_759, %shift_right_arithmetic3A_761 : vector<16xi32>
      %shift_left3A_763 = arith.constant 13 : i32
      %shift_left3A_764 = vector.broadcast %shift_left3A_763 : i32 to vector<16xi32>
      %shift_left3A_765 = arith.shli %shift_right_arithmetic3A_762, %shift_left3A_764 : vector<16xi32>
      %and3A_766 = arith.constant 7 : i32
      %and3A_767 = vector.broadcast %and3A_766 : i32 to vector<16xi32>
      %and3A_768 = arith.andi %get3A_759, %and3A_767 : vector<16xi32>
      %shift_left3A_769 = arith.constant 7 : i32
      %shift_left3A_770 = vector.broadcast %shift_left3A_769 : i32 to vector<16xi32>
      %shift_left3A_771 = arith.shli %and3A_768, %shift_left3A_770 : vector<16xi32>
      %add3A_772 = arith.addi %shift_left3A_765, %shift_left3A_771 : vector<16xi32>
      %add3A_773 = arith.addi %add3A_772, %add3A_752 : vector<16xi32>
      %swap3A_774 = arith.index_cast %add3A_613 : i32 to index
      %swap3A_775 = arith.constant 64 : index
      %swap3A_776 = tpu.vector_load %arg6[%swap3A_774, %swap3A_775] {strides = array<i32>} : memref<56x128xi32, #tpu.memory_space<vmem>>, vector<1x16xi32>,
      %swap3A_777 = vector.shape_cast %swap3A_776 : vector<1x16xi32> to vector<16xi32>
      %swap3A_778 = vector.shape_cast %add3A_773 : vector<16xi32> to vector<1x16xi32>
      tpu.vector_store %arg6[%swap3A_774, %swap3A_775], %swap3A_778 {strides = array<i32>} : memref<56x128xi32, #tpu.memory_space<vmem>>, vector<1x16xi32>,
      %shift_left3A_779 = arith.constant 10 : i32
      %shift_left3A_780 = arith.shli %and3A_1, %shift_left3A_779 : i32
      %add3A_781 = arith.constant 80 : i32
      %add3A_782 = arith.addi %shift_left3A_780, %add3A_781 : i32
      %iota3A_783 = tpu.iota {dimensions = array<i32: 0>} : vector<16xi32>
      %add3A_784 = vector.broadcast %add3A_782 : i32 to vector<16xi32>
      %add3A_785 = arith.addi %add3A_784, %iota3A_783 : vector<16xi32>
      %mul3A_786 = arith.constant 128 : i32
      %mul3A_787 = arith.muli %add3A_613, %mul3A_786 : i32
      %add3A_788 = arith.constant 80 : i32
      %add3A_789 = arith.addi %mul3A_787, %add3A_788 : i32
      %get3A_790 = arith.index_cast %add3A_789 : i32 to index
      %get3A_791 = tpu.vector_load %arg5[%get3A_790] {strides = array<i32>} : memref<7168xi32, #tpu.memory_space<vmem>>, vector<16xi32>,
      %get3A_792 = vector.shape_cast %get3A_791 : vector<16xi32> to vector<16xi32>
      %shift_right_arithmetic3A_793 = arith.constant 3 : i32
      %shift_right_arithmetic3A_794 = vector.broadcast %shift_right_arithmetic3A_793 : i32 to vector<16xi32>
      %shift_right_arithmetic3A_795 = arith.shrsi %get3A_792, %shift_right_arithmetic3A_794 : vector<16xi32>
      %shift_left3A_796 = arith.constant 13 : i32
      %shift_left3A_797 = vector.broadcast %shift_left3A_796 : i32 to vector<16xi32>
      %shift_left3A_798 = arith.shli %shift_right_arithmetic3A_795, %shift_left3A_797 : vector<16xi32>
      %and3A_799 = arith.constant 7 : i32
      %and3A_800 = vector.broadcast %and3A_799 : i32 to vector<16xi32>
      %and3A_801 = arith.andi %get3A_792, %and3A_800 : vector<16xi32>
      %shift_left3A_802 = arith.constant 7 : i32
      %shift_left3A_803 = vector.broadcast %shift_left3A_802 : i32 to vector<16xi32>
      %shift_left3A_804 = arith.shli %and3A_801, %shift_left3A_803 : vector<16xi32>
      %add3A_805 = arith.addi %shift_left3A_798, %shift_left3A_804 : vector<16xi32>
      %add3A_806 = arith.addi %add3A_805, %add3A_785 : vector<16xi32>
      %swap3A_807 = arith.index_cast %add3A_613 : i32 to index
      %swap3A_808 = arith.constant 80 : index
      %swap3A_809 = tpu.vector_load %arg6[%swap3A_807, %swap3A_808] {strides = array<i32>} : memref<56x128xi32, #tpu.memory_space<vmem>>, vector<1x16xi32>,
      %swap3A_810 = vector.shape_cast %swap3A_809 : vector<1x16xi32> to vector<16xi32>
      %swap3A_811 = vector.shape_cast %add3A_806 : vector<16xi32> to vector<1x16xi32>
      tpu.vector_store %arg6[%swap3A_807, %swap3A_808], %swap3A_811 {strides = array<i32>} : memref<56x128xi32, #tpu.memory_space<vmem>>, vector<1x16xi32>,
      %shift_left3A_812 = arith.constant 10 : i32
      %shift_left3A_813 = arith.shli %and3A_1, %shift_left3A_812 : i32
      %add3A_814 = arith.constant 96 : i32
      %add3A_815 = arith.addi %shift_left3A_813, %add3A_814 : i32
      %iota3A_816 = tpu.iota {dimensions = array<i32: 0>} : vector<16xi32>
      %add3A_817 = vector.broadcast %add3A_815 : i32 to vector<16xi32>
      %add3A_818 = arith.addi %add3A_817, %iota3A_816 : vector<16xi32>
      %mul3A_819 = arith.constant 128 : i32
      %mul3A_820 = arith.muli %add3A_613, %mul3A_819 : i32
      %add3A_821 = arith.constant 96 : i32
      %add3A_822 = arith.addi %mul3A_820, %add3A_821 : i32
      %get3A_823 = arith.index_cast %add3A_822 : i32 to index
      %get3A_824 = tpu.vector_load %arg5[%get3A_823] {strides = array<i32>} : memref<7168xi32, #tpu.memory_space<vmem>>, vector<16xi32>,
      %get3A_825 = vector.shape_cast %get3A_824 : vector<16xi32> to vector<16xi32>
      %shift_right_arithmetic3A_826 = arith.constant 3 : i32
      %shift_right_arithmetic3A_827 = vector.broadcast %shift_right_arithmetic3A_826 : i32 to vector<16xi32>
      %shift_right_arithmetic3A_828 = arith.shrsi %get3A_825, %shift_right_arithmetic3A_827 : vector<16xi32>
      %shift_left3A_829 = arith.constant 13 : i32
      %shift_left3A_830 = vector.broadcast %shift_left3A_829 : i32 to vector<16xi32>
      %shift_left3A_831 = arith.shli %shift_right_arithmetic3A_828, %shift_left3A_830 : vector<16xi32>
      %and3A_832 = arith.constant 7 : i32
      %and3A_833 = vector.broadcast %and3A_832 : i32 to vector<16xi32>
      %and3A_834 = arith.andi %get3A_825, %and3A_833 : vector<16xi32>
      %shift_left3A_835 = arith.constant 7 : i32
      %shift_left3A_836 = vector.broadcast %shift_left3A_835 : i32 to vector<16xi32>
      %shift_left3A_837 = arith.shli %and3A_834, %shift_left3A_836 : vector<16xi32>
      %add3A_838 = arith.addi %shift_left3A_831, %shift_left3A_837 : vector<16xi32>
      %add3A_839 = arith.addi %add3A_838, %add3A_818 : vector<16xi32>
      %swap3A_840 = arith.index_cast %add3A_613 : i32 to index
      %swap3A_841 = arith.constant 96 : index
      %swap3A_842 = tpu.vector_load %arg6[%swap3A_840, %swap3A_841] {strides = array<i32>} : memref<56x128xi32, #tpu.memory_space<vmem>>, vector<1x16xi32>,
      %swap3A_843 = vector.shape_cast %swap3A_842 : vector<1x16xi32> to vector<16xi32>
      %swap3A_844 = vector.shape_cast %add3A_839 : vector<16xi32> to vector<1x16xi32>
      tpu.vector_store %arg6[%swap3A_840, %swap3A_841], %swap3A_844 {strides = array<i32>} : memref<56x128xi32, #tpu.memory_space<vmem>>, vector<1x16xi32>,
      %shift_left3A_845 = arith.constant 10 : i32
      %shift_left3A_846 = arith.shli %and3A_1, %shift_left3A_845 : i32
      %add3A_847 = arith.constant 112 : i32
      %add3A_848 = arith.addi %shift_left3A_846, %add3A_847 : i32
      %iota3A_849 = tpu.iota {dimensions = array<i32: 0>} : vector<16xi32>
      %add3A_850 = vector.broadcast %add3A_848 : i32 to vector<16xi32>
      %add3A_851 = arith.addi %add3A_850, %iota3A_849 : vector<16xi32>
      %mul3A_852 = arith.constant 128 : i32
      %mul3A_853 = arith.muli %add3A_613, %mul3A_852 : i32
      %add3A_854 = arith.constant 112 : i32
      %add3A_855 = arith.addi %mul3A_853, %add3A_854 : i32
      %get3A_856 = arith.index_cast %add3A_855 : i32 to index
      %get3A_857 = tpu.vector_load %arg5[%get3A_856] {strides = array<i32>} : memref<7168xi32, #tpu.memory_space<vmem>>, vector<16xi32>,
      %get3A_858 = vector.shape_cast %get3A_857 : vector<16xi32> to vector<16xi32>
      %shift_right_arithmetic3A_859 = arith.constant 3 : i32
      %shift_right_arithmetic3A_860 = vector.broadcast %shift_right_arithmetic3A_859 : i32 to vector<16xi32>
      %shift_right_arithmetic3A_861 = arith.shrsi %get3A_858, %shift_right_arithmetic3A_860 : vector<16xi32>
      %shift_left3A_862 = arith.constant 13 : i32
      %shift_left3A_863 = vector.broadcast %shift_left3A_862 : i32 to vector<16xi32>
      %shift_left3A_864 = arith.shli %shift_right_arithmetic3A_861, %shift_left3A_863 : vector<16xi32>
      %and3A_865 = arith.constant 7 : i32
      %and3A_866 = vector.broadcast %and3A_865 : i32 to vector<16xi32>
      %and3A_867 = arith.andi %get3A_858, %and3A_866 : vector<16xi32>
      %shift_left3A_868 = arith.constant 7 : i32
      %shift_left3A_869 = vector.broadcast %shift_left3A_868 : i32 to vector<16xi32>
      %shift_left3A_870 = arith.shli %and3A_867, %shift_left3A_869 : vector<16xi32>
      %add3A_871 = arith.addi %shift_left3A_864, %shift_left3A_870 : vector<16xi32>
      %add3A_872 = arith.addi %add3A_871, %add3A_851 : vector<16xi32>
      %swap3A_873 = arith.index_cast %add3A_613 : i32 to index
      %swap3A_874 = arith.constant 112 : index
      %swap3A_875 = tpu.vector_load %arg6[%swap3A_873, %swap3A_874] {strides = array<i32>} : memref<56x128xi32, #tpu.memory_space<vmem>>, vector<1x16xi32>,
      %swap3A_876 = vector.shape_cast %swap3A_875 : vector<1x16xi32> to vector<16xi32>
      %swap3A_877 = vector.shape_cast %add3A_872 : vector<16xi32> to vector<1x16xi32>
      tpu.vector_store %arg6[%swap3A_873, %swap3A_874], %swap3A_877 {strides = array<i32>} : memref<56x128xi32, #tpu.memory_space<vmem>>, vector<1x16xi32>,
      %dma_start3A_878 = arith.constant 0 : i32
      %dma_start3A_879 = tpu.memref_slice %arg7[%add3A_613, %dma_start3A_878] : memref<56x128xf32, #tpu.memory_space<vmem>> -> memref<1x128xf32, #tpu.memory_space<vmem>>
      %dma_start3A_880 = tpu.memref_squeeze %dma_start3A_879 : memref<1x128xf32, #tpu.memory_space<vmem>> -> memref<128xf32, #tpu.memory_space<vmem>>
      %dma_start3A_881 = arith.constant 0 : i32
      %dma_start3A_882 = tpu.memref_slice %arg6[%add3A_613, %dma_start3A_881] : memref<56x128xi32, #tpu.memory_space<vmem>> -> memref<1x128xi32, #tpu.memory_space<vmem>>
      %dma_start3A_883 = tpu.memref_squeeze %dma_start3A_882 : memref<1x128xi32, #tpu.memory_space<vmem>> -> memref<128xi32, #tpu.memory_space<vmem>>
      %dma_start3A_884 = arith.constant 0 : i32
      %dma_start3A_885 = tpu.memref_slice %arg2[%dma_start3A_884] : memref<102400000xf32, #tpu.memory_space<hbm>> -> memref<102400000xf32, #tpu.memory_space<hbm>>
      tpu.enqueue_indirect_dma source(%dma_start3A_885 : memref<102400000xf32, #tpu.memory_space<hbm>>) target(%dma_start3A_880 : memref<128xf32, #tpu.memory_space<vmem>>) offsets(%dma_start3A_883 : memref<128xi32, #tpu.memory_space<vmem>>) semaphore(%arg8 : memref<!tpu.dma_semaphore, #tpu.memory_space<semaphore_mem>>)
      %mul3A_886 = arith.constant 8 : i32
      %mul3A_887 = arith.muli %while3A_62, %mul3A_886 : i32
      %add3A_888 = arith.constant 3 : i32
      %add3A_889 = arith.addi %mul3A_887, %add3A_888 : i32
      %shift_left3A_890 = arith.constant 10 : i32
      %shift_left3A_891 = arith.shli %and3A_1, %shift_left3A_890 : i32
      %add3A_892 = arith.constant 0 : i32
      %add3A_893 = arith.addi %shift_left3A_891, %add3A_892 : i32
      %iota3A_894 = tpu.iota {dimensions = array<i32: 0>} : vector<16xi32>
      %add3A_895 = vector.broadcast %add3A_893 : i32 to vector<16xi32>
      %add3A_896 = arith.addi %add3A_895, %iota3A_894 : vector<16xi32>
      %mul3A_897 = arith.constant 128 : i32
      %mul3A_898 = arith.muli %add3A_889, %mul3A_897 : i32
      %add3A_899 = arith.constant 0 : i32
      %add3A_900 = arith.addi %mul3A_898, %add3A_899 : i32
      %get3A_901 = arith.index_cast %add3A_900 : i32 to index
      %get3A_902 = tpu.vector_load %arg5[%get3A_901] {strides = array<i32>} : memref<7168xi32, #tpu.memory_space<vmem>>, vector<16xi32>,
      %get3A_903 = vector.shape_cast %get3A_902 : vector<16xi32> to vector<16xi32>
      %shift_right_arithmetic3A_904 = arith.constant 3 : i32
      %shift_right_arithmetic3A_905 = vector.broadcast %shift_right_arithmetic3A_904 : i32 to vector<16xi32>
      %shift_right_arithmetic3A_906 = arith.shrsi %get3A_903, %shift_right_arithmetic3A_905 : vector<16xi32>
      %shift_left3A_907 = arith.constant 13 : i32
      %shift_left3A_908 = vector.broadcast %shift_left3A_907 : i32 to vector<16xi32>
      %shift_left3A_909 = arith.shli %shift_right_arithmetic3A_906, %shift_left3A_908 : vector<16xi32>
      %and3A_910 = arith.constant 7 : i32
      %and3A_911 = vector.broadcast %and3A_910 : i32 to vector<16xi32>
      %and3A_912 = arith.andi %get3A_903, %and3A_911 : vector<16xi32>
      %shift_left3A_913 = arith.constant 7 : i32
      %shift_left3A_914 = vector.broadcast %shift_left3A_913 : i32 to vector<16xi32>
      %shift_left3A_915 = arith.shli %and3A_912, %shift_left3A_914 : vector<16xi32>
      %add3A_916 = arith.addi %shift_left3A_909, %shift_left3A_915 : vector<16xi32>
      %add3A_917 = arith.addi %add3A_916, %add3A_896 : vector<16xi32>
      %swap3A_918 = arith.index_cast %add3A_889 : i32 to index
      %swap3A_919 = arith.constant 0 : index
      %swap3A_920 = tpu.vector_load %arg6[%swap3A_918, %swap3A_919] {strides = array<i32>} : memref<56x128xi32, #tpu.memory_space<vmem>>, vector<1x16xi32>,
      %swap3A_921 = vector.shape_cast %swap3A_920 : vector<1x16xi32> to vector<16xi32>
      %swap3A_922 = vector.shape_cast %add3A_917 : vector<16xi32> to vector<1x16xi32>
      tpu.vector_store %arg6[%swap3A_918, %swap3A_919], %swap3A_922 {strides = array<i32>} : memref<56x128xi32, #tpu.memory_space<vmem>>, vector<1x16xi32>,
      %shift_left3A_923 = arith.constant 10 : i32
      %shift_left3A_924 = arith.shli %and3A_1, %shift_left3A_923 : i32
      %add3A_925 = arith.constant 16 : i32
      %add3A_926 = arith.addi %shift_left3A_924, %add3A_925 : i32
      %iota3A_927 = tpu.iota {dimensions = array<i32: 0>} : vector<16xi32>
      %add3A_928 = vector.broadcast %add3A_926 : i32 to vector<16xi32>
      %add3A_929 = arith.addi %add3A_928, %iota3A_927 : vector<16xi32>
      %mul3A_930 = arith.constant 128 : i32
      %mul3A_931 = arith.muli %add3A_889, %mul3A_930 : i32
      %add3A_932 = arith.constant 16 : i32
      %add3A_933 = arith.addi %mul3A_931, %add3A_932 : i32
      %get3A_934 = arith.index_cast %add3A_933 : i32 to index
      %get3A_935 = tpu.vector_load %arg5[%get3A_934] {strides = array<i32>} : memref<7168xi32, #tpu.memory_space<vmem>>, vector<16xi32>,
      %get3A_936 = vector.shape_cast %get3A_935 : vector<16xi32> to vector<16xi32>
      %shift_right_arithmetic3A_937 = arith.constant 3 : i32
      %shift_right_arithmetic3A_938 = vector.broadcast %shift_right_arithmetic3A_937 : i32 to vector<16xi32>
      %shift_right_arithmetic3A_939 = arith.shrsi %get3A_936, %shift_right_arithmetic3A_938 : vector<16xi32>
      %shift_left3A_940 = arith.constant 13 : i32
      %shift_left3A_941 = vector.broadcast %shift_left3A_940 : i32 to vector<16xi32>
      %shift_left3A_942 = arith.shli %shift_right_arithmetic3A_939, %shift_left3A_941 : vector<16xi32>
      %and3A_943 = arith.constant 7 : i32
      %and3A_944 = vector.broadcast %and3A_943 : i32 to vector<16xi32>
      %and3A_945 = arith.andi %get3A_936, %and3A_944 : vector<16xi32>
      %shift_left3A_946 = arith.constant 7 : i32
      %shift_left3A_947 = vector.broadcast %shift_left3A_946 : i32 to vector<16xi32>
      %shift_left3A_948 = arith.shli %and3A_945, %shift_left3A_947 : vector<16xi32>
      %add3A_949 = arith.addi %shift_left3A_942, %shift_left3A_948 : vector<16xi32>
      %add3A_950 = arith.addi %add3A_949, %add3A_929 : vector<16xi32>
      %swap3A_951 = arith.index_cast %add3A_889 : i32 to index
      %swap3A_952 = arith.constant 16 : index
      %swap3A_953 = tpu.vector_load %arg6[%swap3A_951, %swap3A_952] {strides = array<i32>} : memref<56x128xi32, #tpu.memory_space<vmem>>, vector<1x16xi32>,
      %swap3A_954 = vector.shape_cast %swap3A_953 : vector<1x16xi32> to vector<16xi32>
      %swap3A_955 = vector.shape_cast %add3A_950 : vector<16xi32> to vector<1x16xi32>
      tpu.vector_store %arg6[%swap3A_951, %swap3A_952], %swap3A_955 {strides = array<i32>} : memref<56x128xi32, #tpu.memory_space<vmem>>, vector<1x16xi32>,
      %shift_left3A_956 = arith.constant 10 : i32
      %shift_left3A_957 = arith.shli %and3A_1, %shift_left3A_956 : i32
      %add3A_958 = arith.constant 32 : i32
      %add3A_959 = arith.addi %shift_left3A_957, %add3A_958 : i32
      %iota3A_960 = tpu.iota {dimensions = array<i32: 0>} : vector<16xi32>
      %add3A_961 = vector.broadcast %add3A_959 : i32 to vector<16xi32>
      %add3A_962 = arith.addi %add3A_961, %iota3A_960 : vector<16xi32>
      %mul3A_963 = arith.constant 128 : i32
      %mul3A_964 = arith.muli %add3A_889, %mul3A_963 : i32
      %add3A_965 = arith.constant 32 : i32
      %add3A_966 = arith.addi %mul3A_964, %add3A_965 : i32
      %get3A_967 = arith.index_cast %add3A_966 : i32 to index
      %get3A_968 = tpu.vector_load %arg5[%get3A_967] {strides = array<i32>} : memref<7168xi32, #tpu.memory_space<vmem>>, vector<16xi32>,
      %get3A_969 = vector.shape_cast %get3A_968 : vector<16xi32> to vector<16xi32>
      %shift_right_arithmetic3A_970 = arith.constant 3 : i32
      %shift_right_arithmetic3A_971 = vector.broadcast %shift_right_arithmetic3A_970 : i32 to vector<16xi32>
      %shift_right_arithmetic3A_972 = arith.shrsi %get3A_969, %shift_right_arithmetic3A_971 : vector<16xi32>
      %shift_left3A_973 = arith.constant 13 : i32
      %shift_left3A_974 = vector.broadcast %shift_left3A_973 : i32 to vector<16xi32>
      %shift_left3A_975 = arith.shli %shift_right_arithmetic3A_972, %shift_left3A_974 : vector<16xi32>
      %and3A_976 = arith.constant 7 : i32
      %and3A_977 = vector.broadcast %and3A_976 : i32 to vector<16xi32>
      %and3A_978 = arith.andi %get3A_969, %and3A_977 : vector<16xi32>
      %shift_left3A_979 = arith.constant 7 : i32
      %shift_left3A_980 = vector.broadcast %shift_left3A_979 : i32 to vector<16xi32>
      %shift_left3A_981 = arith.shli %and3A_978, %shift_left3A_980 : vector<16xi32>
      %add3A_982 = arith.addi %shift_left3A_975, %shift_left3A_981 : vector<16xi32>
      %add3A_983 = arith.addi %add3A_982, %add3A_962 : vector<16xi32>
      %swap3A_984 = arith.index_cast %add3A_889 : i32 to index
      %swap3A_985 = arith.constant 32 : index
      %swap3A_986 = tpu.vector_load %arg6[%swap3A_984, %swap3A_985] {strides = array<i32>} : memref<56x128xi32, #tpu.memory_space<vmem>>, vector<1x16xi32>,
      %swap3A_987 = vector.shape_cast %swap3A_986 : vector<1x16xi32> to vector<16xi32>
      %swap3A_988 = vector.shape_cast %add3A_983 : vector<16xi32> to vector<1x16xi32>
      tpu.vector_store %arg6[%swap3A_984, %swap3A_985], %swap3A_988 {strides = array<i32>} : memref<56x128xi32, #tpu.memory_space<vmem>>, vector<1x16xi32>,
      %shift_left3A_989 = arith.constant 10 : i32
      %shift_left3A_990 = arith.shli %and3A_1, %shift_left3A_989 : i32
      %add3A_991 = arith.constant 48 : i32
      %add3A_992 = arith.addi %shift_left3A_990, %add3A_991 : i32
      %iota3A_993 = tpu.iota {dimensions = array<i32: 0>} : vector<16xi32>
      %add3A_994 = vector.broadcast %add3A_992 : i32 to vector<16xi32>
      %add3A_995 = arith.addi %add3A_994, %iota3A_993 : vector<16xi32>
      %mul3A_996 = arith.constant 128 : i32
      %mul3A_997 = arith.muli %add3A_889, %mul3A_996 : i32
      %add3A_998 = arith.constant 48 : i32
      %add3A_999 = arith.addi %mul3A_997, %add3A_998 : i32
      %get3A_1000 = arith.index_cast %add3A_999 : i32 to index
      %get3A_1001 = tpu.vector_load %arg5[%get3A_1000] {strides = array<i32>} : memref<7168xi32, #tpu.memory_space<vmem>>, vector<16xi32>,
      %get3A_1002 = vector.shape_cast %get3A_1001 : vector<16xi32> to vector<16xi32>
      %shift_right_arithmetic3A_1003 = arith.constant 3 : i32
      %shift_right_arithmetic3A_1004 = vector.broadcast %shift_right_arithmetic3A_1003 : i32 to vector<16xi32>
      %shift_right_arithmetic3A_1005 = arith.shrsi %get3A_1002, %shift_right_arithmetic3A_1004 : vector<16xi32>
      %shift_left3A_1006 = arith.constant 13 : i32
      %shift_left3A_1007 = vector.broadcast %shift_left3A_1006 : i32 to vector<16xi32>
      %shift_left3A_1008 = arith.shli %shift_right_arithmetic3A_1005, %shift_left3A_1007 : vector<16xi32>
      %and3A_1009 = arith.constant 7 : i32
      %and3A_1010 = vector.broadcast %and3A_1009 : i32 to vector<16xi32>
      %and3A_1011 = arith.andi %get3A_1002, %and3A_1010 : vector<16xi32>
      %shift_left3A_1012 = arith.constant 7 : i32
      %shift_left3A_1013 = vector.broadcast %shift_left3A_1012 : i32 to vector<16xi32>
      %shift_left3A_1014 = arith.shli %and3A_1011, %shift_left3A_1013 : vector<16xi32>
      %add3A_1015 = arith.addi %shift_left3A_1008, %shift_left3A_1014 : vector<16xi32>
      %add3A_1016 = arith.addi %add3A_1015, %add3A_995 : vector<16xi32>
      %swap3A_1017 = arith.index_cast %add3A_889 : i32 to index
      %swap3A_1018 = arith.constant 48 : index
      %swap3A_1019 = tpu.vector_load %arg6[%swap3A_1017, %swap3A_1018] {strides = array<i32>} : memref<56x128xi32, #tpu.memory_space<vmem>>, vector<1x16xi32>,
      %swap3A_1020 = vector.shape_cast %swap3A_1019 : vector<1x16xi32> to vector<16xi32>
      %swap3A_1021 = vector.shape_cast %add3A_1016 : vector<16xi32> to vector<1x16xi32>
      tpu.vector_store %arg6[%swap3A_1017, %swap3A_1018], %swap3A_1021 {strides = array<i32>} : memref<56x128xi32, #tpu.memory_space<vmem>>, vector<1x16xi32>,
      %shift_left3A_1022 = arith.constant 10 : i32
      %shift_left3A_1023 = arith.shli %and3A_1, %shift_left3A_1022 : i32
      %add3A_1024 = arith.constant 64 : i32
      %add3A_1025 = arith.addi %shift_left3A_1023, %add3A_1024 : i32
      %iota3A_1026 = tpu.iota {dimensions = array<i32: 0>} : vector<16xi32>
      %add3A_1027 = vector.broadcast %add3A_1025 : i32 to vector<16xi32>
      %add3A_1028 = arith.addi %add3A_1027, %iota3A_1026 : vector<16xi32>
      %mul3A_1029 = arith.constant 128 : i32
      %mul3A_1030 = arith.muli %add3A_889, %mul3A_1029 : i32
      %add3A_1031 = arith.constant 64 : i32
      %add3A_1032 = arith.addi %mul3A_1030, %add3A_1031 : i32
      %get3A_1033 = arith.index_cast %add3A_1032 : i32 to index
      %get3A_1034 = tpu.vector_load %arg5[%get3A_1033] {strides = array<i32>} : memref<7168xi32, #tpu.memory_space<vmem>>, vector<16xi32>,
      %get3A_1035 = vector.shape_cast %get3A_1034 : vector<16xi32> to vector<16xi32>
      %shift_right_arithmetic3A_1036 = arith.constant 3 : i32
      %shift_right_arithmetic3A_1037 = vector.broadcast %shift_right_arithmetic3A_1036 : i32 to vector<16xi32>
      %shift_right_arithmetic3A_1038 = arith.shrsi %get3A_1035, %shift_right_arithmetic3A_1037 : vector<16xi32>
      %shift_left3A_1039 = arith.constant 13 : i32
      %shift_left3A_1040 = vector.broadcast %shift_left3A_1039 : i32 to vector<16xi32>
      %shift_left3A_1041 = arith.shli %shift_right_arithmetic3A_1038, %shift_left3A_1040 : vector<16xi32>
      %and3A_1042 = arith.constant 7 : i32
      %and3A_1043 = vector.broadcast %and3A_1042 : i32 to vector<16xi32>
      %and3A_1044 = arith.andi %get3A_1035, %and3A_1043 : vector<16xi32>
      %shift_left3A_1045 = arith.constant 7 : i32
      %shift_left3A_1046 = vector.broadcast %shift_left3A_1045 : i32 to vector<16xi32>
      %shift_left3A_1047 = arith.shli %and3A_1044, %shift_left3A_1046 : vector<16xi32>
      %add3A_1048 = arith.addi %shift_left3A_1041, %shift_left3A_1047 : vector<16xi32>
      %add3A_1049 = arith.addi %add3A_1048, %add3A_1028 : vector<16xi32>
      %swap3A_1050 = arith.index_cast %add3A_889 : i32 to index
      %swap3A_1051 = arith.constant 64 : index
      %swap3A_1052 = tpu.vector_load %arg6[%swap3A_1050, %swap3A_1051] {strides = array<i32>} : memref<56x128xi32, #tpu.memory_space<vmem>>, vector<1x16xi32>,
      %swap3A_1053 = vector.shape_cast %swap3A_1052 : vector<1x16xi32> to vector<16xi32>
      %swap3A_1054 = vector.shape_cast %add3A_1049 : vector<16xi32> to vector<1x16xi32>
      tpu.vector_store %arg6[%swap3A_1050, %swap3A_1051], %swap3A_1054 {strides = array<i32>} : memref<56x128xi32, #tpu.memory_space<vmem>>, vector<1x16xi32>,
      %shift_left3A_1055 = arith.constant 10 : i32
      %shift_left3A_1056 = arith.shli %and3A_1, %shift_left3A_1055 : i32
      %add3A_1057 = arith.constant 80 : i32
      %add3A_1058 = arith.addi %shift_left3A_1056, %add3A_1057 : i32
      %iota3A_1059 = tpu.iota {dimensions = array<i32: 0>} : vector<16xi32>
      %add3A_1060 = vector.broadcast %add3A_1058 : i32 to vector<16xi32>
      %add3A_1061 = arith.addi %add3A_1060, %iota3A_1059 : vector<16xi32>
      %mul3A_1062 = arith.constant 128 : i32
      %mul3A_1063 = arith.muli %add3A_889, %mul3A_1062 : i32
      %add3A_1064 = arith.constant 80 : i32
      %add3A_1065 = arith.addi %mul3A_1063, %add3A_1064 : i32
      %get3A_1066 = arith.index_cast %add3A_1065 : i32 to index
      %get3A_1067 = tpu.vector_load %arg5[%get3A_1066] {strides = array<i32>} : memref<7168xi32, #tpu.memory_space<vmem>>, vector<16xi32>,
      %get3A_1068 = vector.shape_cast %get3A_1067 : vector<16xi32> to vector<16xi32>
      %shift_right_arithmetic3A_1069 = arith.constant 3 : i32
      %shift_right_arithmetic3A_1070 = vector.broadcast %shift_right_arithmetic3A_1069 : i32 to vector<16xi32>
      %shift_right_arithmetic3A_1071 = arith.shrsi %get3A_1068, %shift_right_arithmetic3A_1070 : vector<16xi32>
      %shift_left3A_1072 = arith.constant 13 : i32
      %shift_left3A_1073 = vector.broadcast %shift_left3A_1072 : i32 to vector<16xi32>
      %shift_left3A_1074 = arith.shli %shift_right_arithmetic3A_1071, %shift_left3A_1073 : vector<16xi32>
      %and3A_1075 = arith.constant 7 : i32
      %and3A_1076 = vector.broadcast %and3A_1075 : i32 to vector<16xi32>
      %and3A_1077 = arith.andi %get3A_1068, %and3A_1076 : vector<16xi32>
      %shift_left3A_1078 = arith.constant 7 : i32
      %shift_left3A_1079 = vector.broadcast %shift_left3A_1078 : i32 to vector<16xi32>
      %shift_left3A_1080 = arith.shli %and3A_1077, %shift_left3A_1079 : vector<16xi32>
      %add3A_1081 = arith.addi %shift_left3A_1074, %shift_left3A_1080 : vector<16xi32>
      %add3A_1082 = arith.addi %add3A_1081, %add3A_1061 : vector<16xi32>
      %swap3A_1083 = arith.index_cast %add3A_889 : i32 to index
      %swap3A_1084 = arith.constant 80 : index
      %swap3A_1085 = tpu.vector_load %arg6[%swap3A_1083, %swap3A_1084] {strides = array<i32>} : memref<56x128xi32, #tpu.memory_space<vmem>>, vector<1x16xi32>,
      %swap3A_1086 = vector.shape_cast %swap3A_1085 : vector<1x16xi32> to vector<16xi32>
      %swap3A_1087 = vector.shape_cast %add3A_1082 : vector<16xi32> to vector<1x16xi32>
      tpu.vector_store %arg6[%swap3A_1083, %swap3A_1084], %swap3A_1087 {strides = array<i32>} : memref<56x128xi32, #tpu.memory_space<vmem>>, vector<1x16xi32>,
      %shift_left3A_1088 = arith.constant 10 : i32
      %shift_left3A_1089 = arith.shli %and3A_1, %shift_left3A_1088 : i32
      %add3A_1090 = arith.constant 96 : i32
      %add3A_1091 = arith.addi %shift_left3A_1089, %add3A_1090 : i32
      %iota3A_1092 = tpu.iota {dimensions = array<i32: 0>} : vector<16xi32>
      %add3A_1093 = vector.broadcast %add3A_1091 : i32 to vector<16xi32>
      %add3A_1094 = arith.addi %add3A_1093, %iota3A_1092 : vector<16xi32>
      %mul3A_1095 = arith.constant 128 : i32
      %mul3A_1096 = arith.muli %add3A_889, %mul3A_1095 : i32
      %add3A_1097 = arith.constant 96 : i32
      %add3A_1098 = arith.addi %mul3A_1096, %add3A_1097 : i32
      %get3A_1099 = arith.index_cast %add3A_1098 : i32 to index
      %get3A_1100 = tpu.vector_load %arg5[%get3A_1099] {strides = array<i32>} : memref<7168xi32, #tpu.memory_space<vmem>>, vector<16xi32>,
      %get3A_1101 = vector.shape_cast %get3A_1100 : vector<16xi32> to vector<16xi32>
      %shift_right_arithmetic3A_1102 = arith.constant 3 : i32
      %shift_right_arithmetic3A_1103 = vector.broadcast %shift_right_arithmetic3A_1102 : i32 to vector<16xi32>
      %shift_right_arithmetic3A_1104 = arith.shrsi %get3A_1101, %shift_right_arithmetic3A_1103 : vector<16xi32>
      %shift_left3A_1105 = arith.constant 13 : i32
      %shift_left3A_1106 = vector.broadcast %shift_left3A_1105 : i32 to vector<16xi32>
      %shift_left3A_1107 = arith.shli %shift_right_arithmetic3A_1104, %shift_left3A_1106 : vector<16xi32>
      %and3A_1108 = arith.constant 7 : i32
      %and3A_1109 = vector.broadcast %and3A_1108 : i32 to vector<16xi32>
      %and3A_1110 = arith.andi %get3A_1101, %and3A_1109 : vector<16xi32>
      %shift_left3A_1111 = arith.constant 7 : i32
      %shift_left3A_1112 = vector.broadcast %shift_left3A_1111 : i32 to vector<16xi32>
      %shift_left3A_1113 = arith.shli %and3A_1110, %shift_left3A_1112 : vector<16xi32>
      %add3A_1114 = arith.addi %shift_left3A_1107, %shift_left3A_1113 : vector<16xi32>
      %add3A_1115 = arith.addi %add3A_1114, %add3A_1094 : vector<16xi32>
      %swap3A_1116 = arith.index_cast %add3A_889 : i32 to index
      %swap3A_1117 = arith.constant 96 : index
      %swap3A_1118 = tpu.vector_load %arg6[%swap3A_1116, %swap3A_1117] {strides = array<i32>} : memref<56x128xi32, #tpu.memory_space<vmem>>, vector<1x16xi32>,
      %swap3A_1119 = vector.shape_cast %swap3A_1118 : vector<1x16xi32> to vector<16xi32>
      %swap3A_1120 = vector.shape_cast %add3A_1115 : vector<16xi32> to vector<1x16xi32>
      tpu.vector_store %arg6[%swap3A_1116, %swap3A_1117], %swap3A_1120 {strides = array<i32>} : memref<56x128xi32, #tpu.memory_space<vmem>>, vector<1x16xi32>,
      %shift_left3A_1121 = arith.constant 10 : i32
      %shift_left3A_1122 = arith.shli %and3A_1, %shift_left3A_1121 : i32
      %add3A_1123 = arith.constant 112 : i32
      %add3A_1124 = arith.addi %shift_left3A_1122, %add3A_1123 : i32
      %iota3A_1125 = tpu.iota {dimensions = array<i32: 0>} : vector<16xi32>
      %add3A_1126 = vector.broadcast %add3A_1124 : i32 to vector<16xi32>
      %add3A_1127 = arith.addi %add3A_1126, %iota3A_1125 : vector<16xi32>
      %mul3A_1128 = arith.constant 128 : i32
      %mul3A_1129 = arith.muli %add3A_889, %mul3A_1128 : i32
      %add3A_1130 = arith.constant 112 : i32
      %add3A_1131 = arith.addi %mul3A_1129, %add3A_1130 : i32
      %get3A_1132 = arith.index_cast %add3A_1131 : i32 to index
      %get3A_1133 = tpu.vector_load %arg5[%get3A_1132] {strides = array<i32>} : memref<7168xi32, #tpu.memory_space<vmem>>, vector<16xi32>,
      %get3A_1134 = vector.shape_cast %get3A_1133 : vector<16xi32> to vector<16xi32>
      %shift_right_arithmetic3A_1135 = arith.constant 3 : i32
      %shift_right_arithmetic3A_1136 = vector.broadcast %shift_right_arithmetic3A_1135 : i32 to vector<16xi32>
      %shift_right_arithmetic3A_1137 = arith.shrsi %get3A_1134, %shift_right_arithmetic3A_1136 : vector<16xi32>
      %shift_left3A_1138 = arith.constant 13 : i32
      %shift_left3A_1139 = vector.broadcast %shift_left3A_1138 : i32 to vector<16xi32>
      %shift_left3A_1140 = arith.shli %shift_right_arithmetic3A_1137, %shift_left3A_1139 : vector<16xi32>
      %and3A_1141 = arith.constant 7 : i32
      %and3A_1142 = vector.broadcast %and3A_1141 : i32 to vector<16xi32>
      %and3A_1143 = arith.andi %get3A_1134, %and3A_1142 : vector<16xi32>
      %shift_left3A_1144 = arith.constant 7 : i32
      %shift_left3A_1145 = vector.broadcast %shift_left3A_1144 : i32 to vector<16xi32>
      %shift_left3A_1146 = arith.shli %and3A_1143, %shift_left3A_1145 : vector<16xi32>
      %add3A_1147 = arith.addi %shift_left3A_1140, %shift_left3A_1146 : vector<16xi32>
      %add3A_1148 = arith.addi %add3A_1147, %add3A_1127 : vector<16xi32>
      %swap3A_1149 = arith.index_cast %add3A_889 : i32 to index
      %swap3A_1150 = arith.constant 112 : index
      %swap3A_1151 = tpu.vector_load %arg6[%swap3A_1149, %swap3A_1150] {strides = array<i32>} : memref<56x128xi32, #tpu.memory_space<vmem>>, vector<1x16xi32>,
      %swap3A_1152 = vector.shape_cast %swap3A_1151 : vector<1x16xi32> to vector<16xi32>
      %swap3A_1153 = vector.shape_cast %add3A_1148 : vector<16xi32> to vector<1x16xi32>
      tpu.vector_store %arg6[%swap3A_1149, %swap3A_1150], %swap3A_1153 {strides = array<i32>} : memref<56x128xi32, #tpu.memory_space<vmem>>, vector<1x16xi32>,
      %dma_start3A_1154 = arith.constant 0 : i32
      %dma_start3A_1155 = tpu.memref_slice %arg7[%add3A_889, %dma_start3A_1154] : memref<56x128xf32, #tpu.memory_space<vmem>> -> memref<1x128xf32, #tpu.memory_space<vmem>>
      %dma_start3A_1156 = tpu.memref_squeeze %dma_start3A_1155 : memref<1x128xf32, #tpu.memory_space<vmem>> -> memref<128xf32, #tpu.memory_space<vmem>>
      %dma_start3A_1157 = arith.constant 0 : i32
      %dma_start3A_1158 = tpu.memref_slice %arg6[%add3A_889, %dma_start3A_1157] : memref<56x128xi32, #tpu.memory_space<vmem>> -> memref<1x128xi32, #tpu.memory_space<vmem>>
      %dma_start3A_1159 = tpu.memref_squeeze %dma_start3A_1158 : memref<1x128xi32, #tpu.memory_space<vmem>> -> memref<128xi32, #tpu.memory_space<vmem>>
      %dma_start3A_1160 = arith.constant 0 : i32
      %dma_start3A_1161 = tpu.memref_slice %arg2[%dma_start3A_1160] : memref<102400000xf32, #tpu.memory_space<hbm>> -> memref<102400000xf32, #tpu.memory_space<hbm>>
      tpu.enqueue_indirect_dma source(%dma_start3A_1161 : memref<102400000xf32, #tpu.memory_space<hbm>>) target(%dma_start3A_1156 : memref<128xf32, #tpu.memory_space<vmem>>) offsets(%dma_start3A_1159 : memref<128xi32, #tpu.memory_space<vmem>>) semaphore(%arg8 : memref<!tpu.dma_semaphore, #tpu.memory_space<semaphore_mem>>)
      %mul3A_1162 = arith.constant 8 : i32
      %mul3A_1163 = arith.muli %while3A_62, %mul3A_1162 : i32
      %add3A_1164 = arith.constant 4 : i32
      %add3A_1165 = arith.addi %mul3A_1163, %add3A_1164 : i32
      %shift_left3A_1166 = arith.constant 10 : i32
      %shift_left3A_1167 = arith.shli %and3A_1, %shift_left3A_1166 : i32
      %add3A_1168 = arith.constant 0 : i32
      %add3A_1169 = arith.addi %shift_left3A_1167, %add3A_1168 : i32
      %iota3A_1170 = tpu.iota {dimensions = array<i32: 0>} : vector<16xi32>
      %add3A_1171 = vector.broadcast %add3A_1169 : i32 to vector<16xi32>
      %add3A_1172 = arith.addi %add3A_1171, %iota3A_1170 : vector<16xi32>
      %mul3A_1173 = arith.constant 128 : i32
      %mul3A_1174 = arith.muli %add3A_1165, %mul3A_1173 : i32
      %add3A_1175 = arith.constant 0 : i32
      %add3A_1176 = arith.addi %mul3A_1174, %add3A_1175 : i32
      %get3A_1177 = arith.index_cast %add3A_1176 : i32 to index
      %get3A_1178 = tpu.vector_load %arg5[%get3A_1177] {strides = array<i32>} : memref<7168xi32, #tpu.memory_space<vmem>>, vector<16xi32>,
      %get3A_1179 = vector.shape_cast %get3A_1178 : vector<16xi32> to vector<16xi32>
      %shift_right_arithmetic3A_1180 = arith.constant 3 : i32
      %shift_right_arithmetic3A_1181 = vector.broadcast %shift_right_arithmetic3A_1180 : i32 to vector<16xi32>
      %shift_right_arithmetic3A_1182 = arith.shrsi %get3A_1179, %shift_right_arithmetic3A_1181 : vector<16xi32>
      %shift_left3A_1183 = arith.constant 13 : i32
      %shift_left3A_1184 = vector.broadcast %shift_left3A_1183 : i32 to vector<16xi32>
      %shift_left3A_1185 = arith.shli %shift_right_arithmetic3A_1182, %shift_left3A_1184 : vector<16xi32>
      %and3A_1186 = arith.constant 7 : i32
      %and3A_1187 = vector.broadcast %and3A_1186 : i32 to vector<16xi32>
      %and3A_1188 = arith.andi %get3A_1179, %and3A_1187 : vector<16xi32>
      %shift_left3A_1189 = arith.constant 7 : i32
      %shift_left3A_1190 = vector.broadcast %shift_left3A_1189 : i32 to vector<16xi32>
      %shift_left3A_1191 = arith.shli %and3A_1188, %shift_left3A_1190 : vector<16xi32>
      %add3A_1192 = arith.addi %shift_left3A_1185, %shift_left3A_1191 : vector<16xi32>
      %add3A_1193 = arith.addi %add3A_1192, %add3A_1172 : vector<16xi32>
      %swap3A_1194 = arith.index_cast %add3A_1165 : i32 to index
      %swap3A_1195 = arith.constant 0 : index
      %swap3A_1196 = tpu.vector_load %arg6[%swap3A_1194, %swap3A_1195] {strides = array<i32>} : memref<56x128xi32, #tpu.memory_space<vmem>>, vector<1x16xi32>,
      %swap3A_1197 = vector.shape_cast %swap3A_1196 : vector<1x16xi32> to vector<16xi32>
      %swap3A_1198 = vector.shape_cast %add3A_1193 : vector<16xi32> to vector<1x16xi32>
      tpu.vector_store %arg6[%swap3A_1194, %swap3A_1195], %swap3A_1198 {strides = array<i32>} : memref<56x128xi32, #tpu.memory_space<vmem>>, vector<1x16xi32>,
      %shift_left3A_1199 = arith.constant 10 : i32
      %shift_left3A_1200 = arith.shli %and3A_1, %shift_left3A_1199 : i32
      %add3A_1201 = arith.constant 16 : i32
      %add3A_1202 = arith.addi %shift_left3A_1200, %add3A_1201 : i32
      %iota3A_1203 = tpu.iota {dimensions = array<i32: 0>} : vector<16xi32>
      %add3A_1204 = vector.broadcast %add3A_1202 : i32 to vector<16xi32>
      %add3A_1205 = arith.addi %add3A_1204, %iota3A_1203 : vector<16xi32>
      %mul3A_1206 = arith.constant 128 : i32
      %mul3A_1207 = arith.muli %add3A_1165, %mul3A_1206 : i32
      %add3A_1208 = arith.constant 16 : i32
      %add3A_1209 = arith.addi %mul3A_1207, %add3A_1208 : i32
      %get3A_1210 = arith.index_cast %add3A_1209 : i32 to index
      %get3A_1211 = tpu.vector_load %arg5[%get3A_1210] {strides = array<i32>} : memref<7168xi32, #tpu.memory_space<vmem>>, vector<16xi32>,
      %get3A_1212 = vector.shape_cast %get3A_1211 : vector<16xi32> to vector<16xi32>
      %shift_right_arithmetic3A_1213 = arith.constant 3 : i32
      %shift_right_arithmetic3A_1214 = vector.broadcast %shift_right_arithmetic3A_1213 : i32 to vector<16xi32>
      %shift_right_arithmetic3A_1215 = arith.shrsi %get3A_1212, %shift_right_arithmetic3A_1214 : vector<16xi32>
      %shift_left3A_1216 = arith.constant 13 : i32
      %shift_left3A_1217 = vector.broadcast %shift_left3A_1216 : i32 to vector<16xi32>
      %shift_left3A_1218 = arith.shli %shift_right_arithmetic3A_1215, %shift_left3A_1217 : vector<16xi32>
      %and3A_1219 = arith.constant 7 : i32
      %and3A_1220 = vector.broadcast %and3A_1219 : i32 to vector<16xi32>
      %and3A_1221 = arith.andi %get3A_1212, %and3A_1220 : vector<16xi32>
      %shift_left3A_1222 = arith.constant 7 : i32
      %shift_left3A_1223 = vector.broadcast %shift_left3A_1222 : i32 to vector<16xi32>
      %shift_left3A_1224 = arith.shli %and3A_1221, %shift_left3A_1223 : vector<16xi32>
      %add3A_1225 = arith.addi %shift_left3A_1218, %shift_left3A_1224 : vector<16xi32>
      %add3A_1226 = arith.addi %add3A_1225, %add3A_1205 : vector<16xi32>
      %swap3A_1227 = arith.index_cast %add3A_1165 : i32 to index
      %swap3A_1228 = arith.constant 16 : index
      %swap3A_1229 = tpu.vector_load %arg6[%swap3A_1227, %swap3A_1228] {strides = array<i32>} : memref<56x128xi32, #tpu.memory_space<vmem>>, vector<1x16xi32>,
      %swap3A_1230 = vector.shape_cast %swap3A_1229 : vector<1x16xi32> to vector<16xi32>
      %swap3A_1231 = vector.shape_cast %add3A_1226 : vector<16xi32> to vector<1x16xi32>
      tpu.vector_store %arg6[%swap3A_1227, %swap3A_1228], %swap3A_1231 {strides = array<i32>} : memref<56x128xi32, #tpu.memory_space<vmem>>, vector<1x16xi32>,
      %shift_left3A_1232 = arith.constant 10 : i32
      %shift_left3A_1233 = arith.shli %and3A_1, %shift_left3A_1232 : i32
      %add3A_1234 = arith.constant 32 : i32
      %add3A_1235 = arith.addi %shift_left3A_1233, %add3A_1234 : i32
      %iota3A_1236 = tpu.iota {dimensions = array<i32: 0>} : vector<16xi32>
      %add3A_1237 = vector.broadcast %add3A_1235 : i32 to vector<16xi32>
      %add3A_1238 = arith.addi %add3A_1237, %iota3A_1236 : vector<16xi32>
      %mul3A_1239 = arith.constant 128 : i32
      %mul3A_1240 = arith.muli %add3A_1165, %mul3A_1239 : i32
      %add3A_1241 = arith.constant 32 : i32
      %add3A_1242 = arith.addi %mul3A_1240, %add3A_1241 : i32
      %get3A_1243 = arith.index_cast %add3A_1242 : i32 to index
      %get3A_1244 = tpu.vector_load %arg5[%get3A_1243] {strides = array<i32>} : memref<7168xi32, #tpu.memory_space<vmem>>, vector<16xi32>,
      %get3A_1245 = vector.shape_cast %get3A_1244 : vector<16xi32> to vector<16xi32>
      %shift_right_arithmetic3A_1246 = arith.constant 3 : i32
      %shift_right_arithmetic3A_1247 = vector.broadcast %shift_right_arithmetic3A_1246 : i32 to vector<16xi32>
      %shift_right_arithmetic3A_1248 = arith.shrsi %get3A_1245, %shift_right_arithmetic3A_1247 : vector<16xi32>
      %shift_left3A_1249 = arith.constant 13 : i32
      %shift_left3A_1250 = vector.broadcast %shift_left3A_1249 : i32 to vector<16xi32>
      %shift_left3A_1251 = arith.shli %shift_right_arithmetic3A_1248, %shift_left3A_1250 : vector<16xi32>
      %and3A_1252 = arith.constant 7 : i32
      %and3A_1253 = vector.broadcast %and3A_1252 : i32 to vector<16xi32>
      %and3A_1254 = arith.andi %get3A_1245, %and3A_1253 : vector<16xi32>
      %shift_left3A_1255 = arith.constant 7 : i32
      %shift_left3A_1256 = vector.broadcast %shift_left3A_1255 : i32 to vector<16xi32>
      %shift_left3A_1257 = arith.shli %and3A_1254, %shift_left3A_1256 : vector<16xi32>
      %add3A_1258 = arith.addi %shift_left3A_1251, %shift_left3A_1257 : vector<16xi32>
      %add3A_1259 = arith.addi %add3A_1258, %add3A_1238 : vector<16xi32>
      %swap3A_1260 = arith.index_cast %add3A_1165 : i32 to index
      %swap3A_1261 = arith.constant 32 : index
      %swap3A_1262 = tpu.vector_load %arg6[%swap3A_1260, %swap3A_1261] {strides = array<i32>} : memref<56x128xi32, #tpu.memory_space<vmem>>, vector<1x16xi32>,
      %swap3A_1263 = vector.shape_cast %swap3A_1262 : vector<1x16xi32> to vector<16xi32>
      %swap3A_1264 = vector.shape_cast %add3A_1259 : vector<16xi32> to vector<1x16xi32>
      tpu.vector_store %arg6[%swap3A_1260, %swap3A_1261], %swap3A_1264 {strides = array<i32>} : memref<56x128xi32, #tpu.memory_space<vmem>>, vector<1x16xi32>,
      %shift_left3A_1265 = arith.constant 10 : i32
      %shift_left3A_1266 = arith.shli %and3A_1, %shift_left3A_1265 : i32
      %add3A_1267 = arith.constant 48 : i32
      %add3A_1268 = arith.addi %shift_left3A_1266, %add3A_1267 : i32
      %iota3A_1269 = tpu.iota {dimensions = array<i32: 0>} : vector<16xi32>
      %add3A_1270 = vector.broadcast %add3A_1268 : i32 to vector<16xi32>
      %add3A_1271 = arith.addi %add3A_1270, %iota3A_1269 : vector<16xi32>
      %mul3A_1272 = arith.constant 128 : i32
      %mul3A_1273 = arith.muli %add3A_1165, %mul3A_1272 : i32
      %add3A_1274 = arith.constant 48 : i32
      %add3A_1275 = arith.addi %mul3A_1273, %add3A_1274 : i32
      %get3A_1276 = arith.index_cast %add3A_1275 : i32 to index
      %get3A_1277 = tpu.vector_load %arg5[%get3A_1276] {strides = array<i32>} : memref<7168xi32, #tpu.memory_space<vmem>>, vector<16xi32>,
      %get3A_1278 = vector.shape_cast %get3A_1277 : vector<16xi32> to vector<16xi32>
      %shift_right_arithmetic3A_1279 = arith.constant 3 : i32
      %shift_right_arithmetic3A_1280 = vector.broadcast %shift_right_arithmetic3A_1279 : i32 to vector<16xi32>
      %shift_right_arithmetic3A_1281 = arith.shrsi %get3A_1278, %shift_right_arithmetic3A_1280 : vector<16xi32>
      %shift_left3A_1282 = arith.constant 13 : i32
      %shift_left3A_1283 = vector.broadcast %shift_left3A_1282 : i32 to vector<16xi32>
      %shift_left3A_1284 = arith.shli %shift_right_arithmetic3A_1281, %shift_left3A_1283 : vector<16xi32>
      %and3A_1285 = arith.constant 7 : i32
      %and3A_1286 = vector.broadcast %and3A_1285 : i32 to vector<16xi32>
      %and3A_1287 = arith.andi %get3A_1278, %and3A_1286 : vector<16xi32>
      %shift_left3A_1288 = arith.constant 7 : i32
      %shift_left3A_1289 = vector.broadcast %shift_left3A_1288 : i32 to vector<16xi32>
      %shift_left3A_1290 = arith.shli %and3A_1287, %shift_left3A_1289 : vector<16xi32>
      %add3A_1291 = arith.addi %shift_left3A_1284, %shift_left3A_1290 : vector<16xi32>
      %add3A_1292 = arith.addi %add3A_1291, %add3A_1271 : vector<16xi32>
      %swap3A_1293 = arith.index_cast %add3A_1165 : i32 to index
      %swap3A_1294 = arith.constant 48 : index
      %swap3A_1295 = tpu.vector_load %arg6[%swap3A_1293, %swap3A_1294] {strides = array<i32>} : memref<56x128xi32, #tpu.memory_space<vmem>>, vector<1x16xi32>,
      %swap3A_1296 = vector.shape_cast %swap3A_1295 : vector<1x16xi32> to vector<16xi32>
      %swap3A_1297 = vector.shape_cast %add3A_1292 : vector<16xi32> to vector<1x16xi32>
      tpu.vector_store %arg6[%swap3A_1293, %swap3A_1294], %swap3A_1297 {strides = array<i32>} : memref<56x128xi32, #tpu.memory_space<vmem>>, vector<1x16xi32>,
      %shift_left3A_1298 = arith.constant 10 : i32
      %shift_left3A_1299 = arith.shli %and3A_1, %shift_left3A_1298 : i32
      %add3A_1300 = arith.constant 64 : i32
      %add3A_1301 = arith.addi %shift_left3A_1299, %add3A_1300 : i32
      %iota3A_1302 = tpu.iota {dimensions = array<i32: 0>} : vector<16xi32>
      %add3A_1303 = vector.broadcast %add3A_1301 : i32 to vector<16xi32>
      %add3A_1304 = arith.addi %add3A_1303, %iota3A_1302 : vector<16xi32>
      %mul3A_1305 = arith.constant 128 : i32
      %mul3A_1306 = arith.muli %add3A_1165, %mul3A_1305 : i32
      %add3A_1307 = arith.constant 64 : i32
      %add3A_1308 = arith.addi %mul3A_1306, %add3A_1307 : i32
      %get3A_1309 = arith.index_cast %add3A_1308 : i32 to index
      %get3A_1310 = tpu.vector_load %arg5[%get3A_1309] {strides = array<i32>} : memref<7168xi32, #tpu.memory_space<vmem>>, vector<16xi32>,
      %get3A_1311 = vector.shape_cast %get3A_1310 : vector<16xi32> to vector<16xi32>
      %shift_right_arithmetic3A_1312 = arith.constant 3 : i32
      %shift_right_arithmetic3A_1313 = vector.broadcast %shift_right_arithmetic3A_1312 : i32 to vector<16xi32>
      %shift_right_arithmetic3A_1314 = arith.shrsi %get3A_1311, %shift_right_arithmetic3A_1313 : vector<16xi32>
      %shift_left3A_1315 = arith.constant 13 : i32
      %shift_left3A_1316 = vector.broadcast %shift_left3A_1315 : i32 to vector<16xi32>
      %shift_left3A_1317 = arith.shli %shift_right_arithmetic3A_1314, %shift_left3A_1316 : vector<16xi32>
      %and3A_1318 = arith.constant 7 : i32
      %and3A_1319 = vector.broadcast %and3A_1318 : i32 to vector<16xi32>
      %and3A_1320 = arith.andi %get3A_1311, %and3A_1319 : vector<16xi32>
      %shift_left3A_1321 = arith.constant 7 : i32
      %shift_left3A_1322 = vector.broadcast %shift_left3A_1321 : i32 to vector<16xi32>
      %shift_left3A_1323 = arith.shli %and3A_1320, %shift_left3A_1322 : vector<16xi32>
      %add3A_1324 = arith.addi %shift_left3A_1317, %shift_left3A_1323 : vector<16xi32>
      %add3A_1325 = arith.addi %add3A_1324, %add3A_1304 : vector<16xi32>
      %swap3A_1326 = arith.index_cast %add3A_1165 : i32 to index
      %swap3A_1327 = arith.constant 64 : index
      %swap3A_1328 = tpu.vector_load %arg6[%swap3A_1326, %swap3A_1327] {strides = array<i32>} : memref<56x128xi32, #tpu.memory_space<vmem>>, vector<1x16xi32>,
      %swap3A_1329 = vector.shape_cast %swap3A_1328 : vector<1x16xi32> to vector<16xi32>
      %swap3A_1330 = vector.shape_cast %add3A_1325 : vector<16xi32> to vector<1x16xi32>
      tpu.vector_store %arg6[%swap3A_1326, %swap3A_1327], %swap3A_1330 {strides = array<i32>} : memref<56x128xi32, #tpu.memory_space<vmem>>, vector<1x16xi32>,
      %shift_left3A_1331 = arith.constant 10 : i32
      %shift_left3A_1332 = arith.shli %and3A_1, %shift_left3A_1331 : i32
      %add3A_1333 = arith.constant 80 : i32
      %add3A_1334 = arith.addi %shift_left3A_1332, %add3A_1333 : i32
      %iota3A_1335 = tpu.iota {dimensions = array<i32: 0>} : vector<16xi32>
      %add3A_1336 = vector.broadcast %add3A_1334 : i32 to vector<16xi32>
      %add3A_1337 = arith.addi %add3A_1336, %iota3A_1335 : vector<16xi32>
      %mul3A_1338 = arith.constant 128 : i32
      %mul3A_1339 = arith.muli %add3A_1165, %mul3A_1338 : i32
      %add3A_1340 = arith.constant 80 : i32
      %add3A_1341 = arith.addi %mul3A_1339, %add3A_1340 : i32
      %get3A_1342 = arith.index_cast %add3A_1341 : i32 to index
      %get3A_1343 = tpu.vector_load %arg5[%get3A_1342] {strides = array<i32>} : memref<7168xi32, #tpu.memory_space<vmem>>, vector<16xi32>,
      %get3A_1344 = vector.shape_cast %get3A_1343 : vector<16xi32> to vector<16xi32>
      %shift_right_arithmetic3A_1345 = arith.constant 3 : i32
      %shift_right_arithmetic3A_1346 = vector.broadcast %shift_right_arithmetic3A_1345 : i32 to vector<16xi32>
      %shift_right_arithmetic3A_1347 = arith.shrsi %get3A_1344, %shift_right_arithmetic3A_1346 : vector<16xi32>
      %shift_left3A_1348 = arith.constant 13 : i32
      %shift_left3A_1349 = vector.broadcast %shift_left3A_1348 : i32 to vector<16xi32>
      %shift_left3A_1350 = arith.shli %shift_right_arithmetic3A_1347, %shift_left3A_1349 : vector<16xi32>
      %and3A_1351 = arith.constant 7 : i32
      %and3A_1352 = vector.broadcast %and3A_1351 : i32 to vector<16xi32>
      %and3A_1353 = arith.andi %get3A_1344, %and3A_1352 : vector<16xi32>
      %shift_left3A_1354 = arith.constant 7 : i32
      %shift_left3A_1355 = vector.broadcast %shift_left3A_1354 : i32 to vector<16xi32>
      %shift_left3A_1356 = arith.shli %and3A_1353, %shift_left3A_1355 : vector<16xi32>
      %add3A_1357 = arith.addi %shift_left3A_1350, %shift_left3A_1356 : vector<16xi32>
      %add3A_1358 = arith.addi %add3A_1357, %add3A_1337 : vector<16xi32>
      %swap3A_1359 = arith.index_cast %add3A_1165 : i32 to index
      %swap3A_1360 = arith.constant 80 : index
      %swap3A_1361 = tpu.vector_load %arg6[%swap3A_1359, %swap3A_1360] {strides = array<i32>} : memref<56x128xi32, #tpu.memory_space<vmem>>, vector<1x16xi32>,
      %swap3A_1362 = vector.shape_cast %swap3A_1361 : vector<1x16xi32> to vector<16xi32>
      %swap3A_1363 = vector.shape_cast %add3A_1358 : vector<16xi32> to vector<1x16xi32>
      tpu.vector_store %arg6[%swap3A_1359, %swap3A_1360], %swap3A_1363 {strides = array<i32>} : memref<56x128xi32, #tpu.memory_space<vmem>>, vector<1x16xi32>,
      %shift_left3A_1364 = arith.constant 10 : i32
      %shift_left3A_1365 = arith.shli %and3A_1, %shift_left3A_1364 : i32
      %add3A_1366 = arith.constant 96 : i32
      %add3A_1367 = arith.addi %shift_left3A_1365, %add3A_1366 : i32
      %iota3A_1368 = tpu.iota {dimensions = array<i32: 0>} : vector<16xi32>
      %add3A_1369 = vector.broadcast %add3A_1367 : i32 to vector<16xi32>
      %add3A_1370 = arith.addi %add3A_1369, %iota3A_1368 : vector<16xi32>
      %mul3A_1371 = arith.constant 128 : i32
      %mul3A_1372 = arith.muli %add3A_1165, %mul3A_1371 : i32
      %add3A_1373 = arith.constant 96 : i32
      %add3A_1374 = arith.addi %mul3A_1372, %add3A_1373 : i32
      %get3A_1375 = arith.index_cast %add3A_1374 : i32 to index
      %get3A_1376 = tpu.vector_load %arg5[%get3A_1375] {strides = array<i32>} : memref<7168xi32, #tpu.memory_space<vmem>>, vector<16xi32>,
      %get3A_1377 = vector.shape_cast %get3A_1376 : vector<16xi32> to vector<16xi32>
      %shift_right_arithmetic3A_1378 = arith.constant 3 : i32
      %shift_right_arithmetic3A_1379 = vector.broadcast %shift_right_arithmetic3A_1378 : i32 to vector<16xi32>
      %shift_right_arithmetic3A_1380 = arith.shrsi %get3A_1377, %shift_right_arithmetic3A_1379 : vector<16xi32>
      %shift_left3A_1381 = arith.constant 13 : i32
      %shift_left3A_1382 = vector.broadcast %shift_left3A_1381 : i32 to vector<16xi32>
      %shift_left3A_1383 = arith.shli %shift_right_arithmetic3A_1380, %shift_left3A_1382 : vector<16xi32>
      %and3A_1384 = arith.constant 7 : i32
      %and3A_1385 = vector.broadcast %and3A_1384 : i32 to vector<16xi32>
      %and3A_1386 = arith.andi %get3A_1377, %and3A_1385 : vector<16xi32>
      %shift_left3A_1387 = arith.constant 7 : i32
      %shift_left3A_1388 = vector.broadcast %shift_left3A_1387 : i32 to vector<16xi32>
      %shift_left3A_1389 = arith.shli %and3A_1386, %shift_left3A_1388 : vector<16xi32>
      %add3A_1390 = arith.addi %shift_left3A_1383, %shift_left3A_1389 : vector<16xi32>
      %add3A_1391 = arith.addi %add3A_1390, %add3A_1370 : vector<16xi32>
      %swap3A_1392 = arith.index_cast %add3A_1165 : i32 to index
      %swap3A_1393 = arith.constant 96 : index
      %swap3A_1394 = tpu.vector_load %arg6[%swap3A_1392, %swap3A_1393] {strides = array<i32>} : memref<56x128xi32, #tpu.memory_space<vmem>>, vector<1x16xi32>,
      %swap3A_1395 = vector.shape_cast %swap3A_1394 : vector<1x16xi32> to vector<16xi32>
      %swap3A_1396 = vector.shape_cast %add3A_1391 : vector<16xi32> to vector<1x16xi32>
      tpu.vector_store %arg6[%swap3A_1392, %swap3A_1393], %swap3A_1396 {strides = array<i32>} : memref<56x128xi32, #tpu.memory_space<vmem>>, vector<1x16xi32>,
      %shift_left3A_1397 = arith.constant 10 : i32
      %shift_left3A_1398 = arith.shli %and3A_1, %shift_left3A_1397 : i32
      %add3A_1399 = arith.constant 112 : i32
      %add3A_1400 = arith.addi %shift_left3A_1398, %add3A_1399 : i32
      %iota3A_1401 = tpu.iota {dimensions = array<i32: 0>} : vector<16xi32>
      %add3A_1402 = vector.broadcast %add3A_1400 : i32 to vector<16xi32>
      %add3A_1403 = arith.addi %add3A_1402, %iota3A_1401 : vector<16xi32>
      %mul3A_1404 = arith.constant 128 : i32
      %mul3A_1405 = arith.muli %add3A_1165, %mul3A_1404 : i32
      %add3A_1406 = arith.constant 112 : i32
      %add3A_1407 = arith.addi %mul3A_1405, %add3A_1406 : i32
      %get3A_1408 = arith.index_cast %add3A_1407 : i32 to index
      %get3A_1409 = tpu.vector_load %arg5[%get3A_1408] {strides = array<i32>} : memref<7168xi32, #tpu.memory_space<vmem>>, vector<16xi32>,
      %get3A_1410 = vector.shape_cast %get3A_1409 : vector<16xi32> to vector<16xi32>
      %shift_right_arithmetic3A_1411 = arith.constant 3 : i32
      %shift_right_arithmetic3A_1412 = vector.broadcast %shift_right_arithmetic3A_1411 : i32 to vector<16xi32>
      %shift_right_arithmetic3A_1413 = arith.shrsi %get3A_1410, %shift_right_arithmetic3A_1412 : vector<16xi32>
      %shift_left3A_1414 = arith.constant 13 : i32
      %shift_left3A_1415 = vector.broadcast %shift_left3A_1414 : i32 to vector<16xi32>
      %shift_left3A_1416 = arith.shli %shift_right_arithmetic3A_1413, %shift_left3A_1415 : vector<16xi32>
      %and3A_1417 = arith.constant 7 : i32
      %and3A_1418 = vector.broadcast %and3A_1417 : i32 to vector<16xi32>
      %and3A_1419 = arith.andi %get3A_1410, %and3A_1418 : vector<16xi32>
      %shift_left3A_1420 = arith.constant 7 : i32
      %shift_left3A_1421 = vector.broadcast %shift_left3A_1420 : i32 to vector<16xi32>
      %shift_left3A_1422 = arith.shli %and3A_1419, %shift_left3A_1421 : vector<16xi32>
      %add3A_1423 = arith.addi %shift_left3A_1416, %shift_left3A_1422 : vector<16xi32>
      %add3A_1424 = arith.addi %add3A_1423, %add3A_1403 : vector<16xi32>
      %swap3A_1425 = arith.index_cast %add3A_1165 : i32 to index
      %swap3A_1426 = arith.constant 112 : index
      %swap3A_1427 = tpu.vector_load %arg6[%swap3A_1425, %swap3A_1426] {strides = array<i32>} : memref<56x128xi32, #tpu.memory_space<vmem>>, vector<1x16xi32>,
      %swap3A_1428 = vector.shape_cast %swap3A_1427 : vector<1x16xi32> to vector<16xi32>
      %swap3A_1429 = vector.shape_cast %add3A_1424 : vector<16xi32> to vector<1x16xi32>
      tpu.vector_store %arg6[%swap3A_1425, %swap3A_1426], %swap3A_1429 {strides = array<i32>} : memref<56x128xi32, #tpu.memory_space<vmem>>, vector<1x16xi32>,
      %dma_start3A_1430 = arith.constant 0 : i32
      %dma_start3A_1431 = tpu.memref_slice %arg7[%add3A_1165, %dma_start3A_1430] : memref<56x128xf32, #tpu.memory_space<vmem>> -> memref<1x128xf32, #tpu.memory_space<vmem>>
      %dma_start3A_1432 = tpu.memref_squeeze %dma_start3A_1431 : memref<1x128xf32, #tpu.memory_space<vmem>> -> memref<128xf32, #tpu.memory_space<vmem>>
      %dma_start3A_1433 = arith.constant 0 : i32
      %dma_start3A_1434 = tpu.memref_slice %arg6[%add3A_1165, %dma_start3A_1433] : memref<56x128xi32, #tpu.memory_space<vmem>> -> memref<1x128xi32, #tpu.memory_space<vmem>>
      %dma_start3A_1435 = tpu.memref_squeeze %dma_start3A_1434 : memref<1x128xi32, #tpu.memory_space<vmem>> -> memref<128xi32, #tpu.memory_space<vmem>>
      %dma_start3A_1436 = arith.constant 0 : i32
      %dma_start3A_1437 = tpu.memref_slice %arg2[%dma_start3A_1436] : memref<102400000xf32, #tpu.memory_space<hbm>> -> memref<102400000xf32, #tpu.memory_space<hbm>>
      tpu.enqueue_indirect_dma source(%dma_start3A_1437 : memref<102400000xf32, #tpu.memory_space<hbm>>) target(%dma_start3A_1432 : memref<128xf32, #tpu.memory_space<vmem>>) offsets(%dma_start3A_1435 : memref<128xi32, #tpu.memory_space<vmem>>) semaphore(%arg8 : memref<!tpu.dma_semaphore, #tpu.memory_space<semaphore_mem>>)
      %mul3A_1438 = arith.constant 8 : i32
      %mul3A_1439 = arith.muli %while3A_62, %mul3A_1438 : i32
      %add3A_1440 = arith.constant 5 : i32
      %add3A_1441 = arith.addi %mul3A_1439, %add3A_1440 : i32
      %shift_left3A_1442 = arith.constant 10 : i32
      %shift_left3A_1443 = arith.shli %and3A_1, %shift_left3A_1442 : i32
      %add3A_1444 = arith.constant 0 : i32
      %add3A_1445 = arith.addi %shift_left3A_1443, %add3A_1444 : i32
      %iota3A_1446 = tpu.iota {dimensions = array<i32: 0>} : vector<16xi32>
      %add3A_1447 = vector.broadcast %add3A_1445 : i32 to vector<16xi32>
      %add3A_1448 = arith.addi %add3A_1447, %iota3A_1446 : vector<16xi32>
      %mul3A_1449 = arith.constant 128 : i32
      %mul3A_1450 = arith.muli %add3A_1441, %mul3A_1449 : i32
      %add3A_1451 = arith.constant 0 : i32
      %add3A_1452 = arith.addi %mul3A_1450, %add3A_1451 : i32
      %get3A_1453 = arith.index_cast %add3A_1452 : i32 to index
      %get3A_1454 = tpu.vector_load %arg5[%get3A_1453] {strides = array<i32>} : memref<7168xi32, #tpu.memory_space<vmem>>, vector<16xi32>,
      %get3A_1455 = vector.shape_cast %get3A_1454 : vector<16xi32> to vector<16xi32>
      %shift_right_arithmetic3A_1456 = arith.constant 3 : i32
      %shift_right_arithmetic3A_1457 = vector.broadcast %shift_right_arithmetic3A_1456 : i32 to vector<16xi32>
      %shift_right_arithmetic3A_1458 = arith.shrsi %get3A_1455, %shift_right_arithmetic3A_1457 : vector<16xi32>
      %shift_left3A_1459 = arith.constant 13 : i32
      %shift_left3A_1460 = vector.broadcast %shift_left3A_1459 : i32 to vector<16xi32>
      %shift_left3A_1461 = arith.shli %shift_right_arithmetic3A_1458, %shift_left3A_1460 : vector<16xi32>
      %and3A_1462 = arith.constant 7 : i32
      %and3A_1463 = vector.broadcast %and3A_1462 : i32 to vector<16xi32>
      %and3A_1464 = arith.andi %get3A_1455, %and3A_1463 : vector<16xi32>
      %shift_left3A_1465 = arith.constant 7 : i32
      %shift_left3A_1466 = vector.broadcast %shift_left3A_1465 : i32 to vector<16xi32>
      %shift_left3A_1467 = arith.shli %and3A_1464, %shift_left3A_1466 : vector<16xi32>
      %add3A_1468 = arith.addi %shift_left3A_1461, %shift_left3A_1467 : vector<16xi32>
      %add3A_1469 = arith.addi %add3A_1468, %add3A_1448 : vector<16xi32>
      %swap3A_1470 = arith.index_cast %add3A_1441 : i32 to index
      %swap3A_1471 = arith.constant 0 : index
      %swap3A_1472 = tpu.vector_load %arg6[%swap3A_1470, %swap3A_1471] {strides = array<i32>} : memref<56x128xi32, #tpu.memory_space<vmem>>, vector<1x16xi32>,
      %swap3A_1473 = vector.shape_cast %swap3A_1472 : vector<1x16xi32> to vector<16xi32>
      %swap3A_1474 = vector.shape_cast %add3A_1469 : vector<16xi32> to vector<1x16xi32>
      tpu.vector_store %arg6[%swap3A_1470, %swap3A_1471], %swap3A_1474 {strides = array<i32>} : memref<56x128xi32, #tpu.memory_space<vmem>>, vector<1x16xi32>,
      %shift_left3A_1475 = arith.constant 10 : i32
      %shift_left3A_1476 = arith.shli %and3A_1, %shift_left3A_1475 : i32
      %add3A_1477 = arith.constant 16 : i32
      %add3A_1478 = arith.addi %shift_left3A_1476, %add3A_1477 : i32
      %iota3A_1479 = tpu.iota {dimensions = array<i32: 0>} : vector<16xi32>
      %add3A_1480 = vector.broadcast %add3A_1478 : i32 to vector<16xi32>
      %add3A_1481 = arith.addi %add3A_1480, %iota3A_1479 : vector<16xi32>
      %mul3A_1482 = arith.constant 128 : i32
      %mul3A_1483 = arith.muli %add3A_1441, %mul3A_1482 : i32
      %add3A_1484 = arith.constant 16 : i32
      %add3A_1485 = arith.addi %mul3A_1483, %add3A_1484 : i32
      %get3A_1486 = arith.index_cast %add3A_1485 : i32 to index
      %get3A_1487 = tpu.vector_load %arg5[%get3A_1486] {strides = array<i32>} : memref<7168xi32, #tpu.memory_space<vmem>>, vector<16xi32>,
      %get3A_1488 = vector.shape_cast %get3A_1487 : vector<16xi32> to vector<16xi32>
      %shift_right_arithmetic3A_1489 = arith.constant 3 : i32
      %shift_right_arithmetic3A_1490 = vector.broadcast %shift_right_arithmetic3A_1489 : i32 to vector<16xi32>
      %shift_right_arithmetic3A_1491 = arith.shrsi %get3A_1488, %shift_right_arithmetic3A_1490 : vector<16xi32>
      %shift_left3A_1492 = arith.constant 13 : i32
      %shift_left3A_1493 = vector.broadcast %shift_left3A_1492 : i32 to vector<16xi32>
      %shift_left3A_1494 = arith.shli %shift_right_arithmetic3A_1491, %shift_left3A_1493 : vector<16xi32>
      %and3A_1495 = arith.constant 7 : i32
      %and3A_1496 = vector.broadcast %and3A_1495 : i32 to vector<16xi32>
      %and3A_1497 = arith.andi %get3A_1488, %and3A_1496 : vector<16xi32>
      %shift_left3A_1498 = arith.constant 7 : i32
      %shift_left3A_1499 = vector.broadcast %shift_left3A_1498 : i32 to vector<16xi32>
      %shift_left3A_1500 = arith.shli %and3A_1497, %shift_left3A_1499 : vector<16xi32>
      %add3A_1501 = arith.addi %shift_left3A_1494, %shift_left3A_1500 : vector<16xi32>
      %add3A_1502 = arith.addi %add3A_1501, %add3A_1481 : vector<16xi32>
      %swap3A_1503 = arith.index_cast %add3A_1441 : i32 to index
      %swap3A_1504 = arith.constant 16 : index
      %swap3A_1505 = tpu.vector_load %arg6[%swap3A_1503, %swap3A_1504] {strides = array<i32>} : memref<56x128xi32, #tpu.memory_space<vmem>>, vector<1x16xi32>,
      %swap3A_1506 = vector.shape_cast %swap3A_1505 : vector<1x16xi32> to vector<16xi32>
      %swap3A_1507 = vector.shape_cast %add3A_1502 : vector<16xi32> to vector<1x16xi32>
      tpu.vector_store %arg6[%swap3A_1503, %swap3A_1504], %swap3A_1507 {strides = array<i32>} : memref<56x128xi32, #tpu.memory_space<vmem>>, vector<1x16xi32>,
      %shift_left3A_1508 = arith.constant 10 : i32
      %shift_left3A_1509 = arith.shli %and3A_1, %shift_left3A_1508 : i32
      %add3A_1510 = arith.constant 32 : i32
      %add3A_1511 = arith.addi %shift_left3A_1509, %add3A_1510 : i32
      %iota3A_1512 = tpu.iota {dimensions = array<i32: 0>} : vector<16xi32>
      %add3A_1513 = vector.broadcast %add3A_1511 : i32 to vector<16xi32>
      %add3A_1514 = arith.addi %add3A_1513, %iota3A_1512 : vector<16xi32>
      %mul3A_1515 = arith.constant 128 : i32
      %mul3A_1516 = arith.muli %add3A_1441, %mul3A_1515 : i32
      %add3A_1517 = arith.constant 32 : i32
      %add3A_1518 = arith.addi %mul3A_1516, %add3A_1517 : i32
      %get3A_1519 = arith.index_cast %add3A_1518 : i32 to index
      %get3A_1520 = tpu.vector_load %arg5[%get3A_1519] {strides = array<i32>} : memref<7168xi32, #tpu.memory_space<vmem>>, vector<16xi32>,
      %get3A_1521 = vector.shape_cast %get3A_1520 : vector<16xi32> to vector<16xi32>
      %shift_right_arithmetic3A_1522 = arith.constant 3 : i32
      %shift_right_arithmetic3A_1523 = vector.broadcast %shift_right_arithmetic3A_1522 : i32 to vector<16xi32>
      %shift_right_arithmetic3A_1524 = arith.shrsi %get3A_1521, %shift_right_arithmetic3A_1523 : vector<16xi32>
      %shift_left3A_1525 = arith.constant 13 : i32
      %shift_left3A_1526 = vector.broadcast %shift_left3A_1525 : i32 to vector<16xi32>
      %shift_left3A_1527 = arith.shli %shift_right_arithmetic3A_1524, %shift_left3A_1526 : vector<16xi32>
      %and3A_1528 = arith.constant 7 : i32
      %and3A_1529 = vector.broadcast %and3A_1528 : i32 to vector<16xi32>
      %and3A_1530 = arith.andi %get3A_1521, %and3A_1529 : vector<16xi32>
      %shift_left3A_1531 = arith.constant 7 : i32
      %shift_left3A_1532 = vector.broadcast %shift_left3A_1531 : i32 to vector<16xi32>
      %shift_left3A_1533 = arith.shli %and3A_1530, %shift_left3A_1532 : vector<16xi32>
      %add3A_1534 = arith.addi %shift_left3A_1527, %shift_left3A_1533 : vector<16xi32>
      %add3A_1535 = arith.addi %add3A_1534, %add3A_1514 : vector<16xi32>
      %swap3A_1536 = arith.index_cast %add3A_1441 : i32 to index
      %swap3A_1537 = arith.constant 32 : index
      %swap3A_1538 = tpu.vector_load %arg6[%swap3A_1536, %swap3A_1537] {strides = array<i32>} : memref<56x128xi32, #tpu.memory_space<vmem>>, vector<1x16xi32>,
      %swap3A_1539 = vector.shape_cast %swap3A_1538 : vector<1x16xi32> to vector<16xi32>
      %swap3A_1540 = vector.shape_cast %add3A_1535 : vector<16xi32> to vector<1x16xi32>
      tpu.vector_store %arg6[%swap3A_1536, %swap3A_1537], %swap3A_1540 {strides = array<i32>} : memref<56x128xi32, #tpu.memory_space<vmem>>, vector<1x16xi32>,
      %shift_left3A_1541 = arith.constant 10 : i32
      %shift_left3A_1542 = arith.shli %and3A_1, %shift_left3A_1541 : i32
      %add3A_1543 = arith.constant 48 : i32
      %add3A_1544 = arith.addi %shift_left3A_1542, %add3A_1543 : i32
      %iota3A_1545 = tpu.iota {dimensions = array<i32: 0>} : vector<16xi32>
      %add3A_1546 = vector.broadcast %add3A_1544 : i32 to vector<16xi32>
      %add3A_1547 = arith.addi %add3A_1546, %iota3A_1545 : vector<16xi32>
      %mul3A_1548 = arith.constant 128 : i32
      %mul3A_1549 = arith.muli %add3A_1441, %mul3A_1548 : i32
      %add3A_1550 = arith.constant 48 : i32
      %add3A_1551 = arith.addi %mul3A_1549, %add3A_1550 : i32
      %get3A_1552 = arith.index_cast %add3A_1551 : i32 to index
      %get3A_1553 = tpu.vector_load %arg5[%get3A_1552] {strides = array<i32>} : memref<7168xi32, #tpu.memory_space<vmem>>, vector<16xi32>,
      %get3A_1554 = vector.shape_cast %get3A_1553 : vector<16xi32> to vector<16xi32>
      %shift_right_arithmetic3A_1555 = arith.constant 3 : i32
      %shift_right_arithmetic3A_1556 = vector.broadcast %shift_right_arithmetic3A_1555 : i32 to vector<16xi32>
      %shift_right_arithmetic3A_1557 = arith.shrsi %get3A_1554, %shift_right_arithmetic3A_1556 : vector<16xi32>
      %shift_left3A_1558 = arith.constant 13 : i32
      %shift_left3A_1559 = vector.broadcast %shift_left3A_1558 : i32 to vector<16xi32>
      %shift_left3A_1560 = arith.shli %shift_right_arithmetic3A_1557, %shift_left3A_1559 : vector<16xi32>
      %and3A_1561 = arith.constant 7 : i32
      %and3A_1562 = vector.broadcast %and3A_1561 : i32 to vector<16xi32>
      %and3A_1563 = arith.andi %get3A_1554, %and3A_1562 : vector<16xi32>
      %shift_left3A_1564 = arith.constant 7 : i32
      %shift_left3A_1565 = vector.broadcast %shift_left3A_1564 : i32 to vector<16xi32>
      %shift_left3A_1566 = arith.shli %and3A_1563, %shift_left3A_1565 : vector<16xi32>
      %add3A_1567 = arith.addi %shift_left3A_1560, %shift_left3A_1566 : vector<16xi32>
      %add3A_1568 = arith.addi %add3A_1567, %add3A_1547 : vector<16xi32>
      %swap3A_1569 = arith.index_cast %add3A_1441 : i32 to index
      %swap3A_1570 = arith.constant 48 : index
      %swap3A_1571 = tpu.vector_load %arg6[%swap3A_1569, %swap3A_1570] {strides = array<i32>} : memref<56x128xi32, #tpu.memory_space<vmem>>, vector<1x16xi32>,
      %swap3A_1572 = vector.shape_cast %swap3A_1571 : vector<1x16xi32> to vector<16xi32>
      %swap3A_1573 = vector.shape_cast %add3A_1568 : vector<16xi32> to vector<1x16xi32>
      tpu.vector_store %arg6[%swap3A_1569, %swap3A_1570], %swap3A_1573 {strides = array<i32>} : memref<56x128xi32, #tpu.memory_space<vmem>>, vector<1x16xi32>,
      %shift_left3A_1574 = arith.constant 10 : i32
      %shift_left3A_1575 = arith.shli %and3A_1, %shift_left3A_1574 : i32
      %add3A_1576 = arith.constant 64 : i32
      %add3A_1577 = arith.addi %shift_left3A_1575, %add3A_1576 : i32
      %iota3A_1578 = tpu.iota {dimensions = array<i32: 0>} : vector<16xi32>
      %add3A_1579 = vector.broadcast %add3A_1577 : i32 to vector<16xi32>
      %add3A_1580 = arith.addi %add3A_1579, %iota3A_1578 : vector<16xi32>
      %mul3A_1581 = arith.constant 128 : i32
      %mul3A_1582 = arith.muli %add3A_1441, %mul3A_1581 : i32
      %add3A_1583 = arith.constant 64 : i32
      %add3A_1584 = arith.addi %mul3A_1582, %add3A_1583 : i32
      %get3A_1585 = arith.index_cast %add3A_1584 : i32 to index
      %get3A_1586 = tpu.vector_load %arg5[%get3A_1585] {strides = array<i32>} : memref<7168xi32, #tpu.memory_space<vmem>>, vector<16xi32>,
      %get3A_1587 = vector.shape_cast %get3A_1586 : vector<16xi32> to vector<16xi32>
      %shift_right_arithmetic3A_1588 = arith.constant 3 : i32
      %shift_right_arithmetic3A_1589 = vector.broadcast %shift_right_arithmetic3A_1588 : i32 to vector<16xi32>
      %shift_right_arithmetic3A_1590 = arith.shrsi %get3A_1587, %shift_right_arithmetic3A_1589 : vector<16xi32>
      %shift_left3A_1591 = arith.constant 13 : i32
      %shift_left3A_1592 = vector.broadcast %shift_left3A_1591 : i32 to vector<16xi32>
      %shift_left3A_1593 = arith.shli %shift_right_arithmetic3A_1590, %shift_left3A_1592 : vector<16xi32>
      %and3A_1594 = arith.constant 7 : i32
      %and3A_1595 = vector.broadcast %and3A_1594 : i32 to vector<16xi32>
      %and3A_1596 = arith.andi %get3A_1587, %and3A_1595 : vector<16xi32>
      %shift_left3A_1597 = arith.constant 7 : i32
      %shift_left3A_1598 = vector.broadcast %shift_left3A_1597 : i32 to vector<16xi32>
      %shift_left3A_1599 = arith.shli %and3A_1596, %shift_left3A_1598 : vector<16xi32>
      %add3A_1600 = arith.addi %shift_left3A_1593, %shift_left3A_1599 : vector<16xi32>
      %add3A_1601 = arith.addi %add3A_1600, %add3A_1580 : vector<16xi32>
      %swap3A_1602 = arith.index_cast %add3A_1441 : i32 to index
      %swap3A_1603 = arith.constant 64 : index
      %swap3A_1604 = tpu.vector_load %arg6[%swap3A_1602, %swap3A_1603] {strides = array<i32>} : memref<56x128xi32, #tpu.memory_space<vmem>>, vector<1x16xi32>,
      %swap3A_1605 = vector.shape_cast %swap3A_1604 : vector<1x16xi32> to vector<16xi32>
      %swap3A_1606 = vector.shape_cast %add3A_1601 : vector<16xi32> to vector<1x16xi32>
      tpu.vector_store %arg6[%swap3A_1602, %swap3A_1603], %swap3A_1606 {strides = array<i32>} : memref<56x128xi32, #tpu.memory_space<vmem>>, vector<1x16xi32>,
      %shift_left3A_1607 = arith.constant 10 : i32
      %shift_left3A_1608 = arith.shli %and3A_1, %shift_left3A_1607 : i32
      %add3A_1609 = arith.constant 80 : i32
      %add3A_1610 = arith.addi %shift_left3A_1608, %add3A_1609 : i32
      %iota3A_1611 = tpu.iota {dimensions = array<i32: 0>} : vector<16xi32>
      %add3A_1612 = vector.broadcast %add3A_1610 : i32 to vector<16xi32>
      %add3A_1613 = arith.addi %add3A_1612, %iota3A_1611 : vector<16xi32>
      %mul3A_1614 = arith.constant 128 : i32
      %mul3A_1615 = arith.muli %add3A_1441, %mul3A_1614 : i32
      %add3A_1616 = arith.constant 80 : i32
      %add3A_1617 = arith.addi %mul3A_1615, %add3A_1616 : i32
      %get3A_1618 = arith.index_cast %add3A_1617 : i32 to index
      %get3A_1619 = tpu.vector_load %arg5[%get3A_1618] {strides = array<i32>} : memref<7168xi32, #tpu.memory_space<vmem>>, vector<16xi32>,
      %get3A_1620 = vector.shape_cast %get3A_1619 : vector<16xi32> to vector<16xi32>
      %shift_right_arithmetic3A_1621 = arith.constant 3 : i32
      %shift_right_arithmetic3A_1622 = vector.broadcast %shift_right_arithmetic3A_1621 : i32 to vector<16xi32>
      %shift_right_arithmetic3A_1623 = arith.shrsi %get3A_1620, %shift_right_arithmetic3A_1622 : vector<16xi32>
      %shift_left3A_1624 = arith.constant 13 : i32
      %shift_left3A_1625 = vector.broadcast %shift_left3A_1624 : i32 to vector<16xi32>
      %shift_left3A_1626 = arith.shli %shift_right_arithmetic3A_1623, %shift_left3A_1625 : vector<16xi32>
      %and3A_1627 = arith.constant 7 : i32
      %and3A_1628 = vector.broadcast %and3A_1627 : i32 to vector<16xi32>
      %and3A_1629 = arith.andi %get3A_1620, %and3A_1628 : vector<16xi32>
      %shift_left3A_1630 = arith.constant 7 : i32
      %shift_left3A_1631 = vector.broadcast %shift_left3A_1630 : i32 to vector<16xi32>
      %shift_left3A_1632 = arith.shli %and3A_1629, %shift_left3A_1631 : vector<16xi32>
      %add3A_1633 = arith.addi %shift_left3A_1626, %shift_left3A_1632 : vector<16xi32>
      %add3A_1634 = arith.addi %add3A_1633, %add3A_1613 : vector<16xi32>
      %swap3A_1635 = arith.index_cast %add3A_1441 : i32 to index
      %swap3A_1636 = arith.constant 80 : index
      %swap3A_1637 = tpu.vector_load %arg6[%swap3A_1635, %swap3A_1636] {strides = array<i32>} : memref<56x128xi32, #tpu.memory_space<vmem>>, vector<1x16xi32>,
      %swap3A_1638 = vector.shape_cast %swap3A_1637 : vector<1x16xi32> to vector<16xi32>
      %swap3A_1639 = vector.shape_cast %add3A_1634 : vector<16xi32> to vector<1x16xi32>
      tpu.vector_store %arg6[%swap3A_1635, %swap3A_1636], %swap3A_1639 {strides = array<i32>} : memref<56x128xi32, #tpu.memory_space<vmem>>, vector<1x16xi32>,
      %shift_left3A_1640 = arith.constant 10 : i32
      %shift_left3A_1641 = arith.shli %and3A_1, %shift_left3A_1640 : i32
      %add3A_1642 = arith.constant 96 : i32
      %add3A_1643 = arith.addi %shift_left3A_1641, %add3A_1642 : i32
      %iota3A_1644 = tpu.iota {dimensions = array<i32: 0>} : vector<16xi32>
      %add3A_1645 = vector.broadcast %add3A_1643 : i32 to vector<16xi32>
      %add3A_1646 = arith.addi %add3A_1645, %iota3A_1644 : vector<16xi32>
      %mul3A_1647 = arith.constant 128 : i32
      %mul3A_1648 = arith.muli %add3A_1441, %mul3A_1647 : i32
      %add3A_1649 = arith.constant 96 : i32
      %add3A_1650 = arith.addi %mul3A_1648, %add3A_1649 : i32
      %get3A_1651 = arith.index_cast %add3A_1650 : i32 to index
      %get3A_1652 = tpu.vector_load %arg5[%get3A_1651] {strides = array<i32>} : memref<7168xi32, #tpu.memory_space<vmem>>, vector<16xi32>,
      %get3A_1653 = vector.shape_cast %get3A_1652 : vector<16xi32> to vector<16xi32>
      %shift_right_arithmetic3A_1654 = arith.constant 3 : i32
      %shift_right_arithmetic3A_1655 = vector.broadcast %shift_right_arithmetic3A_1654 : i32 to vector<16xi32>
      %shift_right_arithmetic3A_1656 = arith.shrsi %get3A_1653, %shift_right_arithmetic3A_1655 : vector<16xi32>
      %shift_left3A_1657 = arith.constant 13 : i32
      %shift_left3A_1658 = vector.broadcast %shift_left3A_1657 : i32 to vector<16xi32>
      %shift_left3A_1659 = arith.shli %shift_right_arithmetic3A_1656, %shift_left3A_1658 : vector<16xi32>
      %and3A_1660 = arith.constant 7 : i32
      %and3A_1661 = vector.broadcast %and3A_1660 : i32 to vector<16xi32>
      %and3A_1662 = arith.andi %get3A_1653, %and3A_1661 : vector<16xi32>
      %shift_left3A_1663 = arith.constant 7 : i32
      %shift_left3A_1664 = vector.broadcast %shift_left3A_1663 : i32 to vector<16xi32>
      %shift_left3A_1665 = arith.shli %and3A_1662, %shift_left3A_1664 : vector<16xi32>
      %add3A_1666 = arith.addi %shift_left3A_1659, %shift_left3A_1665 : vector<16xi32>
      %add3A_1667 = arith.addi %add3A_1666, %add3A_1646 : vector<16xi32>
      %swap3A_1668 = arith.index_cast %add3A_1441 : i32 to index
      %swap3A_1669 = arith.constant 96 : index
      %swap3A_1670 = tpu.vector_load %arg6[%swap3A_1668, %swap3A_1669] {strides = array<i32>} : memref<56x128xi32, #tpu.memory_space<vmem>>, vector<1x16xi32>,
      %swap3A_1671 = vector.shape_cast %swap3A_1670 : vector<1x16xi32> to vector<16xi32>
      %swap3A_1672 = vector.shape_cast %add3A_1667 : vector<16xi32> to vector<1x16xi32>
      tpu.vector_store %arg6[%swap3A_1668, %swap3A_1669], %swap3A_1672 {strides = array<i32>} : memref<56x128xi32, #tpu.memory_space<vmem>>, vector<1x16xi32>,
      %shift_left3A_1673 = arith.constant 10 : i32
      %shift_left3A_1674 = arith.shli %and3A_1, %shift_left3A_1673 : i32
      %add3A_1675 = arith.constant 112 : i32
      %add3A_1676 = arith.addi %shift_left3A_1674, %add3A_1675 : i32
      %iota3A_1677 = tpu.iota {dimensions = array<i32: 0>} : vector<16xi32>
      %add3A_1678 = vector.broadcast %add3A_1676 : i32 to vector<16xi32>
      %add3A_1679 = arith.addi %add3A_1678, %iota3A_1677 : vector<16xi32>
      %mul3A_1680 = arith.constant 128 : i32
      %mul3A_1681 = arith.muli %add3A_1441, %mul3A_1680 : i32
      %add3A_1682 = arith.constant 112 : i32
      %add3A_1683 = arith.addi %mul3A_1681, %add3A_1682 : i32
      %get3A_1684 = arith.index_cast %add3A_1683 : i32 to index
      %get3A_1685 = tpu.vector_load %arg5[%get3A_1684] {strides = array<i32>} : memref<7168xi32, #tpu.memory_space<vmem>>, vector<16xi32>,
      %get3A_1686 = vector.shape_cast %get3A_1685 : vector<16xi32> to vector<16xi32>
      %shift_right_arithmetic3A_1687 = arith.constant 3 : i32
      %shift_right_arithmetic3A_1688 = vector.broadcast %shift_right_arithmetic3A_1687 : i32 to vector<16xi32>
      %shift_right_arithmetic3A_1689 = arith.shrsi %get3A_1686, %shift_right_arithmetic3A_1688 : vector<16xi32>
      %shift_left3A_1690 = arith.constant 13 : i32
      %shift_left3A_1691 = vector.broadcast %shift_left3A_1690 : i32 to vector<16xi32>
      %shift_left3A_1692 = arith.shli %shift_right_arithmetic3A_1689, %shift_left3A_1691 : vector<16xi32>
      %and3A_1693 = arith.constant 7 : i32
      %and3A_1694 = vector.broadcast %and3A_1693 : i32 to vector<16xi32>
      %and3A_1695 = arith.andi %get3A_1686, %and3A_1694 : vector<16xi32>
      %shift_left3A_1696 = arith.constant 7 : i32
      %shift_left3A_1697 = vector.broadcast %shift_left3A_1696 : i32 to vector<16xi32>
      %shift_left3A_1698 = arith.shli %and3A_1695, %shift_left3A_1697 : vector<16xi32>
      %add3A_1699 = arith.addi %shift_left3A_1692, %shift_left3A_1698 : vector<16xi32>
      %add3A_1700 = arith.addi %add3A_1699, %add3A_1679 : vector<16xi32>
      %swap3A_1701 = arith.index_cast %add3A_1441 : i32 to index
      %swap3A_1702 = arith.constant 112 : index
      %swap3A_1703 = tpu.vector_load %arg6[%swap3A_1701, %swap3A_1702] {strides = array<i32>} : memref<56x128xi32, #tpu.memory_space<vmem>>, vector<1x16xi32>,
      %swap3A_1704 = vector.shape_cast %swap3A_1703 : vector<1x16xi32> to vector<16xi32>
      %swap3A_1705 = vector.shape_cast %add3A_1700 : vector<16xi32> to vector<1x16xi32>
      tpu.vector_store %arg6[%swap3A_1701, %swap3A_1702], %swap3A_1705 {strides = array<i32>} : memref<56x128xi32, #tpu.memory_space<vmem>>, vector<1x16xi32>,
      %dma_start3A_1706 = arith.constant 0 : i32
      %dma_start3A_1707 = tpu.memref_slice %arg7[%add3A_1441, %dma_start3A_1706] : memref<56x128xf32, #tpu.memory_space<vmem>> -> memref<1x128xf32, #tpu.memory_space<vmem>>
      %dma_start3A_1708 = tpu.memref_squeeze %dma_start3A_1707 : memref<1x128xf32, #tpu.memory_space<vmem>> -> memref<128xf32, #tpu.memory_space<vmem>>
      %dma_start3A_1709 = arith.constant 0 : i32
      %dma_start3A_1710 = tpu.memref_slice %arg6[%add3A_1441, %dma_start3A_1709] : memref<56x128xi32, #tpu.memory_space<vmem>> -> memref<1x128xi32, #tpu.memory_space<vmem>>
      %dma_start3A_1711 = tpu.memref_squeeze %dma_start3A_1710 : memref<1x128xi32, #tpu.memory_space<vmem>> -> memref<128xi32, #tpu.memory_space<vmem>>
      %dma_start3A_1712 = arith.constant 0 : i32
      %dma_start3A_1713 = tpu.memref_slice %arg2[%dma_start3A_1712] : memref<102400000xf32, #tpu.memory_space<hbm>> -> memref<102400000xf32, #tpu.memory_space<hbm>>
      tpu.enqueue_indirect_dma source(%dma_start3A_1713 : memref<102400000xf32, #tpu.memory_space<hbm>>) target(%dma_start3A_1708 : memref<128xf32, #tpu.memory_space<vmem>>) offsets(%dma_start3A_1711 : memref<128xi32, #tpu.memory_space<vmem>>) semaphore(%arg8 : memref<!tpu.dma_semaphore, #tpu.memory_space<semaphore_mem>>)
      %mul3A_1714 = arith.constant 8 : i32
      %mul3A_1715 = arith.muli %while3A_62, %mul3A_1714 : i32
      %add3A_1716 = arith.constant 6 : i32
      %add3A_1717 = arith.addi %mul3A_1715, %add3A_1716 : i32
      %shift_left3A_1718 = arith.constant 10 : i32
      %shift_left3A_1719 = arith.shli %and3A_1, %shift_left3A_1718 : i32
      %add3A_1720 = arith.constant 0 : i32
      %add3A_1721 = arith.addi %shift_left3A_1719, %add3A_1720 : i32
      %iota3A_1722 = tpu.iota {dimensions = array<i32: 0>} : vector<16xi32>
      %add3A_1723 = vector.broadcast %add3A_1721 : i32 to vector<16xi32>
      %add3A_1724 = arith.addi %add3A_1723, %iota3A_1722 : vector<16xi32>
      %mul3A_1725 = arith.constant 128 : i32
      %mul3A_1726 = arith.muli %add3A_1717, %mul3A_1725 : i32
      %add3A_1727 = arith.constant 0 : i32
      %add3A_1728 = arith.addi %mul3A_1726, %add3A_1727 : i32
      %get3A_1729 = arith.index_cast %add3A_1728 : i32 to index
      %get3A_1730 = tpu.vector_load %arg5[%get3A_1729] {strides = array<i32>} : memref<7168xi32, #tpu.memory_space<vmem>>, vector<16xi32>,
      %get3A_1731 = vector.shape_cast %get3A_1730 : vector<16xi32> to vector<16xi32>
      %shift_right_arithmetic3A_1732 = arith.constant 3 : i32
      %shift_right_arithmetic3A_1733 = vector.broadcast %shift_right_arithmetic3A_1732 : i32 to vector<16xi32>
      %shift_right_arithmetic3A_1734 = arith.shrsi %get3A_1731, %shift_right_arithmetic3A_1733 : vector<16xi32>
      %shift_left3A_1735 = arith.constant 13 : i32
      %shift_left3A_1736 = vector.broadcast %shift_left3A_1735 : i32 to vector<16xi32>
      %shift_left3A_1737 = arith.shli %shift_right_arithmetic3A_1734, %shift_left3A_1736 : vector<16xi32>
      %and3A_1738 = arith.constant 7 : i32
      %and3A_1739 = vector.broadcast %and3A_1738 : i32 to vector<16xi32>
      %and3A_1740 = arith.andi %get3A_1731, %and3A_1739 : vector<16xi32>
      %shift_left3A_1741 = arith.constant 7 : i32
      %shift_left3A_1742 = vector.broadcast %shift_left3A_1741 : i32 to vector<16xi32>
      %shift_left3A_1743 = arith.shli %and3A_1740, %shift_left3A_1742 : vector<16xi32>
      %add3A_1744 = arith.addi %shift_left3A_1737, %shift_left3A_1743 : vector<16xi32>
      %add3A_1745 = arith.addi %add3A_1744, %add3A_1724 : vector<16xi32>
      %swap3A_1746 = arith.index_cast %add3A_1717 : i32 to index
      %swap3A_1747 = arith.constant 0 : index
      %swap3A_1748 = tpu.vector_load %arg6[%swap3A_1746, %swap3A_1747] {strides = array<i32>} : memref<56x128xi32, #tpu.memory_space<vmem>>, vector<1x16xi32>,
      %swap3A_1749 = vector.shape_cast %swap3A_1748 : vector<1x16xi32> to vector<16xi32>
      %swap3A_1750 = vector.shape_cast %add3A_1745 : vector<16xi32> to vector<1x16xi32>
      tpu.vector_store %arg6[%swap3A_1746, %swap3A_1747], %swap3A_1750 {strides = array<i32>} : memref<56x128xi32, #tpu.memory_space<vmem>>, vector<1x16xi32>,
      %shift_left3A_1751 = arith.constant 10 : i32
      %shift_left3A_1752 = arith.shli %and3A_1, %shift_left3A_1751 : i32
      %add3A_1753 = arith.constant 16 : i32
      %add3A_1754 = arith.addi %shift_left3A_1752, %add3A_1753 : i32
      %iota3A_1755 = tpu.iota {dimensions = array<i32: 0>} : vector<16xi32>
      %add3A_1756 = vector.broadcast %add3A_1754 : i32 to vector<16xi32>
      %add3A_1757 = arith.addi %add3A_1756, %iota3A_1755 : vector<16xi32>
      %mul3A_1758 = arith.constant 128 : i32
      %mul3A_1759 = arith.muli %add3A_1717, %mul3A_1758 : i32
      %add3A_1760 = arith.constant 16 : i32
      %add3A_1761 = arith.addi %mul3A_1759, %add3A_1760 : i32
      %get3A_1762 = arith.index_cast %add3A_1761 : i32 to index
      %get3A_1763 = tpu.vector_load %arg5[%get3A_1762] {strides = array<i32>} : memref<7168xi32, #tpu.memory_space<vmem>>, vector<16xi32>,
      %get3A_1764 = vector.shape_cast %get3A_1763 : vector<16xi32> to vector<16xi32>
      %shift_right_arithmetic3A_1765 = arith.constant 3 : i32
      %shift_right_arithmetic3A_1766 = vector.broadcast %shift_right_arithmetic3A_1765 : i32 to vector<16xi32>
      %shift_right_arithmetic3A_1767 = arith.shrsi %get3A_1764, %shift_right_arithmetic3A_1766 : vector<16xi32>
      %shift_left3A_1768 = arith.constant 13 : i32
      %shift_left3A_1769 = vector.broadcast %shift_left3A_1768 : i32 to vector<16xi32>
      %shift_left3A_1770 = arith.shli %shift_right_arithmetic3A_1767, %shift_left3A_1769 : vector<16xi32>
      %and3A_1771 = arith.constant 7 : i32
      %and3A_1772 = vector.broadcast %and3A_1771 : i32 to vector<16xi32>
      %and3A_1773 = arith.andi %get3A_1764, %and3A_1772 : vector<16xi32>
      %shift_left3A_1774 = arith.constant 7 : i32
      %shift_left3A_1775 = vector.broadcast %shift_left3A_1774 : i32 to vector<16xi32>
      %shift_left3A_1776 = arith.shli %and3A_1773, %shift_left3A_1775 : vector<16xi32>
      %add3A_1777 = arith.addi %shift_left3A_1770, %shift_left3A_1776 : vector<16xi32>
      %add3A_1778 = arith.addi %add3A_1777, %add3A_1757 : vector<16xi32>
      %swap3A_1779 = arith.index_cast %add3A_1717 : i32 to index
      %swap3A_1780 = arith.constant 16 : index
      %swap3A_1781 = tpu.vector_load %arg6[%swap3A_1779, %swap3A_1780] {strides = array<i32>} : memref<56x128xi32, #tpu.memory_space<vmem>>, vector<1x16xi32>,
      %swap3A_1782 = vector.shape_cast %swap3A_1781 : vector<1x16xi32> to vector<16xi32>
      %swap3A_1783 = vector.shape_cast %add3A_1778 : vector<16xi32> to vector<1x16xi32>
      tpu.vector_store %arg6[%swap3A_1779, %swap3A_1780], %swap3A_1783 {strides = array<i32>} : memref<56x128xi32, #tpu.memory_space<vmem>>, vector<1x16xi32>,
      %shift_left3A_1784 = arith.constant 10 : i32
      %shift_left3A_1785 = arith.shli %and3A_1, %shift_left3A_1784 : i32
      %add3A_1786 = arith.constant 32 : i32
      %add3A_1787 = arith.addi %shift_left3A_1785, %add3A_1786 : i32
      %iota3A_1788 = tpu.iota {dimensions = array<i32: 0>} : vector<16xi32>
      %add3A_1789 = vector.broadcast %add3A_1787 : i32 to vector<16xi32>
      %add3A_1790 = arith.addi %add3A_1789, %iota3A_1788 : vector<16xi32>
      %mul3A_1791 = arith.constant 128 : i32
      %mul3A_1792 = arith.muli %add3A_1717, %mul3A_1791 : i32
      %add3A_1793 = arith.constant 32 : i32
      %add3A_1794 = arith.addi %mul3A_1792, %add3A_1793 : i32
      %get3A_1795 = arith.index_cast %add3A_1794 : i32 to index
      %get3A_1796 = tpu.vector_load %arg5[%get3A_1795] {strides = array<i32>} : memref<7168xi32, #tpu.memory_space<vmem>>, vector<16xi32>,
      %get3A_1797 = vector.shape_cast %get3A_1796 : vector<16xi32> to vector<16xi32>
      %shift_right_arithmetic3A_1798 = arith.constant 3 : i32
      %shift_right_arithmetic3A_1799 = vector.broadcast %shift_right_arithmetic3A_1798 : i32 to vector<16xi32>
      %shift_right_arithmetic3A_1800 = arith.shrsi %get3A_1797, %shift_right_arithmetic3A_1799 : vector<16xi32>
      %shift_left3A_1801 = arith.constant 13 : i32
      %shift_left3A_1802 = vector.broadcast %shift_left3A_1801 : i32 to vector<16xi32>
      %shift_left3A_1803 = arith.shli %shift_right_arithmetic3A_1800, %shift_left3A_1802 : vector<16xi32>
      %and3A_1804 = arith.constant 7 : i32
      %and3A_1805 = vector.broadcast %and3A_1804 : i32 to vector<16xi32>
      %and3A_1806 = arith.andi %get3A_1797, %and3A_1805 : vector<16xi32>
      %shift_left3A_1807 = arith.constant 7 : i32
      %shift_left3A_1808 = vector.broadcast %shift_left3A_1807 : i32 to vector<16xi32>
      %shift_left3A_1809 = arith.shli %and3A_1806, %shift_left3A_1808 : vector<16xi32>
      %add3A_1810 = arith.addi %shift_left3A_1803, %shift_left3A_1809 : vector<16xi32>
      %add3A_1811 = arith.addi %add3A_1810, %add3A_1790 : vector<16xi32>
      %swap3A_1812 = arith.index_cast %add3A_1717 : i32 to index
      %swap3A_1813 = arith.constant 32 : index
      %swap3A_1814 = tpu.vector_load %arg6[%swap3A_1812, %swap3A_1813] {strides = array<i32>} : memref<56x128xi32, #tpu.memory_space<vmem>>, vector<1x16xi32>,
      %swap3A_1815 = vector.shape_cast %swap3A_1814 : vector<1x16xi32> to vector<16xi32>
      %swap3A_1816 = vector.shape_cast %add3A_1811 : vector<16xi32> to vector<1x16xi32>
      tpu.vector_store %arg6[%swap3A_1812, %swap3A_1813], %swap3A_1816 {strides = array<i32>} : memref<56x128xi32, #tpu.memory_space<vmem>>, vector<1x16xi32>,
      %shift_left3A_1817 = arith.constant 10 : i32
      %shift_left3A_1818 = arith.shli %and3A_1, %shift_left3A_1817 : i32
      %add3A_1819 = arith.constant 48 : i32
      %add3A_1820 = arith.addi %shift_left3A_1818, %add3A_1819 : i32
      %iota3A_1821 = tpu.iota {dimensions = array<i32: 0>} : vector<16xi32>
      %add3A_1822 = vector.broadcast %add3A_1820 : i32 to vector<16xi32>
      %add3A_1823 = arith.addi %add3A_1822, %iota3A_1821 : vector<16xi32>
      %mul3A_1824 = arith.constant 128 : i32
      %mul3A_1825 = arith.muli %add3A_1717, %mul3A_1824 : i32
      %add3A_1826 = arith.constant 48 : i32
      %add3A_1827 = arith.addi %mul3A_1825, %add3A_1826 : i32
      %get3A_1828 = arith.index_cast %add3A_1827 : i32 to index
      %get3A_1829 = tpu.vector_load %arg5[%get3A_1828] {strides = array<i32>} : memref<7168xi32, #tpu.memory_space<vmem>>, vector<16xi32>,
      %get3A_1830 = vector.shape_cast %get3A_1829 : vector<16xi32> to vector<16xi32>
      %shift_right_arithmetic3A_1831 = arith.constant 3 : i32
      %shift_right_arithmetic3A_1832 = vector.broadcast %shift_right_arithmetic3A_1831 : i32 to vector<16xi32>
      %shift_right_arithmetic3A_1833 = arith.shrsi %get3A_1830, %shift_right_arithmetic3A_1832 : vector<16xi32>
      %shift_left3A_1834 = arith.constant 13 : i32
      %shift_left3A_1835 = vector.broadcast %shift_left3A_1834 : i32 to vector<16xi32>
      %shift_left3A_1836 = arith.shli %shift_right_arithmetic3A_1833, %shift_left3A_1835 : vector<16xi32>
      %and3A_1837 = arith.constant 7 : i32
      %and3A_1838 = vector.broadcast %and3A_1837 : i32 to vector<16xi32>
      %and3A_1839 = arith.andi %get3A_1830, %and3A_1838 : vector<16xi32>
      %shift_left3A_1840 = arith.constant 7 : i32
      %shift_left3A_1841 = vector.broadcast %shift_left3A_1840 : i32 to vector<16xi32>
      %shift_left3A_1842 = arith.shli %and3A_1839, %shift_left3A_1841 : vector<16xi32>
      %add3A_1843 = arith.addi %shift_left3A_1836, %shift_left3A_1842 : vector<16xi32>
      %add3A_1844 = arith.addi %add3A_1843, %add3A_1823 : vector<16xi32>
      %swap3A_1845 = arith.index_cast %add3A_1717 : i32 to index
      %swap3A_1846 = arith.constant 48 : index
      %swap3A_1847 = tpu.vector_load %arg6[%swap3A_1845, %swap3A_1846] {strides = array<i32>} : memref<56x128xi32, #tpu.memory_space<vmem>>, vector<1x16xi32>,
      %swap3A_1848 = vector.shape_cast %swap3A_1847 : vector<1x16xi32> to vector<16xi32>
      %swap3A_1849 = vector.shape_cast %add3A_1844 : vector<16xi32> to vector<1x16xi32>
      tpu.vector_store %arg6[%swap3A_1845, %swap3A_1846], %swap3A_1849 {strides = array<i32>} : memref<56x128xi32, #tpu.memory_space<vmem>>, vector<1x16xi32>,
      %shift_left3A_1850 = arith.constant 10 : i32
      %shift_left3A_1851 = arith.shli %and3A_1, %shift_left3A_1850 : i32
      %add3A_1852 = arith.constant 64 : i32
      %add3A_1853 = arith.addi %shift_left3A_1851, %add3A_1852 : i32
      %iota3A_1854 = tpu.iota {dimensions = array<i32: 0>} : vector<16xi32>
      %add3A_1855 = vector.broadcast %add3A_1853 : i32 to vector<16xi32>
      %add3A_1856 = arith.addi %add3A_1855, %iota3A_1854 : vector<16xi32>
      %mul3A_1857 = arith.constant 128 : i32
      %mul3A_1858 = arith.muli %add3A_1717, %mul3A_1857 : i32
      %add3A_1859 = arith.constant 64 : i32
      %add3A_1860 = arith.addi %mul3A_1858, %add3A_1859 : i32
      %get3A_1861 = arith.index_cast %add3A_1860 : i32 to index
      %get3A_1862 = tpu.vector_load %arg5[%get3A_1861] {strides = array<i32>} : memref<7168xi32, #tpu.memory_space<vmem>>, vector<16xi32>,
      %get3A_1863 = vector.shape_cast %get3A_1862 : vector<16xi32> to vector<16xi32>
      %shift_right_arithmetic3A_1864 = arith.constant 3 : i32
      %shift_right_arithmetic3A_1865 = vector.broadcast %shift_right_arithmetic3A_1864 : i32 to vector<16xi32>
      %shift_right_arithmetic3A_1866 = arith.shrsi %get3A_1863, %shift_right_arithmetic3A_1865 : vector<16xi32>
      %shift_left3A_1867 = arith.constant 13 : i32
      %shift_left3A_1868 = vector.broadcast %shift_left3A_1867 : i32 to vector<16xi32>
      %shift_left3A_1869 = arith.shli %shift_right_arithmetic3A_1866, %shift_left3A_1868 : vector<16xi32>
      %and3A_1870 = arith.constant 7 : i32
      %and3A_1871 = vector.broadcast %and3A_1870 : i32 to vector<16xi32>
      %and3A_1872 = arith.andi %get3A_1863, %and3A_1871 : vector<16xi32>
      %shift_left3A_1873 = arith.constant 7 : i32
      %shift_left3A_1874 = vector.broadcast %shift_left3A_1873 : i32 to vector<16xi32>
      %shift_left3A_1875 = arith.shli %and3A_1872, %shift_left3A_1874 : vector<16xi32>
      %add3A_1876 = arith.addi %shift_left3A_1869, %shift_left3A_1875 : vector<16xi32>
      %add3A_1877 = arith.addi %add3A_1876, %add3A_1856 : vector<16xi32>
      %swap3A_1878 = arith.index_cast %add3A_1717 : i32 to index
      %swap3A_1879 = arith.constant 64 : index
      %swap3A_1880 = tpu.vector_load %arg6[%swap3A_1878, %swap3A_1879] {strides = array<i32>} : memref<56x128xi32, #tpu.memory_space<vmem>>, vector<1x16xi32>,
      %swap3A_1881 = vector.shape_cast %swap3A_1880 : vector<1x16xi32> to vector<16xi32>
      %swap3A_1882 = vector.shape_cast %add3A_1877 : vector<16xi32> to vector<1x16xi32>
      tpu.vector_store %arg6[%swap3A_1878, %swap3A_1879], %swap3A_1882 {strides = array<i32>} : memref<56x128xi32, #tpu.memory_space<vmem>>, vector<1x16xi32>,
      %shift_left3A_1883 = arith.constant 10 : i32
      %shift_left3A_1884 = arith.shli %and3A_1, %shift_left3A_1883 : i32
      %add3A_1885 = arith.constant 80 : i32
      %add3A_1886 = arith.addi %shift_left3A_1884, %add3A_1885 : i32
      %iota3A_1887 = tpu.iota {dimensions = array<i32: 0>} : vector<16xi32>
      %add3A_1888 = vector.broadcast %add3A_1886 : i32 to vector<16xi32>
      %add3A_1889 = arith.addi %add3A_1888, %iota3A_1887 : vector<16xi32>
      %mul3A_1890 = arith.constant 128 : i32
      %mul3A_1891 = arith.muli %add3A_1717, %mul3A_1890 : i32
      %add3A_1892 = arith.constant 80 : i32
      %add3A_1893 = arith.addi %mul3A_1891, %add3A_1892 : i32
      %get3A_1894 = arith.index_cast %add3A_1893 : i32 to index
      %get3A_1895 = tpu.vector_load %arg5[%get3A_1894] {strides = array<i32>} : memref<7168xi32, #tpu.memory_space<vmem>>, vector<16xi32>,
      %get3A_1896 = vector.shape_cast %get3A_1895 : vector<16xi32> to vector<16xi32>
      %shift_right_arithmetic3A_1897 = arith.constant 3 : i32
      %shift_right_arithmetic3A_1898 = vector.broadcast %shift_right_arithmetic3A_1897 : i32 to vector<16xi32>
      %shift_right_arithmetic3A_1899 = arith.shrsi %get3A_1896, %shift_right_arithmetic3A_1898 : vector<16xi32>
      %shift_left3A_1900 = arith.constant 13 : i32
      %shift_left3A_1901 = vector.broadcast %shift_left3A_1900 : i32 to vector<16xi32>
      %shift_left3A_1902 = arith.shli %shift_right_arithmetic3A_1899, %shift_left3A_1901 : vector<16xi32>
      %and3A_1903 = arith.constant 7 : i32
      %and3A_1904 = vector.broadcast %and3A_1903 : i32 to vector<16xi32>
      %and3A_1905 = arith.andi %get3A_1896, %and3A_1904 : vector<16xi32>
      %shift_left3A_1906 = arith.constant 7 : i32
      %shift_left3A_1907 = vector.broadcast %shift_left3A_1906 : i32 to vector<16xi32>
      %shift_left3A_1908 = arith.shli %and3A_1905, %shift_left3A_1907 : vector<16xi32>
      %add3A_1909 = arith.addi %shift_left3A_1902, %shift_left3A_1908 : vector<16xi32>
      %add3A_1910 = arith.addi %add3A_1909, %add3A_1889 : vector<16xi32>
      %swap3A_1911 = arith.index_cast %add3A_1717 : i32 to index
      %swap3A_1912 = arith.constant 80 : index
      %swap3A_1913 = tpu.vector_load %arg6[%swap3A_1911, %swap3A_1912] {strides = array<i32>} : memref<56x128xi32, #tpu.memory_space<vmem>>, vector<1x16xi32>,
      %swap3A_1914 = vector.shape_cast %swap3A_1913 : vector<1x16xi32> to vector<16xi32>
      %swap3A_1915 = vector.shape_cast %add3A_1910 : vector<16xi32> to vector<1x16xi32>
      tpu.vector_store %arg6[%swap3A_1911, %swap3A_1912], %swap3A_1915 {strides = array<i32>} : memref<56x128xi32, #tpu.memory_space<vmem>>, vector<1x16xi32>,
      %shift_left3A_1916 = arith.constant 10 : i32
      %shift_left3A_1917 = arith.shli %and3A_1, %shift_left3A_1916 : i32
      %add3A_1918 = arith.constant 96 : i32
      %add3A_1919 = arith.addi %shift_left3A_1917, %add3A_1918 : i32
      %iota3A_1920 = tpu.iota {dimensions = array<i32: 0>} : vector<16xi32>
      %add3A_1921 = vector.broadcast %add3A_1919 : i32 to vector<16xi32>
      %add3A_1922 = arith.addi %add3A_1921, %iota3A_1920 : vector<16xi32>
      %mul3A_1923 = arith.constant 128 : i32
      %mul3A_1924 = arith.muli %add3A_1717, %mul3A_1923 : i32
      %add3A_1925 = arith.constant 96 : i32
      %add3A_1926 = arith.addi %mul3A_1924, %add3A_1925 : i32
      %get3A_1927 = arith.index_cast %add3A_1926 : i32 to index
      %get3A_1928 = tpu.vector_load %arg5[%get3A_1927] {strides = array<i32>} : memref<7168xi32, #tpu.memory_space<vmem>>, vector<16xi32>,
      %get3A_1929 = vector.shape_cast %get3A_1928 : vector<16xi32> to vector<16xi32>
      %shift_right_arithmetic3A_1930 = arith.constant 3 : i32
      %shift_right_arithmetic3A_1931 = vector.broadcast %shift_right_arithmetic3A_1930 : i32 to vector<16xi32>
      %shift_right_arithmetic3A_1932 = arith.shrsi %get3A_1929, %shift_right_arithmetic3A_1931 : vector<16xi32>
      %shift_left3A_1933 = arith.constant 13 : i32
      %shift_left3A_1934 = vector.broadcast %shift_left3A_1933 : i32 to vector<16xi32>
      %shift_left3A_1935 = arith.shli %shift_right_arithmetic3A_1932, %shift_left3A_1934 : vector<16xi32>
      %and3A_1936 = arith.constant 7 : i32
      %and3A_1937 = vector.broadcast %and3A_1936 : i32 to vector<16xi32>
      %and3A_1938 = arith.andi %get3A_1929, %and3A_1937 : vector<16xi32>
      %shift_left3A_1939 = arith.constant 7 : i32
      %shift_left3A_1940 = vector.broadcast %shift_left3A_1939 : i32 to vector<16xi32>
      %shift_left3A_1941 = arith.shli %and3A_1938, %shift_left3A_1940 : vector<16xi32>
      %add3A_1942 = arith.addi %shift_left3A_1935, %shift_left3A_1941 : vector<16xi32>
      %add3A_1943 = arith.addi %add3A_1942, %add3A_1922 : vector<16xi32>
      %swap3A_1944 = arith.index_cast %add3A_1717 : i32 to index
      %swap3A_1945 = arith.constant 96 : index
      %swap3A_1946 = tpu.vector_load %arg6[%swap3A_1944, %swap3A_1945] {strides = array<i32>} : memref<56x128xi32, #tpu.memory_space<vmem>>, vector<1x16xi32>,
      %swap3A_1947 = vector.shape_cast %swap3A_1946 : vector<1x16xi32> to vector<16xi32>
      %swap3A_1948 = vector.shape_cast %add3A_1943 : vector<16xi32> to vector<1x16xi32>
      tpu.vector_store %arg6[%swap3A_1944, %swap3A_1945], %swap3A_1948 {strides = array<i32>} : memref<56x128xi32, #tpu.memory_space<vmem>>, vector<1x16xi32>,
      %shift_left3A_1949 = arith.constant 10 : i32
      %shift_left3A_1950 = arith.shli %and3A_1, %shift_left3A_1949 : i32
      %add3A_1951 = arith.constant 112 : i32
      %add3A_1952 = arith.addi %shift_left3A_1950, %add3A_1951 : i32
      %iota3A_1953 = tpu.iota {dimensions = array<i32: 0>} : vector<16xi32>
      %add3A_1954 = vector.broadcast %add3A_1952 : i32 to vector<16xi32>
      %add3A_1955 = arith.addi %add3A_1954, %iota3A_1953 : vector<16xi32>
      %mul3A_1956 = arith.constant 128 : i32
      %mul3A_1957 = arith.muli %add3A_1717, %mul3A_1956 : i32
      %add3A_1958 = arith.constant 112 : i32
      %add3A_1959 = arith.addi %mul3A_1957, %add3A_1958 : i32
      %get3A_1960 = arith.index_cast %add3A_1959 : i32 to index
      %get3A_1961 = tpu.vector_load %arg5[%get3A_1960] {strides = array<i32>} : memref<7168xi32, #tpu.memory_space<vmem>>, vector<16xi32>,
      %get3A_1962 = vector.shape_cast %get3A_1961 : vector<16xi32> to vector<16xi32>
      %shift_right_arithmetic3A_1963 = arith.constant 3 : i32
      %shift_right_arithmetic3A_1964 = vector.broadcast %shift_right_arithmetic3A_1963 : i32 to vector<16xi32>
      %shift_right_arithmetic3A_1965 = arith.shrsi %get3A_1962, %shift_right_arithmetic3A_1964 : vector<16xi32>
      %shift_left3A_1966 = arith.constant 13 : i32
      %shift_left3A_1967 = vector.broadcast %shift_left3A_1966 : i32 to vector<16xi32>
      %shift_left3A_1968 = arith.shli %shift_right_arithmetic3A_1965, %shift_left3A_1967 : vector<16xi32>
      %and3A_1969 = arith.constant 7 : i32
      %and3A_1970 = vector.broadcast %and3A_1969 : i32 to vector<16xi32>
      %and3A_1971 = arith.andi %get3A_1962, %and3A_1970 : vector<16xi32>
      %shift_left3A_1972 = arith.constant 7 : i32
      %shift_left3A_1973 = vector.broadcast %shift_left3A_1972 : i32 to vector<16xi32>
      %shift_left3A_1974 = arith.shli %and3A_1971, %shift_left3A_1973 : vector<16xi32>
      %add3A_1975 = arith.addi %shift_left3A_1968, %shift_left3A_1974 : vector<16xi32>
      %add3A_1976 = arith.addi %add3A_1975, %add3A_1955 : vector<16xi32>
      %swap3A_1977 = arith.index_cast %add3A_1717 : i32 to index
      %swap3A_1978 = arith.constant 112 : index
      %swap3A_1979 = tpu.vector_load %arg6[%swap3A_1977, %swap3A_1978] {strides = array<i32>} : memref<56x128xi32, #tpu.memory_space<vmem>>, vector<1x16xi32>,
      %swap3A_1980 = vector.shape_cast %swap3A_1979 : vector<1x16xi32> to vector<16xi32>
      %swap3A_1981 = vector.shape_cast %add3A_1976 : vector<16xi32> to vector<1x16xi32>
      tpu.vector_store %arg6[%swap3A_1977, %swap3A_1978], %swap3A_1981 {strides = array<i32>} : memref<56x128xi32, #tpu.memory_space<vmem>>, vector<1x16xi32>,
      %dma_start3A_1982 = arith.constant 0 : i32
      %dma_start3A_1983 = tpu.memref_slice %arg7[%add3A_1717, %dma_start3A_1982] : memref<56x128xf32, #tpu.memory_space<vmem>> -> memref<1x128xf32, #tpu.memory_space<vmem>>
      %dma_start3A_1984 = tpu.memref_squeeze %dma_start3A_1983 : memref<1x128xf32, #tpu.memory_space<vmem>> -> memref<128xf32, #tpu.memory_space<vmem>>
      %dma_start3A_1985 = arith.constant 0 : i32
      %dma_start3A_1986 = tpu.memref_slice %arg6[%add3A_1717, %dma_start3A_1985] : memref<56x128xi32, #tpu.memory_space<vmem>> -> memref<1x128xi32, #tpu.memory_space<vmem>>
      %dma_start3A_1987 = tpu.memref_squeeze %dma_start3A_1986 : memref<1x128xi32, #tpu.memory_space<vmem>> -> memref<128xi32, #tpu.memory_space<vmem>>
      %dma_start3A_1988 = arith.constant 0 : i32
      %dma_start3A_1989 = tpu.memref_slice %arg2[%dma_start3A_1988] : memref<102400000xf32, #tpu.memory_space<hbm>> -> memref<102400000xf32, #tpu.memory_space<hbm>>
      tpu.enqueue_indirect_dma source(%dma_start3A_1989 : memref<102400000xf32, #tpu.memory_space<hbm>>) target(%dma_start3A_1984 : memref<128xf32, #tpu.memory_space<vmem>>) offsets(%dma_start3A_1987 : memref<128xi32, #tpu.memory_space<vmem>>) semaphore(%arg8 : memref<!tpu.dma_semaphore, #tpu.memory_space<semaphore_mem>>)
      %mul3A_1990 = arith.constant 8 : i32
      %mul3A_1991 = arith.muli %while3A_62, %mul3A_1990 : i32
      %add3A_1992 = arith.constant 7 : i32
      %add3A_1993 = arith.addi %mul3A_1991, %add3A_1992 : i32
      %shift_left3A_1994 = arith.constant 10 : i32
      %shift_left3A_1995 = arith.shli %and3A_1, %shift_left3A_1994 : i32
      %add3A_1996 = arith.constant 0 : i32
      %add3A_1997 = arith.addi %shift_left3A_1995, %add3A_1996 : i32
      %iota3A_1998 = tpu.iota {dimensions = array<i32: 0>} : vector<16xi32>
      %add3A_1999 = vector.broadcast %add3A_1997 : i32 to vector<16xi32>
      %add3A_2000 = arith.addi %add3A_1999, %iota3A_1998 : vector<16xi32>
      %mul3A_2001 = arith.constant 128 : i32
      %mul3A_2002 = arith.muli %add3A_1993, %mul3A_2001 : i32
      %add3A_2003 = arith.constant 0 : i32
      %add3A_2004 = arith.addi %mul3A_2002, %add3A_2003 : i32
      %get3A_2005 = arith.index_cast %add3A_2004 : i32 to index
      %get3A_2006 = tpu.vector_load %arg5[%get3A_2005] {strides = array<i32>} : memref<7168xi32, #tpu.memory_space<vmem>>, vector<16xi32>,
      %get3A_2007 = vector.shape_cast %get3A_2006 : vector<16xi32> to vector<16xi32>
      %shift_right_arithmetic3A_2008 = arith.constant 3 : i32
      %shift_right_arithmetic3A_2009 = vector.broadcast %shift_right_arithmetic3A_2008 : i32 to vector<16xi32>
      %shift_right_arithmetic3A_2010 = arith.shrsi %get3A_2007, %shift_right_arithmetic3A_2009 : vector<16xi32>
      %shift_left3A_2011 = arith.constant 13 : i32
      %shift_left3A_2012 = vector.broadcast %shift_left3A_2011 : i32 to vector<16xi32>
      %shift_left3A_2013 = arith.shli %shift_right_arithmetic3A_2010, %shift_left3A_2012 : vector<16xi32>
      %and3A_2014 = arith.constant 7 : i32
      %and3A_2015 = vector.broadcast %and3A_2014 : i32 to vector<16xi32>
      %and3A_2016 = arith.andi %get3A_2007, %and3A_2015 : vector<16xi32>
      %shift_left3A_2017 = arith.constant 7 : i32
      %shift_left3A_2018 = vector.broadcast %shift_left3A_2017 : i32 to vector<16xi32>
      %shift_left3A_2019 = arith.shli %and3A_2016, %shift_left3A_2018 : vector<16xi32>
      %add3A_2020 = arith.addi %shift_left3A_2013, %shift_left3A_2019 : vector<16xi32>
      %add3A_2021 = arith.addi %add3A_2020, %add3A_2000 : vector<16xi32>
      %swap3A_2022 = arith.index_cast %add3A_1993 : i32 to index
      %swap3A_2023 = arith.constant 0 : index
      %swap3A_2024 = tpu.vector_load %arg6[%swap3A_2022, %swap3A_2023] {strides = array<i32>} : memref<56x128xi32, #tpu.memory_space<vmem>>, vector<1x16xi32>,
      %swap3A_2025 = vector.shape_cast %swap3A_2024 : vector<1x16xi32> to vector<16xi32>
      %swap3A_2026 = vector.shape_cast %add3A_2021 : vector<16xi32> to vector<1x16xi32>
      tpu.vector_store %arg6[%swap3A_2022, %swap3A_2023], %swap3A_2026 {strides = array<i32>} : memref<56x128xi32, #tpu.memory_space<vmem>>, vector<1x16xi32>,
      %shift_left3A_2027 = arith.constant 10 : i32
      %shift_left3A_2028 = arith.shli %and3A_1, %shift_left3A_2027 : i32
      %add3A_2029 = arith.constant 16 : i32
      %add3A_2030 = arith.addi %shift_left3A_2028, %add3A_2029 : i32
      %iota3A_2031 = tpu.iota {dimensions = array<i32: 0>} : vector<16xi32>
      %add3A_2032 = vector.broadcast %add3A_2030 : i32 to vector<16xi32>
      %add3A_2033 = arith.addi %add3A_2032, %iota3A_2031 : vector<16xi32>
      %mul3A_2034 = arith.constant 128 : i32
      %mul3A_2035 = arith.muli %add3A_1993, %mul3A_2034 : i32
      %add3A_2036 = arith.constant 16 : i32
      %add3A_2037 = arith.addi %mul3A_2035, %add3A_2036 : i32
      %get3A_2038 = arith.index_cast %add3A_2037 : i32 to index
      %get3A_2039 = tpu.vector_load %arg5[%get3A_2038] {strides = array<i32>} : memref<7168xi32, #tpu.memory_space<vmem>>, vector<16xi32>,
      %get3A_2040 = vector.shape_cast %get3A_2039 : vector<16xi32> to vector<16xi32>
      %shift_right_arithmetic3A_2041 = arith.constant 3 : i32
      %shift_right_arithmetic3A_2042 = vector.broadcast %shift_right_arithmetic3A_2041 : i32 to vector<16xi32>
      %shift_right_arithmetic3A_2043 = arith.shrsi %get3A_2040, %shift_right_arithmetic3A_2042 : vector<16xi32>
      %shift_left3A_2044 = arith.constant 13 : i32
      %shift_left3A_2045 = vector.broadcast %shift_left3A_2044 : i32 to vector<16xi32>
      %shift_left3A_2046 = arith.shli %shift_right_arithmetic3A_2043, %shift_left3A_2045 : vector<16xi32>
      %and3A_2047 = arith.constant 7 : i32
      %and3A_2048 = vector.broadcast %and3A_2047 : i32 to vector<16xi32>
      %and3A_2049 = arith.andi %get3A_2040, %and3A_2048 : vector<16xi32>
      %shift_left3A_2050 = arith.constant 7 : i32
      %shift_left3A_2051 = vector.broadcast %shift_left3A_2050 : i32 to vector<16xi32>
      %shift_left3A_2052 = arith.shli %and3A_2049, %shift_left3A_2051 : vector<16xi32>
      %add3A_2053 = arith.addi %shift_left3A_2046, %shift_left3A_2052 : vector<16xi32>
      %add3A_2054 = arith.addi %add3A_2053, %add3A_2033 : vector<16xi32>
      %swap3A_2055 = arith.index_cast %add3A_1993 : i32 to index
      %swap3A_2056 = arith.constant 16 : index
      %swap3A_2057 = tpu.vector_load %arg6[%swap3A_2055, %swap3A_2056] {strides = array<i32>} : memref<56x128xi32, #tpu.memory_space<vmem>>, vector<1x16xi32>,
      %swap3A_2058 = vector.shape_cast %swap3A_2057 : vector<1x16xi32> to vector<16xi32>
      %swap3A_2059 = vector.shape_cast %add3A_2054 : vector<16xi32> to vector<1x16xi32>
      tpu.vector_store %arg6[%swap3A_2055, %swap3A_2056], %swap3A_2059 {strides = array<i32>} : memref<56x128xi32, #tpu.memory_space<vmem>>, vector<1x16xi32>,
      %shift_left3A_2060 = arith.constant 10 : i32
      %shift_left3A_2061 = arith.shli %and3A_1, %shift_left3A_2060 : i32
      %add3A_2062 = arith.constant 32 : i32
      %add3A_2063 = arith.addi %shift_left3A_2061, %add3A_2062 : i32
      %iota3A_2064 = tpu.iota {dimensions = array<i32: 0>} : vector<16xi32>
      %add3A_2065 = vector.broadcast %add3A_2063 : i32 to vector<16xi32>
      %add3A_2066 = arith.addi %add3A_2065, %iota3A_2064 : vector<16xi32>
      %mul3A_2067 = arith.constant 128 : i32
      %mul3A_2068 = arith.muli %add3A_1993, %mul3A_2067 : i32
      %add3A_2069 = arith.constant 32 : i32
      %add3A_2070 = arith.addi %mul3A_2068, %add3A_2069 : i32
      %get3A_2071 = arith.index_cast %add3A_2070 : i32 to index
      %get3A_2072 = tpu.vector_load %arg5[%get3A_2071] {strides = array<i32>} : memref<7168xi32, #tpu.memory_space<vmem>>, vector<16xi32>,
      %get3A_2073 = vector.shape_cast %get3A_2072 : vector<16xi32> to vector<16xi32>
      %shift_right_arithmetic3A_2074 = arith.constant 3 : i32
      %shift_right_arithmetic3A_2075 = vector.broadcast %shift_right_arithmetic3A_2074 : i32 to vector<16xi32>
      %shift_right_arithmetic3A_2076 = arith.shrsi %get3A_2073, %shift_right_arithmetic3A_2075 : vector<16xi32>
      %shift_left3A_2077 = arith.constant 13 : i32
      %shift_left3A_2078 = vector.broadcast %shift_left3A_2077 : i32 to vector<16xi32>
      %shift_left3A_2079 = arith.shli %shift_right_arithmetic3A_2076, %shift_left3A_2078 : vector<16xi32>
      %and3A_2080 = arith.constant 7 : i32
      %and3A_2081 = vector.broadcast %and3A_2080 : i32 to vector<16xi32>
      %and3A_2082 = arith.andi %get3A_2073, %and3A_2081 : vector<16xi32>
      %shift_left3A_2083 = arith.constant 7 : i32
      %shift_left3A_2084 = vector.broadcast %shift_left3A_2083 : i32 to vector<16xi32>
      %shift_left3A_2085 = arith.shli %and3A_2082, %shift_left3A_2084 : vector<16xi32>
      %add3A_2086 = arith.addi %shift_left3A_2079, %shift_left3A_2085 : vector<16xi32>
      %add3A_2087 = arith.addi %add3A_2086, %add3A_2066 : vector<16xi32>
      %swap3A_2088 = arith.index_cast %add3A_1993 : i32 to index
      %swap3A_2089 = arith.constant 32 : index
      %swap3A_2090 = tpu.vector_load %arg6[%swap3A_2088, %swap3A_2089] {strides = array<i32>} : memref<56x128xi32, #tpu.memory_space<vmem>>, vector<1x16xi32>,
      %swap3A_2091 = vector.shape_cast %swap3A_2090 : vector<1x16xi32> to vector<16xi32>
      %swap3A_2092 = vector.shape_cast %add3A_2087 : vector<16xi32> to vector<1x16xi32>
      tpu.vector_store %arg6[%swap3A_2088, %swap3A_2089], %swap3A_2092 {strides = array<i32>} : memref<56x128xi32, #tpu.memory_space<vmem>>, vector<1x16xi32>,
      %shift_left3A_2093 = arith.constant 10 : i32
      %shift_left3A_2094 = arith.shli %and3A_1, %shift_left3A_2093 : i32
      %add3A_2095 = arith.constant 48 : i32
      %add3A_2096 = arith.addi %shift_left3A_2094, %add3A_2095 : i32
      %iota3A_2097 = tpu.iota {dimensions = array<i32: 0>} : vector<16xi32>
      %add3A_2098 = vector.broadcast %add3A_2096 : i32 to vector<16xi32>
      %add3A_2099 = arith.addi %add3A_2098, %iota3A_2097 : vector<16xi32>
      %mul3A_2100 = arith.constant 128 : i32
      %mul3A_2101 = arith.muli %add3A_1993, %mul3A_2100 : i32
      %add3A_2102 = arith.constant 48 : i32
      %add3A_2103 = arith.addi %mul3A_2101, %add3A_2102 : i32
      %get3A_2104 = arith.index_cast %add3A_2103 : i32 to index
      %get3A_2105 = tpu.vector_load %arg5[%get3A_2104] {strides = array<i32>} : memref<7168xi32, #tpu.memory_space<vmem>>, vector<16xi32>,
      %get3A_2106 = vector.shape_cast %get3A_2105 : vector<16xi32> to vector<16xi32>
      %shift_right_arithmetic3A_2107 = arith.constant 3 : i32
      %shift_right_arithmetic3A_2108 = vector.broadcast %shift_right_arithmetic3A_2107 : i32 to vector<16xi32>
      %shift_right_arithmetic3A_2109 = arith.shrsi %get3A_2106, %shift_right_arithmetic3A_2108 : vector<16xi32>
      %shift_left3A_2110 = arith.constant 13 : i32
      %shift_left3A_2111 = vector.broadcast %shift_left3A_2110 : i32 to vector<16xi32>
      %shift_left3A_2112 = arith.shli %shift_right_arithmetic3A_2109, %shift_left3A_2111 : vector<16xi32>
      %and3A_2113 = arith.constant 7 : i32
      %and3A_2114 = vector.broadcast %and3A_2113 : i32 to vector<16xi32>
      %and3A_2115 = arith.andi %get3A_2106, %and3A_2114 : vector<16xi32>
      %shift_left3A_2116 = arith.constant 7 : i32
      %shift_left3A_2117 = vector.broadcast %shift_left3A_2116 : i32 to vector<16xi32>
      %shift_left3A_2118 = arith.shli %and3A_2115, %shift_left3A_2117 : vector<16xi32>
      %add3A_2119 = arith.addi %shift_left3A_2112, %shift_left3A_2118 : vector<16xi32>
      %add3A_2120 = arith.addi %add3A_2119, %add3A_2099 : vector<16xi32>
      %swap3A_2121 = arith.index_cast %add3A_1993 : i32 to index
      %swap3A_2122 = arith.constant 48 : index
      %swap3A_2123 = tpu.vector_load %arg6[%swap3A_2121, %swap3A_2122] {strides = array<i32>} : memref<56x128xi32, #tpu.memory_space<vmem>>, vector<1x16xi32>,
      %swap3A_2124 = vector.shape_cast %swap3A_2123 : vector<1x16xi32> to vector<16xi32>
      %swap3A_2125 = vector.shape_cast %add3A_2120 : vector<16xi32> to vector<1x16xi32>
      tpu.vector_store %arg6[%swap3A_2121, %swap3A_2122], %swap3A_2125 {strides = array<i32>} : memref<56x128xi32, #tpu.memory_space<vmem>>, vector<1x16xi32>,
      %shift_left3A_2126 = arith.constant 10 : i32
      %shift_left3A_2127 = arith.shli %and3A_1, %shift_left3A_2126 : i32
      %add3A_2128 = arith.constant 64 : i32
      %add3A_2129 = arith.addi %shift_left3A_2127, %add3A_2128 : i32
      %iota3A_2130 = tpu.iota {dimensions = array<i32: 0>} : vector<16xi32>
      %add3A_2131 = vector.broadcast %add3A_2129 : i32 to vector<16xi32>
      %add3A_2132 = arith.addi %add3A_2131, %iota3A_2130 : vector<16xi32>
      %mul3A_2133 = arith.constant 128 : i32
      %mul3A_2134 = arith.muli %add3A_1993, %mul3A_2133 : i32
      %add3A_2135 = arith.constant 64 : i32
      %add3A_2136 = arith.addi %mul3A_2134, %add3A_2135 : i32
      %get3A_2137 = arith.index_cast %add3A_2136 : i32 to index
      %get3A_2138 = tpu.vector_load %arg5[%get3A_2137] {strides = array<i32>} : memref<7168xi32, #tpu.memory_space<vmem>>, vector<16xi32>,
      %get3A_2139 = vector.shape_cast %get3A_2138 : vector<16xi32> to vector<16xi32>
      %shift_right_arithmetic3A_2140 = arith.constant 3 : i32
      %shift_right_arithmetic3A_2141 = vector.broadcast %shift_right_arithmetic3A_2140 : i32 to vector<16xi32>
      %shift_right_arithmetic3A_2142 = arith.shrsi %get3A_2139, %shift_right_arithmetic3A_2141 : vector<16xi32>
      %shift_left3A_2143 = arith.constant 13 : i32
      %shift_left3A_2144 = vector.broadcast %shift_left3A_2143 : i32 to vector<16xi32>
      %shift_left3A_2145 = arith.shli %shift_right_arithmetic3A_2142, %shift_left3A_2144 : vector<16xi32>
      %and3A_2146 = arith.constant 7 : i32
      %and3A_2147 = vector.broadcast %and3A_2146 : i32 to vector<16xi32>
      %and3A_2148 = arith.andi %get3A_2139, %and3A_2147 : vector<16xi32>
      %shift_left3A_2149 = arith.constant 7 : i32
      %shift_left3A_2150 = vector.broadcast %shift_left3A_2149 : i32 to vector<16xi32>
      %shift_left3A_2151 = arith.shli %and3A_2148, %shift_left3A_2150 : vector<16xi32>
      %add3A_2152 = arith.addi %shift_left3A_2145, %shift_left3A_2151 : vector<16xi32>
      %add3A_2153 = arith.addi %add3A_2152, %add3A_2132 : vector<16xi32>
      %swap3A_2154 = arith.index_cast %add3A_1993 : i32 to index
      %swap3A_2155 = arith.constant 64 : index
      %swap3A_2156 = tpu.vector_load %arg6[%swap3A_2154, %swap3A_2155] {strides = array<i32>} : memref<56x128xi32, #tpu.memory_space<vmem>>, vector<1x16xi32>,
      %swap3A_2157 = vector.shape_cast %swap3A_2156 : vector<1x16xi32> to vector<16xi32>
      %swap3A_2158 = vector.shape_cast %add3A_2153 : vector<16xi32> to vector<1x16xi32>
      tpu.vector_store %arg6[%swap3A_2154, %swap3A_2155], %swap3A_2158 {strides = array<i32>} : memref<56x128xi32, #tpu.memory_space<vmem>>, vector<1x16xi32>,
      %shift_left3A_2159 = arith.constant 10 : i32
      %shift_left3A_2160 = arith.shli %and3A_1, %shift_left3A_2159 : i32
      %add3A_2161 = arith.constant 80 : i32
      %add3A_2162 = arith.addi %shift_left3A_2160, %add3A_2161 : i32
      %iota3A_2163 = tpu.iota {dimensions = array<i32: 0>} : vector<16xi32>
      %add3A_2164 = vector.broadcast %add3A_2162 : i32 to vector<16xi32>
      %add3A_2165 = arith.addi %add3A_2164, %iota3A_2163 : vector<16xi32>
      %mul3A_2166 = arith.constant 128 : i32
      %mul3A_2167 = arith.muli %add3A_1993, %mul3A_2166 : i32
      %add3A_2168 = arith.constant 80 : i32
      %add3A_2169 = arith.addi %mul3A_2167, %add3A_2168 : i32
      %get3A_2170 = arith.index_cast %add3A_2169 : i32 to index
      %get3A_2171 = tpu.vector_load %arg5[%get3A_2170] {strides = array<i32>} : memref<7168xi32, #tpu.memory_space<vmem>>, vector<16xi32>,
      %get3A_2172 = vector.shape_cast %get3A_2171 : vector<16xi32> to vector<16xi32>
      %shift_right_arithmetic3A_2173 = arith.constant 3 : i32
      %shift_right_arithmetic3A_2174 = vector.broadcast %shift_right_arithmetic3A_2173 : i32 to vector<16xi32>
      %shift_right_arithmetic3A_2175 = arith.shrsi %get3A_2172, %shift_right_arithmetic3A_2174 : vector<16xi32>
      %shift_left3A_2176 = arith.constant 13 : i32
      %shift_left3A_2177 = vector.broadcast %shift_left3A_2176 : i32 to vector<16xi32>
      %shift_left3A_2178 = arith.shli %shift_right_arithmetic3A_2175, %shift_left3A_2177 : vector<16xi32>
      %and3A_2179 = arith.constant 7 : i32
      %and3A_2180 = vector.broadcast %and3A_2179 : i32 to vector<16xi32>
      %and3A_2181 = arith.andi %get3A_2172, %and3A_2180 : vector<16xi32>
      %shift_left3A_2182 = arith.constant 7 : i32
      %shift_left3A_2183 = vector.broadcast %shift_left3A_2182 : i32 to vector<16xi32>
      %shift_left3A_2184 = arith.shli %and3A_2181, %shift_left3A_2183 : vector<16xi32>
      %add3A_2185 = arith.addi %shift_left3A_2178, %shift_left3A_2184 : vector<16xi32>
      %add3A_2186 = arith.addi %add3A_2185, %add3A_2165 : vector<16xi32>
      %swap3A_2187 = arith.index_cast %add3A_1993 : i32 to index
      %swap3A_2188 = arith.constant 80 : index
      %swap3A_2189 = tpu.vector_load %arg6[%swap3A_2187, %swap3A_2188] {strides = array<i32>} : memref<56x128xi32, #tpu.memory_space<vmem>>, vector<1x16xi32>,
      %swap3A_2190 = vector.shape_cast %swap3A_2189 : vector<1x16xi32> to vector<16xi32>
      %swap3A_2191 = vector.shape_cast %add3A_2186 : vector<16xi32> to vector<1x16xi32>
      tpu.vector_store %arg6[%swap3A_2187, %swap3A_2188], %swap3A_2191 {strides = array<i32>} : memref<56x128xi32, #tpu.memory_space<vmem>>, vector<1x16xi32>,
      %shift_left3A_2192 = arith.constant 10 : i32
      %shift_left3A_2193 = arith.shli %and3A_1, %shift_left3A_2192 : i32
      %add3A_2194 = arith.constant 96 : i32
      %add3A_2195 = arith.addi %shift_left3A_2193, %add3A_2194 : i32
      %iota3A_2196 = tpu.iota {dimensions = array<i32: 0>} : vector<16xi32>
      %add3A_2197 = vector.broadcast %add3A_2195 : i32 to vector<16xi32>
      %add3A_2198 = arith.addi %add3A_2197, %iota3A_2196 : vector<16xi32>
      %mul3A_2199 = arith.constant 128 : i32
      %mul3A_2200 = arith.muli %add3A_1993, %mul3A_2199 : i32
      %add3A_2201 = arith.constant 96 : i32
      %add3A_2202 = arith.addi %mul3A_2200, %add3A_2201 : i32
      %get3A_2203 = arith.index_cast %add3A_2202 : i32 to index
      %get3A_2204 = tpu.vector_load %arg5[%get3A_2203] {strides = array<i32>} : memref<7168xi32, #tpu.memory_space<vmem>>, vector<16xi32>,
      %get3A_2205 = vector.shape_cast %get3A_2204 : vector<16xi32> to vector<16xi32>
      %shift_right_arithmetic3A_2206 = arith.constant 3 : i32
      %shift_right_arithmetic3A_2207 = vector.broadcast %shift_right_arithmetic3A_2206 : i32 to vector<16xi32>
      %shift_right_arithmetic3A_2208 = arith.shrsi %get3A_2205, %shift_right_arithmetic3A_2207 : vector<16xi32>
      %shift_left3A_2209 = arith.constant 13 : i32
      %shift_left3A_2210 = vector.broadcast %shift_left3A_2209 : i32 to vector<16xi32>
      %shift_left3A_2211 = arith.shli %shift_right_arithmetic3A_2208, %shift_left3A_2210 : vector<16xi32>
      %and3A_2212 = arith.constant 7 : i32
      %and3A_2213 = vector.broadcast %and3A_2212 : i32 to vector<16xi32>
      %and3A_2214 = arith.andi %get3A_2205, %and3A_2213 : vector<16xi32>
      %shift_left3A_2215 = arith.constant 7 : i32
      %shift_left3A_2216 = vector.broadcast %shift_left3A_2215 : i32 to vector<16xi32>
      %shift_left3A_2217 = arith.shli %and3A_2214, %shift_left3A_2216 : vector<16xi32>
      %add3A_2218 = arith.addi %shift_left3A_2211, %shift_left3A_2217 : vector<16xi32>
      %add3A_2219 = arith.addi %add3A_2218, %add3A_2198 : vector<16xi32>
      %swap3A_2220 = arith.index_cast %add3A_1993 : i32 to index
      %swap3A_2221 = arith.constant 96 : index
      %swap3A_2222 = tpu.vector_load %arg6[%swap3A_2220, %swap3A_2221] {strides = array<i32>} : memref<56x128xi32, #tpu.memory_space<vmem>>, vector<1x16xi32>,
      %swap3A_2223 = vector.shape_cast %swap3A_2222 : vector<1x16xi32> to vector<16xi32>
      %swap3A_2224 = vector.shape_cast %add3A_2219 : vector<16xi32> to vector<1x16xi32>
      tpu.vector_store %arg6[%swap3A_2220, %swap3A_2221], %swap3A_2224 {strides = array<i32>} : memref<56x128xi32, #tpu.memory_space<vmem>>, vector<1x16xi32>,
      %shift_left3A_2225 = arith.constant 10 : i32
      %shift_left3A_2226 = arith.shli %and3A_1, %shift_left3A_2225 : i32
      %add3A_2227 = arith.constant 112 : i32
      %add3A_2228 = arith.addi %shift_left3A_2226, %add3A_2227 : i32
      %iota3A_2229 = tpu.iota {dimensions = array<i32: 0>} : vector<16xi32>
      %add3A_2230 = vector.broadcast %add3A_2228 : i32 to vector<16xi32>
      %add3A_2231 = arith.addi %add3A_2230, %iota3A_2229 : vector<16xi32>
      %mul3A_2232 = arith.constant 128 : i32
      %mul3A_2233 = arith.muli %add3A_1993, %mul3A_2232 : i32
      %add3A_2234 = arith.constant 112 : i32
      %add3A_2235 = arith.addi %mul3A_2233, %add3A_2234 : i32
      %get3A_2236 = arith.index_cast %add3A_2235 : i32 to index
      %get3A_2237 = tpu.vector_load %arg5[%get3A_2236] {strides = array<i32>} : memref<7168xi32, #tpu.memory_space<vmem>>, vector<16xi32>,
      %get3A_2238 = vector.shape_cast %get3A_2237 : vector<16xi32> to vector<16xi32>
      %shift_right_arithmetic3A_2239 = arith.constant 3 : i32
      %shift_right_arithmetic3A_2240 = vector.broadcast %shift_right_arithmetic3A_2239 : i32 to vector<16xi32>
      %shift_right_arithmetic3A_2241 = arith.shrsi %get3A_2238, %shift_right_arithmetic3A_2240 : vector<16xi32>
      %shift_left3A_2242 = arith.constant 13 : i32
      %shift_left3A_2243 = vector.broadcast %shift_left3A_2242 : i32 to vector<16xi32>
      %shift_left3A_2244 = arith.shli %shift_right_arithmetic3A_2241, %shift_left3A_2243 : vector<16xi32>
      %and3A_2245 = arith.constant 7 : i32
      %and3A_2246 = vector.broadcast %and3A_2245 : i32 to vector<16xi32>
      %and3A_2247 = arith.andi %get3A_2238, %and3A_2246 : vector<16xi32>
      %shift_left3A_2248 = arith.constant 7 : i32
      %shift_left3A_2249 = vector.broadcast %shift_left3A_2248 : i32 to vector<16xi32>
      %shift_left3A_2250 = arith.shli %and3A_2247, %shift_left3A_2249 : vector<16xi32>
      %add3A_2251 = arith.addi %shift_left3A_2244, %shift_left3A_2250 : vector<16xi32>
      %add3A_2252 = arith.addi %add3A_2251, %add3A_2231 : vector<16xi32>
      %swap3A_2253 = arith.index_cast %add3A_1993 : i32 to index
      %swap3A_2254 = arith.constant 112 : index
      %swap3A_2255 = tpu.vector_load %arg6[%swap3A_2253, %swap3A_2254] {strides = array<i32>} : memref<56x128xi32, #tpu.memory_space<vmem>>, vector<1x16xi32>,
      %swap3A_2256 = vector.shape_cast %swap3A_2255 : vector<1x16xi32> to vector<16xi32>
      %swap3A_2257 = vector.shape_cast %add3A_2252 : vector<16xi32> to vector<1x16xi32>
      tpu.vector_store %arg6[%swap3A_2253, %swap3A_2254], %swap3A_2257 {strides = array<i32>} : memref<56x128xi32, #tpu.memory_space<vmem>>, vector<1x16xi32>,
      %dma_start3A_2258 = arith.constant 0 : i32
      %dma_start3A_2259 = tpu.memref_slice %arg7[%add3A_1993, %dma_start3A_2258] : memref<56x128xf32, #tpu.memory_space<vmem>> -> memref<1x128xf32, #tpu.memory_space<vmem>>
      %dma_start3A_2260 = tpu.memref_squeeze %dma_start3A_2259 : memref<1x128xf32, #tpu.memory_space<vmem>> -> memref<128xf32, #tpu.memory_space<vmem>>
      %dma_start3A_2261 = arith.constant 0 : i32
      %dma_start3A_2262 = tpu.memref_slice %arg6[%add3A_1993, %dma_start3A_2261] : memref<56x128xi32, #tpu.memory_space<vmem>> -> memref<1x128xi32, #tpu.memory_space<vmem>>
      %dma_start3A_2263 = tpu.memref_squeeze %dma_start3A_2262 : memref<1x128xi32, #tpu.memory_space<vmem>> -> memref<128xi32, #tpu.memory_space<vmem>>
      %dma_start3A_2264 = arith.constant 0 : i32
      %dma_start3A_2265 = tpu.memref_slice %arg2[%dma_start3A_2264] : memref<102400000xf32, #tpu.memory_space<hbm>> -> memref<102400000xf32, #tpu.memory_space<hbm>>
      tpu.enqueue_indirect_dma source(%dma_start3A_2265 : memref<102400000xf32, #tpu.memory_space<hbm>>) target(%dma_start3A_2260 : memref<128xf32, #tpu.memory_space<vmem>>) offsets(%dma_start3A_2263 : memref<128xi32, #tpu.memory_space<vmem>>) semaphore(%arg8 : memref<!tpu.dma_semaphore, #tpu.memory_space<semaphore_mem>>)
    }
    %while3A_41 = arith.constant 1 : i32
    scf.for %while3A_62 = %while3A_39 to %while3A_35 step %while3A_41  : i32 {
      %mul3A_63 = arith.constant 8 : i32
      %mul3A_64 = arith.muli %while3A_62, %mul3A_63 : i32
      %add3A_65 = arith.constant 0 : i32
      %add3A_66 = arith.addi %mul3A_64, %add3A_65 : i32
      %shift_left3A = arith.constant 10 : i32
      %shift_left3A_67 = arith.shli %and3A_1, %shift_left3A : i32
      %add3A_68 = arith.constant 0 : i32
      %add3A_69 = arith.addi %shift_left3A_67, %add3A_68 : i32
      %iota3A = tpu.iota {dimensions = array<i32: 0>} : vector<16xi32>
      %add3A_70 = vector.broadcast %add3A_69 : i32 to vector<16xi32>
      %add3A_71 = arith.addi %add3A_70, %iota3A : vector<16xi32>
      %mul3A_72 = arith.constant 128 : i32
      %mul3A_73 = arith.muli %add3A_66, %mul3A_72 : i32
      %add3A_74 = arith.constant 0 : i32
      %add3A_75 = arith.addi %mul3A_73, %add3A_74 : i32
      %get3A = arith.index_cast %add3A_75 : i32 to index
      %get3A_76 = tpu.vector_load %arg5[%get3A] {strides = array<i32>} : memref<7168xi32, #tpu.memory_space<vmem>>, vector<16xi32>,
      %get3A_77 = vector.shape_cast %get3A_76 : vector<16xi32> to vector<16xi32>
      %shift_right_arithmetic3A_78 = arith.constant 3 : i32
      %shift_right_arithmetic3A_79 = vector.broadcast %shift_right_arithmetic3A_78 : i32 to vector<16xi32>
      %shift_right_arithmetic3A_80 = arith.shrsi %get3A_77, %shift_right_arithmetic3A_79 : vector<16xi32>
      %shift_left3A_81 = arith.constant 13 : i32
      %shift_left3A_82 = vector.broadcast %shift_left3A_81 : i32 to vector<16xi32>
      %shift_left3A_83 = arith.shli %shift_right_arithmetic3A_80, %shift_left3A_82 : vector<16xi32>
      %and3A_84 = arith.constant 7 : i32
      %and3A_85 = vector.broadcast %and3A_84 : i32 to vector<16xi32>
      %and3A_86 = arith.andi %get3A_77, %and3A_85 : vector<16xi32>
      %shift_left3A_87 = arith.constant 7 : i32
      %shift_left3A_88 = vector.broadcast %shift_left3A_87 : i32 to vector<16xi32>
      %shift_left3A_89 = arith.shli %and3A_86, %shift_left3A_88 : vector<16xi32>
      %add3A_90 = arith.addi %shift_left3A_83, %shift_left3A_89 : vector<16xi32>
      %add3A_91 = arith.addi %add3A_90, %add3A_71 : vector<16xi32>
      %swap3A = arith.index_cast %add3A_66 : i32 to index
      %swap3A_92 = arith.constant 0 : index
      %swap3A_93 = tpu.vector_load %arg6[%swap3A, %swap3A_92] {strides = array<i32>} : memref<56x128xi32, #tpu.memory_space<vmem>>, vector<1x16xi32>,
      %swap3A_94 = vector.shape_cast %swap3A_93 : vector<1x16xi32> to vector<16xi32>
      %swap3A_95 = vector.shape_cast %add3A_91 : vector<16xi32> to vector<1x16xi32>
      tpu.vector_store %arg6[%swap3A, %swap3A_92], %swap3A_95 {strides = array<i32>} : memref<56x128xi32, #tpu.memory_space<vmem>>, vector<1x16xi32>,
      %shift_left3A_96 = arith.constant 10 : i32
      %shift_left3A_97 = arith.shli %and3A_1, %shift_left3A_96 : i32
      %add3A_98 = arith.constant 16 : i32
      %add3A_99 = arith.addi %shift_left3A_97, %add3A_98 : i32
      %iota3A_100 = tpu.iota {dimensions = array<i32: 0>} : vector<16xi32>
      %add3A_101 = vector.broadcast %add3A_99 : i32 to vector<16xi32>
      %add3A_102 = arith.addi %add3A_101, %iota3A_100 : vector<16xi32>
      %mul3A_103 = arith.constant 128 : i32
      %mul3A_104 = arith.muli %add3A_66, %mul3A_103 : i32
      %add3A_105 = arith.constant 16 : i32
      %add3A_106 = arith.addi %mul3A_104, %add3A_105 : i32
      %get3A_107 = arith.index_cast %add3A_106 : i32 to index
      %get3A_108 = tpu.vector_load %arg5[%get3A_107] {strides = array<i32>} : memref<7168xi32, #tpu.memory_space<vmem>>, vector<16xi32>,
      %get3A_109 = vector.shape_cast %get3A_108 : vector<16xi32> to vector<16xi32>
      %shift_right_arithmetic3A_110 = arith.constant 3 : i32
      %shift_right_arithmetic3A_111 = vector.broadcast %shift_right_arithmetic3A_110 : i32 to vector<16xi32>
      %shift_right_arithmetic3A_112 = arith.shrsi %get3A_109, %shift_right_arithmetic3A_111 : vector<16xi32>
      %shift_left3A_113 = arith.constant 13 : i32
      %shift_left3A_114 = vector.broadcast %shift_left3A_113 : i32 to vector<16xi32>
      %shift_left3A_115 = arith.shli %shift_right_arithmetic3A_112, %shift_left3A_114 : vector<16xi32>
      %and3A_116 = arith.constant 7 : i32
      %and3A_117 = vector.broadcast %and3A_116 : i32 to vector<16xi32>
      %and3A_118 = arith.andi %get3A_109, %and3A_117 : vector<16xi32>
      %shift_left3A_119 = arith.constant 7 : i32
      %shift_left3A_120 = vector.broadcast %shift_left3A_119 : i32 to vector<16xi32>
      %shift_left3A_121 = arith.shli %and3A_118, %shift_left3A_120 : vector<16xi32>
      %add3A_122 = arith.addi %shift_left3A_115, %shift_left3A_121 : vector<16xi32>
      %add3A_123 = arith.addi %add3A_122, %add3A_102 : vector<16xi32>
      %swap3A_124 = arith.index_cast %add3A_66 : i32 to index
      %swap3A_125 = arith.constant 16 : index
      %swap3A_126 = tpu.vector_load %arg6[%swap3A_124, %swap3A_125] {strides = array<i32>} : memref<56x128xi32, #tpu.memory_space<vmem>>, vector<1x16xi32>,
      %swap3A_127 = vector.shape_cast %swap3A_126 : vector<1x16xi32> to vector<16xi32>
      %swap3A_128 = vector.shape_cast %add3A_123 : vector<16xi32> to vector<1x16xi32>
      tpu.vector_store %arg6[%swap3A_124, %swap3A_125], %swap3A_128 {strides = array<i32>} : memref<56x128xi32, #tpu.memory_space<vmem>>, vector<1x16xi32>,
      %shift_left3A_129 = arith.constant 10 : i32
      %shift_left3A_130 = arith.shli %and3A_1, %shift_left3A_129 : i32
      %add3A_131 = arith.constant 32 : i32
      %add3A_132 = arith.addi %shift_left3A_130, %add3A_131 : i32
      %iota3A_133 = tpu.iota {dimensions = array<i32: 0>} : vector<16xi32>
      %add3A_134 = vector.broadcast %add3A_132 : i32 to vector<16xi32>
      %add3A_135 = arith.addi %add3A_134, %iota3A_133 : vector<16xi32>
      %mul3A_136 = arith.constant 128 : i32
      %mul3A_137 = arith.muli %add3A_66, %mul3A_136 : i32
      %add3A_138 = arith.constant 32 : i32
      %add3A_139 = arith.addi %mul3A_137, %add3A_138 : i32
      %get3A_140 = arith.index_cast %add3A_139 : i32 to index
      %get3A_141 = tpu.vector_load %arg5[%get3A_140] {strides = array<i32>} : memref<7168xi32, #tpu.memory_space<vmem>>, vector<16xi32>,
      %get3A_142 = vector.shape_cast %get3A_141 : vector<16xi32> to vector<16xi32>
      %shift_right_arithmetic3A_143 = arith.constant 3 : i32
      %shift_right_arithmetic3A_144 = vector.broadcast %shift_right_arithmetic3A_143 : i32 to vector<16xi32>
      %shift_right_arithmetic3A_145 = arith.shrsi %get3A_142, %shift_right_arithmetic3A_144 : vector<16xi32>
      %shift_left3A_146 = arith.constant 13 : i32
      %shift_left3A_147 = vector.broadcast %shift_left3A_146 : i32 to vector<16xi32>
      %shift_left3A_148 = arith.shli %shift_right_arithmetic3A_145, %shift_left3A_147 : vector<16xi32>
      %and3A_149 = arith.constant 7 : i32
      %and3A_150 = vector.broadcast %and3A_149 : i32 to vector<16xi32>
      %and3A_151 = arith.andi %get3A_142, %and3A_150 : vector<16xi32>
      %shift_left3A_152 = arith.constant 7 : i32
      %shift_left3A_153 = vector.broadcast %shift_left3A_152 : i32 to vector<16xi32>
      %shift_left3A_154 = arith.shli %and3A_151, %shift_left3A_153 : vector<16xi32>
      %add3A_155 = arith.addi %shift_left3A_148, %shift_left3A_154 : vector<16xi32>
      %add3A_156 = arith.addi %add3A_155, %add3A_135 : vector<16xi32>
      %swap3A_157 = arith.index_cast %add3A_66 : i32 to index
      %swap3A_158 = arith.constant 32 : index
      %swap3A_159 = tpu.vector_load %arg6[%swap3A_157, %swap3A_158] {strides = array<i32>} : memref<56x128xi32, #tpu.memory_space<vmem>>, vector<1x16xi32>,
      %swap3A_160 = vector.shape_cast %swap3A_159 : vector<1x16xi32> to vector<16xi32>
      %swap3A_161 = vector.shape_cast %add3A_156 : vector<16xi32> to vector<1x16xi32>
      tpu.vector_store %arg6[%swap3A_157, %swap3A_158], %swap3A_161 {strides = array<i32>} : memref<56x128xi32, #tpu.memory_space<vmem>>, vector<1x16xi32>,
      %shift_left3A_162 = arith.constant 10 : i32
      %shift_left3A_163 = arith.shli %and3A_1, %shift_left3A_162 : i32
      %add3A_164 = arith.constant 48 : i32
      %add3A_165 = arith.addi %shift_left3A_163, %add3A_164 : i32
      %iota3A_166 = tpu.iota {dimensions = array<i32: 0>} : vector<16xi32>
      %add3A_167 = vector.broadcast %add3A_165 : i32 to vector<16xi32>
      %add3A_168 = arith.addi %add3A_167, %iota3A_166 : vector<16xi32>
      %mul3A_169 = arith.constant 128 : i32
      %mul3A_170 = arith.muli %add3A_66, %mul3A_169 : i32
      %add3A_171 = arith.constant 48 : i32
      %add3A_172 = arith.addi %mul3A_170, %add3A_171 : i32
      %get3A_173 = arith.index_cast %add3A_172 : i32 to index
      %get3A_174 = tpu.vector_load %arg5[%get3A_173] {strides = array<i32>} : memref<7168xi32, #tpu.memory_space<vmem>>, vector<16xi32>,
      %get3A_175 = vector.shape_cast %get3A_174 : vector<16xi32> to vector<16xi32>
      %shift_right_arithmetic3A_176 = arith.constant 3 : i32
      %shift_right_arithmetic3A_177 = vector.broadcast %shift_right_arithmetic3A_176 : i32 to vector<16xi32>
      %shift_right_arithmetic3A_178 = arith.shrsi %get3A_175, %shift_right_arithmetic3A_177 : vector<16xi32>
      %shift_left3A_179 = arith.constant 13 : i32
      %shift_left3A_180 = vector.broadcast %shift_left3A_179 : i32 to vector<16xi32>
      %shift_left3A_181 = arith.shli %shift_right_arithmetic3A_178, %shift_left3A_180 : vector<16xi32>
      %and3A_182 = arith.constant 7 : i32
      %and3A_183 = vector.broadcast %and3A_182 : i32 to vector<16xi32>
      %and3A_184 = arith.andi %get3A_175, %and3A_183 : vector<16xi32>
      %shift_left3A_185 = arith.constant 7 : i32
      %shift_left3A_186 = vector.broadcast %shift_left3A_185 : i32 to vector<16xi32>
      %shift_left3A_187 = arith.shli %and3A_184, %shift_left3A_186 : vector<16xi32>
      %add3A_188 = arith.addi %shift_left3A_181, %shift_left3A_187 : vector<16xi32>
      %add3A_189 = arith.addi %add3A_188, %add3A_168 : vector<16xi32>
      %swap3A_190 = arith.index_cast %add3A_66 : i32 to index
      %swap3A_191 = arith.constant 48 : index
      %swap3A_192 = tpu.vector_load %arg6[%swap3A_190, %swap3A_191] {strides = array<i32>} : memref<56x128xi32, #tpu.memory_space<vmem>>, vector<1x16xi32>,
      %swap3A_193 = vector.shape_cast %swap3A_192 : vector<1x16xi32> to vector<16xi32>
      %swap3A_194 = vector.shape_cast %add3A_189 : vector<16xi32> to vector<1x16xi32>
      tpu.vector_store %arg6[%swap3A_190, %swap3A_191], %swap3A_194 {strides = array<i32>} : memref<56x128xi32, #tpu.memory_space<vmem>>, vector<1x16xi32>,
      %shift_left3A_195 = arith.constant 10 : i32
      %shift_left3A_196 = arith.shli %and3A_1, %shift_left3A_195 : i32
      %add3A_197 = arith.constant 64 : i32
      %add3A_198 = arith.addi %shift_left3A_196, %add3A_197 : i32
      %iota3A_199 = tpu.iota {dimensions = array<i32: 0>} : vector<16xi32>
      %add3A_200 = vector.broadcast %add3A_198 : i32 to vector<16xi32>
      %add3A_201 = arith.addi %add3A_200, %iota3A_199 : vector<16xi32>
      %mul3A_202 = arith.constant 128 : i32
      %mul3A_203 = arith.muli %add3A_66, %mul3A_202 : i32
      %add3A_204 = arith.constant 64 : i32
      %add3A_205 = arith.addi %mul3A_203, %add3A_204 : i32
      %get3A_206 = arith.index_cast %add3A_205 : i32 to index
      %get3A_207 = tpu.vector_load %arg5[%get3A_206] {strides = array<i32>} : memref<7168xi32, #tpu.memory_space<vmem>>, vector<16xi32>,
      %get3A_208 = vector.shape_cast %get3A_207 : vector<16xi32> to vector<16xi32>
      %shift_right_arithmetic3A_209 = arith.constant 3 : i32
      %shift_right_arithmetic3A_210 = vector.broadcast %shift_right_arithmetic3A_209 : i32 to vector<16xi32>
      %shift_right_arithmetic3A_211 = arith.shrsi %get3A_208, %shift_right_arithmetic3A_210 : vector<16xi32>
      %shift_left3A_212 = arith.constant 13 : i32
      %shift_left3A_213 = vector.broadcast %shift_left3A_212 : i32 to vector<16xi32>
      %shift_left3A_214 = arith.shli %shift_right_arithmetic3A_211, %shift_left3A_213 : vector<16xi32>
      %and3A_215 = arith.constant 7 : i32
      %and3A_216 = vector.broadcast %and3A_215 : i32 to vector<16xi32>
      %and3A_217 = arith.andi %get3A_208, %and3A_216 : vector<16xi32>
      %shift_left3A_218 = arith.constant 7 : i32
      %shift_left3A_219 = vector.broadcast %shift_left3A_218 : i32 to vector<16xi32>
      %shift_left3A_220 = arith.shli %and3A_217, %shift_left3A_219 : vector<16xi32>
      %add3A_221 = arith.addi %shift_left3A_214, %shift_left3A_220 : vector<16xi32>
      %add3A_222 = arith.addi %add3A_221, %add3A_201 : vector<16xi32>
      %swap3A_223 = arith.index_cast %add3A_66 : i32 to index
      %swap3A_224 = arith.constant 64 : index
      %swap3A_225 = tpu.vector_load %arg6[%swap3A_223, %swap3A_224] {strides = array<i32>} : memref<56x128xi32, #tpu.memory_space<vmem>>, vector<1x16xi32>,
      %swap3A_226 = vector.shape_cast %swap3A_225 : vector<1x16xi32> to vector<16xi32>
      %swap3A_227 = vector.shape_cast %add3A_222 : vector<16xi32> to vector<1x16xi32>
      tpu.vector_store %arg6[%swap3A_223, %swap3A_224], %swap3A_227 {strides = array<i32>} : memref<56x128xi32, #tpu.memory_space<vmem>>, vector<1x16xi32>,
      %shift_left3A_228 = arith.constant 10 : i32
      %shift_left3A_229 = arith.shli %and3A_1, %shift_left3A_228 : i32
      %add3A_230 = arith.constant 80 : i32
      %add3A_231 = arith.addi %shift_left3A_229, %add3A_230 : i32
      %iota3A_232 = tpu.iota {dimensions = array<i32: 0>} : vector<16xi32>
      %add3A_233 = vector.broadcast %add3A_231 : i32 to vector<16xi32>
      %add3A_234 = arith.addi %add3A_233, %iota3A_232 : vector<16xi32>
      %mul3A_235 = arith.constant 128 : i32
      %mul3A_236 = arith.muli %add3A_66, %mul3A_235 : i32
      %add3A_237 = arith.constant 80 : i32
      %add3A_238 = arith.addi %mul3A_236, %add3A_237 : i32
      %get3A_239 = arith.index_cast %add3A_238 : i32 to index
      %get3A_240 = tpu.vector_load %arg5[%get3A_239] {strides = array<i32>} : memref<7168xi32, #tpu.memory_space<vmem>>, vector<16xi32>,
      %get3A_241 = vector.shape_cast %get3A_240 : vector<16xi32> to vector<16xi32>
      %shift_right_arithmetic3A_242 = arith.constant 3 : i32
      %shift_right_arithmetic3A_243 = vector.broadcast %shift_right_arithmetic3A_242 : i32 to vector<16xi32>
      %shift_right_arithmetic3A_244 = arith.shrsi %get3A_241, %shift_right_arithmetic3A_243 : vector<16xi32>
      %shift_left3A_245 = arith.constant 13 : i32
      %shift_left3A_246 = vector.broadcast %shift_left3A_245 : i32 to vector<16xi32>
      %shift_left3A_247 = arith.shli %shift_right_arithmetic3A_244, %shift_left3A_246 : vector<16xi32>
      %and3A_248 = arith.constant 7 : i32
      %and3A_249 = vector.broadcast %and3A_248 : i32 to vector<16xi32>
      %and3A_250 = arith.andi %get3A_241, %and3A_249 : vector<16xi32>
      %shift_left3A_251 = arith.constant 7 : i32
      %shift_left3A_252 = vector.broadcast %shift_left3A_251 : i32 to vector<16xi32>
      %shift_left3A_253 = arith.shli %and3A_250, %shift_left3A_252 : vector<16xi32>
      %add3A_254 = arith.addi %shift_left3A_247, %shift_left3A_253 : vector<16xi32>
      %add3A_255 = arith.addi %add3A_254, %add3A_234 : vector<16xi32>
      %swap3A_256 = arith.index_cast %add3A_66 : i32 to index
      %swap3A_257 = arith.constant 80 : index
      %swap3A_258 = tpu.vector_load %arg6[%swap3A_256, %swap3A_257] {strides = array<i32>} : memref<56x128xi32, #tpu.memory_space<vmem>>, vector<1x16xi32>,
      %swap3A_259 = vector.shape_cast %swap3A_258 : vector<1x16xi32> to vector<16xi32>
      %swap3A_260 = vector.shape_cast %add3A_255 : vector<16xi32> to vector<1x16xi32>
      tpu.vector_store %arg6[%swap3A_256, %swap3A_257], %swap3A_260 {strides = array<i32>} : memref<56x128xi32, #tpu.memory_space<vmem>>, vector<1x16xi32>,
      %shift_left3A_261 = arith.constant 10 : i32
      %shift_left3A_262 = arith.shli %and3A_1, %shift_left3A_261 : i32
      %add3A_263 = arith.constant 96 : i32
      %add3A_264 = arith.addi %shift_left3A_262, %add3A_263 : i32
      %iota3A_265 = tpu.iota {dimensions = array<i32: 0>} : vector<16xi32>
      %add3A_266 = vector.broadcast %add3A_264 : i32 to vector<16xi32>
      %add3A_267 = arith.addi %add3A_266, %iota3A_265 : vector<16xi32>
      %mul3A_268 = arith.constant 128 : i32
      %mul3A_269 = arith.muli %add3A_66, %mul3A_268 : i32
      %add3A_270 = arith.constant 96 : i32
      %add3A_271 = arith.addi %mul3A_269, %add3A_270 : i32
      %get3A_272 = arith.index_cast %add3A_271 : i32 to index
      %get3A_273 = tpu.vector_load %arg5[%get3A_272] {strides = array<i32>} : memref<7168xi32, #tpu.memory_space<vmem>>, vector<16xi32>,
      %get3A_274 = vector.shape_cast %get3A_273 : vector<16xi32> to vector<16xi32>
      %shift_right_arithmetic3A_275 = arith.constant 3 : i32
      %shift_right_arithmetic3A_276 = vector.broadcast %shift_right_arithmetic3A_275 : i32 to vector<16xi32>
      %shift_right_arithmetic3A_277 = arith.shrsi %get3A_274, %shift_right_arithmetic3A_276 : vector<16xi32>
      %shift_left3A_278 = arith.constant 13 : i32
      %shift_left3A_279 = vector.broadcast %shift_left3A_278 : i32 to vector<16xi32>
      %shift_left3A_280 = arith.shli %shift_right_arithmetic3A_277, %shift_left3A_279 : vector<16xi32>
      %and3A_281 = arith.constant 7 : i32
      %and3A_282 = vector.broadcast %and3A_281 : i32 to vector<16xi32>
      %and3A_283 = arith.andi %get3A_274, %and3A_282 : vector<16xi32>
      %shift_left3A_284 = arith.constant 7 : i32
      %shift_left3A_285 = vector.broadcast %shift_left3A_284 : i32 to vector<16xi32>
      %shift_left3A_286 = arith.shli %and3A_283, %shift_left3A_285 : vector<16xi32>
      %add3A_287 = arith.addi %shift_left3A_280, %shift_left3A_286 : vector<16xi32>
      %add3A_288 = arith.addi %add3A_287, %add3A_267 : vector<16xi32>
      %swap3A_289 = arith.index_cast %add3A_66 : i32 to index
      %swap3A_290 = arith.constant 96 : index
      %swap3A_291 = tpu.vector_load %arg6[%swap3A_289, %swap3A_290] {strides = array<i32>} : memref<56x128xi32, #tpu.memory_space<vmem>>, vector<1x16xi32>,
      %swap3A_292 = vector.shape_cast %swap3A_291 : vector<1x16xi32> to vector<16xi32>
      %swap3A_293 = vector.shape_cast %add3A_288 : vector<16xi32> to vector<1x16xi32>
      tpu.vector_store %arg6[%swap3A_289, %swap3A_290], %swap3A_293 {strides = array<i32>} : memref<56x128xi32, #tpu.memory_space<vmem>>, vector<1x16xi32>,
      %shift_left3A_294 = arith.constant 10 : i32
      %shift_left3A_295 = arith.shli %and3A_1, %shift_left3A_294 : i32
      %add3A_296 = arith.constant 112 : i32
      %add3A_297 = arith.addi %shift_left3A_295, %add3A_296 : i32
      %iota3A_298 = tpu.iota {dimensions = array<i32: 0>} : vector<16xi32>
      %add3A_299 = vector.broadcast %add3A_297 : i32 to vector<16xi32>
      %add3A_300 = arith.addi %add3A_299, %iota3A_298 : vector<16xi32>
      %mul3A_301 = arith.constant 128 : i32
      %mul3A_302 = arith.muli %add3A_66, %mul3A_301 : i32
      %add3A_303 = arith.constant 112 : i32
      %add3A_304 = arith.addi %mul3A_302, %add3A_303 : i32
      %get3A_305 = arith.index_cast %add3A_304 : i32 to index
      %get3A_306 = tpu.vector_load %arg5[%get3A_305] {strides = array<i32>} : memref<7168xi32, #tpu.memory_space<vmem>>, vector<16xi32>,
      %get3A_307 = vector.shape_cast %get3A_306 : vector<16xi32> to vector<16xi32>
      %shift_right_arithmetic3A_308 = arith.constant 3 : i32
      %shift_right_arithmetic3A_309 = vector.broadcast %shift_right_arithmetic3A_308 : i32 to vector<16xi32>
      %shift_right_arithmetic3A_310 = arith.shrsi %get3A_307, %shift_right_arithmetic3A_309 : vector<16xi32>
      %shift_left3A_311 = arith.constant 13 : i32
      %shift_left3A_312 = vector.broadcast %shift_left3A_311 : i32 to vector<16xi32>
      %shift_left3A_313 = arith.shli %shift_right_arithmetic3A_310, %shift_left3A_312 : vector<16xi32>
      %and3A_314 = arith.constant 7 : i32
      %and3A_315 = vector.broadcast %and3A_314 : i32 to vector<16xi32>
      %and3A_316 = arith.andi %get3A_307, %and3A_315 : vector<16xi32>
      %shift_left3A_317 = arith.constant 7 : i32
      %shift_left3A_318 = vector.broadcast %shift_left3A_317 : i32 to vector<16xi32>
      %shift_left3A_319 = arith.shli %and3A_316, %shift_left3A_318 : vector<16xi32>
      %add3A_320 = arith.addi %shift_left3A_313, %shift_left3A_319 : vector<16xi32>
      %add3A_321 = arith.addi %add3A_320, %add3A_300 : vector<16xi32>
      %swap3A_322 = arith.index_cast %add3A_66 : i32 to index
      %swap3A_323 = arith.constant 112 : index
      %swap3A_324 = tpu.vector_load %arg6[%swap3A_322, %swap3A_323] {strides = array<i32>} : memref<56x128xi32, #tpu.memory_space<vmem>>, vector<1x16xi32>,
      %swap3A_325 = vector.shape_cast %swap3A_324 : vector<1x16xi32> to vector<16xi32>
      %swap3A_326 = vector.shape_cast %add3A_321 : vector<16xi32> to vector<1x16xi32>
      tpu.vector_store %arg6[%swap3A_322, %swap3A_323], %swap3A_326 {strides = array<i32>} : memref<56x128xi32, #tpu.memory_space<vmem>>, vector<1x16xi32>,
      %dma_start3A = arith.constant 0 : i32
      %dma_start3A_327 = tpu.memref_slice %arg7[%add3A_66, %dma_start3A] : memref<56x128xf32, #tpu.memory_space<vmem>> -> memref<1x128xf32, #tpu.memory_space<vmem>>
      %dma_start3A_328 = tpu.memref_squeeze %dma_start3A_327 : memref<1x128xf32, #tpu.memory_space<vmem>> -> memref<128xf32, #tpu.memory_space<vmem>>
      %dma_start3A_329 = arith.constant 0 : i32
      %dma_start3A_330 = tpu.memref_slice %arg6[%add3A_66, %dma_start3A_329] : memref<56x128xi32, #tpu.memory_space<vmem>> -> memref<1x128xi32, #tpu.memory_space<vmem>>
      %dma_start3A_331 = tpu.memref_squeeze %dma_start3A_330 : memref<1x128xi32, #tpu.memory_space<vmem>> -> memref<128xi32, #tpu.memory_space<vmem>>
      %dma_start3A_332 = arith.constant 0 : i32
      %dma_start3A_333 = tpu.memref_slice %arg2[%dma_start3A_332] : memref<102400000xf32, #tpu.memory_space<hbm>> -> memref<102400000xf32, #tpu.memory_space<hbm>>
      tpu.enqueue_indirect_dma source(%dma_start3A_333 : memref<102400000xf32, #tpu.memory_space<hbm>>) target(%dma_start3A_328 : memref<128xf32, #tpu.memory_space<vmem>>) offsets(%dma_start3A_331 : memref<128xi32, #tpu.memory_space<vmem>>) semaphore(%arg8 : memref<!tpu.dma_semaphore, #tpu.memory_space<semaphore_mem>>)
      %mul3A_334 = arith.constant 8 : i32
      %mul3A_335 = arith.muli %while3A_62, %mul3A_334 : i32
      %add3A_336 = arith.constant 1 : i32
      %add3A_337 = arith.addi %mul3A_335, %add3A_336 : i32
      %shift_left3A_338 = arith.constant 10 : i32
      %shift_left3A_339 = arith.shli %and3A_1, %shift_left3A_338 : i32
      %add3A_340 = arith.constant 0 : i32
      %add3A_341 = arith.addi %shift_left3A_339, %add3A_340 : i32
      %iota3A_342 = tpu.iota {dimensions = array<i32: 0>} : vector<16xi32>
      %add3A_343 = vector.broadcast %add3A_341 : i32 to vector<16xi32>
      %add3A_344 = arith.addi %add3A_343, %iota3A_342 : vector<16xi32>
      %mul3A_345 = arith.constant 128 : i32
      %mul3A_346 = arith.muli %add3A_337, %mul3A_345 : i32
      %add3A_347 = arith.constant 0 : i32
      %add3A_348 = arith.addi %mul3A_346, %add3A_347 : i32
      %get3A_349 = arith.index_cast %add3A_348 : i32 to index
      %get3A_350 = tpu.vector_load %arg5[%get3A_349] {strides = array<i32>} : memref<7168xi32, #tpu.memory_space<vmem>>, vector<16xi32>,
      %get3A_351 = vector.shape_cast %get3A_350 : vector<16xi32> to vector<16xi32>
      %shift_right_arithmetic3A_352 = arith.constant 3 : i32
      %shift_right_arithmetic3A_353 = vector.broadcast %shift_right_arithmetic3A_352 : i32 to vector<16xi32>
      %shift_right_arithmetic3A_354 = arith.shrsi %get3A_351, %shift_right_arithmetic3A_353 : vector<16xi32>
      %shift_left3A_355 = arith.constant 13 : i32
      %shift_left3A_356 = vector.broadcast %shift_left3A_355 : i32 to vector<16xi32>
      %shift_left3A_357 = arith.shli %shift_right_arithmetic3A_354, %shift_left3A_356 : vector<16xi32>
      %and3A_358 = arith.constant 7 : i32
      %and3A_359 = vector.broadcast %and3A_358 : i32 to vector<16xi32>
      %and3A_360 = arith.andi %get3A_351, %and3A_359 : vector<16xi32>
      %shift_left3A_361 = arith.constant 7 : i32
      %shift_left3A_362 = vector.broadcast %shift_left3A_361 : i32 to vector<16xi32>
      %shift_left3A_363 = arith.shli %and3A_360, %shift_left3A_362 : vector<16xi32>
      %add3A_364 = arith.addi %shift_left3A_357, %shift_left3A_363 : vector<16xi32>
      %add3A_365 = arith.addi %add3A_364, %add3A_344 : vector<16xi32>
      %swap3A_366 = arith.index_cast %add3A_337 : i32 to index
      %swap3A_367 = arith.constant 0 : index
      %swap3A_368 = tpu.vector_load %arg6[%swap3A_366, %swap3A_367] {strides = array<i32>} : memref<56x128xi32, #tpu.memory_space<vmem>>, vector<1x16xi32>,
      %swap3A_369 = vector.shape_cast %swap3A_368 : vector<1x16xi32> to vector<16xi32>
      %swap3A_370 = vector.shape_cast %add3A_365 : vector<16xi32> to vector<1x16xi32>
      tpu.vector_store %arg6[%swap3A_366, %swap3A_367], %swap3A_370 {strides = array<i32>} : memref<56x128xi32, #tpu.memory_space<vmem>>, vector<1x16xi32>,
      %shift_left3A_371 = arith.constant 10 : i32
      %shift_left3A_372 = arith.shli %and3A_1, %shift_left3A_371 : i32
      %add3A_373 = arith.constant 16 : i32
      %add3A_374 = arith.addi %shift_left3A_372, %add3A_373 : i32
      %iota3A_375 = tpu.iota {dimensions = array<i32: 0>} : vector<16xi32>
      %add3A_376 = vector.broadcast %add3A_374 : i32 to vector<16xi32>
      %add3A_377 = arith.addi %add3A_376, %iota3A_375 : vector<16xi32>
      %mul3A_378 = arith.constant 128 : i32
      %mul3A_379 = arith.muli %add3A_337, %mul3A_378 : i32
      %add3A_380 = arith.constant 16 : i32
      %add3A_381 = arith.addi %mul3A_379, %add3A_380 : i32
      %get3A_382 = arith.index_cast %add3A_381 : i32 to index
      %get3A_383 = tpu.vector_load %arg5[%get3A_382] {strides = array<i32>} : memref<7168xi32, #tpu.memory_space<vmem>>, vector<16xi32>,
      %get3A_384 = vector.shape_cast %get3A_383 : vector<16xi32> to vector<16xi32>
      %shift_right_arithmetic3A_385 = arith.constant 3 : i32
      %shift_right_arithmetic3A_386 = vector.broadcast %shift_right_arithmetic3A_385 : i32 to vector<16xi32>
      %shift_right_arithmetic3A_387 = arith.shrsi %get3A_384, %shift_right_arithmetic3A_386 : vector<16xi32>
      %shift_left3A_388 = arith.constant 13 : i32
      %shift_left3A_389 = vector.broadcast %shift_left3A_388 : i32 to vector<16xi32>
      %shift_left3A_390 = arith.shli %shift_right_arithmetic3A_387, %shift_left3A_389 : vector<16xi32>
      %and3A_391 = arith.constant 7 : i32
      %and3A_392 = vector.broadcast %and3A_391 : i32 to vector<16xi32>
      %and3A_393 = arith.andi %get3A_384, %and3A_392 : vector<16xi32>
      %shift_left3A_394 = arith.constant 7 : i32
      %shift_left3A_395 = vector.broadcast %shift_left3A_394 : i32 to vector<16xi32>
      %shift_left3A_396 = arith.shli %and3A_393, %shift_left3A_395 : vector<16xi32>
      %add3A_397 = arith.addi %shift_left3A_390, %shift_left3A_396 : vector<16xi32>
      %add3A_398 = arith.addi %add3A_397, %add3A_377 : vector<16xi32>
      %swap3A_399 = arith.index_cast %add3A_337 : i32 to index
      %swap3A_400 = arith.constant 16 : index
      %swap3A_401 = tpu.vector_load %arg6[%swap3A_399, %swap3A_400] {strides = array<i32>} : memref<56x128xi32, #tpu.memory_space<vmem>>, vector<1x16xi32>,
      %swap3A_402 = vector.shape_cast %swap3A_401 : vector<1x16xi32> to vector<16xi32>
      %swap3A_403 = vector.shape_cast %add3A_398 : vector<16xi32> to vector<1x16xi32>
      tpu.vector_store %arg6[%swap3A_399, %swap3A_400], %swap3A_403 {strides = array<i32>} : memref<56x128xi32, #tpu.memory_space<vmem>>, vector<1x16xi32>,
      %shift_left3A_404 = arith.constant 10 : i32
      %shift_left3A_405 = arith.shli %and3A_1, %shift_left3A_404 : i32
      %add3A_406 = arith.constant 32 : i32
      %add3A_407 = arith.addi %shift_left3A_405, %add3A_406 : i32
      %iota3A_408 = tpu.iota {dimensions = array<i32: 0>} : vector<16xi32>
      %add3A_409 = vector.broadcast %add3A_407 : i32 to vector<16xi32>
      %add3A_410 = arith.addi %add3A_409, %iota3A_408 : vector<16xi32>
      %mul3A_411 = arith.constant 128 : i32
      %mul3A_412 = arith.muli %add3A_337, %mul3A_411 : i32
      %add3A_413 = arith.constant 32 : i32
      %add3A_414 = arith.addi %mul3A_412, %add3A_413 : i32
      %get3A_415 = arith.index_cast %add3A_414 : i32 to index
      %get3A_416 = tpu.vector_load %arg5[%get3A_415] {strides = array<i32>} : memref<7168xi32, #tpu.memory_space<vmem>>, vector<16xi32>,
      %get3A_417 = vector.shape_cast %get3A_416 : vector<16xi32> to vector<16xi32>
      %shift_right_arithmetic3A_418 = arith.constant 3 : i32
      %shift_right_arithmetic3A_419 = vector.broadcast %shift_right_arithmetic3A_418 : i32 to vector<16xi32>
      %shift_right_arithmetic3A_420 = arith.shrsi %get3A_417, %shift_right_arithmetic3A_419 : vector<16xi32>
      %shift_left3A_421 = arith.constant 13 : i32
      %shift_left3A_422 = vector.broadcast %shift_left3A_421 : i32 to vector<16xi32>
      %shift_left3A_423 = arith.shli %shift_right_arithmetic3A_420, %shift_left3A_422 : vector<16xi32>
      %and3A_424 = arith.constant 7 : i32
      %and3A_425 = vector.broadcast %and3A_424 : i32 to vector<16xi32>
      %and3A_426 = arith.andi %get3A_417, %and3A_425 : vector<16xi32>
      %shift_left3A_427 = arith.constant 7 : i32
      %shift_left3A_428 = vector.broadcast %shift_left3A_427 : i32 to vector<16xi32>
      %shift_left3A_429 = arith.shli %and3A_426, %shift_left3A_428 : vector<16xi32>
      %add3A_430 = arith.addi %shift_left3A_423, %shift_left3A_429 : vector<16xi32>
      %add3A_431 = arith.addi %add3A_430, %add3A_410 : vector<16xi32>
      %swap3A_432 = arith.index_cast %add3A_337 : i32 to index
      %swap3A_433 = arith.constant 32 : index
      %swap3A_434 = tpu.vector_load %arg6[%swap3A_432, %swap3A_433] {strides = array<i32>} : memref<56x128xi32, #tpu.memory_space<vmem>>, vector<1x16xi32>,
      %swap3A_435 = vector.shape_cast %swap3A_434 : vector<1x16xi32> to vector<16xi32>
      %swap3A_436 = vector.shape_cast %add3A_431 : vector<16xi32> to vector<1x16xi32>
      tpu.vector_store %arg6[%swap3A_432, %swap3A_433], %swap3A_436 {strides = array<i32>} : memref<56x128xi32, #tpu.memory_space<vmem>>, vector<1x16xi32>,
      %shift_left3A_437 = arith.constant 10 : i32
      %shift_left3A_438 = arith.shli %and3A_1, %shift_left3A_437 : i32
      %add3A_439 = arith.constant 48 : i32
      %add3A_440 = arith.addi %shift_left3A_438, %add3A_439 : i32
      %iota3A_441 = tpu.iota {dimensions = array<i32: 0>} : vector<16xi32>
      %add3A_442 = vector.broadcast %add3A_440 : i32 to vector<16xi32>
      %add3A_443 = arith.addi %add3A_442, %iota3A_441 : vector<16xi32>
      %mul3A_444 = arith.constant 128 : i32
      %mul3A_445 = arith.muli %add3A_337, %mul3A_444 : i32
      %add3A_446 = arith.constant 48 : i32
      %add3A_447 = arith.addi %mul3A_445, %add3A_446 : i32
      %get3A_448 = arith.index_cast %add3A_447 : i32 to index
      %get3A_449 = tpu.vector_load %arg5[%get3A_448] {strides = array<i32>} : memref<7168xi32, #tpu.memory_space<vmem>>, vector<16xi32>,
      %get3A_450 = vector.shape_cast %get3A_449 : vector<16xi32> to vector<16xi32>
      %shift_right_arithmetic3A_451 = arith.constant 3 : i32
      %shift_right_arithmetic3A_452 = vector.broadcast %shift_right_arithmetic3A_451 : i32 to vector<16xi32>
      %shift_right_arithmetic3A_453 = arith.shrsi %get3A_450, %shift_right_arithmetic3A_452 : vector<16xi32>
      %shift_left3A_454 = arith.constant 13 : i32
      %shift_left3A_455 = vector.broadcast %shift_left3A_454 : i32 to vector<16xi32>
      %shift_left3A_456 = arith.shli %shift_right_arithmetic3A_453, %shift_left3A_455 : vector<16xi32>
      %and3A_457 = arith.constant 7 : i32
      %and3A_458 = vector.broadcast %and3A_457 : i32 to vector<16xi32>
      %and3A_459 = arith.andi %get3A_450, %and3A_458 : vector<16xi32>
      %shift_left3A_460 = arith.constant 7 : i32
      %shift_left3A_461 = vector.broadcast %shift_left3A_460 : i32 to vector<16xi32>
      %shift_left3A_462 = arith.shli %and3A_459, %shift_left3A_461 : vector<16xi32>
      %add3A_463 = arith.addi %shift_left3A_456, %shift_left3A_462 : vector<16xi32>
      %add3A_464 = arith.addi %add3A_463, %add3A_443 : vector<16xi32>
      %swap3A_465 = arith.index_cast %add3A_337 : i32 to index
      %swap3A_466 = arith.constant 48 : index
      %swap3A_467 = tpu.vector_load %arg6[%swap3A_465, %swap3A_466] {strides = array<i32>} : memref<56x128xi32, #tpu.memory_space<vmem>>, vector<1x16xi32>,
      %swap3A_468 = vector.shape_cast %swap3A_467 : vector<1x16xi32> to vector<16xi32>
      %swap3A_469 = vector.shape_cast %add3A_464 : vector<16xi32> to vector<1x16xi32>
      tpu.vector_store %arg6[%swap3A_465, %swap3A_466], %swap3A_469 {strides = array<i32>} : memref<56x128xi32, #tpu.memory_space<vmem>>, vector<1x16xi32>,
      %shift_left3A_470 = arith.constant 10 : i32
      %shift_left3A_471 = arith.shli %and3A_1, %shift_left3A_470 : i32
      %add3A_472 = arith.constant 64 : i32
      %add3A_473 = arith.addi %shift_left3A_471, %add3A_472 : i32
      %iota3A_474 = tpu.iota {dimensions = array<i32: 0>} : vector<16xi32>
      %add3A_475 = vector.broadcast %add3A_473 : i32 to vector<16xi32>
      %add3A_476 = arith.addi %add3A_475, %iota3A_474 : vector<16xi32>
      %mul3A_477 = arith.constant 128 : i32
      %mul3A_478 = arith.muli %add3A_337, %mul3A_477 : i32
      %add3A_479 = arith.constant 64 : i32
      %add3A_480 = arith.addi %mul3A_478, %add3A_479 : i32
      %get3A_481 = arith.index_cast %add3A_480 : i32 to index
      %get3A_482 = tpu.vector_load %arg5[%get3A_481] {strides = array<i32>} : memref<7168xi32, #tpu.memory_space<vmem>>, vector<16xi32>,
      %get3A_483 = vector.shape_cast %get3A_482 : vector<16xi32> to vector<16xi32>
      %shift_right_arithmetic3A_484 = arith.constant 3 : i32
      %shift_right_arithmetic3A_485 = vector.broadcast %shift_right_arithmetic3A_484 : i32 to vector<16xi32>
      %shift_right_arithmetic3A_486 = arith.shrsi %get3A_483, %shift_right_arithmetic3A_485 : vector<16xi32>
      %shift_left3A_487 = arith.constant 13 : i32
      %shift_left3A_488 = vector.broadcast %shift_left3A_487 : i32 to vector<16xi32>
      %shift_left3A_489 = arith.shli %shift_right_arithmetic3A_486, %shift_left3A_488 : vector<16xi32>
      %and3A_490 = arith.constant 7 : i32
      %and3A_491 = vector.broadcast %and3A_490 : i32 to vector<16xi32>
      %and3A_492 = arith.andi %get3A_483, %and3A_491 : vector<16xi32>
      %shift_left3A_493 = arith.constant 7 : i32
      %shift_left3A_494 = vector.broadcast %shift_left3A_493 : i32 to vector<16xi32>
      %shift_left3A_495 = arith.shli %and3A_492, %shift_left3A_494 : vector<16xi32>
      %add3A_496 = arith.addi %shift_left3A_489, %shift_left3A_495 : vector<16xi32>
      %add3A_497 = arith.addi %add3A_496, %add3A_476 : vector<16xi32>
      %swap3A_498 = arith.index_cast %add3A_337 : i32 to index
      %swap3A_499 = arith.constant 64 : index
      %swap3A_500 = tpu.vector_load %arg6[%swap3A_498, %swap3A_499] {strides = array<i32>} : memref<56x128xi32, #tpu.memory_space<vmem>>, vector<1x16xi32>,
      %swap3A_501 = vector.shape_cast %swap3A_500 : vector<1x16xi32> to vector<16xi32>
      %swap3A_502 = vector.shape_cast %add3A_497 : vector<16xi32> to vector<1x16xi32>
      tpu.vector_store %arg6[%swap3A_498, %swap3A_499], %swap3A_502 {strides = array<i32>} : memref<56x128xi32, #tpu.memory_space<vmem>>, vector<1x16xi32>,
      %shift_left3A_503 = arith.constant 10 : i32
      %shift_left3A_504 = arith.shli %and3A_1, %shift_left3A_503 : i32
      %add3A_505 = arith.constant 80 : i32
      %add3A_506 = arith.addi %shift_left3A_504, %add3A_505 : i32
      %iota3A_507 = tpu.iota {dimensions = array<i32: 0>} : vector<16xi32>
      %add3A_508 = vector.broadcast %add3A_506 : i32 to vector<16xi32>
      %add3A_509 = arith.addi %add3A_508, %iota3A_507 : vector<16xi32>
      %mul3A_510 = arith.constant 128 : i32
      %mul3A_511 = arith.muli %add3A_337, %mul3A_510 : i32
      %add3A_512 = arith.constant 80 : i32
      %add3A_513 = arith.addi %mul3A_511, %add3A_512 : i32
      %get3A_514 = arith.index_cast %add3A_513 : i32 to index
      %get3A_515 = tpu.vector_load %arg5[%get3A_514] {strides = array<i32>} : memref<7168xi32, #tpu.memory_space<vmem>>, vector<16xi32>,
      %get3A_516 = vector.shape_cast %get3A_515 : vector<16xi32> to vector<16xi32>
      %shift_right_arithmetic3A_517 = arith.constant 3 : i32
      %shift_right_arithmetic3A_518 = vector.broadcast %shift_right_arithmetic3A_517 : i32 to vector<16xi32>
      %shift_right_arithmetic3A_519 = arith.shrsi %get3A_516, %shift_right_arithmetic3A_518 : vector<16xi32>
      %shift_left3A_520 = arith.constant 13 : i32
      %shift_left3A_521 = vector.broadcast %shift_left3A_520 : i32 to vector<16xi32>
      %shift_left3A_522 = arith.shli %shift_right_arithmetic3A_519, %shift_left3A_521 : vector<16xi32>
      %and3A_523 = arith.constant 7 : i32
      %and3A_524 = vector.broadcast %and3A_523 : i32 to vector<16xi32>
      %and3A_525 = arith.andi %get3A_516, %and3A_524 : vector<16xi32>
      %shift_left3A_526 = arith.constant 7 : i32
      %shift_left3A_527 = vector.broadcast %shift_left3A_526 : i32 to vector<16xi32>
      %shift_left3A_528 = arith.shli %and3A_525, %shift_left3A_527 : vector<16xi32>
      %add3A_529 = arith.addi %shift_left3A_522, %shift_left3A_528 : vector<16xi32>
      %add3A_530 = arith.addi %add3A_529, %add3A_509 : vector<16xi32>
      %swap3A_531 = arith.index_cast %add3A_337 : i32 to index
      %swap3A_532 = arith.constant 80 : index
      %swap3A_533 = tpu.vector_load %arg6[%swap3A_531, %swap3A_532] {strides = array<i32>} : memref<56x128xi32, #tpu.memory_space<vmem>>, vector<1x16xi32>,
      %swap3A_534 = vector.shape_cast %swap3A_533 : vector<1x16xi32> to vector<16xi32>
      %swap3A_535 = vector.shape_cast %add3A_530 : vector<16xi32> to vector<1x16xi32>
      tpu.vector_store %arg6[%swap3A_531, %swap3A_532], %swap3A_535 {strides = array<i32>} : memref<56x128xi32, #tpu.memory_space<vmem>>, vector<1x16xi32>,
      %shift_left3A_536 = arith.constant 10 : i32
      %shift_left3A_537 = arith.shli %and3A_1, %shift_left3A_536 : i32
      %add3A_538 = arith.constant 96 : i32
      %add3A_539 = arith.addi %shift_left3A_537, %add3A_538 : i32
      %iota3A_540 = tpu.iota {dimensions = array<i32: 0>} : vector<16xi32>
      %add3A_541 = vector.broadcast %add3A_539 : i32 to vector<16xi32>
      %add3A_542 = arith.addi %add3A_541, %iota3A_540 : vector<16xi32>
      %mul3A_543 = arith.constant 128 : i32
      %mul3A_544 = arith.muli %add3A_337, %mul3A_543 : i32
      %add3A_545 = arith.constant 96 : i32
      %add3A_546 = arith.addi %mul3A_544, %add3A_545 : i32
      %get3A_547 = arith.index_cast %add3A_546 : i32 to index
      %get3A_548 = tpu.vector_load %arg5[%get3A_547] {strides = array<i32>} : memref<7168xi32, #tpu.memory_space<vmem>>, vector<16xi32>,
      %get3A_549 = vector.shape_cast %get3A_548 : vector<16xi32> to vector<16xi32>
      %shift_right_arithmetic3A_550 = arith.constant 3 : i32
      %shift_right_arithmetic3A_551 = vector.broadcast %shift_right_arithmetic3A_550 : i32 to vector<16xi32>
      %shift_right_arithmetic3A_552 = arith.shrsi %get3A_549, %shift_right_arithmetic3A_551 : vector<16xi32>
      %shift_left3A_553 = arith.constant 13 : i32
      %shift_left3A_554 = vector.broadcast %shift_left3A_553 : i32 to vector<16xi32>
      %shift_left3A_555 = arith.shli %shift_right_arithmetic3A_552, %shift_left3A_554 : vector<16xi32>
      %and3A_556 = arith.constant 7 : i32
      %and3A_557 = vector.broadcast %and3A_556 : i32 to vector<16xi32>
      %and3A_558 = arith.andi %get3A_549, %and3A_557 : vector<16xi32>
      %shift_left3A_559 = arith.constant 7 : i32
      %shift_left3A_560 = vector.broadcast %shift_left3A_559 : i32 to vector<16xi32>
      %shift_left3A_561 = arith.shli %and3A_558, %shift_left3A_560 : vector<16xi32>
      %add3A_562 = arith.addi %shift_left3A_555, %shift_left3A_561 : vector<16xi32>
      %add3A_563 = arith.addi %add3A_562, %add3A_542 : vector<16xi32>
      %swap3A_564 = arith.index_cast %add3A_337 : i32 to index
      %swap3A_565 = arith.constant 96 : index
      %swap3A_566 = tpu.vector_load %arg6[%swap3A_564, %swap3A_565] {strides = array<i32>} : memref<56x128xi32, #tpu.memory_space<vmem>>, vector<1x16xi32>,
      %swap3A_567 = vector.shape_cast %swap3A_566 : vector<1x16xi32> to vector<16xi32>
      %swap3A_568 = vector.shape_cast %add3A_563 : vector<16xi32> to vector<1x16xi32>
      tpu.vector_store %arg6[%swap3A_564, %swap3A_565], %swap3A_568 {strides = array<i32>} : memref<56x128xi32, #tpu.memory_space<vmem>>, vector<1x16xi32>,
      %shift_left3A_569 = arith.constant 10 : i32
      %shift_left3A_570 = arith.shli %and3A_1, %shift_left3A_569 : i32
      %add3A_571 = arith.constant 112 : i32
      %add3A_572 = arith.addi %shift_left3A_570, %add3A_571 : i32
      %iota3A_573 = tpu.iota {dimensions = array<i32: 0>} : vector<16xi32>
      %add3A_574 = vector.broadcast %add3A_572 : i32 to vector<16xi32>
      %add3A_575 = arith.addi %add3A_574, %iota3A_573 : vector<16xi32>
      %mul3A_576 = arith.constant 128 : i32
      %mul3A_577 = arith.muli %add3A_337, %mul3A_576 : i32
      %add3A_578 = arith.constant 112 : i32
      %add3A_579 = arith.addi %mul3A_577, %add3A_578 : i32
      %get3A_580 = arith.index_cast %add3A_579 : i32 to index
      %get3A_581 = tpu.vector_load %arg5[%get3A_580] {strides = array<i32>} : memref<7168xi32, #tpu.memory_space<vmem>>, vector<16xi32>,
      %get3A_582 = vector.shape_cast %get3A_581 : vector<16xi32> to vector<16xi32>
      %shift_right_arithmetic3A_583 = arith.constant 3 : i32
      %shift_right_arithmetic3A_584 = vector.broadcast %shift_right_arithmetic3A_583 : i32 to vector<16xi32>
      %shift_right_arithmetic3A_585 = arith.shrsi %get3A_582, %shift_right_arithmetic3A_584 : vector<16xi32>
      %shift_left3A_586 = arith.constant 13 : i32
      %shift_left3A_587 = vector.broadcast %shift_left3A_586 : i32 to vector<16xi32>
      %shift_left3A_588 = arith.shli %shift_right_arithmetic3A_585, %shift_left3A_587 : vector<16xi32>
      %and3A_589 = arith.constant 7 : i32
      %and3A_590 = vector.broadcast %and3A_589 : i32 to vector<16xi32>
      %and3A_591 = arith.andi %get3A_582, %and3A_590 : vector<16xi32>
      %shift_left3A_592 = arith.constant 7 : i32
      %shift_left3A_593 = vector.broadcast %shift_left3A_592 : i32 to vector<16xi32>
      %shift_left3A_594 = arith.shli %and3A_591, %shift_left3A_593 : vector<16xi32>
      %add3A_595 = arith.addi %shift_left3A_588, %shift_left3A_594 : vector<16xi32>
      %add3A_596 = arith.addi %add3A_595, %add3A_575 : vector<16xi32>
      %swap3A_597 = arith.index_cast %add3A_337 : i32 to index
      %swap3A_598 = arith.constant 112 : index
      %swap3A_599 = tpu.vector_load %arg6[%swap3A_597, %swap3A_598] {strides = array<i32>} : memref<56x128xi32, #tpu.memory_space<vmem>>, vector<1x16xi32>,
      %swap3A_600 = vector.shape_cast %swap3A_599 : vector<1x16xi32> to vector<16xi32>
      %swap3A_601 = vector.shape_cast %add3A_596 : vector<16xi32> to vector<1x16xi32>
      tpu.vector_store %arg6[%swap3A_597, %swap3A_598], %swap3A_601 {strides = array<i32>} : memref<56x128xi32, #tpu.memory_space<vmem>>, vector<1x16xi32>,
      %dma_start3A_602 = arith.constant 0 : i32
      %dma_start3A_603 = tpu.memref_slice %arg7[%add3A_337, %dma_start3A_602] : memref<56x128xf32, #tpu.memory_space<vmem>> -> memref<1x128xf32, #tpu.memory_space<vmem>>
      %dma_start3A_604 = tpu.memref_squeeze %dma_start3A_603 : memref<1x128xf32, #tpu.memory_space<vmem>> -> memref<128xf32, #tpu.memory_space<vmem>>
      %dma_start3A_605 = arith.constant 0 : i32
      %dma_start3A_606 = tpu.memref_slice %arg6[%add3A_337, %dma_start3A_605] : memref<56x128xi32, #tpu.memory_space<vmem>> -> memref<1x128xi32, #tpu.memory_space<vmem>>
      %dma_start3A_607 = tpu.memref_squeeze %dma_start3A_606 : memref<1x128xi32, #tpu.memory_space<vmem>> -> memref<128xi32, #tpu.memory_space<vmem>>
      %dma_start3A_608 = arith.constant 0 : i32
      %dma_start3A_609 = tpu.memref_slice %arg2[%dma_start3A_608] : memref<102400000xf32, #tpu.memory_space<hbm>> -> memref<102400000xf32, #tpu.memory_space<hbm>>
      tpu.enqueue_indirect_dma source(%dma_start3A_609 : memref<102400000xf32, #tpu.memory_space<hbm>>) target(%dma_start3A_604 : memref<128xf32, #tpu.memory_space<vmem>>) offsets(%dma_start3A_607 : memref<128xi32, #tpu.memory_space<vmem>>) semaphore(%arg8 : memref<!tpu.dma_semaphore, #tpu.memory_space<semaphore_mem>>)
      %mul3A_610 = arith.constant 8 : i32
      %mul3A_611 = arith.muli %while3A_62, %mul3A_610 : i32
      %add3A_612 = arith.constant 2 : i32
      %add3A_613 = arith.addi %mul3A_611, %add3A_612 : i32
      %shift_left3A_614 = arith.constant 10 : i32
      %shift_left3A_615 = arith.shli %and3A_1, %shift_left3A_614 : i32
      %add3A_616 = arith.constant 0 : i32
      %add3A_617 = arith.addi %shift_left3A_615, %add3A_616 : i32
      %iota3A_618 = tpu.iota {dimensions = array<i32: 0>} : vector<16xi32>
      %add3A_619 = vector.broadcast %add3A_617 : i32 to vector<16xi32>
      %add3A_620 = arith.addi %add3A_619, %iota3A_618 : vector<16xi32>
      %mul3A_621 = arith.constant 128 : i32
      %mul3A_622 = arith.muli %add3A_613, %mul3A_621 : i32
      %add3A_623 = arith.constant 0 : i32
      %add3A_624 = arith.addi %mul3A_622, %add3A_623 : i32
      %get3A_625 = arith.index_cast %add3A_624 : i32 to index
      %get3A_626 = tpu.vector_load %arg5[%get3A_625] {strides = array<i32>} : memref<7168xi32, #tpu.memory_space<vmem>>, vector<16xi32>,
      %get3A_627 = vector.shape_cast %get3A_626 : vector<16xi32> to vector<16xi32>
      %shift_right_arithmetic3A_628 = arith.constant 3 : i32
      %shift_right_arithmetic3A_629 = vector.broadcast %shift_right_arithmetic3A_628 : i32 to vector<16xi32>
      %shift_right_arithmetic3A_630 = arith.shrsi %get3A_627, %shift_right_arithmetic3A_629 : vector<16xi32>
      %shift_left3A_631 = arith.constant 13 : i32
      %shift_left3A_632 = vector.broadcast %shift_left3A_631 : i32 to vector<16xi32>
      %shift_left3A_633 = arith.shli %shift_right_arithmetic3A_630, %shift_left3A_632 : vector<16xi32>
      %and3A_634 = arith.constant 7 : i32
      %and3A_635 = vector.broadcast %and3A_634 : i32 to vector<16xi32>
      %and3A_636 = arith.andi %get3A_627, %and3A_635 : vector<16xi32>
      %shift_left3A_637 = arith.constant 7 : i32
      %shift_left3A_638 = vector.broadcast %shift_left3A_637 : i32 to vector<16xi32>
      %shift_left3A_639 = arith.shli %and3A_636, %shift_left3A_638 : vector<16xi32>
      %add3A_640 = arith.addi %shift_left3A_633, %shift_left3A_639 : vector<16xi32>
      %add3A_641 = arith.addi %add3A_640, %add3A_620 : vector<16xi32>
      %swap3A_642 = arith.index_cast %add3A_613 : i32 to index
      %swap3A_643 = arith.constant 0 : index
      %swap3A_644 = tpu.vector_load %arg6[%swap3A_642, %swap3A_643] {strides = array<i32>} : memref<56x128xi32, #tpu.memory_space<vmem>>, vector<1x16xi32>,
      %swap3A_645 = vector.shape_cast %swap3A_644 : vector<1x16xi32> to vector<16xi32>
      %swap3A_646 = vector.shape_cast %add3A_641 : vector<16xi32> to vector<1x16xi32>
      tpu.vector_store %arg6[%swap3A_642, %swap3A_643], %swap3A_646 {strides = array<i32>} : memref<56x128xi32, #tpu.memory_space<vmem>>, vector<1x16xi32>,
      %shift_left3A_647 = arith.constant 10 : i32
      %shift_left3A_648 = arith.shli %and3A_1, %shift_left3A_647 : i32
      %add3A_649 = arith.constant 16 : i32
      %add3A_650 = arith.addi %shift_left3A_648, %add3A_649 : i32
      %iota3A_651 = tpu.iota {dimensions = array<i32: 0>} : vector<16xi32>
      %add3A_652 = vector.broadcast %add3A_650 : i32 to vector<16xi32>
      %add3A_653 = arith.addi %add3A_652, %iota3A_651 : vector<16xi32>
      %mul3A_654 = arith.constant 128 : i32
      %mul3A_655 = arith.muli %add3A_613, %mul3A_654 : i32
      %add3A_656 = arith.constant 16 : i32
      %add3A_657 = arith.addi %mul3A_655, %add3A_656 : i32
      %get3A_658 = arith.index_cast %add3A_657 : i32 to index
      %get3A_659 = tpu.vector_load %arg5[%get3A_658] {strides = array<i32>} : memref<7168xi32, #tpu.memory_space<vmem>>, vector<16xi32>,
      %get3A_660 = vector.shape_cast %get3A_659 : vector<16xi32> to vector<16xi32>
      %shift_right_arithmetic3A_661 = arith.constant 3 : i32
      %shift_right_arithmetic3A_662 = vector.broadcast %shift_right_arithmetic3A_661 : i32 to vector<16xi32>
      %shift_right_arithmetic3A_663 = arith.shrsi %get3A_660, %shift_right_arithmetic3A_662 : vector<16xi32>
      %shift_left3A_664 = arith.constant 13 : i32
      %shift_left3A_665 = vector.broadcast %shift_left3A_664 : i32 to vector<16xi32>
      %shift_left3A_666 = arith.shli %shift_right_arithmetic3A_663, %shift_left3A_665 : vector<16xi32>
      %and3A_667 = arith.constant 7 : i32
      %and3A_668 = vector.broadcast %and3A_667 : i32 to vector<16xi32>
      %and3A_669 = arith.andi %get3A_660, %and3A_668 : vector<16xi32>
      %shift_left3A_670 = arith.constant 7 : i32
      %shift_left3A_671 = vector.broadcast %shift_left3A_670 : i32 to vector<16xi32>
      %shift_left3A_672 = arith.shli %and3A_669, %shift_left3A_671 : vector<16xi32>
      %add3A_673 = arith.addi %shift_left3A_666, %shift_left3A_672 : vector<16xi32>
      %add3A_674 = arith.addi %add3A_673, %add3A_653 : vector<16xi32>
      %swap3A_675 = arith.index_cast %add3A_613 : i32 to index
      %swap3A_676 = arith.constant 16 : index
      %swap3A_677 = tpu.vector_load %arg6[%swap3A_675, %swap3A_676] {strides = array<i32>} : memref<56x128xi32, #tpu.memory_space<vmem>>, vector<1x16xi32>,
      %swap3A_678 = vector.shape_cast %swap3A_677 : vector<1x16xi32> to vector<16xi32>
      %swap3A_679 = vector.shape_cast %add3A_674 : vector<16xi32> to vector<1x16xi32>
      tpu.vector_store %arg6[%swap3A_675, %swap3A_676], %swap3A_679 {strides = array<i32>} : memref<56x128xi32, #tpu.memory_space<vmem>>, vector<1x16xi32>,
      %shift_left3A_680 = arith.constant 10 : i32
      %shift_left3A_681 = arith.shli %and3A_1, %shift_left3A_680 : i32
      %add3A_682 = arith.constant 32 : i32
      %add3A_683 = arith.addi %shift_left3A_681, %add3A_682 : i32
      %iota3A_684 = tpu.iota {dimensions = array<i32: 0>} : vector<16xi32>
      %add3A_685 = vector.broadcast %add3A_683 : i32 to vector<16xi32>
      %add3A_686 = arith.addi %add3A_685, %iota3A_684 : vector<16xi32>
      %mul3A_687 = arith.constant 128 : i32
      %mul3A_688 = arith.muli %add3A_613, %mul3A_687 : i32
      %add3A_689 = arith.constant 32 : i32
      %add3A_690 = arith.addi %mul3A_688, %add3A_689 : i32
      %get3A_691 = arith.index_cast %add3A_690 : i32 to index
      %get3A_692 = tpu.vector_load %arg5[%get3A_691] {strides = array<i32>} : memref<7168xi32, #tpu.memory_space<vmem>>, vector<16xi32>,
      %get3A_693 = vector.shape_cast %get3A_692 : vector<16xi32> to vector<16xi32>
      %shift_right_arithmetic3A_694 = arith.constant 3 : i32
      %shift_right_arithmetic3A_695 = vector.broadcast %shift_right_arithmetic3A_694 : i32 to vector<16xi32>
      %shift_right_arithmetic3A_696 = arith.shrsi %get3A_693, %shift_right_arithmetic3A_695 : vector<16xi32>
      %shift_left3A_697 = arith.constant 13 : i32
      %shift_left3A_698 = vector.broadcast %shift_left3A_697 : i32 to vector<16xi32>
      %shift_left3A_699 = arith.shli %shift_right_arithmetic3A_696, %shift_left3A_698 : vector<16xi32>
      %and3A_700 = arith.constant 7 : i32
      %and3A_701 = vector.broadcast %and3A_700 : i32 to vector<16xi32>
      %and3A_702 = arith.andi %get3A_693, %and3A_701 : vector<16xi32>
      %shift_left3A_703 = arith.constant 7 : i32
      %shift_left3A_704 = vector.broadcast %shift_left3A_703 : i32 to vector<16xi32>
      %shift_left3A_705 = arith.shli %and3A_702, %shift_left3A_704 : vector<16xi32>
      %add3A_706 = arith.addi %shift_left3A_699, %shift_left3A_705 : vector<16xi32>
      %add3A_707 = arith.addi %add3A_706, %add3A_686 : vector<16xi32>
      %swap3A_708 = arith.index_cast %add3A_613 : i32 to index
      %swap3A_709 = arith.constant 32 : index
      %swap3A_710 = tpu.vector_load %arg6[%swap3A_708, %swap3A_709] {strides = array<i32>} : memref<56x128xi32, #tpu.memory_space<vmem>>, vector<1x16xi32>,
      %swap3A_711 = vector.shape_cast %swap3A_710 : vector<1x16xi32> to vector<16xi32>
      %swap3A_712 = vector.shape_cast %add3A_707 : vector<16xi32> to vector<1x16xi32>
      tpu.vector_store %arg6[%swap3A_708, %swap3A_709], %swap3A_712 {strides = array<i32>} : memref<56x128xi32, #tpu.memory_space<vmem>>, vector<1x16xi32>,
      %shift_left3A_713 = arith.constant 10 : i32
      %shift_left3A_714 = arith.shli %and3A_1, %shift_left3A_713 : i32
      %add3A_715 = arith.constant 48 : i32
      %add3A_716 = arith.addi %shift_left3A_714, %add3A_715 : i32
      %iota3A_717 = tpu.iota {dimensions = array<i32: 0>} : vector<16xi32>
      %add3A_718 = vector.broadcast %add3A_716 : i32 to vector<16xi32>
      %add3A_719 = arith.addi %add3A_718, %iota3A_717 : vector<16xi32>
      %mul3A_720 = arith.constant 128 : i32
      %mul3A_721 = arith.muli %add3A_613, %mul3A_720 : i32
      %add3A_722 = arith.constant 48 : i32
      %add3A_723 = arith.addi %mul3A_721, %add3A_722 : i32
      %get3A_724 = arith.index_cast %add3A_723 : i32 to index
      %get3A_725 = tpu.vector_load %arg5[%get3A_724] {strides = array<i32>} : memref<7168xi32, #tpu.memory_space<vmem>>, vector<16xi32>,
      %get3A_726 = vector.shape_cast %get3A_725 : vector<16xi32> to vector<16xi32>
      %shift_right_arithmetic3A_727 = arith.constant 3 : i32
      %shift_right_arithmetic3A_728 = vector.broadcast %shift_right_arithmetic3A_727 : i32 to vector<16xi32>
      %shift_right_arithmetic3A_729 = arith.shrsi %get3A_726, %shift_right_arithmetic3A_728 : vector<16xi32>
      %shift_left3A_730 = arith.constant 13 : i32
      %shift_left3A_731 = vector.broadcast %shift_left3A_730 : i32 to vector<16xi32>
      %shift_left3A_732 = arith.shli %shift_right_arithmetic3A_729, %shift_left3A_731 : vector<16xi32>
      %and3A_733 = arith.constant 7 : i32
      %and3A_734 = vector.broadcast %and3A_733 : i32 to vector<16xi32>
      %and3A_735 = arith.andi %get3A_726, %and3A_734 : vector<16xi32>
      %shift_left3A_736 = arith.constant 7 : i32
      %shift_left3A_737 = vector.broadcast %shift_left3A_736 : i32 to vector<16xi32>
      %shift_left3A_738 = arith.shli %and3A_735, %shift_left3A_737 : vector<16xi32>
      %add3A_739 = arith.addi %shift_left3A_732, %shift_left3A_738 : vector<16xi32>
      %add3A_740 = arith.addi %add3A_739, %add3A_719 : vector<16xi32>
      %swap3A_741 = arith.index_cast %add3A_613 : i32 to index
      %swap3A_742 = arith.constant 48 : index
      %swap3A_743 = tpu.vector_load %arg6[%swap3A_741, %swap3A_742] {strides = array<i32>} : memref<56x128xi32, #tpu.memory_space<vmem>>, vector<1x16xi32>,
      %swap3A_744 = vector.shape_cast %swap3A_743 : vector<1x16xi32> to vector<16xi32>
      %swap3A_745 = vector.shape_cast %add3A_740 : vector<16xi32> to vector<1x16xi32>
      tpu.vector_store %arg6[%swap3A_741, %swap3A_742], %swap3A_745 {strides = array<i32>} : memref<56x128xi32, #tpu.memory_space<vmem>>, vector<1x16xi32>,
      %shift_left3A_746 = arith.constant 10 : i32
      %shift_left3A_747 = arith.shli %and3A_1, %shift_left3A_746 : i32
      %add3A_748 = arith.constant 64 : i32
      %add3A_749 = arith.addi %shift_left3A_747, %add3A_748 : i32
      %iota3A_750 = tpu.iota {dimensions = array<i32: 0>} : vector<16xi32>
      %add3A_751 = vector.broadcast %add3A_749 : i32 to vector<16xi32>
      %add3A_752 = arith.addi %add3A_751, %iota3A_750 : vector<16xi32>
      %mul3A_753 = arith.constant 128 : i32
      %mul3A_754 = arith.muli %add3A_613, %mul3A_753 : i32
      %add3A_755 = arith.constant 64 : i32
      %add3A_756 = arith.addi %mul3A_754, %add3A_755 : i32
      %get3A_757 = arith.index_cast %add3A_756 : i32 to index
      %get3A_758 = tpu.vector_load %arg5[%get3A_757] {strides = array<i32>} : memref<7168xi32, #tpu.memory_space<vmem>>, vector<16xi32>,
      %get3A_759 = vector.shape_cast %get3A_758 : vector<16xi32> to vector<16xi32>
      %shift_right_arithmetic3A_760 = arith.constant 3 : i32
      %shift_right_arithmetic3A_761 = vector.broadcast %shift_right_arithmetic3A_760 : i32 to vector<16xi32>
      %shift_right_arithmetic3A_762 = arith.shrsi %get3A_759, %shift_right_arithmetic3A_761 : vector<16xi32>
      %shift_left3A_763 = arith.constant 13 : i32
      %shift_left3A_764 = vector.broadcast %shift_left3A_763 : i32 to vector<16xi32>
      %shift_left3A_765 = arith.shli %shift_right_arithmetic3A_762, %shift_left3A_764 : vector<16xi32>
      %and3A_766 = arith.constant 7 : i32
      %and3A_767 = vector.broadcast %and3A_766 : i32 to vector<16xi32>
      %and3A_768 = arith.andi %get3A_759, %and3A_767 : vector<16xi32>
      %shift_left3A_769 = arith.constant 7 : i32
      %shift_left3A_770 = vector.broadcast %shift_left3A_769 : i32 to vector<16xi32>
      %shift_left3A_771 = arith.shli %and3A_768, %shift_left3A_770 : vector<16xi32>
      %add3A_772 = arith.addi %shift_left3A_765, %shift_left3A_771 : vector<16xi32>
      %add3A_773 = arith.addi %add3A_772, %add3A_752 : vector<16xi32>
      %swap3A_774 = arith.index_cast %add3A_613 : i32 to index
      %swap3A_775 = arith.constant 64 : index
      %swap3A_776 = tpu.vector_load %arg6[%swap3A_774, %swap3A_775] {strides = array<i32>} : memref<56x128xi32, #tpu.memory_space<vmem>>, vector<1x16xi32>,
      %swap3A_777 = vector.shape_cast %swap3A_776 : vector<1x16xi32> to vector<16xi32>
      %swap3A_778 = vector.shape_cast %add3A_773 : vector<16xi32> to vector<1x16xi32>
      tpu.vector_store %arg6[%swap3A_774, %swap3A_775], %swap3A_778 {strides = array<i32>} : memref<56x128xi32, #tpu.memory_space<vmem>>, vector<1x16xi32>,
      %shift_left3A_779 = arith.constant 10 : i32
      %shift_left3A_780 = arith.shli %and3A_1, %shift_left3A_779 : i32
      %add3A_781 = arith.constant 80 : i32
      %add3A_782 = arith.addi %shift_left3A_780, %add3A_781 : i32
      %iota3A_783 = tpu.iota {dimensions = array<i32: 0>} : vector<16xi32>
      %add3A_784 = vector.broadcast %add3A_782 : i32 to vector<16xi32>
      %add3A_785 = arith.addi %add3A_784, %iota3A_783 : vector<16xi32>
      %mul3A_786 = arith.constant 128 : i32
      %mul3A_787 = arith.muli %add3A_613, %mul3A_786 : i32
      %add3A_788 = arith.constant 80 : i32
      %add3A_789 = arith.addi %mul3A_787, %add3A_788 : i32
      %get3A_790 = arith.index_cast %add3A_789 : i32 to index
      %get3A_791 = tpu.vector_load %arg5[%get3A_790] {strides = array<i32>} : memref<7168xi32, #tpu.memory_space<vmem>>, vector<16xi32>,
      %get3A_792 = vector.shape_cast %get3A_791 : vector<16xi32> to vector<16xi32>
      %shift_right_arithmetic3A_793 = arith.constant 3 : i32
      %shift_right_arithmetic3A_794 = vector.broadcast %shift_right_arithmetic3A_793 : i32 to vector<16xi32>
      %shift_right_arithmetic3A_795 = arith.shrsi %get3A_792, %shift_right_arithmetic3A_794 : vector<16xi32>
      %shift_left3A_796 = arith.constant 13 : i32
      %shift_left3A_797 = vector.broadcast %shift_left3A_796 : i32 to vector<16xi32>
      %shift_left3A_798 = arith.shli %shift_right_arithmetic3A_795, %shift_left3A_797 : vector<16xi32>
      %and3A_799 = arith.constant 7 : i32
      %and3A_800 = vector.broadcast %and3A_799 : i32 to vector<16xi32>
      %and3A_801 = arith.andi %get3A_792, %and3A_800 : vector<16xi32>
      %shift_left3A_802 = arith.constant 7 : i32
      %shift_left3A_803 = vector.broadcast %shift_left3A_802 : i32 to vector<16xi32>
      %shift_left3A_804 = arith.shli %and3A_801, %shift_left3A_803 : vector<16xi32>
      %add3A_805 = arith.addi %shift_left3A_798, %shift_left3A_804 : vector<16xi32>
      %add3A_806 = arith.addi %add3A_805, %add3A_785 : vector<16xi32>
      %swap3A_807 = arith.index_cast %add3A_613 : i32 to index
      %swap3A_808 = arith.constant 80 : index
      %swap3A_809 = tpu.vector_load %arg6[%swap3A_807, %swap3A_808] {strides = array<i32>} : memref<56x128xi32, #tpu.memory_space<vmem>>, vector<1x16xi32>,
      %swap3A_810 = vector.shape_cast %swap3A_809 : vector<1x16xi32> to vector<16xi32>
      %swap3A_811 = vector.shape_cast %add3A_806 : vector<16xi32> to vector<1x16xi32>
      tpu.vector_store %arg6[%swap3A_807, %swap3A_808], %swap3A_811 {strides = array<i32>} : memref<56x128xi32, #tpu.memory_space<vmem>>, vector<1x16xi32>,
      %shift_left3A_812 = arith.constant 10 : i32
      %shift_left3A_813 = arith.shli %and3A_1, %shift_left3A_812 : i32
      %add3A_814 = arith.constant 96 : i32
      %add3A_815 = arith.addi %shift_left3A_813, %add3A_814 : i32
      %iota3A_816 = tpu.iota {dimensions = array<i32: 0>} : vector<16xi32>
      %add3A_817 = vector.broadcast %add3A_815 : i32 to vector<16xi32>
      %add3A_818 = arith.addi %add3A_817, %iota3A_816 : vector<16xi32>
      %mul3A_819 = arith.constant 128 : i32
      %mul3A_820 = arith.muli %add3A_613, %mul3A_819 : i32
      %add3A_821 = arith.constant 96 : i32
      %add3A_822 = arith.addi %mul3A_820, %add3A_821 : i32
      %get3A_823 = arith.index_cast %add3A_822 : i32 to index
      %get3A_824 = tpu.vector_load %arg5[%get3A_823] {strides = array<i32>} : memref<7168xi32, #tpu.memory_space<vmem>>, vector<16xi32>,
      %get3A_825 = vector.shape_cast %get3A_824 : vector<16xi32> to vector<16xi32>
      %shift_right_arithmetic3A_826 = arith.constant 3 : i32
      %shift_right_arithmetic3A_827 = vector.broadcast %shift_right_arithmetic3A_826 : i32 to vector<16xi32>
      %shift_right_arithmetic3A_828 = arith.shrsi %get3A_825, %shift_right_arithmetic3A_827 : vector<16xi32>
      %shift_left3A_829 = arith.constant 13 : i32
      %shift_left3A_830 = vector.broadcast %shift_left3A_829 : i32 to vector<16xi32>
      %shift_left3A_831 = arith.shli %shift_right_arithmetic3A_828, %shift_left3A_830 : vector<16xi32>
      %and3A_832 = arith.constant 7 : i32
      %and3A_833 = vector.broadcast %and3A_832 : i32 to vector<16xi32>
      %and3A_834 = arith.andi %get3A_825, %and3A_833 : vector<16xi32>
      %shift_left3A_835 = arith.constant 7 : i32
      %shift_left3A_836 = vector.broadcast %shift_left3A_835 : i32 to vector<16xi32>
      %shift_left3A_837 = arith.shli %and3A_834, %shift_left3A_836 : vector<16xi32>
      %add3A_838 = arith.addi %shift_left3A_831, %shift_left3A_837 : vector<16xi32>
      %add3A_839 = arith.addi %add3A_838, %add3A_818 : vector<16xi32>
      %swap3A_840 = arith.index_cast %add3A_613 : i32 to index
      %swap3A_841 = arith.constant 96 : index
      %swap3A_842 = tpu.vector_load %arg6[%swap3A_840, %swap3A_841] {strides = array<i32>} : memref<56x128xi32, #tpu.memory_space<vmem>>, vector<1x16xi32>,
      %swap3A_843 = vector.shape_cast %swap3A_842 : vector<1x16xi32> to vector<16xi32>
      %swap3A_844 = vector.shape_cast %add3A_839 : vector<16xi32> to vector<1x16xi32>
      tpu.vector_store %arg6[%swap3A_840, %swap3A_841], %swap3A_844 {strides = array<i32>} : memref<56x128xi32, #tpu.memory_space<vmem>>, vector<1x16xi32>,
      %shift_left3A_845 = arith.constant 10 : i32
      %shift_left3A_846 = arith.shli %and3A_1, %shift_left3A_845 : i32
      %add3A_847 = arith.constant 112 : i32
      %add3A_848 = arith.addi %shift_left3A_846, %add3A_847 : i32
      %iota3A_849 = tpu.iota {dimensions = array<i32: 0>} : vector<16xi32>
      %add3A_850 = vector.broadcast %add3A_848 : i32 to vector<16xi32>
      %add3A_851 = arith.addi %add3A_850, %iota3A_849 : vector<16xi32>
      %mul3A_852 = arith.constant 128 : i32
      %mul3A_853 = arith.muli %add3A_613, %mul3A_852 : i32
      %add3A_854 = arith.constant 112 : i32
      %add3A_855 = arith.addi %mul3A_853, %add3A_854 : i32
      %get3A_856 = arith.index_cast %add3A_855 : i32 to index
      %get3A_857 = tpu.vector_load %arg5[%get3A_856] {strides = array<i32>} : memref<7168xi32, #tpu.memory_space<vmem>>, vector<16xi32>,
      %get3A_858 = vector.shape_cast %get3A_857 : vector<16xi32> to vector<16xi32>
      %shift_right_arithmetic3A_859 = arith.constant 3 : i32
      %shift_right_arithmetic3A_860 = vector.broadcast %shift_right_arithmetic3A_859 : i32 to vector<16xi32>
      %shift_right_arithmetic3A_861 = arith.shrsi %get3A_858, %shift_right_arithmetic3A_860 : vector<16xi32>
      %shift_left3A_862 = arith.constant 13 : i32
      %shift_left3A_863 = vector.broadcast %shift_left3A_862 : i32 to vector<16xi32>
      %shift_left3A_864 = arith.shli %shift_right_arithmetic3A_861, %shift_left3A_863 : vector<16xi32>
      %and3A_865 = arith.constant 7 : i32
      %and3A_866 = vector.broadcast %and3A_865 : i32 to vector<16xi32>
      %and3A_867 = arith.andi %get3A_858, %and3A_866 : vector<16xi32>
      %shift_left3A_868 = arith.constant 7 : i32
      %shift_left3A_869 = vector.broadcast %shift_left3A_868 : i32 to vector<16xi32>
      %shift_left3A_870 = arith.shli %and3A_867, %shift_left3A_869 : vector<16xi32>
      %add3A_871 = arith.addi %shift_left3A_864, %shift_left3A_870 : vector<16xi32>
      %add3A_872 = arith.addi %add3A_871, %add3A_851 : vector<16xi32>
      %swap3A_873 = arith.index_cast %add3A_613 : i32 to index
      %swap3A_874 = arith.constant 112 : index
      %swap3A_875 = tpu.vector_load %arg6[%swap3A_873, %swap3A_874] {strides = array<i32>} : memref<56x128xi32, #tpu.memory_space<vmem>>, vector<1x16xi32>,
      %swap3A_876 = vector.shape_cast %swap3A_875 : vector<1x16xi32> to vector<16xi32>
      %swap3A_877 = vector.shape_cast %add3A_872 : vector<16xi32> to vector<1x16xi32>
      tpu.vector_store %arg6[%swap3A_873, %swap3A_874], %swap3A_877 {strides = array<i32>} : memref<56x128xi32, #tpu.memory_space<vmem>>, vector<1x16xi32>,
      %dma_start3A_878 = arith.constant 0 : i32
      %dma_start3A_879 = tpu.memref_slice %arg7[%add3A_613, %dma_start3A_878] : memref<56x128xf32, #tpu.memory_space<vmem>> -> memref<1x128xf32, #tpu.memory_space<vmem>>
      %dma_start3A_880 = tpu.memref_squeeze %dma_start3A_879 : memref<1x128xf32, #tpu.memory_space<vmem>> -> memref<128xf32, #tpu.memory_space<vmem>>
      %dma_start3A_881 = arith.constant 0 : i32
      %dma_start3A_882 = tpu.memref_slice %arg6[%add3A_613, %dma_start3A_881] : memref<56x128xi32, #tpu.memory_space<vmem>> -> memref<1x128xi32, #tpu.memory_space<vmem>>
      %dma_start3A_883 = tpu.memref_squeeze %dma_start3A_882 : memref<1x128xi32, #tpu.memory_space<vmem>> -> memref<128xi32, #tpu.memory_space<vmem>>
      %dma_start3A_884 = arith.constant 0 : i32
      %dma_start3A_885 = tpu.memref_slice %arg2[%dma_start3A_884] : memref<102400000xf32, #tpu.memory_space<hbm>> -> memref<102400000xf32, #tpu.memory_space<hbm>>
      tpu.enqueue_indirect_dma source(%dma_start3A_885 : memref<102400000xf32, #tpu.memory_space<hbm>>) target(%dma_start3A_880 : memref<128xf32, #tpu.memory_space<vmem>>) offsets(%dma_start3A_883 : memref<128xi32, #tpu.memory_space<vmem>>) semaphore(%arg8 : memref<!tpu.dma_semaphore, #tpu.memory_space<semaphore_mem>>)
      %mul3A_886 = arith.constant 8 : i32
      %mul3A_887 = arith.muli %while3A_62, %mul3A_886 : i32
      %add3A_888 = arith.constant 3 : i32
      %add3A_889 = arith.addi %mul3A_887, %add3A_888 : i32
      %shift_left3A_890 = arith.constant 10 : i32
      %shift_left3A_891 = arith.shli %and3A_1, %shift_left3A_890 : i32
      %add3A_892 = arith.constant 0 : i32
      %add3A_893 = arith.addi %shift_left3A_891, %add3A_892 : i32
      %iota3A_894 = tpu.iota {dimensions = array<i32: 0>} : vector<16xi32>
      %add3A_895 = vector.broadcast %add3A_893 : i32 to vector<16xi32>
      %add3A_896 = arith.addi %add3A_895, %iota3A_894 : vector<16xi32>
      %mul3A_897 = arith.constant 128 : i32
      %mul3A_898 = arith.muli %add3A_889, %mul3A_897 : i32
      %add3A_899 = arith.constant 0 : i32
      %add3A_900 = arith.addi %mul3A_898, %add3A_899 : i32
      %get3A_901 = arith.index_cast %add3A_900 : i32 to index
      %get3A_902 = tpu.vector_load %arg5[%get3A_901] {strides = array<i32>} : memref<7168xi32, #tpu.memory_space<vmem>>, vector<16xi32>,
      %get3A_903 = vector.shape_cast %get3A_902 : vector<16xi32> to vector<16xi32>
      %shift_right_arithmetic3A_904 = arith.constant 3 : i32
      %shift_right_arithmetic3A_905 = vector.broadcast %shift_right_arithmetic3A_904 : i32 to vector<16xi32>
      %shift_right_arithmetic3A_906 = arith.shrsi %get3A_903, %shift_right_arithmetic3A_905 : vector<16xi32>
      %shift_left3A_907 = arith.constant 13 : i32
      %shift_left3A_908 = vector.broadcast %shift_left3A_907 : i32 to vector<16xi32>
      %shift_left3A_909 = arith.shli %shift_right_arithmetic3A_906, %shift_left3A_908 : vector<16xi32>
      %and3A_910 = arith.constant 7 : i32
      %and3A_911 = vector.broadcast %and3A_910 : i32 to vector<16xi32>
      %and3A_912 = arith.andi %get3A_903, %and3A_911 : vector<16xi32>
      %shift_left3A_913 = arith.constant 7 : i32
      %shift_left3A_914 = vector.broadcast %shift_left3A_913 : i32 to vector<16xi32>
      %shift_left3A_915 = arith.shli %and3A_912, %shift_left3A_914 : vector<16xi32>
      %add3A_916 = arith.addi %shift_left3A_909, %shift_left3A_915 : vector<16xi32>
      %add3A_917 = arith.addi %add3A_916, %add3A_896 : vector<16xi32>
      %swap3A_918 = arith.index_cast %add3A_889 : i32 to index
      %swap3A_919 = arith.constant 0 : index
      %swap3A_920 = tpu.vector_load %arg6[%swap3A_918, %swap3A_919] {strides = array<i32>} : memref<56x128xi32, #tpu.memory_space<vmem>>, vector<1x16xi32>,
      %swap3A_921 = vector.shape_cast %swap3A_920 : vector<1x16xi32> to vector<16xi32>
      %swap3A_922 = vector.shape_cast %add3A_917 : vector<16xi32> to vector<1x16xi32>
      tpu.vector_store %arg6[%swap3A_918, %swap3A_919], %swap3A_922 {strides = array<i32>} : memref<56x128xi32, #tpu.memory_space<vmem>>, vector<1x16xi32>,
      %shift_left3A_923 = arith.constant 10 : i32
      %shift_left3A_924 = arith.shli %and3A_1, %shift_left3A_923 : i32
      %add3A_925 = arith.constant 16 : i32
      %add3A_926 = arith.addi %shift_left3A_924, %add3A_925 : i32
      %iota3A_927 = tpu.iota {dimensions = array<i32: 0>} : vector<16xi32>
      %add3A_928 = vector.broadcast %add3A_926 : i32 to vector<16xi32>
      %add3A_929 = arith.addi %add3A_928, %iota3A_927 : vector<16xi32>
      %mul3A_930 = arith.constant 128 : i32
      %mul3A_931 = arith.muli %add3A_889, %mul3A_930 : i32
      %add3A_932 = arith.constant 16 : i32
      %add3A_933 = arith.addi %mul3A_931, %add3A_932 : i32
      %get3A_934 = arith.index_cast %add3A_933 : i32 to index
      %get3A_935 = tpu.vector_load %arg5[%get3A_934] {strides = array<i32>} : memref<7168xi32, #tpu.memory_space<vmem>>, vector<16xi32>,
      %get3A_936 = vector.shape_cast %get3A_935 : vector<16xi32> to vector<16xi32>
      %shift_right_arithmetic3A_937 = arith.constant 3 : i32
      %shift_right_arithmetic3A_938 = vector.broadcast %shift_right_arithmetic3A_937 : i32 to vector<16xi32>
      %shift_right_arithmetic3A_939 = arith.shrsi %get3A_936, %shift_right_arithmetic3A_938 : vector<16xi32>
      %shift_left3A_940 = arith.constant 13 : i32
      %shift_left3A_941 = vector.broadcast %shift_left3A_940 : i32 to vector<16xi32>
      %shift_left3A_942 = arith.shli %shift_right_arithmetic3A_939, %shift_left3A_941 : vector<16xi32>
      %and3A_943 = arith.constant 7 : i32
      %and3A_944 = vector.broadcast %and3A_943 : i32 to vector<16xi32>
      %and3A_945 = arith.andi %get3A_936, %and3A_944 : vector<16xi32>
      %shift_left3A_946 = arith.constant 7 : i32
      %shift_left3A_947 = vector.broadcast %shift_left3A_946 : i32 to vector<16xi32>
      %shift_left3A_948 = arith.shli %and3A_945, %shift_left3A_947 : vector<16xi32>
      %add3A_949 = arith.addi %shift_left3A_942, %shift_left3A_948 : vector<16xi32>
      %add3A_950 = arith.addi %add3A_949, %add3A_929 : vector<16xi32>
      %swap3A_951 = arith.index_cast %add3A_889 : i32 to index
      %swap3A_952 = arith.constant 16 : index
      %swap3A_953 = tpu.vector_load %arg6[%swap3A_951, %swap3A_952] {strides = array<i32>} : memref<56x128xi32, #tpu.memory_space<vmem>>, vector<1x16xi32>,
      %swap3A_954 = vector.shape_cast %swap3A_953 : vector<1x16xi32> to vector<16xi32>
      %swap3A_955 = vector.shape_cast %add3A_950 : vector<16xi32> to vector<1x16xi32>
      tpu.vector_store %arg6[%swap3A_951, %swap3A_952], %swap3A_955 {strides = array<i32>} : memref<56x128xi32, #tpu.memory_space<vmem>>, vector<1x16xi32>,
      %shift_left3A_956 = arith.constant 10 : i32
      %shift_left3A_957 = arith.shli %and3A_1, %shift_left3A_956 : i32
      %add3A_958 = arith.constant 32 : i32
      %add3A_959 = arith.addi %shift_left3A_957, %add3A_958 : i32
      %iota3A_960 = tpu.iota {dimensions = array<i32: 0>} : vector<16xi32>
      %add3A_961 = vector.broadcast %add3A_959 : i32 to vector<16xi32>
      %add3A_962 = arith.addi %add3A_961, %iota3A_960 : vector<16xi32>
      %mul3A_963 = arith.constant 128 : i32
      %mul3A_964 = arith.muli %add3A_889, %mul3A_963 : i32
      %add3A_965 = arith.constant 32 : i32
      %add3A_966 = arith.addi %mul3A_964, %add3A_965 : i32
      %get3A_967 = arith.index_cast %add3A_966 : i32 to index
      %get3A_968 = tpu.vector_load %arg5[%get3A_967] {strides = array<i32>} : memref<7168xi32, #tpu.memory_space<vmem>>, vector<16xi32>,
      %get3A_969 = vector.shape_cast %get3A_968 : vector<16xi32> to vector<16xi32>
      %shift_right_arithmetic3A_970 = arith.constant 3 : i32
      %shift_right_arithmetic3A_971 = vector.broadcast %shift_right_arithmetic3A_970 : i32 to vector<16xi32>
      %shift_right_arithmetic3A_972 = arith.shrsi %get3A_969, %shift_right_arithmetic3A_971 : vector<16xi32>
      %shift_left3A_973 = arith.constant 13 : i32
      %shift_left3A_974 = vector.broadcast %shift_left3A_973 : i32 to vector<16xi32>
      %shift_left3A_975 = arith.shli %shift_right_arithmetic3A_972, %shift_left3A_974 : vector<16xi32>
      %and3A_976 = arith.constant 7 : i32
      %and3A_977 = vector.broadcast %and3A_976 : i32 to vector<16xi32>
      %and3A_978 = arith.andi %get3A_969, %and3A_977 : vector<16xi32>
      %shift_left3A_979 = arith.constant 7 : i32
      %shift_left3A_980 = vector.broadcast %shift_left3A_979 : i32 to vector<16xi32>
      %shift_left3A_981 = arith.shli %and3A_978, %shift_left3A_980 : vector<16xi32>
      %add3A_982 = arith.addi %shift_left3A_975, %shift_left3A_981 : vector<16xi32>
      %add3A_983 = arith.addi %add3A_982, %add3A_962 : vector<16xi32>
      %swap3A_984 = arith.index_cast %add3A_889 : i32 to index
      %swap3A_985 = arith.constant 32 : index
      %swap3A_986 = tpu.vector_load %arg6[%swap3A_984, %swap3A_985] {strides = array<i32>} : memref<56x128xi32, #tpu.memory_space<vmem>>, vector<1x16xi32>,
      %swap3A_987 = vector.shape_cast %swap3A_986 : vector<1x16xi32> to vector<16xi32>
      %swap3A_988 = vector.shape_cast %add3A_983 : vector<16xi32> to vector<1x16xi32>
      tpu.vector_store %arg6[%swap3A_984, %swap3A_985], %swap3A_988 {strides = array<i32>} : memref<56x128xi32, #tpu.memory_space<vmem>>, vector<1x16xi32>,
      %shift_left3A_989 = arith.constant 10 : i32
      %shift_left3A_990 = arith.shli %and3A_1, %shift_left3A_989 : i32
      %add3A_991 = arith.constant 48 : i32
      %add3A_992 = arith.addi %shift_left3A_990, %add3A_991 : i32
      %iota3A_993 = tpu.iota {dimensions = array<i32: 0>} : vector<16xi32>
      %add3A_994 = vector.broadcast %add3A_992 : i32 to vector<16xi32>
      %add3A_995 = arith.addi %add3A_994, %iota3A_993 : vector<16xi32>
      %mul3A_996 = arith.constant 128 : i32
      %mul3A_997 = arith.muli %add3A_889, %mul3A_996 : i32
      %add3A_998 = arith.constant 48 : i32
      %add3A_999 = arith.addi %mul3A_997, %add3A_998 : i32
      %get3A_1000 = arith.index_cast %add3A_999 : i32 to index
      %get3A_1001 = tpu.vector_load %arg5[%get3A_1000] {strides = array<i32>} : memref<7168xi32, #tpu.memory_space<vmem>>, vector<16xi32>,
      %get3A_1002 = vector.shape_cast %get3A_1001 : vector<16xi32> to vector<16xi32>
      %shift_right_arithmetic3A_1003 = arith.constant 3 : i32
      %shift_right_arithmetic3A_1004 = vector.broadcast %shift_right_arithmetic3A_1003 : i32 to vector<16xi32>
      %shift_right_arithmetic3A_1005 = arith.shrsi %get3A_1002, %shift_right_arithmetic3A_1004 : vector<16xi32>
      %shift_left3A_1006 = arith.constant 13 : i32
      %shift_left3A_1007 = vector.broadcast %shift_left3A_1006 : i32 to vector<16xi32>
      %shift_left3A_1008 = arith.shli %shift_right_arithmetic3A_1005, %shift_left3A_1007 : vector<16xi32>
      %and3A_1009 = arith.constant 7 : i32
      %and3A_1010 = vector.broadcast %and3A_1009 : i32 to vector<16xi32>
      %and3A_1011 = arith.andi %get3A_1002, %and3A_1010 : vector<16xi32>
      %shift_left3A_1012 = arith.constant 7 : i32
      %shift_left3A_1013 = vector.broadcast %shift_left3A_1012 : i32 to vector<16xi32>
      %shift_left3A_1014 = arith.shli %and3A_1011, %shift_left3A_1013 : vector<16xi32>
      %add3A_1015 = arith.addi %shift_left3A_1008, %shift_left3A_1014 : vector<16xi32>
      %add3A_1016 = arith.addi %add3A_1015, %add3A_995 : vector<16xi32>
      %swap3A_1017 = arith.index_cast %add3A_889 : i32 to index
      %swap3A_1018 = arith.constant 48 : index
      %swap3A_1019 = tpu.vector_load %arg6[%swap3A_1017, %swap3A_1018] {strides = array<i32>} : memref<56x128xi32, #tpu.memory_space<vmem>>, vector<1x16xi32>,
      %swap3A_1020 = vector.shape_cast %swap3A_1019 : vector<1x16xi32> to vector<16xi32>
      %swap3A_1021 = vector.shape_cast %add3A_1016 : vector<16xi32> to vector<1x16xi32>
      tpu.vector_store %arg6[%swap3A_1017, %swap3A_1018], %swap3A_1021 {strides = array<i32>} : memref<56x128xi32, #tpu.memory_space<vmem>>, vector<1x16xi32>,
      %shift_left3A_1022 = arith.constant 10 : i32
      %shift_left3A_1023 = arith.shli %and3A_1, %shift_left3A_1022 : i32
      %add3A_1024 = arith.constant 64 : i32
      %add3A_1025 = arith.addi %shift_left3A_1023, %add3A_1024 : i32
      %iota3A_1026 = tpu.iota {dimensions = array<i32: 0>} : vector<16xi32>
      %add3A_1027 = vector.broadcast %add3A_1025 : i32 to vector<16xi32>
      %add3A_1028 = arith.addi %add3A_1027, %iota3A_1026 : vector<16xi32>
      %mul3A_1029 = arith.constant 128 : i32
      %mul3A_1030 = arith.muli %add3A_889, %mul3A_1029 : i32
      %add3A_1031 = arith.constant 64 : i32
      %add3A_1032 = arith.addi %mul3A_1030, %add3A_1031 : i32
      %get3A_1033 = arith.index_cast %add3A_1032 : i32 to index
      %get3A_1034 = tpu.vector_load %arg5[%get3A_1033] {strides = array<i32>} : memref<7168xi32, #tpu.memory_space<vmem>>, vector<16xi32>,
      %get3A_1035 = vector.shape_cast %get3A_1034 : vector<16xi32> to vector<16xi32>
      %shift_right_arithmetic3A_1036 = arith.constant 3 : i32
      %shift_right_arithmetic3A_1037 = vector.broadcast %shift_right_arithmetic3A_1036 : i32 to vector<16xi32>
      %shift_right_arithmetic3A_1038 = arith.shrsi %get3A_1035, %shift_right_arithmetic3A_1037 : vector<16xi32>
      %shift_left3A_1039 = arith.constant 13 : i32
      %shift_left3A_1040 = vector.broadcast %shift_left3A_1039 : i32 to vector<16xi32>
      %shift_left3A_1041 = arith.shli %shift_right_arithmetic3A_1038, %shift_left3A_1040 : vector<16xi32>
      %and3A_1042 = arith.constant 7 : i32
      %and3A_1043 = vector.broadcast %and3A_1042 : i32 to vector<16xi32>
      %and3A_1044 = arith.andi %get3A_1035, %and3A_1043 : vector<16xi32>
      %shift_left3A_1045 = arith.constant 7 : i32
      %shift_left3A_1046 = vector.broadcast %shift_left3A_1045 : i32 to vector<16xi32>
      %shift_left3A_1047 = arith.shli %and3A_1044, %shift_left3A_1046 : vector<16xi32>
      %add3A_1048 = arith.addi %shift_left3A_1041, %shift_left3A_1047 : vector<16xi32>
      %add3A_1049 = arith.addi %add3A_1048, %add3A_1028 : vector<16xi32>
      %swap3A_1050 = arith.index_cast %add3A_889 : i32 to index
      %swap3A_1051 = arith.constant 64 : index
      %swap3A_1052 = tpu.vector_load %arg6[%swap3A_1050, %swap3A_1051] {strides = array<i32>} : memref<56x128xi32, #tpu.memory_space<vmem>>, vector<1x16xi32>,
      %swap3A_1053 = vector.shape_cast %swap3A_1052 : vector<1x16xi32> to vector<16xi32>
      %swap3A_1054 = vector.shape_cast %add3A_1049 : vector<16xi32> to vector<1x16xi32>
      tpu.vector_store %arg6[%swap3A_1050, %swap3A_1051], %swap3A_1054 {strides = array<i32>} : memref<56x128xi32, #tpu.memory_space<vmem>>, vector<1x16xi32>,
      %shift_left3A_1055 = arith.constant 10 : i32
      %shift_left3A_1056 = arith.shli %and3A_1, %shift_left3A_1055 : i32
      %add3A_1057 = arith.constant 80 : i32
      %add3A_1058 = arith.addi %shift_left3A_1056, %add3A_1057 : i32
      %iota3A_1059 = tpu.iota {dimensions = array<i32: 0>} : vector<16xi32>
      %add3A_1060 = vector.broadcast %add3A_1058 : i32 to vector<16xi32>
      %add3A_1061 = arith.addi %add3A_1060, %iota3A_1059 : vector<16xi32>
      %mul3A_1062 = arith.constant 128 : i32
      %mul3A_1063 = arith.muli %add3A_889, %mul3A_1062 : i32
      %add3A_1064 = arith.constant 80 : i32
      %add3A_1065 = arith.addi %mul3A_1063, %add3A_1064 : i32
      %get3A_1066 = arith.index_cast %add3A_1065 : i32 to index
      %get3A_1067 = tpu.vector_load %arg5[%get3A_1066] {strides = array<i32>} : memref<7168xi32, #tpu.memory_space<vmem>>, vector<16xi32>,
      %get3A_1068 = vector.shape_cast %get3A_1067 : vector<16xi32> to vector<16xi32>
      %shift_right_arithmetic3A_1069 = arith.constant 3 : i32
      %shift_right_arithmetic3A_1070 = vector.broadcast %shift_right_arithmetic3A_1069 : i32 to vector<16xi32>
      %shift_right_arithmetic3A_1071 = arith.shrsi %get3A_1068, %shift_right_arithmetic3A_1070 : vector<16xi32>
      %shift_left3A_1072 = arith.constant 13 : i32
      %shift_left3A_1073 = vector.broadcast %shift_left3A_1072 : i32 to vector<16xi32>
      %shift_left3A_1074 = arith.shli %shift_right_arithmetic3A_1071, %shift_left3A_1073 : vector<16xi32>
      %and3A_1075 = arith.constant 7 : i32
      %and3A_1076 = vector.broadcast %and3A_1075 : i32 to vector<16xi32>
      %and3A_1077 = arith.andi %get3A_1068, %and3A_1076 : vector<16xi32>
      %shift_left3A_1078 = arith.constant 7 : i32
      %shift_left3A_1079 = vector.broadcast %shift_left3A_1078 : i32 to vector<16xi32>
      %shift_left3A_1080 = arith.shli %and3A_1077, %shift_left3A_1079 : vector<16xi32>
      %add3A_1081 = arith.addi %shift_left3A_1074, %shift_left3A_1080 : vector<16xi32>
      %add3A_1082 = arith.addi %add3A_1081, %add3A_1061 : vector<16xi32>
      %swap3A_1083 = arith.index_cast %add3A_889 : i32 to index
      %swap3A_1084 = arith.constant 80 : index
      %swap3A_1085 = tpu.vector_load %arg6[%swap3A_1083, %swap3A_1084] {strides = array<i32>} : memref<56x128xi32, #tpu.memory_space<vmem>>, vector<1x16xi32>,
      %swap3A_1086 = vector.shape_cast %swap3A_1085 : vector<1x16xi32> to vector<16xi32>
      %swap3A_1087 = vector.shape_cast %add3A_1082 : vector<16xi32> to vector<1x16xi32>
      tpu.vector_store %arg6[%swap3A_1083, %swap3A_1084], %swap3A_1087 {strides = array<i32>} : memref<56x128xi32, #tpu.memory_space<vmem>>, vector<1x16xi32>,
      %shift_left3A_1088 = arith.constant 10 : i32
      %shift_left3A_1089 = arith.shli %and3A_1, %shift_left3A_1088 : i32
      %add3A_1090 = arith.constant 96 : i32
      %add3A_1091 = arith.addi %shift_left3A_1089, %add3A_1090 : i32
      %iota3A_1092 = tpu.iota {dimensions = array<i32: 0>} : vector<16xi32>
      %add3A_1093 = vector.broadcast %add3A_1091 : i32 to vector<16xi32>
      %add3A_1094 = arith.addi %add3A_1093, %iota3A_1092 : vector<16xi32>
      %mul3A_1095 = arith.constant 128 : i32
      %mul3A_1096 = arith.muli %add3A_889, %mul3A_1095 : i32
      %add3A_1097 = arith.constant 96 : i32
      %add3A_1098 = arith.addi %mul3A_1096, %add3A_1097 : i32
      %get3A_1099 = arith.index_cast %add3A_1098 : i32 to index
      %get3A_1100 = tpu.vector_load %arg5[%get3A_1099] {strides = array<i32>} : memref<7168xi32, #tpu.memory_space<vmem>>, vector<16xi32>,
      %get3A_1101 = vector.shape_cast %get3A_1100 : vector<16xi32> to vector<16xi32>
      %shift_right_arithmetic3A_1102 = arith.constant 3 : i32
      %shift_right_arithmetic3A_1103 = vector.broadcast %shift_right_arithmetic3A_1102 : i32 to vector<16xi32>
      %shift_right_arithmetic3A_1104 = arith.shrsi %get3A_1101, %shift_right_arithmetic3A_1103 : vector<16xi32>
      %shift_left3A_1105 = arith.constant 13 : i32
      %shift_left3A_1106 = vector.broadcast %shift_left3A_1105 : i32 to vector<16xi32>
      %shift_left3A_1107 = arith.shli %shift_right_arithmetic3A_1104, %shift_left3A_1106 : vector<16xi32>
      %and3A_1108 = arith.constant 7 : i32
      %and3A_1109 = vector.broadcast %and3A_1108 : i32 to vector<16xi32>
      %and3A_1110 = arith.andi %get3A_1101, %and3A_1109 : vector<16xi32>
      %shift_left3A_1111 = arith.constant 7 : i32
      %shift_left3A_1112 = vector.broadcast %shift_left3A_1111 : i32 to vector<16xi32>
      %shift_left3A_1113 = arith.shli %and3A_1110, %shift_left3A_1112 : vector<16xi32>
      %add3A_1114 = arith.addi %shift_left3A_1107, %shift_left3A_1113 : vector<16xi32>
      %add3A_1115 = arith.addi %add3A_1114, %add3A_1094 : vector<16xi32>
      %swap3A_1116 = arith.index_cast %add3A_889 : i32 to index
      %swap3A_1117 = arith.constant 96 : index
      %swap3A_1118 = tpu.vector_load %arg6[%swap3A_1116, %swap3A_1117] {strides = array<i32>} : memref<56x128xi32, #tpu.memory_space<vmem>>, vector<1x16xi32>,
      %swap3A_1119 = vector.shape_cast %swap3A_1118 : vector<1x16xi32> to vector<16xi32>
      %swap3A_1120 = vector.shape_cast %add3A_1115 : vector<16xi32> to vector<1x16xi32>
      tpu.vector_store %arg6[%swap3A_1116, %swap3A_1117], %swap3A_1120 {strides = array<i32>} : memref<56x128xi32, #tpu.memory_space<vmem>>, vector<1x16xi32>,
      %shift_left3A_1121 = arith.constant 10 : i32
      %shift_left3A_1122 = arith.shli %and3A_1, %shift_left3A_1121 : i32
      %add3A_1123 = arith.constant 112 : i32
      %add3A_1124 = arith.addi %shift_left3A_1122, %add3A_1123 : i32
      %iota3A_1125 = tpu.iota {dimensions = array<i32: 0>} : vector<16xi32>
      %add3A_1126 = vector.broadcast %add3A_1124 : i32 to vector<16xi32>
      %add3A_1127 = arith.addi %add3A_1126, %iota3A_1125 : vector<16xi32>
      %mul3A_1128 = arith.constant 128 : i32
      %mul3A_1129 = arith.muli %add3A_889, %mul3A_1128 : i32
      %add3A_1130 = arith.constant 112 : i32
      %add3A_1131 = arith.addi %mul3A_1129, %add3A_1130 : i32
      %get3A_1132 = arith.index_cast %add3A_1131 : i32 to index
      %get3A_1133 = tpu.vector_load %arg5[%get3A_1132] {strides = array<i32>} : memref<7168xi32, #tpu.memory_space<vmem>>, vector<16xi32>,
      %get3A_1134 = vector.shape_cast %get3A_1133 : vector<16xi32> to vector<16xi32>
      %shift_right_arithmetic3A_1135 = arith.constant 3 : i32
      %shift_right_arithmetic3A_1136 = vector.broadcast %shift_right_arithmetic3A_1135 : i32 to vector<16xi32>
      %shift_right_arithmetic3A_1137 = arith.shrsi %get3A_1134, %shift_right_arithmetic3A_1136 : vector<16xi32>
      %shift_left3A_1138 = arith.constant 13 : i32
      %shift_left3A_1139 = vector.broadcast %shift_left3A_1138 : i32 to vector<16xi32>
      %shift_left3A_1140 = arith.shli %shift_right_arithmetic3A_1137, %shift_left3A_1139 : vector<16xi32>
      %and3A_1141 = arith.constant 7 : i32
      %and3A_1142 = vector.broadcast %and3A_1141 : i32 to vector<16xi32>
      %and3A_1143 = arith.andi %get3A_1134, %and3A_1142 : vector<16xi32>
      %shift_left3A_1144 = arith.constant 7 : i32
      %shift_left3A_1145 = vector.broadcast %shift_left3A_1144 : i32 to vector<16xi32>
      %shift_left3A_1146 = arith.shli %and3A_1143, %shift_left3A_1145 : vector<16xi32>
      %add3A_1147 = arith.addi %shift_left3A_1140, %shift_left3A_1146 : vector<16xi32>
      %add3A_1148 = arith.addi %add3A_1147, %add3A_1127 : vector<16xi32>
      %swap3A_1149 = arith.index_cast %add3A_889 : i32 to index
      %swap3A_1150 = arith.constant 112 : index
      %swap3A_1151 = tpu.vector_load %arg6[%swap3A_1149, %swap3A_1150] {strides = array<i32>} : memref<56x128xi32, #tpu.memory_space<vmem>>, vector<1x16xi32>,
      %swap3A_1152 = vector.shape_cast %swap3A_1151 : vector<1x16xi32> to vector<16xi32>
      %swap3A_1153 = vector.shape_cast %add3A_1148 : vector<16xi32> to vector<1x16xi32>
      tpu.vector_store %arg6[%swap3A_1149, %swap3A_1150], %swap3A_1153 {strides = array<i32>} : memref<56x128xi32, #tpu.memory_space<vmem>>, vector<1x16xi32>,
      %dma_start3A_1154 = arith.constant 0 : i32
      %dma_start3A_1155 = tpu.memref_slice %arg7[%add3A_889, %dma_start3A_1154] : memref<56x128xf32, #tpu.memory_space<vmem>> -> memref<1x128xf32, #tpu.memory_space<vmem>>
      %dma_start3A_1156 = tpu.memref_squeeze %dma_start3A_1155 : memref<1x128xf32, #tpu.memory_space<vmem>> -> memref<128xf32, #tpu.memory_space<vmem>>
      %dma_start3A_1157 = arith.constant 0 : i32
      %dma_start3A_1158 = tpu.memref_slice %arg6[%add3A_889, %dma_start3A_1157] : memref<56x128xi32, #tpu.memory_space<vmem>> -> memref<1x128xi32, #tpu.memory_space<vmem>>
      %dma_start3A_1159 = tpu.memref_squeeze %dma_start3A_1158 : memref<1x128xi32, #tpu.memory_space<vmem>> -> memref<128xi32, #tpu.memory_space<vmem>>
      %dma_start3A_1160 = arith.constant 0 : i32
      %dma_start3A_1161 = tpu.memref_slice %arg2[%dma_start3A_1160] : memref<102400000xf32, #tpu.memory_space<hbm>> -> memref<102400000xf32, #tpu.memory_space<hbm>>
      tpu.enqueue_indirect_dma source(%dma_start3A_1161 : memref<102400000xf32, #tpu.memory_space<hbm>>) target(%dma_start3A_1156 : memref<128xf32, #tpu.memory_space<vmem>>) offsets(%dma_start3A_1159 : memref<128xi32, #tpu.memory_space<vmem>>) semaphore(%arg8 : memref<!tpu.dma_semaphore, #tpu.memory_space<semaphore_mem>>)
      %mul3A_1162 = arith.constant 8 : i32
      %mul3A_1163 = arith.muli %while3A_62, %mul3A_1162 : i32
      %add3A_1164 = arith.constant 4 : i32
      %add3A_1165 = arith.addi %mul3A_1163, %add3A_1164 : i32
      %shift_left3A_1166 = arith.constant 10 : i32
      %shift_left3A_1167 = arith.shli %and3A_1, %shift_left3A_1166 : i32
      %add3A_1168 = arith.constant 0 : i32
      %add3A_1169 = arith.addi %shift_left3A_1167, %add3A_1168 : i32
      %iota3A_1170 = tpu.iota {dimensions = array<i32: 0>} : vector<16xi32>
      %add3A_1171 = vector.broadcast %add3A_1169 : i32 to vector<16xi32>
      %add3A_1172 = arith.addi %add3A_1171, %iota3A_1170 : vector<16xi32>
      %mul3A_1173 = arith.constant 128 : i32
      %mul3A_1174 = arith.muli %add3A_1165, %mul3A_1173 : i32
      %add3A_1175 = arith.constant 0 : i32
      %add3A_1176 = arith.addi %mul3A_1174, %add3A_1175 : i32
      %get3A_1177 = arith.index_cast %add3A_1176 : i32 to index
      %get3A_1178 = tpu.vector_load %arg5[%get3A_1177] {strides = array<i32>} : memref<7168xi32, #tpu.memory_space<vmem>>, vector<16xi32>,
      %get3A_1179 = vector.shape_cast %get3A_1178 : vector<16xi32> to vector<16xi32>
      %shift_right_arithmetic3A_1180 = arith.constant 3 : i32
      %shift_right_arithmetic3A_1181 = vector.broadcast %shift_right_arithmetic3A_1180 : i32 to vector<16xi32>
      %shift_right_arithmetic3A_1182 = arith.shrsi %get3A_1179, %shift_right_arithmetic3A_1181 : vector<16xi32>
      %shift_left3A_1183 = arith.constant 13 : i32
      %shift_left3A_1184 = vector.broadcast %shift_left3A_1183 : i32 to vector<16xi32>
      %shift_left3A_1185 = arith.shli %shift_right_arithmetic3A_1182, %shift_left3A_1184 : vector<16xi32>
      %and3A_1186 = arith.constant 7 : i32
      %and3A_1187 = vector.broadcast %and3A_1186 : i32 to vector<16xi32>
      %and3A_1188 = arith.andi %get3A_1179, %and3A_1187 : vector<16xi32>
      %shift_left3A_1189 = arith.constant 7 : i32
      %shift_left3A_1190 = vector.broadcast %shift_left3A_1189 : i32 to vector<16xi32>
      %shift_left3A_1191 = arith.shli %and3A_1188, %shift_left3A_1190 : vector<16xi32>
      %add3A_1192 = arith.addi %shift_left3A_1185, %shift_left3A_1191 : vector<16xi32>
      %add3A_1193 = arith.addi %add3A_1192, %add3A_1172 : vector<16xi32>
      %swap3A_1194 = arith.index_cast %add3A_1165 : i32 to index
      %swap3A_1195 = arith.constant 0 : index
      %swap3A_1196 = tpu.vector_load %arg6[%swap3A_1194, %swap3A_1195] {strides = array<i32>} : memref<56x128xi32, #tpu.memory_space<vmem>>, vector<1x16xi32>,
      %swap3A_1197 = vector.shape_cast %swap3A_1196 : vector<1x16xi32> to vector<16xi32>
      %swap3A_1198 = vector.shape_cast %add3A_1193 : vector<16xi32> to vector<1x16xi32>
      tpu.vector_store %arg6[%swap3A_1194, %swap3A_1195], %swap3A_1198 {strides = array<i32>} : memref<56x128xi32, #tpu.memory_space<vmem>>, vector<1x16xi32>,
      %shift_left3A_1199 = arith.constant 10 : i32
      %shift_left3A_1200 = arith.shli %and3A_1, %shift_left3A_1199 : i32
      %add3A_1201 = arith.constant 16 : i32
      %add3A_1202 = arith.addi %shift_left3A_1200, %add3A_1201 : i32
      %iota3A_1203 = tpu.iota {dimensions = array<i32: 0>} : vector<16xi32>
      %add3A_1204 = vector.broadcast %add3A_1202 : i32 to vector<16xi32>
      %add3A_1205 = arith.addi %add3A_1204, %iota3A_1203 : vector<16xi32>
      %mul3A_1206 = arith.constant 128 : i32
      %mul3A_1207 = arith.muli %add3A_1165, %mul3A_1206 : i32
      %add3A_1208 = arith.constant 16 : i32
      %add3A_1209 = arith.addi %mul3A_1207, %add3A_1208 : i32
      %get3A_1210 = arith.index_cast %add3A_1209 : i32 to index
      %get3A_1211 = tpu.vector_load %arg5[%get3A_1210] {strides = array<i32>} : memref<7168xi32, #tpu.memory_space<vmem>>, vector<16xi32>,
      %get3A_1212 = vector.shape_cast %get3A_1211 : vector<16xi32> to vector<16xi32>
      %shift_right_arithmetic3A_1213 = arith.constant 3 : i32
      %shift_right_arithmetic3A_1214 = vector.broadcast %shift_right_arithmetic3A_1213 : i32 to vector<16xi32>
      %shift_right_arithmetic3A_1215 = arith.shrsi %get3A_1212, %shift_right_arithmetic3A_1214 : vector<16xi32>
      %shift_left3A_1216 = arith.constant 13 : i32
      %shift_left3A_1217 = vector.broadcast %shift_left3A_1216 : i32 to vector<16xi32>
      %shift_left3A_1218 = arith.shli %shift_right_arithmetic3A_1215, %shift_left3A_1217 : vector<16xi32>
      %and3A_1219 = arith.constant 7 : i32
      %and3A_1220 = vector.broadcast %and3A_1219 : i32 to vector<16xi32>
      %and3A_1221 = arith.andi %get3A_1212, %and3A_1220 : vector<16xi32>
      %shift_left3A_1222 = arith.constant 7 : i32
      %shift_left3A_1223 = vector.broadcast %shift_left3A_1222 : i32 to vector<16xi32>
      %shift_left3A_1224 = arith.shli %and3A_1221, %shift_left3A_1223 : vector<16xi32>
      %add3A_1225 = arith.addi %shift_left3A_1218, %shift_left3A_1224 : vector<16xi32>
      %add3A_1226 = arith.addi %add3A_1225, %add3A_1205 : vector<16xi32>
      %swap3A_1227 = arith.index_cast %add3A_1165 : i32 to index
      %swap3A_1228 = arith.constant 16 : index
      %swap3A_1229 = tpu.vector_load %arg6[%swap3A_1227, %swap3A_1228] {strides = array<i32>} : memref<56x128xi32, #tpu.memory_space<vmem>>, vector<1x16xi32>,
      %swap3A_1230 = vector.shape_cast %swap3A_1229 : vector<1x16xi32> to vector<16xi32>
      %swap3A_1231 = vector.shape_cast %add3A_1226 : vector<16xi32> to vector<1x16xi32>
      tpu.vector_store %arg6[%swap3A_1227, %swap3A_1228], %swap3A_1231 {strides = array<i32>} : memref<56x128xi32, #tpu.memory_space<vmem>>, vector<1x16xi32>,
      %shift_left3A_1232 = arith.constant 10 : i32
      %shift_left3A_1233 = arith.shli %and3A_1, %shift_left3A_1232 : i32
      %add3A_1234 = arith.constant 32 : i32
      %add3A_1235 = arith.addi %shift_left3A_1233, %add3A_1234 : i32
      %iota3A_1236 = tpu.iota {dimensions = array<i32: 0>} : vector<16xi32>
      %add3A_1237 = vector.broadcast %add3A_1235 : i32 to vector<16xi32>
      %add3A_1238 = arith.addi %add3A_1237, %iota3A_1236 : vector<16xi32>
      %mul3A_1239 = arith.constant 128 : i32
      %mul3A_1240 = arith.muli %add3A_1165, %mul3A_1239 : i32
      %add3A_1241 = arith.constant 32 : i32
      %add3A_1242 = arith.addi %mul3A_1240, %add3A_1241 : i32
      %get3A_1243 = arith.index_cast %add3A_1242 : i32 to index
      %get3A_1244 = tpu.vector_load %arg5[%get3A_1243] {strides = array<i32>} : memref<7168xi32, #tpu.memory_space<vmem>>, vector<16xi32>,
      %get3A_1245 = vector.shape_cast %get3A_1244 : vector<16xi32> to vector<16xi32>
      %shift_right_arithmetic3A_1246 = arith.constant 3 : i32
      %shift_right_arithmetic3A_1247 = vector.broadcast %shift_right_arithmetic3A_1246 : i32 to vector<16xi32>
      %shift_right_arithmetic3A_1248 = arith.shrsi %get3A_1245, %shift_right_arithmetic3A_1247 : vector<16xi32>
      %shift_left3A_1249 = arith.constant 13 : i32
      %shift_left3A_1250 = vector.broadcast %shift_left3A_1249 : i32 to vector<16xi32>
      %shift_left3A_1251 = arith.shli %shift_right_arithmetic3A_1248, %shift_left3A_1250 : vector<16xi32>
      %and3A_1252 = arith.constant 7 : i32
      %and3A_1253 = vector.broadcast %and3A_1252 : i32 to vector<16xi32>
      %and3A_1254 = arith.andi %get3A_1245, %and3A_1253 : vector<16xi32>
      %shift_left3A_1255 = arith.constant 7 : i32
      %shift_left3A_1256 = vector.broadcast %shift_left3A_1255 : i32 to vector<16xi32>
      %shift_left3A_1257 = arith.shli %and3A_1254, %shift_left3A_1256 : vector<16xi32>
      %add3A_1258 = arith.addi %shift_left3A_1251, %shift_left3A_1257 : vector<16xi32>
      %add3A_1259 = arith.addi %add3A_1258, %add3A_1238 : vector<16xi32>
      %swap3A_1260 = arith.index_cast %add3A_1165 : i32 to index
      %swap3A_1261 = arith.constant 32 : index
      %swap3A_1262 = tpu.vector_load %arg6[%swap3A_1260, %swap3A_1261] {strides = array<i32>} : memref<56x128xi32, #tpu.memory_space<vmem>>, vector<1x16xi32>,
      %swap3A_1263 = vector.shape_cast %swap3A_1262 : vector<1x16xi32> to vector<16xi32>
      %swap3A_1264 = vector.shape_cast %add3A_1259 : vector<16xi32> to vector<1x16xi32>
      tpu.vector_store %arg6[%swap3A_1260, %swap3A_1261], %swap3A_1264 {strides = array<i32>} : memref<56x128xi32, #tpu.memory_space<vmem>>, vector<1x16xi32>,
      %shift_left3A_1265 = arith.constant 10 : i32
      %shift_left3A_1266 = arith.shli %and3A_1, %shift_left3A_1265 : i32
      %add3A_1267 = arith.constant 48 : i32
      %add3A_1268 = arith.addi %shift_left3A_1266, %add3A_1267 : i32
      %iota3A_1269 = tpu.iota {dimensions = array<i32: 0>} : vector<16xi32>
      %add3A_1270 = vector.broadcast %add3A_1268 : i32 to vector<16xi32>
      %add3A_1271 = arith.addi %add3A_1270, %iota3A_1269 : vector<16xi32>
      %mul3A_1272 = arith.constant 128 : i32
      %mul3A_1273 = arith.muli %add3A_1165, %mul3A_1272 : i32
      %add3A_1274 = arith.constant 48 : i32
      %add3A_1275 = arith.addi %mul3A_1273, %add3A_1274 : i32
      %get3A_1276 = arith.index_cast %add3A_1275 : i32 to index
      %get3A_1277 = tpu.vector_load %arg5[%get3A_1276] {strides = array<i32>} : memref<7168xi32, #tpu.memory_space<vmem>>, vector<16xi32>,
      %get3A_1278 = vector.shape_cast %get3A_1277 : vector<16xi32> to vector<16xi32>
      %shift_right_arithmetic3A_1279 = arith.constant 3 : i32
      %shift_right_arithmetic3A_1280 = vector.broadcast %shift_right_arithmetic3A_1279 : i32 to vector<16xi32>
      %shift_right_arithmetic3A_1281 = arith.shrsi %get3A_1278, %shift_right_arithmetic3A_1280 : vector<16xi32>
      %shift_left3A_1282 = arith.constant 13 : i32
      %shift_left3A_1283 = vector.broadcast %shift_left3A_1282 : i32 to vector<16xi32>
      %shift_left3A_1284 = arith.shli %shift_right_arithmetic3A_1281, %shift_left3A_1283 : vector<16xi32>
      %and3A_1285 = arith.constant 7 : i32
      %and3A_1286 = vector.broadcast %and3A_1285 : i32 to vector<16xi32>
      %and3A_1287 = arith.andi %get3A_1278, %and3A_1286 : vector<16xi32>
      %shift_left3A_1288 = arith.constant 7 : i32
      %shift_left3A_1289 = vector.broadcast %shift_left3A_1288 : i32 to vector<16xi32>
      %shift_left3A_1290 = arith.shli %and3A_1287, %shift_left3A_1289 : vector<16xi32>
      %add3A_1291 = arith.addi %shift_left3A_1284, %shift_left3A_1290 : vector<16xi32>
      %add3A_1292 = arith.addi %add3A_1291, %add3A_1271 : vector<16xi32>
      %swap3A_1293 = arith.index_cast %add3A_1165 : i32 to index
      %swap3A_1294 = arith.constant 48 : index
      %swap3A_1295 = tpu.vector_load %arg6[%swap3A_1293, %swap3A_1294] {strides = array<i32>} : memref<56x128xi32, #tpu.memory_space<vmem>>, vector<1x16xi32>,
      %swap3A_1296 = vector.shape_cast %swap3A_1295 : vector<1x16xi32> to vector<16xi32>
      %swap3A_1297 = vector.shape_cast %add3A_1292 : vector<16xi32> to vector<1x16xi32>
      tpu.vector_store %arg6[%swap3A_1293, %swap3A_1294], %swap3A_1297 {strides = array<i32>} : memref<56x128xi32, #tpu.memory_space<vmem>>, vector<1x16xi32>,
      %shift_left3A_1298 = arith.constant 10 : i32
      %shift_left3A_1299 = arith.shli %and3A_1, %shift_left3A_1298 : i32
      %add3A_1300 = arith.constant 64 : i32
      %add3A_1301 = arith.addi %shift_left3A_1299, %add3A_1300 : i32
      %iota3A_1302 = tpu.iota {dimensions = array<i32: 0>} : vector<16xi32>
      %add3A_1303 = vector.broadcast %add3A_1301 : i32 to vector<16xi32>
      %add3A_1304 = arith.addi %add3A_1303, %iota3A_1302 : vector<16xi32>
      %mul3A_1305 = arith.constant 128 : i32
      %mul3A_1306 = arith.muli %add3A_1165, %mul3A_1305 : i32
      %add3A_1307 = arith.constant 64 : i32
      %add3A_1308 = arith.addi %mul3A_1306, %add3A_1307 : i32
      %get3A_1309 = arith.index_cast %add3A_1308 : i32 to index
      %get3A_1310 = tpu.vector_load %arg5[%get3A_1309] {strides = array<i32>} : memref<7168xi32, #tpu.memory_space<vmem>>, vector<16xi32>,
      %get3A_1311 = vector.shape_cast %get3A_1310 : vector<16xi32> to vector<16xi32>
      %shift_right_arithmetic3A_1312 = arith.constant 3 : i32
      %shift_right_arithmetic3A_1313 = vector.broadcast %shift_right_arithmetic3A_1312 : i32 to vector<16xi32>
      %shift_right_arithmetic3A_1314 = arith.shrsi %get3A_1311, %shift_right_arithmetic3A_1313 : vector<16xi32>
      %shift_left3A_1315 = arith.constant 13 : i32
      %shift_left3A_1316 = vector.broadcast %shift_left3A_1315 : i32 to vector<16xi32>
      %shift_left3A_1317 = arith.shli %shift_right_arithmetic3A_1314, %shift_left3A_1316 : vector<16xi32>
      %and3A_1318 = arith.constant 7 : i32
      %and3A_1319 = vector.broadcast %and3A_1318 : i32 to vector<16xi32>
      %and3A_1320 = arith.andi %get3A_1311, %and3A_1319 : vector<16xi32>
      %shift_left3A_1321 = arith.constant 7 : i32
      %shift_left3A_1322 = vector.broadcast %shift_left3A_1321 : i32 to vector<16xi32>
      %shift_left3A_1323 = arith.shli %and3A_1320, %shift_left3A_1322 : vector<16xi32>
      %add3A_1324 = arith.addi %shift_left3A_1317, %shift_left3A_1323 : vector<16xi32>
      %add3A_1325 = arith.addi %add3A_1324, %add3A_1304 : vector<16xi32>
      %swap3A_1326 = arith.index_cast %add3A_1165 : i32 to index
      %swap3A_1327 = arith.constant 64 : index
      %swap3A_1328 = tpu.vector_load %arg6[%swap3A_1326, %swap3A_1327] {strides = array<i32>} : memref<56x128xi32, #tpu.memory_space<vmem>>, vector<1x16xi32>,
      %swap3A_1329 = vector.shape_cast %swap3A_1328 : vector<1x16xi32> to vector<16xi32>
      %swap3A_1330 = vector.shape_cast %add3A_1325 : vector<16xi32> to vector<1x16xi32>
      tpu.vector_store %arg6[%swap3A_1326, %swap3A_1327], %swap3A_1330 {strides = array<i32>} : memref<56x128xi32, #tpu.memory_space<vmem>>, vector<1x16xi32>,
      %shift_left3A_1331 = arith.constant 10 : i32
      %shift_left3A_1332 = arith.shli %and3A_1, %shift_left3A_1331 : i32
      %add3A_1333 = arith.constant 80 : i32
      %add3A_1334 = arith.addi %shift_left3A_1332, %add3A_1333 : i32
      %iota3A_1335 = tpu.iota {dimensions = array<i32: 0>} : vector<16xi32>
      %add3A_1336 = vector.broadcast %add3A_1334 : i32 to vector<16xi32>
      %add3A_1337 = arith.addi %add3A_1336, %iota3A_1335 : vector<16xi32>
      %mul3A_1338 = arith.constant 128 : i32
      %mul3A_1339 = arith.muli %add3A_1165, %mul3A_1338 : i32
      %add3A_1340 = arith.constant 80 : i32
      %add3A_1341 = arith.addi %mul3A_1339, %add3A_1340 : i32
      %get3A_1342 = arith.index_cast %add3A_1341 : i32 to index
      %get3A_1343 = tpu.vector_load %arg5[%get3A_1342] {strides = array<i32>} : memref<7168xi32, #tpu.memory_space<vmem>>, vector<16xi32>,
      %get3A_1344 = vector.shape_cast %get3A_1343 : vector<16xi32> to vector<16xi32>
      %shift_right_arithmetic3A_1345 = arith.constant 3 : i32
      %shift_right_arithmetic3A_1346 = vector.broadcast %shift_right_arithmetic3A_1345 : i32 to vector<16xi32>
      %shift_right_arithmetic3A_1347 = arith.shrsi %get3A_1344, %shift_right_arithmetic3A_1346 : vector<16xi32>
      %shift_left3A_1348 = arith.constant 13 : i32
      %shift_left3A_1349 = vector.broadcast %shift_left3A_1348 : i32 to vector<16xi32>
      %shift_left3A_1350 = arith.shli %shift_right_arithmetic3A_1347, %shift_left3A_1349 : vector<16xi32>
      %and3A_1351 = arith.constant 7 : i32
      %and3A_1352 = vector.broadcast %and3A_1351 : i32 to vector<16xi32>
      %and3A_1353 = arith.andi %get3A_1344, %and3A_1352 : vector<16xi32>
      %shift_left3A_1354 = arith.constant 7 : i32
      %shift_left3A_1355 = vector.broadcast %shift_left3A_1354 : i32 to vector<16xi32>
      %shift_left3A_1356 = arith.shli %and3A_1353, %shift_left3A_1355 : vector<16xi32>
      %add3A_1357 = arith.addi %shift_left3A_1350, %shift_left3A_1356 : vector<16xi32>
      %add3A_1358 = arith.addi %add3A_1357, %add3A_1337 : vector<16xi32>
      %swap3A_1359 = arith.index_cast %add3A_1165 : i32 to index
      %swap3A_1360 = arith.constant 80 : index
      %swap3A_1361 = tpu.vector_load %arg6[%swap3A_1359, %swap3A_1360] {strides = array<i32>} : memref<56x128xi32, #tpu.memory_space<vmem>>, vector<1x16xi32>,
      %swap3A_1362 = vector.shape_cast %swap3A_1361 : vector<1x16xi32> to vector<16xi32>
      %swap3A_1363 = vector.shape_cast %add3A_1358 : vector<16xi32> to vector<1x16xi32>
      tpu.vector_store %arg6[%swap3A_1359, %swap3A_1360], %swap3A_1363 {strides = array<i32>} : memref<56x128xi32, #tpu.memory_space<vmem>>, vector<1x16xi32>,
      %shift_left3A_1364 = arith.constant 10 : i32
      %shift_left3A_1365 = arith.shli %and3A_1, %shift_left3A_1364 : i32
      %add3A_1366 = arith.constant 96 : i32
      %add3A_1367 = arith.addi %shift_left3A_1365, %add3A_1366 : i32
      %iota3A_1368 = tpu.iota {dimensions = array<i32: 0>} : vector<16xi32>
      %add3A_1369 = vector.broadcast %add3A_1367 : i32 to vector<16xi32>
      %add3A_1370 = arith.addi %add3A_1369, %iota3A_1368 : vector<16xi32>
      %mul3A_1371 = arith.constant 128 : i32
      %mul3A_1372 = arith.muli %add3A_1165, %mul3A_1371 : i32
      %add3A_1373 = arith.constant 96 : i32
      %add3A_1374 = arith.addi %mul3A_1372, %add3A_1373 : i32
      %get3A_1375 = arith.index_cast %add3A_1374 : i32 to index
      %get3A_1376 = tpu.vector_load %arg5[%get3A_1375] {strides = array<i32>} : memref<7168xi32, #tpu.memory_space<vmem>>, vector<16xi32>,
      %get3A_1377 = vector.shape_cast %get3A_1376 : vector<16xi32> to vector<16xi32>
      %shift_right_arithmetic3A_1378 = arith.constant 3 : i32
      %shift_right_arithmetic3A_1379 = vector.broadcast %shift_right_arithmetic3A_1378 : i32 to vector<16xi32>
      %shift_right_arithmetic3A_1380 = arith.shrsi %get3A_1377, %shift_right_arithmetic3A_1379 : vector<16xi32>
      %shift_left3A_1381 = arith.constant 13 : i32
      %shift_left3A_1382 = vector.broadcast %shift_left3A_1381 : i32 to vector<16xi32>
      %shift_left3A_1383 = arith.shli %shift_right_arithmetic3A_1380, %shift_left3A_1382 : vector<16xi32>
      %and3A_1384 = arith.constant 7 : i32
      %and3A_1385 = vector.broadcast %and3A_1384 : i32 to vector<16xi32>
      %and3A_1386 = arith.andi %get3A_1377, %and3A_1385 : vector<16xi32>
      %shift_left3A_1387 = arith.constant 7 : i32
      %shift_left3A_1388 = vector.broadcast %shift_left3A_1387 : i32 to vector<16xi32>
      %shift_left3A_1389 = arith.shli %and3A_1386, %shift_left3A_1388 : vector<16xi32>
      %add3A_1390 = arith.addi %shift_left3A_1383, %shift_left3A_1389 : vector<16xi32>
      %add3A_1391 = arith.addi %add3A_1390, %add3A_1370 : vector<16xi32>
      %swap3A_1392 = arith.index_cast %add3A_1165 : i32 to index
      %swap3A_1393 = arith.constant 96 : index
      %swap3A_1394 = tpu.vector_load %arg6[%swap3A_1392, %swap3A_1393] {strides = array<i32>} : memref<56x128xi32, #tpu.memory_space<vmem>>, vector<1x16xi32>,
      %swap3A_1395 = vector.shape_cast %swap3A_1394 : vector<1x16xi32> to vector<16xi32>
      %swap3A_1396 = vector.shape_cast %add3A_1391 : vector<16xi32> to vector<1x16xi32>
      tpu.vector_store %arg6[%swap3A_1392, %swap3A_1393], %swap3A_1396 {strides = array<i32>} : memref<56x128xi32, #tpu.memory_space<vmem>>, vector<1x16xi32>,
      %shift_left3A_1397 = arith.constant 10 : i32
      %shift_left3A_1398 = arith.shli %and3A_1, %shift_left3A_1397 : i32
      %add3A_1399 = arith.constant 112 : i32
      %add3A_1400 = arith.addi %shift_left3A_1398, %add3A_1399 : i32
      %iota3A_1401 = tpu.iota {dimensions = array<i32: 0>} : vector<16xi32>
      %add3A_1402 = vector.broadcast %add3A_1400 : i32 to vector<16xi32>
      %add3A_1403 = arith.addi %add3A_1402, %iota3A_1401 : vector<16xi32>
      %mul3A_1404 = arith.constant 128 : i32
      %mul3A_1405 = arith.muli %add3A_1165, %mul3A_1404 : i32
      %add3A_1406 = arith.constant 112 : i32
      %add3A_1407 = arith.addi %mul3A_1405, %add3A_1406 : i32
      %get3A_1408 = arith.index_cast %add3A_1407 : i32 to index
      %get3A_1409 = tpu.vector_load %arg5[%get3A_1408] {strides = array<i32>} : memref<7168xi32, #tpu.memory_space<vmem>>, vector<16xi32>,
      %get3A_1410 = vector.shape_cast %get3A_1409 : vector<16xi32> to vector<16xi32>
      %shift_right_arithmetic3A_1411 = arith.constant 3 : i32
      %shift_right_arithmetic3A_1412 = vector.broadcast %shift_right_arithmetic3A_1411 : i32 to vector<16xi32>
      %shift_right_arithmetic3A_1413 = arith.shrsi %get3A_1410, %shift_right_arithmetic3A_1412 : vector<16xi32>
      %shift_left3A_1414 = arith.constant 13 : i32
      %shift_left3A_1415 = vector.broadcast %shift_left3A_1414 : i32 to vector<16xi32>
      %shift_left3A_1416 = arith.shli %shift_right_arithmetic3A_1413, %shift_left3A_1415 : vector<16xi32>
      %and3A_1417 = arith.constant 7 : i32
      %and3A_1418 = vector.broadcast %and3A_1417 : i32 to vector<16xi32>
      %and3A_1419 = arith.andi %get3A_1410, %and3A_1418 : vector<16xi32>
      %shift_left3A_1420 = arith.constant 7 : i32
      %shift_left3A_1421 = vector.broadcast %shift_left3A_1420 : i32 to vector<16xi32>
      %shift_left3A_1422 = arith.shli %and3A_1419, %shift_left3A_1421 : vector<16xi32>
      %add3A_1423 = arith.addi %shift_left3A_1416, %shift_left3A_1422 : vector<16xi32>
      %add3A_1424 = arith.addi %add3A_1423, %add3A_1403 : vector<16xi32>
      %swap3A_1425 = arith.index_cast %add3A_1165 : i32 to index
      %swap3A_1426 = arith.constant 112 : index
      %swap3A_1427 = tpu.vector_load %arg6[%swap3A_1425, %swap3A_1426] {strides = array<i32>} : memref<56x128xi32, #tpu.memory_space<vmem>>, vector<1x16xi32>,
      %swap3A_1428 = vector.shape_cast %swap3A_1427 : vector<1x16xi32> to vector<16xi32>
      %swap3A_1429 = vector.shape_cast %add3A_1424 : vector<16xi32> to vector<1x16xi32>
      tpu.vector_store %arg6[%swap3A_1425, %swap3A_1426], %swap3A_1429 {strides = array<i32>} : memref<56x128xi32, #tpu.memory_space<vmem>>, vector<1x16xi32>,
      %dma_start3A_1430 = arith.constant 0 : i32
      %dma_start3A_1431 = tpu.memref_slice %arg7[%add3A_1165, %dma_start3A_1430] : memref<56x128xf32, #tpu.memory_space<vmem>> -> memref<1x128xf32, #tpu.memory_space<vmem>>
      %dma_start3A_1432 = tpu.memref_squeeze %dma_start3A_1431 : memref<1x128xf32, #tpu.memory_space<vmem>> -> memref<128xf32, #tpu.memory_space<vmem>>
      %dma_start3A_1433 = arith.constant 0 : i32
      %dma_start3A_1434 = tpu.memref_slice %arg6[%add3A_1165, %dma_start3A_1433] : memref<56x128xi32, #tpu.memory_space<vmem>> -> memref<1x128xi32, #tpu.memory_space<vmem>>
      %dma_start3A_1435 = tpu.memref_squeeze %dma_start3A_1434 : memref<1x128xi32, #tpu.memory_space<vmem>> -> memref<128xi32, #tpu.memory_space<vmem>>
      %dma_start3A_1436 = arith.constant 0 : i32
      %dma_start3A_1437 = tpu.memref_slice %arg2[%dma_start3A_1436] : memref<102400000xf32, #tpu.memory_space<hbm>> -> memref<102400000xf32, #tpu.memory_space<hbm>>
      tpu.enqueue_indirect_dma source(%dma_start3A_1437 : memref<102400000xf32, #tpu.memory_space<hbm>>) target(%dma_start3A_1432 : memref<128xf32, #tpu.memory_space<vmem>>) offsets(%dma_start3A_1435 : memref<128xi32, #tpu.memory_space<vmem>>) semaphore(%arg8 : memref<!tpu.dma_semaphore, #tpu.memory_space<semaphore_mem>>)
      %mul3A_1438 = arith.constant 8 : i32
      %mul3A_1439 = arith.muli %while3A_62, %mul3A_1438 : i32
      %add3A_1440 = arith.constant 5 : i32
      %add3A_1441 = arith.addi %mul3A_1439, %add3A_1440 : i32
      %shift_left3A_1442 = arith.constant 10 : i32
      %shift_left3A_1443 = arith.shli %and3A_1, %shift_left3A_1442 : i32
      %add3A_1444 = arith.constant 0 : i32
      %add3A_1445 = arith.addi %shift_left3A_1443, %add3A_1444 : i32
      %iota3A_1446 = tpu.iota {dimensions = array<i32: 0>} : vector<16xi32>
      %add3A_1447 = vector.broadcast %add3A_1445 : i32 to vector<16xi32>
      %add3A_1448 = arith.addi %add3A_1447, %iota3A_1446 : vector<16xi32>
      %mul3A_1449 = arith.constant 128 : i32
      %mul3A_1450 = arith.muli %add3A_1441, %mul3A_1449 : i32
      %add3A_1451 = arith.constant 0 : i32
      %add3A_1452 = arith.addi %mul3A_1450, %add3A_1451 : i32
      %get3A_1453 = arith.index_cast %add3A_1452 : i32 to index
      %get3A_1454 = tpu.vector_load %arg5[%get3A_1453] {strides = array<i32>} : memref<7168xi32, #tpu.memory_space<vmem>>, vector<16xi32>,
      %get3A_1455 = vector.shape_cast %get3A_1454 : vector<16xi32> to vector<16xi32>
      %shift_right_arithmetic3A_1456 = arith.constant 3 : i32
      %shift_right_arithmetic3A_1457 = vector.broadcast %shift_right_arithmetic3A_1456 : i32 to vector<16xi32>
      %shift_right_arithmetic3A_1458 = arith.shrsi %get3A_1455, %shift_right_arithmetic3A_1457 : vector<16xi32>
      %shift_left3A_1459 = arith.constant 13 : i32
      %shift_left3A_1460 = vector.broadcast %shift_left3A_1459 : i32 to vector<16xi32>
      %shift_left3A_1461 = arith.shli %shift_right_arithmetic3A_1458, %shift_left3A_1460 : vector<16xi32>
      %and3A_1462 = arith.constant 7 : i32
      %and3A_1463 = vector.broadcast %and3A_1462 : i32 to vector<16xi32>
      %and3A_1464 = arith.andi %get3A_1455, %and3A_1463 : vector<16xi32>
      %shift_left3A_1465 = arith.constant 7 : i32
      %shift_left3A_1466 = vector.broadcast %shift_left3A_1465 : i32 to vector<16xi32>
      %shift_left3A_1467 = arith.shli %and3A_1464, %shift_left3A_1466 : vector<16xi32>
      %add3A_1468 = arith.addi %shift_left3A_1461, %shift_left3A_1467 : vector<16xi32>
      %add3A_1469 = arith.addi %add3A_1468, %add3A_1448 : vector<16xi32>
      %swap3A_1470 = arith.index_cast %add3A_1441 : i32 to index
      %swap3A_1471 = arith.constant 0 : index
      %swap3A_1472 = tpu.vector_load %arg6[%swap3A_1470, %swap3A_1471] {strides = array<i32>} : memref<56x128xi32, #tpu.memory_space<vmem>>, vector<1x16xi32>,
      %swap3A_1473 = vector.shape_cast %swap3A_1472 : vector<1x16xi32> to vector<16xi32>
      %swap3A_1474 = vector.shape_cast %add3A_1469 : vector<16xi32> to vector<1x16xi32>
      tpu.vector_store %arg6[%swap3A_1470, %swap3A_1471], %swap3A_1474 {strides = array<i32>} : memref<56x128xi32, #tpu.memory_space<vmem>>, vector<1x16xi32>,
      %shift_left3A_1475 = arith.constant 10 : i32
      %shift_left3A_1476 = arith.shli %and3A_1, %shift_left3A_1475 : i32
      %add3A_1477 = arith.constant 16 : i32
      %add3A_1478 = arith.addi %shift_left3A_1476, %add3A_1477 : i32
      %iota3A_1479 = tpu.iota {dimensions = array<i32: 0>} : vector<16xi32>
      %add3A_1480 = vector.broadcast %add3A_1478 : i32 to vector<16xi32>
      %add3A_1481 = arith.addi %add3A_1480, %iota3A_1479 : vector<16xi32>
      %mul3A_1482 = arith.constant 128 : i32
      %mul3A_1483 = arith.muli %add3A_1441, %mul3A_1482 : i32
      %add3A_1484 = arith.constant 16 : i32
      %add3A_1485 = arith.addi %mul3A_1483, %add3A_1484 : i32
      %get3A_1486 = arith.index_cast %add3A_1485 : i32 to index
      %get3A_1487 = tpu.vector_load %arg5[%get3A_1486] {strides = array<i32>} : memref<7168xi32, #tpu.memory_space<vmem>>, vector<16xi32>,
      %get3A_1488 = vector.shape_cast %get3A_1487 : vector<16xi32> to vector<16xi32>
      %shift_right_arithmetic3A_1489 = arith.constant 3 : i32
      %shift_right_arithmetic3A_1490 = vector.broadcast %shift_right_arithmetic3A_1489 : i32 to vector<16xi32>
      %shift_right_arithmetic3A_1491 = arith.shrsi %get3A_1488, %shift_right_arithmetic3A_1490 : vector<16xi32>
      %shift_left3A_1492 = arith.constant 13 : i32
      %shift_left3A_1493 = vector.broadcast %shift_left3A_1492 : i32 to vector<16xi32>
      %shift_left3A_1494 = arith.shli %shift_right_arithmetic3A_1491, %shift_left3A_1493 : vector<16xi32>
      %and3A_1495 = arith.constant 7 : i32
      %and3A_1496 = vector.broadcast %and3A_1495 : i32 to vector<16xi32>
      %and3A_1497 = arith.andi %get3A_1488, %and3A_1496 : vector<16xi32>
      %shift_left3A_1498 = arith.constant 7 : i32
      %shift_left3A_1499 = vector.broadcast %shift_left3A_1498 : i32 to vector<16xi32>
      %shift_left3A_1500 = arith.shli %and3A_1497, %shift_left3A_1499 : vector<16xi32>
      %add3A_1501 = arith.addi %shift_left3A_1494, %shift_left3A_1500 : vector<16xi32>
      %add3A_1502 = arith.addi %add3A_1501, %add3A_1481 : vector<16xi32>
      %swap3A_1503 = arith.index_cast %add3A_1441 : i32 to index
      %swap3A_1504 = arith.constant 16 : index
      %swap3A_1505 = tpu.vector_load %arg6[%swap3A_1503, %swap3A_1504] {strides = array<i32>} : memref<56x128xi32, #tpu.memory_space<vmem>>, vector<1x16xi32>,
      %swap3A_1506 = vector.shape_cast %swap3A_1505 : vector<1x16xi32> to vector<16xi32>
      %swap3A_1507 = vector.shape_cast %add3A_1502 : vector<16xi32> to vector<1x16xi32>
      tpu.vector_store %arg6[%swap3A_1503, %swap3A_1504], %swap3A_1507 {strides = array<i32>} : memref<56x128xi32, #tpu.memory_space<vmem>>, vector<1x16xi32>,
      %shift_left3A_1508 = arith.constant 10 : i32
      %shift_left3A_1509 = arith.shli %and3A_1, %shift_left3A_1508 : i32
      %add3A_1510 = arith.constant 32 : i32
      %add3A_1511 = arith.addi %shift_left3A_1509, %add3A_1510 : i32
      %iota3A_1512 = tpu.iota {dimensions = array<i32: 0>} : vector<16xi32>
      %add3A_1513 = vector.broadcast %add3A_1511 : i32 to vector<16xi32>
      %add3A_1514 = arith.addi %add3A_1513, %iota3A_1512 : vector<16xi32>
      %mul3A_1515 = arith.constant 128 : i32
      %mul3A_1516 = arith.muli %add3A_1441, %mul3A_1515 : i32
      %add3A_1517 = arith.constant 32 : i32
      %add3A_1518 = arith.addi %mul3A_1516, %add3A_1517 : i32
      %get3A_1519 = arith.index_cast %add3A_1518 : i32 to index
      %get3A_1520 = tpu.vector_load %arg5[%get3A_1519] {strides = array<i32>} : memref<7168xi32, #tpu.memory_space<vmem>>, vector<16xi32>,
      %get3A_1521 = vector.shape_cast %get3A_1520 : vector<16xi32> to vector<16xi32>
      %shift_right_arithmetic3A_1522 = arith.constant 3 : i32
      %shift_right_arithmetic3A_1523 = vector.broadcast %shift_right_arithmetic3A_1522 : i32 to vector<16xi32>
      %shift_right_arithmetic3A_1524 = arith.shrsi %get3A_1521, %shift_right_arithmetic3A_1523 : vector<16xi32>
      %shift_left3A_1525 = arith.constant 13 : i32
      %shift_left3A_1526 = vector.broadcast %shift_left3A_1525 : i32 to vector<16xi32>
      %shift_left3A_1527 = arith.shli %shift_right_arithmetic3A_1524, %shift_left3A_1526 : vector<16xi32>
      %and3A_1528 = arith.constant 7 : i32
      %and3A_1529 = vector.broadcast %and3A_1528 : i32 to vector<16xi32>
      %and3A_1530 = arith.andi %get3A_1521, %and3A_1529 : vector<16xi32>
      %shift_left3A_1531 = arith.constant 7 : i32
      %shift_left3A_1532 = vector.broadcast %shift_left3A_1531 : i32 to vector<16xi32>
      %shift_left3A_1533 = arith.shli %and3A_1530, %shift_left3A_1532 : vector<16xi32>
      %add3A_1534 = arith.addi %shift_left3A_1527, %shift_left3A_1533 : vector<16xi32>
      %add3A_1535 = arith.addi %add3A_1534, %add3A_1514 : vector<16xi32>
      %swap3A_1536 = arith.index_cast %add3A_1441 : i32 to index
      %swap3A_1537 = arith.constant 32 : index
      %swap3A_1538 = tpu.vector_load %arg6[%swap3A_1536, %swap3A_1537] {strides = array<i32>} : memref<56x128xi32, #tpu.memory_space<vmem>>, vector<1x16xi32>,
      %swap3A_1539 = vector.shape_cast %swap3A_1538 : vector<1x16xi32> to vector<16xi32>
      %swap3A_1540 = vector.shape_cast %add3A_1535 : vector<16xi32> to vector<1x16xi32>
      tpu.vector_store %arg6[%swap3A_1536, %swap3A_1537], %swap3A_1540 {strides = array<i32>} : memref<56x128xi32, #tpu.memory_space<vmem>>, vector<1x16xi32>,
      %shift_left3A_1541 = arith.constant 10 : i32
      %shift_left3A_1542 = arith.shli %and3A_1, %shift_left3A_1541 : i32
      %add3A_1543 = arith.constant 48 : i32
      %add3A_1544 = arith.addi %shift_left3A_1542, %add3A_1543 : i32
      %iota3A_1545 = tpu.iota {dimensions = array<i32: 0>} : vector<16xi32>
      %add3A_1546 = vector.broadcast %add3A_1544 : i32 to vector<16xi32>
      %add3A_1547 = arith.addi %add3A_1546, %iota3A_1545 : vector<16xi32>
      %mul3A_1548 = arith.constant 128 : i32
      %mul3A_1549 = arith.muli %add3A_1441, %mul3A_1548 : i32
      %add3A_1550 = arith.constant 48 : i32
      %add3A_1551 = arith.addi %mul3A_1549, %add3A_1550 : i32
      %get3A_1552 = arith.index_cast %add3A_1551 : i32 to index
      %get3A_1553 = tpu.vector_load %arg5[%get3A_1552] {strides = array<i32>} : memref<7168xi32, #tpu.memory_space<vmem>>, vector<16xi32>,
      %get3A_1554 = vector.shape_cast %get3A_1553 : vector<16xi32> to vector<16xi32>
      %shift_right_arithmetic3A_1555 = arith.constant 3 : i32
      %shift_right_arithmetic3A_1556 = vector.broadcast %shift_right_arithmetic3A_1555 : i32 to vector<16xi32>
      %shift_right_arithmetic3A_1557 = arith.shrsi %get3A_1554, %shift_right_arithmetic3A_1556 : vector<16xi32>
      %shift_left3A_1558 = arith.constant 13 : i32
      %shift_left3A_1559 = vector.broadcast %shift_left3A_1558 : i32 to vector<16xi32>
      %shift_left3A_1560 = arith.shli %shift_right_arithmetic3A_1557, %shift_left3A_1559 : vector<16xi32>
      %and3A_1561 = arith.constant 7 : i32
      %and3A_1562 = vector.broadcast %and3A_1561 : i32 to vector<16xi32>
      %and3A_1563 = arith.andi %get3A_1554, %and3A_1562 : vector<16xi32>
      %shift_left3A_1564 = arith.constant 7 : i32
      %shift_left3A_1565 = vector.broadcast %shift_left3A_1564 : i32 to vector<16xi32>
      %shift_left3A_1566 = arith.shli %and3A_1563, %shift_left3A_1565 : vector<16xi32>
      %add3A_1567 = arith.addi %shift_left3A_1560, %shift_left3A_1566 : vector<16xi32>
      %add3A_1568 = arith.addi %add3A_1567, %add3A_1547 : vector<16xi32>
      %swap3A_1569 = arith.index_cast %add3A_1441 : i32 to index
      %swap3A_1570 = arith.constant 48 : index
      %swap3A_1571 = tpu.vector_load %arg6[%swap3A_1569, %swap3A_1570] {strides = array<i32>} : memref<56x128xi32, #tpu.memory_space<vmem>>, vector<1x16xi32>,
      %swap3A_1572 = vector.shape_cast %swap3A_1571 : vector<1x16xi32> to vector<16xi32>
      %swap3A_1573 = vector.shape_cast %add3A_1568 : vector<16xi32> to vector<1x16xi32>
      tpu.vector_store %arg6[%swap3A_1569, %swap3A_1570], %swap3A_1573 {strides = array<i32>} : memref<56x128xi32, #tpu.memory_space<vmem>>, vector<1x16xi32>,
      %shift_left3A_1574 = arith.constant 10 : i32
      %shift_left3A_1575 = arith.shli %and3A_1, %shift_left3A_1574 : i32
      %add3A_1576 = arith.constant 64 : i32
      %add3A_1577 = arith.addi %shift_left3A_1575, %add3A_1576 : i32
      %iota3A_1578 = tpu.iota {dimensions = array<i32: 0>} : vector<16xi32>
      %add3A_1579 = vector.broadcast %add3A_1577 : i32 to vector<16xi32>
      %add3A_1580 = arith.addi %add3A_1579, %iota3A_1578 : vector<16xi32>
      %mul3A_1581 = arith.constant 128 : i32
      %mul3A_1582 = arith.muli %add3A_1441, %mul3A_1581 : i32
      %add3A_1583 = arith.constant 64 : i32
      %add3A_1584 = arith.addi %mul3A_1582, %add3A_1583 : i32
      %get3A_1585 = arith.index_cast %add3A_1584 : i32 to index
      %get3A_1586 = tpu.vector_load %arg5[%get3A_1585] {strides = array<i32>} : memref<7168xi32, #tpu.memory_space<vmem>>, vector<16xi32>,
      %get3A_1587 = vector.shape_cast %get3A_1586 : vector<16xi32> to vector<16xi32>
      %shift_right_arithmetic3A_1588 = arith.constant 3 : i32
      %shift_right_arithmetic3A_1589 = vector.broadcast %shift_right_arithmetic3A_1588 : i32 to vector<16xi32>
      %shift_right_arithmetic3A_1590 = arith.shrsi %get3A_1587, %shift_right_arithmetic3A_1589 : vector<16xi32>
      %shift_left3A_1591 = arith.constant 13 : i32
      %shift_left3A_1592 = vector.broadcast %shift_left3A_1591 : i32 to vector<16xi32>
      %shift_left3A_1593 = arith.shli %shift_right_arithmetic3A_1590, %shift_left3A_1592 : vector<16xi32>
      %and3A_1594 = arith.constant 7 : i32
      %and3A_1595 = vector.broadcast %and3A_1594 : i32 to vector<16xi32>
      %and3A_1596 = arith.andi %get3A_1587, %and3A_1595 : vector<16xi32>
      %shift_left3A_1597 = arith.constant 7 : i32
      %shift_left3A_1598 = vector.broadcast %shift_left3A_1597 : i32 to vector<16xi32>
      %shift_left3A_1599 = arith.shli %and3A_1596, %shift_left3A_1598 : vector<16xi32>
      %add3A_1600 = arith.addi %shift_left3A_1593, %shift_left3A_1599 : vector<16xi32>
      %add3A_1601 = arith.addi %add3A_1600, %add3A_1580 : vector<16xi32>
      %swap3A_1602 = arith.index_cast %add3A_1441 : i32 to index
      %swap3A_1603 = arith.constant 64 : index
      %swap3A_1604 = tpu.vector_load %arg6[%swap3A_1602, %swap3A_1603] {strides = array<i32>} : memref<56x128xi32, #tpu.memory_space<vmem>>, vector<1x16xi32>,
      %swap3A_1605 = vector.shape_cast %swap3A_1604 : vector<1x16xi32> to vector<16xi32>
      %swap3A_1606 = vector.shape_cast %add3A_1601 : vector<16xi32> to vector<1x16xi32>
      tpu.vector_store %arg6[%swap3A_1602, %swap3A_1603], %swap3A_1606 {strides = array<i32>} : memref<56x128xi32, #tpu.memory_space<vmem>>, vector<1x16xi32>,
      %shift_left3A_1607 = arith.constant 10 : i32
      %shift_left3A_1608 = arith.shli %and3A_1, %shift_left3A_1607 : i32
      %add3A_1609 = arith.constant 80 : i32
      %add3A_1610 = arith.addi %shift_left3A_1608, %add3A_1609 : i32
      %iota3A_1611 = tpu.iota {dimensions = array<i32: 0>} : vector<16xi32>
      %add3A_1612 = vector.broadcast %add3A_1610 : i32 to vector<16xi32>
      %add3A_1613 = arith.addi %add3A_1612, %iota3A_1611 : vector<16xi32>
      %mul3A_1614 = arith.constant 128 : i32
      %mul3A_1615 = arith.muli %add3A_1441, %mul3A_1614 : i32
      %add3A_1616 = arith.constant 80 : i32
      %add3A_1617 = arith.addi %mul3A_1615, %add3A_1616 : i32
      %get3A_1618 = arith.index_cast %add3A_1617 : i32 to index
      %get3A_1619 = tpu.vector_load %arg5[%get3A_1618] {strides = array<i32>} : memref<7168xi32, #tpu.memory_space<vmem>>, vector<16xi32>,
      %get3A_1620 = vector.shape_cast %get3A_1619 : vector<16xi32> to vector<16xi32>
      %shift_right_arithmetic3A_1621 = arith.constant 3 : i32
      %shift_right_arithmetic3A_1622 = vector.broadcast %shift_right_arithmetic3A_1621 : i32 to vector<16xi32>
      %shift_right_arithmetic3A_1623 = arith.shrsi %get3A_1620, %shift_right_arithmetic3A_1622 : vector<16xi32>
      %shift_left3A_1624 = arith.constant 13 : i32
      %shift_left3A_1625 = vector.broadcast %shift_left3A_1624 : i32 to vector<16xi32>
      %shift_left3A_1626 = arith.shli %shift_right_arithmetic3A_1623, %shift_left3A_1625 : vector<16xi32>
      %and3A_1627 = arith.constant 7 : i32
      %and3A_1628 = vector.broadcast %and3A_1627 : i32 to vector<16xi32>
      %and3A_1629 = arith.andi %get3A_1620, %and3A_1628 : vector<16xi32>
      %shift_left3A_1630 = arith.constant 7 : i32
      %shift_left3A_1631 = vector.broadcast %shift_left3A_1630 : i32 to vector<16xi32>
      %shift_left3A_1632 = arith.shli %and3A_1629, %shift_left3A_1631 : vector<16xi32>
      %add3A_1633 = arith.addi %shift_left3A_1626, %shift_left3A_1632 : vector<16xi32>
      %add3A_1634 = arith.addi %add3A_1633, %add3A_1613 : vector<16xi32>
      %swap3A_1635 = arith.index_cast %add3A_1441 : i32 to index
      %swap3A_1636 = arith.constant 80 : index
      %swap3A_1637 = tpu.vector_load %arg6[%swap3A_1635, %swap3A_1636] {strides = array<i32>} : memref<56x128xi32, #tpu.memory_space<vmem>>, vector<1x16xi32>,
      %swap3A_1638 = vector.shape_cast %swap3A_1637 : vector<1x16xi32> to vector<16xi32>
      %swap3A_1639 = vector.shape_cast %add3A_1634 : vector<16xi32> to vector<1x16xi32>
      tpu.vector_store %arg6[%swap3A_1635, %swap3A_1636], %swap3A_1639 {strides = array<i32>} : memref<56x128xi32, #tpu.memory_space<vmem>>, vector<1x16xi32>,
      %shift_left3A_1640 = arith.constant 10 : i32
      %shift_left3A_1641 = arith.shli %and3A_1, %shift_left3A_1640 : i32
      %add3A_1642 = arith.constant 96 : i32
      %add3A_1643 = arith.addi %shift_left3A_1641, %add3A_1642 : i32
      %iota3A_1644 = tpu.iota {dimensions = array<i32: 0>} : vector<16xi32>
      %add3A_1645 = vector.broadcast %add3A_1643 : i32 to vector<16xi32>
      %add3A_1646 = arith.addi %add3A_1645, %iota3A_1644 : vector<16xi32>
      %mul3A_1647 = arith.constant 128 : i32
      %mul3A_1648 = arith.muli %add3A_1441, %mul3A_1647 : i32
      %add3A_1649 = arith.constant 96 : i32
      %add3A_1650 = arith.addi %mul3A_1648, %add3A_1649 : i32
      %get3A_1651 = arith.index_cast %add3A_1650 : i32 to index
      %get3A_1652 = tpu.vector_load %arg5[%get3A_1651] {strides = array<i32>} : memref<7168xi32, #tpu.memory_space<vmem>>, vector<16xi32>,
      %get3A_1653 = vector.shape_cast %get3A_1652 : vector<16xi32> to vector<16xi32>
      %shift_right_arithmetic3A_1654 = arith.constant 3 : i32
      %shift_right_arithmetic3A_1655 = vector.broadcast %shift_right_arithmetic3A_1654 : i32 to vector<16xi32>
      %shift_right_arithmetic3A_1656 = arith.shrsi %get3A_1653, %shift_right_arithmetic3A_1655 : vector<16xi32>
      %shift_left3A_1657 = arith.constant 13 : i32
      %shift_left3A_1658 = vector.broadcast %shift_left3A_1657 : i32 to vector<16xi32>
      %shift_left3A_1659 = arith.shli %shift_right_arithmetic3A_1656, %shift_left3A_1658 : vector<16xi32>
      %and3A_1660 = arith.constant 7 : i32
      %and3A_1661 = vector.broadcast %and3A_1660 : i32 to vector<16xi32>
      %and3A_1662 = arith.andi %get3A_1653, %and3A_1661 : vector<16xi32>
      %shift_left3A_1663 = arith.constant 7 : i32
      %shift_left3A_1664 = vector.broadcast %shift_left3A_1663 : i32 to vector<16xi32>
      %shift_left3A_1665 = arith.shli %and3A_1662, %shift_left3A_1664 : vector<16xi32>
      %add3A_1666 = arith.addi %shift_left3A_1659, %shift_left3A_1665 : vector<16xi32>
      %add3A_1667 = arith.addi %add3A_1666, %add3A_1646 : vector<16xi32>
      %swap3A_1668 = arith.index_cast %add3A_1441 : i32 to index
      %swap3A_1669 = arith.constant 96 : index
      %swap3A_1670 = tpu.vector_load %arg6[%swap3A_1668, %swap3A_1669] {strides = array<i32>} : memref<56x128xi32, #tpu.memory_space<vmem>>, vector<1x16xi32>,
      %swap3A_1671 = vector.shape_cast %swap3A_1670 : vector<1x16xi32> to vector<16xi32>
      %swap3A_1672 = vector.shape_cast %add3A_1667 : vector<16xi32> to vector<1x16xi32>
      tpu.vector_store %arg6[%swap3A_1668, %swap3A_1669], %swap3A_1672 {strides = array<i32>} : memref<56x128xi32, #tpu.memory_space<vmem>>, vector<1x16xi32>,
      %shift_left3A_1673 = arith.constant 10 : i32
      %shift_left3A_1674 = arith.shli %and3A_1, %shift_left3A_1673 : i32
      %add3A_1675 = arith.constant 112 : i32
      %add3A_1676 = arith.addi %shift_left3A_1674, %add3A_1675 : i32
      %iota3A_1677 = tpu.iota {dimensions = array<i32: 0>} : vector<16xi32>
      %add3A_1678 = vector.broadcast %add3A_1676 : i32 to vector<16xi32>
      %add3A_1679 = arith.addi %add3A_1678, %iota3A_1677 : vector<16xi32>
      %mul3A_1680 = arith.constant 128 : i32
      %mul3A_1681 = arith.muli %add3A_1441, %mul3A_1680 : i32
      %add3A_1682 = arith.constant 112 : i32
      %add3A_1683 = arith.addi %mul3A_1681, %add3A_1682 : i32
      %get3A_1684 = arith.index_cast %add3A_1683 : i32 to index
      %get3A_1685 = tpu.vector_load %arg5[%get3A_1684] {strides = array<i32>} : memref<7168xi32, #tpu.memory_space<vmem>>, vector<16xi32>,
      %get3A_1686 = vector.shape_cast %get3A_1685 : vector<16xi32> to vector<16xi32>
      %shift_right_arithmetic3A_1687 = arith.constant 3 : i32
      %shift_right_arithmetic3A_1688 = vector.broadcast %shift_right_arithmetic3A_1687 : i32 to vector<16xi32>
      %shift_right_arithmetic3A_1689 = arith.shrsi %get3A_1686, %shift_right_arithmetic3A_1688 : vector<16xi32>
      %shift_left3A_1690 = arith.constant 13 : i32
      %shift_left3A_1691 = vector.broadcast %shift_left3A_1690 : i32 to vector<16xi32>
      %shift_left3A_1692 = arith.shli %shift_right_arithmetic3A_1689, %shift_left3A_1691 : vector<16xi32>
      %and3A_1693 = arith.constant 7 : i32
      %and3A_1694 = vector.broadcast %and3A_1693 : i32 to vector<16xi32>
      %and3A_1695 = arith.andi %get3A_1686, %and3A_1694 : vector<16xi32>
      %shift_left3A_1696 = arith.constant 7 : i32
      %shift_left3A_1697 = vector.broadcast %shift_left3A_1696 : i32 to vector<16xi32>
      %shift_left3A_1698 = arith.shli %and3A_1695, %shift_left3A_1697 : vector<16xi32>
      %add3A_1699 = arith.addi %shift_left3A_1692, %shift_left3A_1698 : vector<16xi32>
      %add3A_1700 = arith.addi %add3A_1699, %add3A_1679 : vector<16xi32>
      %swap3A_1701 = arith.index_cast %add3A_1441 : i32 to index
      %swap3A_1702 = arith.constant 112 : index
      %swap3A_1703 = tpu.vector_load %arg6[%swap3A_1701, %swap3A_1702] {strides = array<i32>} : memref<56x128xi32, #tpu.memory_space<vmem>>, vector<1x16xi32>,
      %swap3A_1704 = vector.shape_cast %swap3A_1703 : vector<1x16xi32> to vector<16xi32>
      %swap3A_1705 = vector.shape_cast %add3A_1700 : vector<16xi32> to vector<1x16xi32>
      tpu.vector_store %arg6[%swap3A_1701, %swap3A_1702], %swap3A_1705 {strides = array<i32>} : memref<56x128xi32, #tpu.memory_space<vmem>>, vector<1x16xi32>,
      %dma_start3A_1706 = arith.constant 0 : i32
      %dma_start3A_1707 = tpu.memref_slice %arg7[%add3A_1441, %dma_start3A_1706] : memref<56x128xf32, #tpu.memory_space<vmem>> -> memref<1x128xf32, #tpu.memory_space<vmem>>
      %dma_start3A_1708 = tpu.memref_squeeze %dma_start3A_1707 : memref<1x128xf32, #tpu.memory_space<vmem>> -> memref<128xf32, #tpu.memory_space<vmem>>
      %dma_start3A_1709 = arith.constant 0 : i32
      %dma_start3A_1710 = tpu.memref_slice %arg6[%add3A_1441, %dma_start3A_1709] : memref<56x128xi32, #tpu.memory_space<vmem>> -> memref<1x128xi32, #tpu.memory_space<vmem>>
      %dma_start3A_1711 = tpu.memref_squeeze %dma_start3A_1710 : memref<1x128xi32, #tpu.memory_space<vmem>> -> memref<128xi32, #tpu.memory_space<vmem>>
      %dma_start3A_1712 = arith.constant 0 : i32
      %dma_start3A_1713 = tpu.memref_slice %arg2[%dma_start3A_1712] : memref<102400000xf32, #tpu.memory_space<hbm>> -> memref<102400000xf32, #tpu.memory_space<hbm>>
      tpu.enqueue_indirect_dma source(%dma_start3A_1713 : memref<102400000xf32, #tpu.memory_space<hbm>>) target(%dma_start3A_1708 : memref<128xf32, #tpu.memory_space<vmem>>) offsets(%dma_start3A_1711 : memref<128xi32, #tpu.memory_space<vmem>>) semaphore(%arg8 : memref<!tpu.dma_semaphore, #tpu.memory_space<semaphore_mem>>)
      %mul3A_1714 = arith.constant 8 : i32
      %mul3A_1715 = arith.muli %while3A_62, %mul3A_1714 : i32
      %add3A_1716 = arith.constant 6 : i32
      %add3A_1717 = arith.addi %mul3A_1715, %add3A_1716 : i32
      %shift_left3A_1718 = arith.constant 10 : i32
      %shift_left3A_1719 = arith.shli %and3A_1, %shift_left3A_1718 : i32
      %add3A_1720 = arith.constant 0 : i32
      %add3A_1721 = arith.addi %shift_left3A_1719, %add3A_1720 : i32
      %iota3A_1722 = tpu.iota {dimensions = array<i32: 0>} : vector<16xi32>
      %add3A_1723 = vector.broadcast %add3A_1721 : i32 to vector<16xi32>
      %add3A_1724 = arith.addi %add3A_1723, %iota3A_1722 : vector<16xi32>
      %mul3A_1725 = arith.constant 128 : i32
      %mul3A_1726 = arith.muli %add3A_1717, %mul3A_1725 : i32
      %add3A_1727 = arith.constant 0 : i32
      %add3A_1728 = arith.addi %mul3A_1726, %add3A_1727 : i32
      %get3A_1729 = arith.index_cast %add3A_1728 : i32 to index
      %get3A_1730 = tpu.vector_load %arg5[%get3A_1729] {strides = array<i32>} : memref<7168xi32, #tpu.memory_space<vmem>>, vector<16xi32>,
      %get3A_1731 = vector.shape_cast %get3A_1730 : vector<16xi32> to vector<16xi32>
      %shift_right_arithmetic3A_1732 = arith.constant 3 : i32
      %shift_right_arithmetic3A_1733 = vector.broadcast %shift_right_arithmetic3A_1732 : i32 to vector<16xi32>
      %shift_right_arithmetic3A_1734 = arith.shrsi %get3A_1731, %shift_right_arithmetic3A_1733 : vector<16xi32>
      %shift_left3A_1735 = arith.constant 13 : i32
      %shift_left3A_1736 = vector.broadcast %shift_left3A_1735 : i32 to vector<16xi32>
      %shift_left3A_1737 = arith.shli %shift_right_arithmetic3A_1734, %shift_left3A_1736 : vector<16xi32>
      %and3A_1738 = arith.constant 7 : i32
      %and3A_1739 = vector.broadcast %and3A_1738 : i32 to vector<16xi32>
      %and3A_1740 = arith.andi %get3A_1731, %and3A_1739 : vector<16xi32>
      %shift_left3A_1741 = arith.constant 7 : i32
      %shift_left3A_1742 = vector.broadcast %shift_left3A_1741 : i32 to vector<16xi32>
      %shift_left3A_1743 = arith.shli %and3A_1740, %shift_left3A_1742 : vector<16xi32>
      %add3A_1744 = arith.addi %shift_left3A_1737, %shift_left3A_1743 : vector<16xi32>
      %add3A_1745 = arith.addi %add3A_1744, %add3A_1724 : vector<16xi32>
      %swap3A_1746 = arith.index_cast %add3A_1717 : i32 to index
      %swap3A_1747 = arith.constant 0 : index
      %swap3A_1748 = tpu.vector_load %arg6[%swap3A_1746, %swap3A_1747] {strides = array<i32>} : memref<56x128xi32, #tpu.memory_space<vmem>>, vector<1x16xi32>,
      %swap3A_1749 = vector.shape_cast %swap3A_1748 : vector<1x16xi32> to vector<16xi32>
      %swap3A_1750 = vector.shape_cast %add3A_1745 : vector<16xi32> to vector<1x16xi32>
      tpu.vector_store %arg6[%swap3A_1746, %swap3A_1747], %swap3A_1750 {strides = array<i32>} : memref<56x128xi32, #tpu.memory_space<vmem>>, vector<1x16xi32>,
      %shift_left3A_1751 = arith.constant 10 : i32
      %shift_left3A_1752 = arith.shli %and3A_1, %shift_left3A_1751 : i32
      %add3A_1753 = arith.constant 16 : i32
      %add3A_1754 = arith.addi %shift_left3A_1752, %add3A_1753 : i32
      %iota3A_1755 = tpu.iota {dimensions = array<i32: 0>} : vector<16xi32>
      %add3A_1756 = vector.broadcast %add3A_1754 : i32 to vector<16xi32>
      %add3A_1757 = arith.addi %add3A_1756, %iota3A_1755 : vector<16xi32>
      %mul3A_1758 = arith.constant 128 : i32
      %mul3A_1759 = arith.muli %add3A_1717, %mul3A_1758 : i32
      %add3A_1760 = arith.constant 16 : i32
      %add3A_1761 = arith.addi %mul3A_1759, %add3A_1760 : i32
      %get3A_1762 = arith.index_cast %add3A_1761 : i32 to index
      %get3A_1763 = tpu.vector_load %arg5[%get3A_1762] {strides = array<i32>} : memref<7168xi32, #tpu.memory_space<vmem>>, vector<16xi32>,
      %get3A_1764 = vector.shape_cast %get3A_1763 : vector<16xi32> to vector<16xi32>
      %shift_right_arithmetic3A_1765 = arith.constant 3 : i32
      %shift_right_arithmetic3A_1766 = vector.broadcast %shift_right_arithmetic3A_1765 : i32 to vector<16xi32>
      %shift_right_arithmetic3A_1767 = arith.shrsi %get3A_1764, %shift_right_arithmetic3A_1766 : vector<16xi32>
      %shift_left3A_1768 = arith.constant 13 : i32
      %shift_left3A_1769 = vector.broadcast %shift_left3A_1768 : i32 to vector<16xi32>
      %shift_left3A_1770 = arith.shli %shift_right_arithmetic3A_1767, %shift_left3A_1769 : vector<16xi32>
      %and3A_1771 = arith.constant 7 : i32
      %and3A_1772 = vector.broadcast %and3A_1771 : i32 to vector<16xi32>
      %and3A_1773 = arith.andi %get3A_1764, %and3A_1772 : vector<16xi32>
      %shift_left3A_1774 = arith.constant 7 : i32
      %shift_left3A_1775 = vector.broadcast %shift_left3A_1774 : i32 to vector<16xi32>
      %shift_left3A_1776 = arith.shli %and3A_1773, %shift_left3A_1775 : vector<16xi32>
      %add3A_1777 = arith.addi %shift_left3A_1770, %shift_left3A_1776 : vector<16xi32>
      %add3A_1778 = arith.addi %add3A_1777, %add3A_1757 : vector<16xi32>
      %swap3A_1779 = arith.index_cast %add3A_1717 : i32 to index
      %swap3A_1780 = arith.constant 16 : index
      %swap3A_1781 = tpu.vector_load %arg6[%swap3A_1779, %swap3A_1780] {strides = array<i32>} : memref<56x128xi32, #tpu.memory_space<vmem>>, vector<1x16xi32>,
      %swap3A_1782 = vector.shape_cast %swap3A_1781 : vector<1x16xi32> to vector<16xi32>
      %swap3A_1783 = vector.shape_cast %add3A_1778 : vector<16xi32> to vector<1x16xi32>
      tpu.vector_store %arg6[%swap3A_1779, %swap3A_1780], %swap3A_1783 {strides = array<i32>} : memref<56x128xi32, #tpu.memory_space<vmem>>, vector<1x16xi32>,
      %shift_left3A_1784 = arith.constant 10 : i32
      %shift_left3A_1785 = arith.shli %and3A_1, %shift_left3A_1784 : i32
      %add3A_1786 = arith.constant 32 : i32
      %add3A_1787 = arith.addi %shift_left3A_1785, %add3A_1786 : i32
      %iota3A_1788 = tpu.iota {dimensions = array<i32: 0>} : vector<16xi32>
      %add3A_1789 = vector.broadcast %add3A_1787 : i32 to vector<16xi32>
      %add3A_1790 = arith.addi %add3A_1789, %iota3A_1788 : vector<16xi32>
      %mul3A_1791 = arith.constant 128 : i32
      %mul3A_1792 = arith.muli %add3A_1717, %mul3A_1791 : i32
      %add3A_1793 = arith.constant 32 : i32
      %add3A_1794 = arith.addi %mul3A_1792, %add3A_1793 : i32
      %get3A_1795 = arith.index_cast %add3A_1794 : i32 to index
      %get3A_1796 = tpu.vector_load %arg5[%get3A_1795] {strides = array<i32>} : memref<7168xi32, #tpu.memory_space<vmem>>, vector<16xi32>,
      %get3A_1797 = vector.shape_cast %get3A_1796 : vector<16xi32> to vector<16xi32>
      %shift_right_arithmetic3A_1798 = arith.constant 3 : i32
      %shift_right_arithmetic3A_1799 = vector.broadcast %shift_right_arithmetic3A_1798 : i32 to vector<16xi32>
      %shift_right_arithmetic3A_1800 = arith.shrsi %get3A_1797, %shift_right_arithmetic3A_1799 : vector<16xi32>
      %shift_left3A_1801 = arith.constant 13 : i32
      %shift_left3A_1802 = vector.broadcast %shift_left3A_1801 : i32 to vector<16xi32>
      %shift_left3A_1803 = arith.shli %shift_right_arithmetic3A_1800, %shift_left3A_1802 : vector<16xi32>
      %and3A_1804 = arith.constant 7 : i32
      %and3A_1805 = vector.broadcast %and3A_1804 : i32 to vector<16xi32>
      %and3A_1806 = arith.andi %get3A_1797, %and3A_1805 : vector<16xi32>
      %shift_left3A_1807 = arith.constant 7 : i32
      %shift_left3A_1808 = vector.broadcast %shift_left3A_1807 : i32 to vector<16xi32>
      %shift_left3A_1809 = arith.shli %and3A_1806, %shift_left3A_1808 : vector<16xi32>
      %add3A_1810 = arith.addi %shift_left3A_1803, %shift_left3A_1809 : vector<16xi32>
      %add3A_1811 = arith.addi %add3A_1810, %add3A_1790 : vector<16xi32>
      %swap3A_1812 = arith.index_cast %add3A_1717 : i32 to index
      %swap3A_1813 = arith.constant 32 : index
      %swap3A_1814 = tpu.vector_load %arg6[%swap3A_1812, %swap3A_1813] {strides = array<i32>} : memref<56x128xi32, #tpu.memory_space<vmem>>, vector<1x16xi32>,
      %swap3A_1815 = vector.shape_cast %swap3A_1814 : vector<1x16xi32> to vector<16xi32>
      %swap3A_1816 = vector.shape_cast %add3A_1811 : vector<16xi32> to vector<1x16xi32>
      tpu.vector_store %arg6[%swap3A_1812, %swap3A_1813], %swap3A_1816 {strides = array<i32>} : memref<56x128xi32, #tpu.memory_space<vmem>>, vector<1x16xi32>,
      %shift_left3A_1817 = arith.constant 10 : i32
      %shift_left3A_1818 = arith.shli %and3A_1, %shift_left3A_1817 : i32
      %add3A_1819 = arith.constant 48 : i32
      %add3A_1820 = arith.addi %shift_left3A_1818, %add3A_1819 : i32
      %iota3A_1821 = tpu.iota {dimensions = array<i32: 0>} : vector<16xi32>
      %add3A_1822 = vector.broadcast %add3A_1820 : i32 to vector<16xi32>
      %add3A_1823 = arith.addi %add3A_1822, %iota3A_1821 : vector<16xi32>
      %mul3A_1824 = arith.constant 128 : i32
      %mul3A_1825 = arith.muli %add3A_1717, %mul3A_1824 : i32
      %add3A_1826 = arith.constant 48 : i32
      %add3A_1827 = arith.addi %mul3A_1825, %add3A_1826 : i32
      %get3A_1828 = arith.index_cast %add3A_1827 : i32 to index
      %get3A_1829 = tpu.vector_load %arg5[%get3A_1828] {strides = array<i32>} : memref<7168xi32, #tpu.memory_space<vmem>>, vector<16xi32>,
      %get3A_1830 = vector.shape_cast %get3A_1829 : vector<16xi32> to vector<16xi32>
      %shift_right_arithmetic3A_1831 = arith.constant 3 : i32
      %shift_right_arithmetic3A_1832 = vector.broadcast %shift_right_arithmetic3A_1831 : i32 to vector<16xi32>
      %shift_right_arithmetic3A_1833 = arith.shrsi %get3A_1830, %shift_right_arithmetic3A_1832 : vector<16xi32>
      %shift_left3A_1834 = arith.constant 13 : i32
      %shift_left3A_1835 = vector.broadcast %shift_left3A_1834 : i32 to vector<16xi32>
      %shift_left3A_1836 = arith.shli %shift_right_arithmetic3A_1833, %shift_left3A_1835 : vector<16xi32>
      %and3A_1837 = arith.constant 7 : i32
      %and3A_1838 = vector.broadcast %and3A_1837 : i32 to vector<16xi32>
      %and3A_1839 = arith.andi %get3A_1830, %and3A_1838 : vector<16xi32>
      %shift_left3A_1840 = arith.constant 7 : i32
      %shift_left3A_1841 = vector.broadcast %shift_left3A_1840 : i32 to vector<16xi32>
      %shift_left3A_1842 = arith.shli %and3A_1839, %shift_left3A_1841 : vector<16xi32>
      %add3A_1843 = arith.addi %shift_left3A_1836, %shift_left3A_1842 : vector<16xi32>
      %add3A_1844 = arith.addi %add3A_1843, %add3A_1823 : vector<16xi32>
      %swap3A_1845 = arith.index_cast %add3A_1717 : i32 to index
      %swap3A_1846 = arith.constant 48 : index
      %swap3A_1847 = tpu.vector_load %arg6[%swap3A_1845, %swap3A_1846] {strides = array<i32>} : memref<56x128xi32, #tpu.memory_space<vmem>>, vector<1x16xi32>,
      %swap3A_1848 = vector.shape_cast %swap3A_1847 : vector<1x16xi32> to vector<16xi32>
      %swap3A_1849 = vector.shape_cast %add3A_1844 : vector<16xi32> to vector<1x16xi32>
      tpu.vector_store %arg6[%swap3A_1845, %swap3A_1846], %swap3A_1849 {strides = array<i32>} : memref<56x128xi32, #tpu.memory_space<vmem>>, vector<1x16xi32>,
      %shift_left3A_1850 = arith.constant 10 : i32
      %shift_left3A_1851 = arith.shli %and3A_1, %shift_left3A_1850 : i32
      %add3A_1852 = arith.constant 64 : i32
      %add3A_1853 = arith.addi %shift_left3A_1851, %add3A_1852 : i32
      %iota3A_1854 = tpu.iota {dimensions = array<i32: 0>} : vector<16xi32>
      %add3A_1855 = vector.broadcast %add3A_1853 : i32 to vector<16xi32>
      %add3A_1856 = arith.addi %add3A_1855, %iota3A_1854 : vector<16xi32>
      %mul3A_1857 = arith.constant 128 : i32
      %mul3A_1858 = arith.muli %add3A_1717, %mul3A_1857 : i32
      %add3A_1859 = arith.constant 64 : i32
      %add3A_1860 = arith.addi %mul3A_1858, %add3A_1859 : i32
      %get3A_1861 = arith.index_cast %add3A_1860 : i32 to index
      %get3A_1862 = tpu.vector_load %arg5[%get3A_1861] {strides = array<i32>} : memref<7168xi32, #tpu.memory_space<vmem>>, vector<16xi32>,
      %get3A_1863 = vector.shape_cast %get3A_1862 : vector<16xi32> to vector<16xi32>
      %shift_right_arithmetic3A_1864 = arith.constant 3 : i32
      %shift_right_arithmetic3A_1865 = vector.broadcast %shift_right_arithmetic3A_1864 : i32 to vector<16xi32>
      %shift_right_arithmetic3A_1866 = arith.shrsi %get3A_1863, %shift_right_arithmetic3A_1865 : vector<16xi32>
      %shift_left3A_1867 = arith.constant 13 : i32
      %shift_left3A_1868 = vector.broadcast %shift_left3A_1867 : i32 to vector<16xi32>
      %shift_left3A_1869 = arith.shli %shift_right_arithmetic3A_1866, %shift_left3A_1868 : vector<16xi32>
      %and3A_1870 = arith.constant 7 : i32
      %and3A_1871 = vector.broadcast %and3A_1870 : i32 to vector<16xi32>
      %and3A_1872 = arith.andi %get3A_1863, %and3A_1871 : vector<16xi32>
      %shift_left3A_1873 = arith.constant 7 : i32
      %shift_left3A_1874 = vector.broadcast %shift_left3A_1873 : i32 to vector<16xi32>
      %shift_left3A_1875 = arith.shli %and3A_1872, %shift_left3A_1874 : vector<16xi32>
      %add3A_1876 = arith.addi %shift_left3A_1869, %shift_left3A_1875 : vector<16xi32>
      %add3A_1877 = arith.addi %add3A_1876, %add3A_1856 : vector<16xi32>
      %swap3A_1878 = arith.index_cast %add3A_1717 : i32 to index
      %swap3A_1879 = arith.constant 64 : index
      %swap3A_1880 = tpu.vector_load %arg6[%swap3A_1878, %swap3A_1879] {strides = array<i32>} : memref<56x128xi32, #tpu.memory_space<vmem>>, vector<1x16xi32>,
      %swap3A_1881 = vector.shape_cast %swap3A_1880 : vector<1x16xi32> to vector<16xi32>
      %swap3A_1882 = vector.shape_cast %add3A_1877 : vector<16xi32> to vector<1x16xi32>
      tpu.vector_store %arg6[%swap3A_1878, %swap3A_1879], %swap3A_1882 {strides = array<i32>} : memref<56x128xi32, #tpu.memory_space<vmem>>, vector<1x16xi32>,
      %shift_left3A_1883 = arith.constant 10 : i32
      %shift_left3A_1884 = arith.shli %and3A_1, %shift_left3A_1883 : i32
      %add3A_1885 = arith.constant 80 : i32
      %add3A_1886 = arith.addi %shift_left3A_1884, %add3A_1885 : i32
      %iota3A_1887 = tpu.iota {dimensions = array<i32: 0>} : vector<16xi32>
      %add3A_1888 = vector.broadcast %add3A_1886 : i32 to vector<16xi32>
      %add3A_1889 = arith.addi %add3A_1888, %iota3A_1887 : vector<16xi32>
      %mul3A_1890 = arith.constant 128 : i32
      %mul3A_1891 = arith.muli %add3A_1717, %mul3A_1890 : i32
      %add3A_1892 = arith.constant 80 : i32
      %add3A_1893 = arith.addi %mul3A_1891, %add3A_1892 : i32
      %get3A_1894 = arith.index_cast %add3A_1893 : i32 to index
      %get3A_1895 = tpu.vector_load %arg5[%get3A_1894] {strides = array<i32>} : memref<7168xi32, #tpu.memory_space<vmem>>, vector<16xi32>,
      %get3A_1896 = vector.shape_cast %get3A_1895 : vector<16xi32> to vector<16xi32>
      %shift_right_arithmetic3A_1897 = arith.constant 3 : i32
      %shift_right_arithmetic3A_1898 = vector.broadcast %shift_right_arithmetic3A_1897 : i32 to vector<16xi32>
      %shift_right_arithmetic3A_1899 = arith.shrsi %get3A_1896, %shift_right_arithmetic3A_1898 : vector<16xi32>
      %shift_left3A_1900 = arith.constant 13 : i32
      %shift_left3A_1901 = vector.broadcast %shift_left3A_1900 : i32 to vector<16xi32>
      %shift_left3A_1902 = arith.shli %shift_right_arithmetic3A_1899, %shift_left3A_1901 : vector<16xi32>
      %and3A_1903 = arith.constant 7 : i32
      %and3A_1904 = vector.broadcast %and3A_1903 : i32 to vector<16xi32>
      %and3A_1905 = arith.andi %get3A_1896, %and3A_1904 : vector<16xi32>
      %shift_left3A_1906 = arith.constant 7 : i32
      %shift_left3A_1907 = vector.broadcast %shift_left3A_1906 : i32 to vector<16xi32>
      %shift_left3A_1908 = arith.shli %and3A_1905, %shift_left3A_1907 : vector<16xi32>
      %add3A_1909 = arith.addi %shift_left3A_1902, %shift_left3A_1908 : vector<16xi32>
      %add3A_1910 = arith.addi %add3A_1909, %add3A_1889 : vector<16xi32>
      %swap3A_1911 = arith.index_cast %add3A_1717 : i32 to index
      %swap3A_1912 = arith.constant 80 : index
      %swap3A_1913 = tpu.vector_load %arg6[%swap3A_1911, %swap3A_1912] {strides = array<i32>} : memref<56x128xi32, #tpu.memory_space<vmem>>, vector<1x16xi32>,
      %swap3A_1914 = vector.shape_cast %swap3A_1913 : vector<1x16xi32> to vector<16xi32>
      %swap3A_1915 = vector.shape_cast %add3A_1910 : vector<16xi32> to vector<1x16xi32>
      tpu.vector_store %arg6[%swap3A_1911, %swap3A_1912], %swap3A_1915 {strides = array<i32>} : memref<56x128xi32, #tpu.memory_space<vmem>>, vector<1x16xi32>,
      %shift_left3A_1916 = arith.constant 10 : i32
      %shift_left3A_1917 = arith.shli %and3A_1, %shift_left3A_1916 : i32
      %add3A_1918 = arith.constant 96 : i32
      %add3A_1919 = arith.addi %shift_left3A_1917, %add3A_1918 : i32
      %iota3A_1920 = tpu.iota {dimensions = array<i32: 0>} : vector<16xi32>
      %add3A_1921 = vector.broadcast %add3A_1919 : i32 to vector<16xi32>
      %add3A_1922 = arith.addi %add3A_1921, %iota3A_1920 : vector<16xi32>
      %mul3A_1923 = arith.constant 128 : i32
      %mul3A_1924 = arith.muli %add3A_1717, %mul3A_1923 : i32
      %add3A_1925 = arith.constant 96 : i32
      %add3A_1926 = arith.addi %mul3A_1924, %add3A_1925 : i32
      %get3A_1927 = arith.index_cast %add3A_1926 : i32 to index
      %get3A_1928 = tpu.vector_load %arg5[%get3A_1927] {strides = array<i32>} : memref<7168xi32, #tpu.memory_space<vmem>>, vector<16xi32>,
      %get3A_1929 = vector.shape_cast %get3A_1928 : vector<16xi32> to vector<16xi32>
      %shift_right_arithmetic3A_1930 = arith.constant 3 : i32
      %shift_right_arithmetic3A_1931 = vector.broadcast %shift_right_arithmetic3A_1930 : i32 to vector<16xi32>
      %shift_right_arithmetic3A_1932 = arith.shrsi %get3A_1929, %shift_right_arithmetic3A_1931 : vector<16xi32>
      %shift_left3A_1933 = arith.constant 13 : i32
      %shift_left3A_1934 = vector.broadcast %shift_left3A_1933 : i32 to vector<16xi32>
      %shift_left3A_1935 = arith.shli %shift_right_arithmetic3A_1932, %shift_left3A_1934 : vector<16xi32>
      %and3A_1936 = arith.constant 7 : i32
      %and3A_1937 = vector.broadcast %and3A_1936 : i32 to vector<16xi32>
      %and3A_1938 = arith.andi %get3A_1929, %and3A_1937 : vector<16xi32>
      %shift_left3A_1939 = arith.constant 7 : i32
      %shift_left3A_1940 = vector.broadcast %shift_left3A_1939 : i32 to vector<16xi32>
      %shift_left3A_1941 = arith.shli %and3A_1938, %shift_left3A_1940 : vector<16xi32>
      %add3A_1942 = arith.addi %shift_left3A_1935, %shift_left3A_1941 : vector<16xi32>
      %add3A_1943 = arith.addi %add3A_1942, %add3A_1922 : vector<16xi32>
      %swap3A_1944 = arith.index_cast %add3A_1717 : i32 to index
      %swap3A_1945 = arith.constant 96 : index
      %swap3A_1946 = tpu.vector_load %arg6[%swap3A_1944, %swap3A_1945] {strides = array<i32>} : memref<56x128xi32, #tpu.memory_space<vmem>>, vector<1x16xi32>,
      %swap3A_1947 = vector.shape_cast %swap3A_1946 : vector<1x16xi32> to vector<16xi32>
      %swap3A_1948 = vector.shape_cast %add3A_1943 : vector<16xi32> to vector<1x16xi32>
      tpu.vector_store %arg6[%swap3A_1944, %swap3A_1945], %swap3A_1948 {strides = array<i32>} : memref<56x128xi32, #tpu.memory_space<vmem>>, vector<1x16xi32>,
      %shift_left3A_1949 = arith.constant 10 : i32
      %shift_left3A_1950 = arith.shli %and3A_1, %shift_left3A_1949 : i32
      %add3A_1951 = arith.constant 112 : i32
      %add3A_1952 = arith.addi %shift_left3A_1950, %add3A_1951 : i32
      %iota3A_1953 = tpu.iota {dimensions = array<i32: 0>} : vector<16xi32>
      %add3A_1954 = vector.broadcast %add3A_1952 : i32 to vector<16xi32>
      %add3A_1955 = arith.addi %add3A_1954, %iota3A_1953 : vector<16xi32>
      %mul3A_1956 = arith.constant 128 : i32
      %mul3A_1957 = arith.muli %add3A_1717, %mul3A_1956 : i32
      %add3A_1958 = arith.constant 112 : i32
      %add3A_1959 = arith.addi %mul3A_1957, %add3A_1958 : i32
      %get3A_1960 = arith.index_cast %add3A_1959 : i32 to index
      %get3A_1961 = tpu.vector_load %arg5[%get3A_1960] {strides = array<i32>} : memref<7168xi32, #tpu.memory_space<vmem>>, vector<16xi32>,
      %get3A_1962 = vector.shape_cast %get3A_1961 : vector<16xi32> to vector<16xi32>
      %shift_right_arithmetic3A_1963 = arith.constant 3 : i32
      %shift_right_arithmetic3A_1964 = vector.broadcast %shift_right_arithmetic3A_1963 : i32 to vector<16xi32>
      %shift_right_arithmetic3A_1965 = arith.shrsi %get3A_1962, %shift_right_arithmetic3A_1964 : vector<16xi32>
      %shift_left3A_1966 = arith.constant 13 : i32
      %shift_left3A_1967 = vector.broadcast %shift_left3A_1966 : i32 to vector<16xi32>
      %shift_left3A_1968 = arith.shli %shift_right_arithmetic3A_1965, %shift_left3A_1967 : vector<16xi32>
      %and3A_1969 = arith.constant 7 : i32
      %and3A_1970 = vector.broadcast %and3A_1969 : i32 to vector<16xi32>
      %and3A_1971 = arith.andi %get3A_1962, %and3A_1970 : vector<16xi32>
      %shift_left3A_1972 = arith.constant 7 : i32
      %shift_left3A_1973 = vector.broadcast %shift_left3A_1972 : i32 to vector<16xi32>
      %shift_left3A_1974 = arith.shli %and3A_1971, %shift_left3A_1973 : vector<16xi32>
      %add3A_1975 = arith.addi %shift_left3A_1968, %shift_left3A_1974 : vector<16xi32>
      %add3A_1976 = arith.addi %add3A_1975, %add3A_1955 : vector<16xi32>
      %swap3A_1977 = arith.index_cast %add3A_1717 : i32 to index
      %swap3A_1978 = arith.constant 112 : index
      %swap3A_1979 = tpu.vector_load %arg6[%swap3A_1977, %swap3A_1978] {strides = array<i32>} : memref<56x128xi32, #tpu.memory_space<vmem>>, vector<1x16xi32>,
      %swap3A_1980 = vector.shape_cast %swap3A_1979 : vector<1x16xi32> to vector<16xi32>
      %swap3A_1981 = vector.shape_cast %add3A_1976 : vector<16xi32> to vector<1x16xi32>
      tpu.vector_store %arg6[%swap3A_1977, %swap3A_1978], %swap3A_1981 {strides = array<i32>} : memref<56x128xi32, #tpu.memory_space<vmem>>, vector<1x16xi32>,
      %dma_start3A_1982 = arith.constant 0 : i32
      %dma_start3A_1983 = tpu.memref_slice %arg7[%add3A_1717, %dma_start3A_1982] : memref<56x128xf32, #tpu.memory_space<vmem>> -> memref<1x128xf32, #tpu.memory_space<vmem>>
      %dma_start3A_1984 = tpu.memref_squeeze %dma_start3A_1983 : memref<1x128xf32, #tpu.memory_space<vmem>> -> memref<128xf32, #tpu.memory_space<vmem>>
      %dma_start3A_1985 = arith.constant 0 : i32
      %dma_start3A_1986 = tpu.memref_slice %arg6[%add3A_1717, %dma_start3A_1985] : memref<56x128xi32, #tpu.memory_space<vmem>> -> memref<1x128xi32, #tpu.memory_space<vmem>>
      %dma_start3A_1987 = tpu.memref_squeeze %dma_start3A_1986 : memref<1x128xi32, #tpu.memory_space<vmem>> -> memref<128xi32, #tpu.memory_space<vmem>>
      %dma_start3A_1988 = arith.constant 0 : i32
      %dma_start3A_1989 = tpu.memref_slice %arg2[%dma_start3A_1988] : memref<102400000xf32, #tpu.memory_space<hbm>> -> memref<102400000xf32, #tpu.memory_space<hbm>>
      tpu.enqueue_indirect_dma source(%dma_start3A_1989 : memref<102400000xf32, #tpu.memory_space<hbm>>) target(%dma_start3A_1984 : memref<128xf32, #tpu.memory_space<vmem>>) offsets(%dma_start3A_1987 : memref<128xi32, #tpu.memory_space<vmem>>) semaphore(%arg8 : memref<!tpu.dma_semaphore, #tpu.memory_space<semaphore_mem>>)
      %mul3A_1990 = arith.constant 8 : i32
      %mul3A_1991 = arith.muli %while3A_62, %mul3A_1990 : i32
      %add3A_1992 = arith.constant 7 : i32
      %add3A_1993 = arith.addi %mul3A_1991, %add3A_1992 : i32
      %shift_left3A_1994 = arith.constant 10 : i32
      %shift_left3A_1995 = arith.shli %and3A_1, %shift_left3A_1994 : i32
      %add3A_1996 = arith.constant 0 : i32
      %add3A_1997 = arith.addi %shift_left3A_1995, %add3A_1996 : i32
      %iota3A_1998 = tpu.iota {dimensions = array<i32: 0>} : vector<16xi32>
      %add3A_1999 = vector.broadcast %add3A_1997 : i32 to vector<16xi32>
      %add3A_2000 = arith.addi %add3A_1999, %iota3A_1998 : vector<16xi32>
      %mul3A_2001 = arith.constant 128 : i32
      %mul3A_2002 = arith.muli %add3A_1993, %mul3A_2001 : i32
      %add3A_2003 = arith.constant 0 : i32
      %add3A_2004 = arith.addi %mul3A_2002, %add3A_2003 : i32
      %get3A_2005 = arith.index_cast %add3A_2004 : i32 to index
      %get3A_2006 = tpu.vector_load %arg5[%get3A_2005] {strides = array<i32>} : memref<7168xi32, #tpu.memory_space<vmem>>, vector<16xi32>,
      %get3A_2007 = vector.shape_cast %get3A_2006 : vector<16xi32> to vector<16xi32>
      %shift_right_arithmetic3A_2008 = arith.constant 3 : i32
      %shift_right_arithmetic3A_2009 = vector.broadcast %shift_right_arithmetic3A_2008 : i32 to vector<16xi32>
      %shift_right_arithmetic3A_2010 = arith.shrsi %get3A_2007, %shift_right_arithmetic3A_2009 : vector<16xi32>
      %shift_left3A_2011 = arith.constant 13 : i32
      %shift_left3A_2012 = vector.broadcast %shift_left3A_2011 : i32 to vector<16xi32>
      %shift_left3A_2013 = arith.shli %shift_right_arithmetic3A_2010, %shift_left3A_2012 : vector<16xi32>
      %and3A_2014 = arith.constant 7 : i32
      %and3A_2015 = vector.broadcast %and3A_2014 : i32 to vector<16xi32>
      %and3A_2016 = arith.andi %get3A_2007, %and3A_2015 : vector<16xi32>
      %shift_left3A_2017 = arith.constant 7 : i32
      %shift_left3A_2018 = vector.broadcast %shift_left3A_2017 : i32 to vector<16xi32>
      %shift_left3A_2019 = arith.shli %and3A_2016, %shift_left3A_2018 : vector<16xi32>
      %add3A_2020 = arith.addi %shift_left3A_2013, %shift_left3A_2019 : vector<16xi32>
      %add3A_2021 = arith.addi %add3A_2020, %add3A_2000 : vector<16xi32>
      %swap3A_2022 = arith.index_cast %add3A_1993 : i32 to index
      %swap3A_2023 = arith.constant 0 : index
      %swap3A_2024 = tpu.vector_load %arg6[%swap3A_2022, %swap3A_2023] {strides = array<i32>} : memref<56x128xi32, #tpu.memory_space<vmem>>, vector<1x16xi32>,
      %swap3A_2025 = vector.shape_cast %swap3A_2024 : vector<1x16xi32> to vector<16xi32>
      %swap3A_2026 = vector.shape_cast %add3A_2021 : vector<16xi32> to vector<1x16xi32>
      tpu.vector_store %arg6[%swap3A_2022, %swap3A_2023], %swap3A_2026 {strides = array<i32>} : memref<56x128xi32, #tpu.memory_space<vmem>>, vector<1x16xi32>,
      %shift_left3A_2027 = arith.constant 10 : i32
      %shift_left3A_2028 = arith.shli %and3A_1, %shift_left3A_2027 : i32
      %add3A_2029 = arith.constant 16 : i32
      %add3A_2030 = arith.addi %shift_left3A_2028, %add3A_2029 : i32
      %iota3A_2031 = tpu.iota {dimensions = array<i32: 0>} : vector<16xi32>
      %add3A_2032 = vector.broadcast %add3A_2030 : i32 to vector<16xi32>
      %add3A_2033 = arith.addi %add3A_2032, %iota3A_2031 : vector<16xi32>
      %mul3A_2034 = arith.constant 128 : i32
      %mul3A_2035 = arith.muli %add3A_1993, %mul3A_2034 : i32
      %add3A_2036 = arith.constant 16 : i32
      %add3A_2037 = arith.addi %mul3A_2035, %add3A_2036 : i32
      %get3A_2038 = arith.index_cast %add3A_2037 : i32 to index
      %get3A_2039 = tpu.vector_load %arg5[%get3A_2038] {strides = array<i32>} : memref<7168xi32, #tpu.memory_space<vmem>>, vector<16xi32>,
      %get3A_2040 = vector.shape_cast %get3A_2039 : vector<16xi32> to vector<16xi32>
      %shift_right_arithmetic3A_2041 = arith.constant 3 : i32
      %shift_right_arithmetic3A_2042 = vector.broadcast %shift_right_arithmetic3A_2041 : i32 to vector<16xi32>
      %shift_right_arithmetic3A_2043 = arith.shrsi %get3A_2040, %shift_right_arithmetic3A_2042 : vector<16xi32>
      %shift_left3A_2044 = arith.constant 13 : i32
      %shift_left3A_2045 = vector.broadcast %shift_left3A_2044 : i32 to vector<16xi32>
      %shift_left3A_2046 = arith.shli %shift_right_arithmetic3A_2043, %shift_left3A_2045 : vector<16xi32>
      %and3A_2047 = arith.constant 7 : i32
      %and3A_2048 = vector.broadcast %and3A_2047 : i32 to vector<16xi32>
      %and3A_2049 = arith.andi %get3A_2040, %and3A_2048 : vector<16xi32>
      %shift_left3A_2050 = arith.constant 7 : i32
      %shift_left3A_2051 = vector.broadcast %shift_left3A_2050 : i32 to vector<16xi32>
      %shift_left3A_2052 = arith.shli %and3A_2049, %shift_left3A_2051 : vector<16xi32>
      %add3A_2053 = arith.addi %shift_left3A_2046, %shift_left3A_2052 : vector<16xi32>
      %add3A_2054 = arith.addi %add3A_2053, %add3A_2033 : vector<16xi32>
      %swap3A_2055 = arith.index_cast %add3A_1993 : i32 to index
      %swap3A_2056 = arith.constant 16 : index
      %swap3A_2057 = tpu.vector_load %arg6[%swap3A_2055, %swap3A_2056] {strides = array<i32>} : memref<56x128xi32, #tpu.memory_space<vmem>>, vector<1x16xi32>,
      %swap3A_2058 = vector.shape_cast %swap3A_2057 : vector<1x16xi32> to vector<16xi32>
      %swap3A_2059 = vector.shape_cast %add3A_2054 : vector<16xi32> to vector<1x16xi32>
      tpu.vector_store %arg6[%swap3A_2055, %swap3A_2056], %swap3A_2059 {strides = array<i32>} : memref<56x128xi32, #tpu.memory_space<vmem>>, vector<1x16xi32>,
      %shift_left3A_2060 = arith.constant 10 : i32
      %shift_left3A_2061 = arith.shli %and3A_1, %shift_left3A_2060 : i32
      %add3A_2062 = arith.constant 32 : i32
      %add3A_2063 = arith.addi %shift_left3A_2061, %add3A_2062 : i32
      %iota3A_2064 = tpu.iota {dimensions = array<i32: 0>} : vector<16xi32>
      %add3A_2065 = vector.broadcast %add3A_2063 : i32 to vector<16xi32>
      %add3A_2066 = arith.addi %add3A_2065, %iota3A_2064 : vector<16xi32>
      %mul3A_2067 = arith.constant 128 : i32
      %mul3A_2068 = arith.muli %add3A_1993, %mul3A_2067 : i32
      %add3A_2069 = arith.constant 32 : i32
      %add3A_2070 = arith.addi %mul3A_2068, %add3A_2069 : i32
      %get3A_2071 = arith.index_cast %add3A_2070 : i32 to index
      %get3A_2072 = tpu.vector_load %arg5[%get3A_2071] {strides = array<i32>} : memref<7168xi32, #tpu.memory_space<vmem>>, vector<16xi32>,
      %get3A_2073 = vector.shape_cast %get3A_2072 : vector<16xi32> to vector<16xi32>
      %shift_right_arithmetic3A_2074 = arith.constant 3 : i32
      %shift_right_arithmetic3A_2075 = vector.broadcast %shift_right_arithmetic3A_2074 : i32 to vector<16xi32>
      %shift_right_arithmetic3A_2076 = arith.shrsi %get3A_2073, %shift_right_arithmetic3A_2075 : vector<16xi32>
      %shift_left3A_2077 = arith.constant 13 : i32
      %shift_left3A_2078 = vector.broadcast %shift_left3A_2077 : i32 to vector<16xi32>
      %shift_left3A_2079 = arith.shli %shift_right_arithmetic3A_2076, %shift_left3A_2078 : vector<16xi32>
      %and3A_2080 = arith.constant 7 : i32
      %and3A_2081 = vector.broadcast %and3A_2080 : i32 to vector<16xi32>
      %and3A_2082 = arith.andi %get3A_2073, %and3A_2081 : vector<16xi32>
      %shift_left3A_2083 = arith.constant 7 : i32
      %shift_left3A_2084 = vector.broadcast %shift_left3A_2083 : i32 to vector<16xi32>
      %shift_left3A_2085 = arith.shli %and3A_2082, %shift_left3A_2084 : vector<16xi32>
      %add3A_2086 = arith.addi %shift_left3A_2079, %shift_left3A_2085 : vector<16xi32>
      %add3A_2087 = arith.addi %add3A_2086, %add3A_2066 : vector<16xi32>
      %swap3A_2088 = arith.index_cast %add3A_1993 : i32 to index
      %swap3A_2089 = arith.constant 32 : index
      %swap3A_2090 = tpu.vector_load %arg6[%swap3A_2088, %swap3A_2089] {strides = array<i32>} : memref<56x128xi32, #tpu.memory_space<vmem>>, vector<1x16xi32>,
      %swap3A_2091 = vector.shape_cast %swap3A_2090 : vector<1x16xi32> to vector<16xi32>
      %swap3A_2092 = vector.shape_cast %add3A_2087 : vector<16xi32> to vector<1x16xi32>
      tpu.vector_store %arg6[%swap3A_2088, %swap3A_2089], %swap3A_2092 {strides = array<i32>} : memref<56x128xi32, #tpu.memory_space<vmem>>, vector<1x16xi32>,
      %shift_left3A_2093 = arith.constant 10 : i32
      %shift_left3A_2094 = arith.shli %and3A_1, %shift_left3A_2093 : i32
      %add3A_2095 = arith.constant 48 : i32
      %add3A_2096 = arith.addi %shift_left3A_2094, %add3A_2095 : i32
      %iota3A_2097 = tpu.iota {dimensions = array<i32: 0>} : vector<16xi32>
      %add3A_2098 = vector.broadcast %add3A_2096 : i32 to vector<16xi32>
      %add3A_2099 = arith.addi %add3A_2098, %iota3A_2097 : vector<16xi32>
      %mul3A_2100 = arith.constant 128 : i32
      %mul3A_2101 = arith.muli %add3A_1993, %mul3A_2100 : i32
      %add3A_2102 = arith.constant 48 : i32
      %add3A_2103 = arith.addi %mul3A_2101, %add3A_2102 : i32
      %get3A_2104 = arith.index_cast %add3A_2103 : i32 to index
      %get3A_2105 = tpu.vector_load %arg5[%get3A_2104] {strides = array<i32>} : memref<7168xi32, #tpu.memory_space<vmem>>, vector<16xi32>,
      %get3A_2106 = vector.shape_cast %get3A_2105 : vector<16xi32> to vector<16xi32>
      %shift_right_arithmetic3A_2107 = arith.constant 3 : i32
      %shift_right_arithmetic3A_2108 = vector.broadcast %shift_right_arithmetic3A_2107 : i32 to vector<16xi32>
      %shift_right_arithmetic3A_2109 = arith.shrsi %get3A_2106, %shift_right_arithmetic3A_2108 : vector<16xi32>
      %shift_left3A_2110 = arith.constant 13 : i32
      %shift_left3A_2111 = vector.broadcast %shift_left3A_2110 : i32 to vector<16xi32>
      %shift_left3A_2112 = arith.shli %shift_right_arithmetic3A_2109, %shift_left3A_2111 : vector<16xi32>
      %and3A_2113 = arith.constant 7 : i32
      %and3A_2114 = vector.broadcast %and3A_2113 : i32 to vector<16xi32>
      %and3A_2115 = arith.andi %get3A_2106, %and3A_2114 : vector<16xi32>
      %shift_left3A_2116 = arith.constant 7 : i32
      %shift_left3A_2117 = vector.broadcast %shift_left3A_2116 : i32 to vector<16xi32>
      %shift_left3A_2118 = arith.shli %and3A_2115, %shift_left3A_2117 : vector<16xi32>
      %add3A_2119 = arith.addi %shift_left3A_2112, %shift_left3A_2118 : vector<16xi32>
      %add3A_2120 = arith.addi %add3A_2119, %add3A_2099 : vector<16xi32>
      %swap3A_2121 = arith.index_cast %add3A_1993 : i32 to index
      %swap3A_2122 = arith.constant 48 : index
      %swap3A_2123 = tpu.vector_load %arg6[%swap3A_2121, %swap3A_2122] {strides = array<i32>} : memref<56x128xi32, #tpu.memory_space<vmem>>, vector<1x16xi32>,
      %swap3A_2124 = vector.shape_cast %swap3A_2123 : vector<1x16xi32> to vector<16xi32>
      %swap3A_2125 = vector.shape_cast %add3A_2120 : vector<16xi32> to vector<1x16xi32>
      tpu.vector_store %arg6[%swap3A_2121, %swap3A_2122], %swap3A_2125 {strides = array<i32>} : memref<56x128xi32, #tpu.memory_space<vmem>>, vector<1x16xi32>,
      %shift_left3A_2126 = arith.constant 10 : i32
      %shift_left3A_2127 = arith.shli %and3A_1, %shift_left3A_2126 : i32
      %add3A_2128 = arith.constant 64 : i32
      %add3A_2129 = arith.addi %shift_left3A_2127, %add3A_2128 : i32
      %iota3A_2130 = tpu.iota {dimensions = array<i32: 0>} : vector<16xi32>
      %add3A_2131 = vector.broadcast %add3A_2129 : i32 to vector<16xi32>
      %add3A_2132 = arith.addi %add3A_2131, %iota3A_2130 : vector<16xi32>
      %mul3A_2133 = arith.constant 128 : i32
      %mul3A_2134 = arith.muli %add3A_1993, %mul3A_2133 : i32
      %add3A_2135 = arith.constant 64 : i32
      %add3A_2136 = arith.addi %mul3A_2134, %add3A_2135 : i32
      %get3A_2137 = arith.index_cast %add3A_2136 : i32 to index
      %get3A_2138 = tpu.vector_load %arg5[%get3A_2137] {strides = array<i32>} : memref<7168xi32, #tpu.memory_space<vmem>>, vector<16xi32>,
      %get3A_2139 = vector.shape_cast %get3A_2138 : vector<16xi32> to vector<16xi32>
      %shift_right_arithmetic3A_2140 = arith.constant 3 : i32
      %shift_right_arithmetic3A_2141 = vector.broadcast %shift_right_arithmetic3A_2140 : i32 to vector<16xi32>
      %shift_right_arithmetic3A_2142 = arith.shrsi %get3A_2139, %shift_right_arithmetic3A_2141 : vector<16xi32>
      %shift_left3A_2143 = arith.constant 13 : i32
      %shift_left3A_2144 = vector.broadcast %shift_left3A_2143 : i32 to vector<16xi32>
      %shift_left3A_2145 = arith.shli %shift_right_arithmetic3A_2142, %shift_left3A_2144 : vector<16xi32>
      %and3A_2146 = arith.constant 7 : i32
      %and3A_2147 = vector.broadcast %and3A_2146 : i32 to vector<16xi32>
      %and3A_2148 = arith.andi %get3A_2139, %and3A_2147 : vector<16xi32>
      %shift_left3A_2149 = arith.constant 7 : i32
      %shift_left3A_2150 = vector.broadcast %shift_left3A_2149 : i32 to vector<16xi32>
      %shift_left3A_2151 = arith.shli %and3A_2148, %shift_left3A_2150 : vector<16xi32>
      %add3A_2152 = arith.addi %shift_left3A_2145, %shift_left3A_2151 : vector<16xi32>
      %add3A_2153 = arith.addi %add3A_2152, %add3A_2132 : vector<16xi32>
      %swap3A_2154 = arith.index_cast %add3A_1993 : i32 to index
      %swap3A_2155 = arith.constant 64 : index
      %swap3A_2156 = tpu.vector_load %arg6[%swap3A_2154, %swap3A_2155] {strides = array<i32>} : memref<56x128xi32, #tpu.memory_space<vmem>>, vector<1x16xi32>,
      %swap3A_2157 = vector.shape_cast %swap3A_2156 : vector<1x16xi32> to vector<16xi32>
      %swap3A_2158 = vector.shape_cast %add3A_2153 : vector<16xi32> to vector<1x16xi32>
      tpu.vector_store %arg6[%swap3A_2154, %swap3A_2155], %swap3A_2158 {strides = array<i32>} : memref<56x128xi32, #tpu.memory_space<vmem>>, vector<1x16xi32>,
      %shift_left3A_2159 = arith.constant 10 : i32
      %shift_left3A_2160 = arith.shli %and3A_1, %shift_left3A_2159 : i32
      %add3A_2161 = arith.constant 80 : i32
      %add3A_2162 = arith.addi %shift_left3A_2160, %add3A_2161 : i32
      %iota3A_2163 = tpu.iota {dimensions = array<i32: 0>} : vector<16xi32>
      %add3A_2164 = vector.broadcast %add3A_2162 : i32 to vector<16xi32>
      %add3A_2165 = arith.addi %add3A_2164, %iota3A_2163 : vector<16xi32>
      %mul3A_2166 = arith.constant 128 : i32
      %mul3A_2167 = arith.muli %add3A_1993, %mul3A_2166 : i32
      %add3A_2168 = arith.constant 80 : i32
      %add3A_2169 = arith.addi %mul3A_2167, %add3A_2168 : i32
      %get3A_2170 = arith.index_cast %add3A_2169 : i32 to index
      %get3A_2171 = tpu.vector_load %arg5[%get3A_2170] {strides = array<i32>} : memref<7168xi32, #tpu.memory_space<vmem>>, vector<16xi32>,
      %get3A_2172 = vector.shape_cast %get3A_2171 : vector<16xi32> to vector<16xi32>
      %shift_right_arithmetic3A_2173 = arith.constant 3 : i32
      %shift_right_arithmetic3A_2174 = vector.broadcast %shift_right_arithmetic3A_2173 : i32 to vector<16xi32>
      %shift_right_arithmetic3A_2175 = arith.shrsi %get3A_2172, %shift_right_arithmetic3A_2174 : vector<16xi32>
      %shift_left3A_2176 = arith.constant 13 : i32
      %shift_left3A_2177 = vector.broadcast %shift_left3A_2176 : i32 to vector<16xi32>
      %shift_left3A_2178 = arith.shli %shift_right_arithmetic3A_2175, %shift_left3A_2177 : vector<16xi32>
      %and3A_2179 = arith.constant 7 : i32
      %and3A_2180 = vector.broadcast %and3A_2179 : i32 to vector<16xi32>
      %and3A_2181 = arith.andi %get3A_2172, %and3A_2180 : vector<16xi32>
      %shift_left3A_2182 = arith.constant 7 : i32
      %shift_left3A_2183 = vector.broadcast %shift_left3A_2182 : i32 to vector<16xi32>
      %shift_left3A_2184 = arith.shli %and3A_2181, %shift_left3A_2183 : vector<16xi32>
      %add3A_2185 = arith.addi %shift_left3A_2178, %shift_left3A_2184 : vector<16xi32>
      %add3A_2186 = arith.addi %add3A_2185, %add3A_2165 : vector<16xi32>
      %swap3A_2187 = arith.index_cast %add3A_1993 : i32 to index
      %swap3A_2188 = arith.constant 80 : index
      %swap3A_2189 = tpu.vector_load %arg6[%swap3A_2187, %swap3A_2188] {strides = array<i32>} : memref<56x128xi32, #tpu.memory_space<vmem>>, vector<1x16xi32>,
      %swap3A_2190 = vector.shape_cast %swap3A_2189 : vector<1x16xi32> to vector<16xi32>
      %swap3A_2191 = vector.shape_cast %add3A_2186 : vector<16xi32> to vector<1x16xi32>
      tpu.vector_store %arg6[%swap3A_2187, %swap3A_2188], %swap3A_2191 {strides = array<i32>} : memref<56x128xi32, #tpu.memory_space<vmem>>, vector<1x16xi32>,
      %shift_left3A_2192 = arith.constant 10 : i32
      %shift_left3A_2193 = arith.shli %and3A_1, %shift_left3A_2192 : i32
      %add3A_2194 = arith.constant 96 : i32
      %add3A_2195 = arith.addi %shift_left3A_2193, %add3A_2194 : i32
      %iota3A_2196 = tpu.iota {dimensions = array<i32: 0>} : vector<16xi32>
      %add3A_2197 = vector.broadcast %add3A_2195 : i32 to vector<16xi32>
      %add3A_2198 = arith.addi %add3A_2197, %iota3A_2196 : vector<16xi32>
      %mul3A_2199 = arith.constant 128 : i32
      %mul3A_2200 = arith.muli %add3A_1993, %mul3A_2199 : i32
      %add3A_2201 = arith.constant 96 : i32
      %add3A_2202 = arith.addi %mul3A_2200, %add3A_2201 : i32
      %get3A_2203 = arith.index_cast %add3A_2202 : i32 to index
      %get3A_2204 = tpu.vector_load %arg5[%get3A_2203] {strides = array<i32>} : memref<7168xi32, #tpu.memory_space<vmem>>, vector<16xi32>,
      %get3A_2205 = vector.shape_cast %get3A_2204 : vector<16xi32> to vector<16xi32>
      %shift_right_arithmetic3A_2206 = arith.constant 3 : i32
      %shift_right_arithmetic3A_2207 = vector.broadcast %shift_right_arithmetic3A_2206 : i32 to vector<16xi32>
      %shift_right_arithmetic3A_2208 = arith.shrsi %get3A_2205, %shift_right_arithmetic3A_2207 : vector<16xi32>
      %shift_left3A_2209 = arith.constant 13 : i32
      %shift_left3A_2210 = vector.broadcast %shift_left3A_2209 : i32 to vector<16xi32>
      %shift_left3A_2211 = arith.shli %shift_right_arithmetic3A_2208, %shift_left3A_2210 : vector<16xi32>
      %and3A_2212 = arith.constant 7 : i32
      %and3A_2213 = vector.broadcast %and3A_2212 : i32 to vector<16xi32>
      %and3A_2214 = arith.andi %get3A_2205, %and3A_2213 : vector<16xi32>
      %shift_left3A_2215 = arith.constant 7 : i32
      %shift_left3A_2216 = vector.broadcast %shift_left3A_2215 : i32 to vector<16xi32>
      %shift_left3A_2217 = arith.shli %and3A_2214, %shift_left3A_2216 : vector<16xi32>
      %add3A_2218 = arith.addi %shift_left3A_2211, %shift_left3A_2217 : vector<16xi32>
      %add3A_2219 = arith.addi %add3A_2218, %add3A_2198 : vector<16xi32>
      %swap3A_2220 = arith.index_cast %add3A_1993 : i32 to index
      %swap3A_2221 = arith.constant 96 : index
      %swap3A_2222 = tpu.vector_load %arg6[%swap3A_2220, %swap3A_2221] {strides = array<i32>} : memref<56x128xi32, #tpu.memory_space<vmem>>, vector<1x16xi32>,
      %swap3A_2223 = vector.shape_cast %swap3A_2222 : vector<1x16xi32> to vector<16xi32>
      %swap3A_2224 = vector.shape_cast %add3A_2219 : vector<16xi32> to vector<1x16xi32>
      tpu.vector_store %arg6[%swap3A_2220, %swap3A_2221], %swap3A_2224 {strides = array<i32>} : memref<56x128xi32, #tpu.memory_space<vmem>>, vector<1x16xi32>,
      %shift_left3A_2225 = arith.constant 10 : i32
      %shift_left3A_2226 = arith.shli %and3A_1, %shift_left3A_2225 : i32
      %add3A_2227 = arith.constant 112 : i32
      %add3A_2228 = arith.addi %shift_left3A_2226, %add3A_2227 : i32
      %iota3A_2229 = tpu.iota {dimensions = array<i32: 0>} : vector<16xi32>
      %add3A_2230 = vector.broadcast %add3A_2228 : i32 to vector<16xi32>
      %add3A_2231 = arith.addi %add3A_2230, %iota3A_2229 : vector<16xi32>
      %mul3A_2232 = arith.constant 128 : i32
      %mul3A_2233 = arith.muli %add3A_1993, %mul3A_2232 : i32
      %add3A_2234 = arith.constant 112 : i32
      %add3A_2235 = arith.addi %mul3A_2233, %add3A_2234 : i32
      %get3A_2236 = arith.index_cast %add3A_2235 : i32 to index
      %get3A_2237 = tpu.vector_load %arg5[%get3A_2236] {strides = array<i32>} : memref<7168xi32, #tpu.memory_space<vmem>>, vector<16xi32>,
      %get3A_2238 = vector.shape_cast %get3A_2237 : vector<16xi32> to vector<16xi32>
      %shift_right_arithmetic3A_2239 = arith.constant 3 : i32
      %shift_right_arithmetic3A_2240 = vector.broadcast %shift_right_arithmetic3A_2239 : i32 to vector<16xi32>
      %shift_right_arithmetic3A_2241 = arith.shrsi %get3A_2238, %shift_right_arithmetic3A_2240 : vector<16xi32>
      %shift_left3A_2242 = arith.constant 13 : i32
      %shift_left3A_2243 = vector.broadcast %shift_left3A_2242 : i32 to vector<16xi32>
      %shift_left3A_2244 = arith.shli %shift_right_arithmetic3A_2241, %shift_left3A_2243 : vector<16xi32>
      %and3A_2245 = arith.constant 7 : i32
      %and3A_2246 = vector.broadcast %and3A_2245 : i32 to vector<16xi32>
      %and3A_2247 = arith.andi %get3A_2238, %and3A_2246 : vector<16xi32>
      %shift_left3A_2248 = arith.constant 7 : i32
      %shift_left3A_2249 = vector.broadcast %shift_left3A_2248 : i32 to vector<16xi32>
      %shift_left3A_2250 = arith.shli %and3A_2247, %shift_left3A_2249 : vector<16xi32>
      %add3A_2251 = arith.addi %shift_left3A_2244, %shift_left3A_2250 : vector<16xi32>
      %add3A_2252 = arith.addi %add3A_2251, %add3A_2231 : vector<16xi32>
      %swap3A_2253 = arith.index_cast %add3A_1993 : i32 to index
      %swap3A_2254 = arith.constant 112 : index
      %swap3A_2255 = tpu.vector_load %arg6[%swap3A_2253, %swap3A_2254] {strides = array<i32>} : memref<56x128xi32, #tpu.memory_space<vmem>>, vector<1x16xi32>,
      %swap3A_2256 = vector.shape_cast %swap3A_2255 : vector<1x16xi32> to vector<16xi32>
      %swap3A_2257 = vector.shape_cast %add3A_2252 : vector<16xi32> to vector<1x16xi32>
      tpu.vector_store %arg6[%swap3A_2253, %swap3A_2254], %swap3A_2257 {strides = array<i32>} : memref<56x128xi32, #tpu.memory_space<vmem>>, vector<1x16xi32>,
      %dma_start3A_2258 = arith.constant 0 : i32
      %dma_start3A_2259 = tpu.memref_slice %arg7[%add3A_1993, %dma_start3A_2258] : memref<56x128xf32, #tpu.memory_space<vmem>> -> memref<1x128xf32, #tpu.memory_space<vmem>>
      %dma_start3A_2260 = tpu.memref_squeeze %dma_start3A_2259 : memref<1x128xf32, #tpu.memory_space<vmem>> -> memref<128xf32, #tpu.memory_space<vmem>>
      %dma_start3A_2261 = arith.constant 0 : i32
      %dma_start3A_2262 = tpu.memref_slice %arg6[%add3A_1993, %dma_start3A_2261] : memref<56x128xi32, #tpu.memory_space<vmem>> -> memref<1x128xi32, #tpu.memory_space<vmem>>
      %dma_start3A_2263 = tpu.memref_squeeze %dma_start3A_2262 : memref<1x128xi32, #tpu.memory_space<vmem>> -> memref<128xi32, #tpu.memory_space<vmem>>
      %dma_start3A_2264 = arith.constant 0 : i32
      %dma_start3A_2265 = tpu.memref_slice %arg2[%dma_start3A_2264] : memref<102400000xf32, #tpu.memory_space<hbm>> -> memref<102400000xf32, #tpu.memory_space<hbm>>
      tpu.enqueue_indirect_dma source(%dma_start3A_2265 : memref<102400000xf32, #tpu.memory_space<hbm>>) target(%dma_start3A_2260 : memref<128xf32, #tpu.memory_space<vmem>>) offsets(%dma_start3A_2263 : memref<128xi32, #tpu.memory_space<vmem>>) semaphore(%arg8 : memref<!tpu.dma_semaphore, #tpu.memory_space<semaphore_mem>>)
    }
    %while3A_42 = arith.constant 0 : i32
    %while3A_43 = arith.constant 0 : i32
    %while3A_44 = arith.subi %select_n3A_12, %while3A_43 : i32
    %while3A_45 = arith.addi %while3A_43, %while3A_44 : i32
    %while3A_46 = arith.constant 1 : i32
    %while3A_47 = arith.divsi %while3A_44, %while3A_46 : i32
    %while3A_48 = arith.muli %while3A_47, %while3A_46 : i32
    %while3A_49 = arith.addi %while3A_43, %while3A_48 : i32
    %while3A_50 = arith.constant 1 : i32
    scf.for %while3A_62 = %while3A_43 to %while3A_49 step %while3A_50  : i32 {
      %mul3A_63 = arith.constant 8 : i32
      %mul3A_64 = arith.muli %while3A_62, %mul3A_63 : i32
      %add3A_65 = arith.constant 0 : i32
      %add3A_66 = arith.addi %mul3A_64, %add3A_65 : i32
      %dma_wait3A = arith.constant 0 : i32
      %dma_wait3A_67 = tpu.memref_slice %arg7[%add3A_66, %dma_wait3A] : memref<56x128xf32, #tpu.memory_space<vmem>> -> memref<1x128xf32, #tpu.memory_space<vmem>>
      %dma_wait3A_68 = tpu.memref_squeeze %dma_wait3A_67 : memref<1x128xf32, #tpu.memory_space<vmem>> -> memref<128xf32, #tpu.memory_space<vmem>>
      %dma_wait3A_69 = arith.constant 0 : i32
      %dma_wait3A_70 = tpu.memref_slice %arg6[%add3A_66, %dma_wait3A_69] : memref<56x128xi32, #tpu.memory_space<vmem>> -> memref<1x128xi32, #tpu.memory_space<vmem>>
      %dma_wait3A_71 = tpu.memref_squeeze %dma_wait3A_70 : memref<1x128xi32, #tpu.memory_space<vmem>> -> memref<128xi32, #tpu.memory_space<vmem>>
      %dma_wait3A_72 = arith.constant 0 : i32
      %dma_wait3A_73 = tpu.memref_slice %arg2[%dma_wait3A_72] : memref<102400000xf32, #tpu.memory_space<hbm>> -> memref<102400000xf32, #tpu.memory_space<hbm>>
      tpu.wait_indirect_dma semaphore(%arg8 : memref<!tpu.dma_semaphore, #tpu.memory_space<semaphore_mem>>) src(%dma_wait3A_73 : memref<102400000xf32, #tpu.memory_space<hbm>>) dst(%dma_wait3A_68 : memref<128xf32, #tpu.memory_space<vmem>>)
      %mul3A_74 = arith.constant 8 : i32
      %mul3A_75 = arith.muli %while3A_62, %mul3A_74 : i32
      %add3A_76 = arith.constant 1 : i32
      %add3A_77 = arith.addi %mul3A_75, %add3A_76 : i32
      %dma_wait3A_78 = arith.constant 0 : i32
      %dma_wait3A_79 = tpu.memref_slice %arg7[%add3A_77, %dma_wait3A_78] : memref<56x128xf32, #tpu.memory_space<vmem>> -> memref<1x128xf32, #tpu.memory_space<vmem>>
      %dma_wait3A_80 = tpu.memref_squeeze %dma_wait3A_79 : memref<1x128xf32, #tpu.memory_space<vmem>> -> memref<128xf32, #tpu.memory_space<vmem>>
      %dma_wait3A_81 = arith.constant 0 : i32
      %dma_wait3A_82 = tpu.memref_slice %arg6[%add3A_77, %dma_wait3A_81] : memref<56x128xi32, #tpu.memory_space<vmem>> -> memref<1x128xi32, #tpu.memory_space<vmem>>
      %dma_wait3A_83 = tpu.memref_squeeze %dma_wait3A_82 : memref<1x128xi32, #tpu.memory_space<vmem>> -> memref<128xi32, #tpu.memory_space<vmem>>
      %dma_wait3A_84 = arith.constant 0 : i32
      %dma_wait3A_85 = tpu.memref_slice %arg2[%dma_wait3A_84] : memref<102400000xf32, #tpu.memory_space<hbm>> -> memref<102400000xf32, #tpu.memory_space<hbm>>
      tpu.wait_indirect_dma semaphore(%arg8 : memref<!tpu.dma_semaphore, #tpu.memory_space<semaphore_mem>>) src(%dma_wait3A_85 : memref<102400000xf32, #tpu.memory_space<hbm>>) dst(%dma_wait3A_80 : memref<128xf32, #tpu.memory_space<vmem>>)
      %mul3A_86 = arith.constant 8 : i32
      %mul3A_87 = arith.muli %while3A_62, %mul3A_86 : i32
      %add3A_88 = arith.constant 2 : i32
      %add3A_89 = arith.addi %mul3A_87, %add3A_88 : i32
      %dma_wait3A_90 = arith.constant 0 : i32
      %dma_wait3A_91 = tpu.memref_slice %arg7[%add3A_89, %dma_wait3A_90] : memref<56x128xf32, #tpu.memory_space<vmem>> -> memref<1x128xf32, #tpu.memory_space<vmem>>
      %dma_wait3A_92 = tpu.memref_squeeze %dma_wait3A_91 : memref<1x128xf32, #tpu.memory_space<vmem>> -> memref<128xf32, #tpu.memory_space<vmem>>
      %dma_wait3A_93 = arith.constant 0 : i32
      %dma_wait3A_94 = tpu.memref_slice %arg6[%add3A_89, %dma_wait3A_93] : memref<56x128xi32, #tpu.memory_space<vmem>> -> memref<1x128xi32, #tpu.memory_space<vmem>>
      %dma_wait3A_95 = tpu.memref_squeeze %dma_wait3A_94 : memref<1x128xi32, #tpu.memory_space<vmem>> -> memref<128xi32, #tpu.memory_space<vmem>>
      %dma_wait3A_96 = arith.constant 0 : i32
      %dma_wait3A_97 = tpu.memref_slice %arg2[%dma_wait3A_96] : memref<102400000xf32, #tpu.memory_space<hbm>> -> memref<102400000xf32, #tpu.memory_space<hbm>>
      tpu.wait_indirect_dma semaphore(%arg8 : memref<!tpu.dma_semaphore, #tpu.memory_space<semaphore_mem>>) src(%dma_wait3A_97 : memref<102400000xf32, #tpu.memory_space<hbm>>) dst(%dma_wait3A_92 : memref<128xf32, #tpu.memory_space<vmem>>)
      %mul3A_98 = arith.constant 8 : i32
      %mul3A_99 = arith.muli %while3A_62, %mul3A_98 : i32
      %add3A_100 = arith.constant 3 : i32
      %add3A_101 = arith.addi %mul3A_99, %add3A_100 : i32
      %dma_wait3A_102 = arith.constant 0 : i32
      %dma_wait3A_103 = tpu.memref_slice %arg7[%add3A_101, %dma_wait3A_102] : memref<56x128xf32, #tpu.memory_space<vmem>> -> memref<1x128xf32, #tpu.memory_space<vmem>>
      %dma_wait3A_104 = tpu.memref_squeeze %dma_wait3A_103 : memref<1x128xf32, #tpu.memory_space<vmem>> -> memref<128xf32, #tpu.memory_space<vmem>>
      %dma_wait3A_105 = arith.constant 0 : i32
      %dma_wait3A_106 = tpu.memref_slice %arg6[%add3A_101, %dma_wait3A_105] : memref<56x128xi32, #tpu.memory_space<vmem>> -> memref<1x128xi32, #tpu.memory_space<vmem>>
      %dma_wait3A_107 = tpu.memref_squeeze %dma_wait3A_106 : memref<1x128xi32, #tpu.memory_space<vmem>> -> memref<128xi32, #tpu.memory_space<vmem>>
      %dma_wait3A_108 = arith.constant 0 : i32
      %dma_wait3A_109 = tpu.memref_slice %arg2[%dma_wait3A_108] : memref<102400000xf32, #tpu.memory_space<hbm>> -> memref<102400000xf32, #tpu.memory_space<hbm>>
      tpu.wait_indirect_dma semaphore(%arg8 : memref<!tpu.dma_semaphore, #tpu.memory_space<semaphore_mem>>) src(%dma_wait3A_109 : memref<102400000xf32, #tpu.memory_space<hbm>>) dst(%dma_wait3A_104 : memref<128xf32, #tpu.memory_space<vmem>>)
      %mul3A_110 = arith.constant 8 : i32
      %mul3A_111 = arith.muli %while3A_62, %mul3A_110 : i32
      %add3A_112 = arith.constant 4 : i32
      %add3A_113 = arith.addi %mul3A_111, %add3A_112 : i32
      %dma_wait3A_114 = arith.constant 0 : i32
      %dma_wait3A_115 = tpu.memref_slice %arg7[%add3A_113, %dma_wait3A_114] : memref<56x128xf32, #tpu.memory_space<vmem>> -> memref<1x128xf32, #tpu.memory_space<vmem>>
      %dma_wait3A_116 = tpu.memref_squeeze %dma_wait3A_115 : memref<1x128xf32, #tpu.memory_space<vmem>> -> memref<128xf32, #tpu.memory_space<vmem>>
      %dma_wait3A_117 = arith.constant 0 : i32
      %dma_wait3A_118 = tpu.memref_slice %arg6[%add3A_113, %dma_wait3A_117] : memref<56x128xi32, #tpu.memory_space<vmem>> -> memref<1x128xi32, #tpu.memory_space<vmem>>
      %dma_wait3A_119 = tpu.memref_squeeze %dma_wait3A_118 : memref<1x128xi32, #tpu.memory_space<vmem>> -> memref<128xi32, #tpu.memory_space<vmem>>
      %dma_wait3A_120 = arith.constant 0 : i32
      %dma_wait3A_121 = tpu.memref_slice %arg2[%dma_wait3A_120] : memref<102400000xf32, #tpu.memory_space<hbm>> -> memref<102400000xf32, #tpu.memory_space<hbm>>
      tpu.wait_indirect_dma semaphore(%arg8 : memref<!tpu.dma_semaphore, #tpu.memory_space<semaphore_mem>>) src(%dma_wait3A_121 : memref<102400000xf32, #tpu.memory_space<hbm>>) dst(%dma_wait3A_116 : memref<128xf32, #tpu.memory_space<vmem>>)
      %mul3A_122 = arith.constant 8 : i32
      %mul3A_123 = arith.muli %while3A_62, %mul3A_122 : i32
      %add3A_124 = arith.constant 5 : i32
      %add3A_125 = arith.addi %mul3A_123, %add3A_124 : i32
      %dma_wait3A_126 = arith.constant 0 : i32
      %dma_wait3A_127 = tpu.memref_slice %arg7[%add3A_125, %dma_wait3A_126] : memref<56x128xf32, #tpu.memory_space<vmem>> -> memref<1x128xf32, #tpu.memory_space<vmem>>
      %dma_wait3A_128 = tpu.memref_squeeze %dma_wait3A_127 : memref<1x128xf32, #tpu.memory_space<vmem>> -> memref<128xf32, #tpu.memory_space<vmem>>
      %dma_wait3A_129 = arith.constant 0 : i32
      %dma_wait3A_130 = tpu.memref_slice %arg6[%add3A_125, %dma_wait3A_129] : memref<56x128xi32, #tpu.memory_space<vmem>> -> memref<1x128xi32, #tpu.memory_space<vmem>>
      %dma_wait3A_131 = tpu.memref_squeeze %dma_wait3A_130 : memref<1x128xi32, #tpu.memory_space<vmem>> -> memref<128xi32, #tpu.memory_space<vmem>>
      %dma_wait3A_132 = arith.constant 0 : i32
      %dma_wait3A_133 = tpu.memref_slice %arg2[%dma_wait3A_132] : memref<102400000xf32, #tpu.memory_space<hbm>> -> memref<102400000xf32, #tpu.memory_space<hbm>>
      tpu.wait_indirect_dma semaphore(%arg8 : memref<!tpu.dma_semaphore, #tpu.memory_space<semaphore_mem>>) src(%dma_wait3A_133 : memref<102400000xf32, #tpu.memory_space<hbm>>) dst(%dma_wait3A_128 : memref<128xf32, #tpu.memory_space<vmem>>)
      %mul3A_134 = arith.constant 8 : i32
      %mul3A_135 = arith.muli %while3A_62, %mul3A_134 : i32
      %add3A_136 = arith.constant 6 : i32
      %add3A_137 = arith.addi %mul3A_135, %add3A_136 : i32
      %dma_wait3A_138 = arith.constant 0 : i32
      %dma_wait3A_139 = tpu.memref_slice %arg7[%add3A_137, %dma_wait3A_138] : memref<56x128xf32, #tpu.memory_space<vmem>> -> memref<1x128xf32, #tpu.memory_space<vmem>>
      %dma_wait3A_140 = tpu.memref_squeeze %dma_wait3A_139 : memref<1x128xf32, #tpu.memory_space<vmem>> -> memref<128xf32, #tpu.memory_space<vmem>>
      %dma_wait3A_141 = arith.constant 0 : i32
      %dma_wait3A_142 = tpu.memref_slice %arg6[%add3A_137, %dma_wait3A_141] : memref<56x128xi32, #tpu.memory_space<vmem>> -> memref<1x128xi32, #tpu.memory_space<vmem>>
      %dma_wait3A_143 = tpu.memref_squeeze %dma_wait3A_142 : memref<1x128xi32, #tpu.memory_space<vmem>> -> memref<128xi32, #tpu.memory_space<vmem>>
      %dma_wait3A_144 = arith.constant 0 : i32
      %dma_wait3A_145 = tpu.memref_slice %arg2[%dma_wait3A_144] : memref<102400000xf32, #tpu.memory_space<hbm>> -> memref<102400000xf32, #tpu.memory_space<hbm>>
      tpu.wait_indirect_dma semaphore(%arg8 : memref<!tpu.dma_semaphore, #tpu.memory_space<semaphore_mem>>) src(%dma_wait3A_145 : memref<102400000xf32, #tpu.memory_space<hbm>>) dst(%dma_wait3A_140 : memref<128xf32, #tpu.memory_space<vmem>>)
      %mul3A_146 = arith.constant 8 : i32
      %mul3A_147 = arith.muli %while3A_62, %mul3A_146 : i32
      %add3A_148 = arith.constant 7 : i32
      %add3A_149 = arith.addi %mul3A_147, %add3A_148 : i32
      %dma_wait3A_150 = arith.constant 0 : i32
      %dma_wait3A_151 = tpu.memref_slice %arg7[%add3A_149, %dma_wait3A_150] : memref<56x128xf32, #tpu.memory_space<vmem>> -> memref<1x128xf32, #tpu.memory_space<vmem>>
      %dma_wait3A_152 = tpu.memref_squeeze %dma_wait3A_151 : memref<1x128xf32, #tpu.memory_space<vmem>> -> memref<128xf32, #tpu.memory_space<vmem>>
      %dma_wait3A_153 = arith.constant 0 : i32
      %dma_wait3A_154 = tpu.memref_slice %arg6[%add3A_149, %dma_wait3A_153] : memref<56x128xi32, #tpu.memory_space<vmem>> -> memref<1x128xi32, #tpu.memory_space<vmem>>
      %dma_wait3A_155 = tpu.memref_squeeze %dma_wait3A_154 : memref<1x128xi32, #tpu.memory_space<vmem>> -> memref<128xi32, #tpu.memory_space<vmem>>
      %dma_wait3A_156 = arith.constant 0 : i32
      %dma_wait3A_157 = tpu.memref_slice %arg2[%dma_wait3A_156] : memref<102400000xf32, #tpu.memory_space<hbm>> -> memref<102400000xf32, #tpu.memory_space<hbm>>
      tpu.wait_indirect_dma semaphore(%arg8 : memref<!tpu.dma_semaphore, #tpu.memory_space<semaphore_mem>>) src(%dma_wait3A_157 : memref<102400000xf32, #tpu.memory_space<hbm>>) dst(%dma_wait3A_152 : memref<128xf32, #tpu.memory_space<vmem>>)
      %mul3A_158 = arith.constant 8 : i32
      %mul3A_159 = arith.muli %while3A_62, %mul3A_158 : i32
      %add3A_160 = arith.addi %select_n3A, %while3A_62 : i32
      %dma_start3A = arith.constant 0 : i32
      %dma_start3A_161 = tpu.memref_slice %arg7[%mul3A_159, %dma_start3A] : memref<56x128xf32, #tpu.memory_space<vmem>> -> memref<8x128xf32, #tpu.memory_space<vmem>>
      %dma_start3A_162 = arith.constant 0 : i32
      %dma_start3A_163 = arith.constant 0 : i32
      %dma_start3A_164 = tpu.memref_slice %arg4[%add3A_160, %and3A_1, %dma_start3A_162, %dma_start3A_163] : memref<25x8x8x128xf32, #tpu.memory_space<hbm>> -> memref<1x1x8x128xf32, #tpu.memory_space<hbm>>
      %dma_start3A_165 = tpu.memref_squeeze %dma_start3A_164 : memref<1x1x8x128xf32, #tpu.memory_space<hbm>> -> memref<8x128xf32, #tpu.memory_space<hbm>>
      %dma_start3A_166 = arith.constant 0 : i32
      %dma_start3A_167 = arith.constant 0 : i32
      %dma_start3A_168 = tpu.memref_slice %arg4[%add3A_160, %and3A_1, %dma_start3A_166, %dma_start3A_167] : memref<25x8x8x128xf32, #tpu.memory_space<hbm>> -> memref<1x1x8x128xf32, #tpu.memory_space<hbm>>
      %dma_start3A_169 = tpu.memref_squeeze %dma_start3A_168 : memref<1x1x8x128xf32, #tpu.memory_space<hbm>> -> memref<8x128xf32, #tpu.memory_space<hbm>>
      %dma_start3A_170 = arith.constant 0 : i32
      %dma_start3A_171 = tpu.memref_slice %arg7[%mul3A_159, %dma_start3A_170] : memref<56x128xf32, #tpu.memory_space<vmem>> -> memref<8x128xf32, #tpu.memory_space<vmem>>
      tpu.enqueue_dma source(%dma_start3A_171 : memref<8x128xf32, #tpu.memory_space<vmem>>) target(%dma_start3A_169 : memref<8x128xf32, #tpu.memory_space<hbm>>) target_semaphore(%arg9 : memref<!tpu.dma_semaphore, #tpu.memory_space<semaphore_mem>>)
    }
    %while3A_51 = arith.constant 1 : i32
    scf.for %while3A_62 = %while3A_49 to %while3A_45 step %while3A_51  : i32 {
      %mul3A_63 = arith.constant 8 : i32
      %mul3A_64 = arith.muli %while3A_62, %mul3A_63 : i32
      %add3A_65 = arith.constant 0 : i32
      %add3A_66 = arith.addi %mul3A_64, %add3A_65 : i32
      %dma_wait3A = arith.constant 0 : i32
      %dma_wait3A_67 = tpu.memref_slice %arg7[%add3A_66, %dma_wait3A] : memref<56x128xf32, #tpu.memory_space<vmem>> -> memref<1x128xf32, #tpu.memory_space<vmem>>
      %dma_wait3A_68 = tpu.memref_squeeze %dma_wait3A_67 : memref<1x128xf32, #tpu.memory_space<vmem>> -> memref<128xf32, #tpu.memory_space<vmem>>
      %dma_wait3A_69 = arith.constant 0 : i32
      %dma_wait3A_70 = tpu.memref_slice %arg6[%add3A_66, %dma_wait3A_69] : memref<56x128xi32, #tpu.memory_space<vmem>> -> memref<1x128xi32, #tpu.memory_space<vmem>>
      %dma_wait3A_71 = tpu.memref_squeeze %dma_wait3A_70 : memref<1x128xi32, #tpu.memory_space<vmem>> -> memref<128xi32, #tpu.memory_space<vmem>>
      %dma_wait3A_72 = arith.constant 0 : i32
      %dma_wait3A_73 = tpu.memref_slice %arg2[%dma_wait3A_72] : memref<102400000xf32, #tpu.memory_space<hbm>> -> memref<102400000xf32, #tpu.memory_space<hbm>>
      tpu.wait_indirect_dma semaphore(%arg8 : memref<!tpu.dma_semaphore, #tpu.memory_space<semaphore_mem>>) src(%dma_wait3A_73 : memref<102400000xf32, #tpu.memory_space<hbm>>) dst(%dma_wait3A_68 : memref<128xf32, #tpu.memory_space<vmem>>)
      %mul3A_74 = arith.constant 8 : i32
      %mul3A_75 = arith.muli %while3A_62, %mul3A_74 : i32
      %add3A_76 = arith.constant 1 : i32
      %add3A_77 = arith.addi %mul3A_75, %add3A_76 : i32
      %dma_wait3A_78 = arith.constant 0 : i32
      %dma_wait3A_79 = tpu.memref_slice %arg7[%add3A_77, %dma_wait3A_78] : memref<56x128xf32, #tpu.memory_space<vmem>> -> memref<1x128xf32, #tpu.memory_space<vmem>>
      %dma_wait3A_80 = tpu.memref_squeeze %dma_wait3A_79 : memref<1x128xf32, #tpu.memory_space<vmem>> -> memref<128xf32, #tpu.memory_space<vmem>>
      %dma_wait3A_81 = arith.constant 0 : i32
      %dma_wait3A_82 = tpu.memref_slice %arg6[%add3A_77, %dma_wait3A_81] : memref<56x128xi32, #tpu.memory_space<vmem>> -> memref<1x128xi32, #tpu.memory_space<vmem>>
      %dma_wait3A_83 = tpu.memref_squeeze %dma_wait3A_82 : memref<1x128xi32, #tpu.memory_space<vmem>> -> memref<128xi32, #tpu.memory_space<vmem>>
      %dma_wait3A_84 = arith.constant 0 : i32
      %dma_wait3A_85 = tpu.memref_slice %arg2[%dma_wait3A_84] : memref<102400000xf32, #tpu.memory_space<hbm>> -> memref<102400000xf32, #tpu.memory_space<hbm>>
      tpu.wait_indirect_dma semaphore(%arg8 : memref<!tpu.dma_semaphore, #tpu.memory_space<semaphore_mem>>) src(%dma_wait3A_85 : memref<102400000xf32, #tpu.memory_space<hbm>>) dst(%dma_wait3A_80 : memref<128xf32, #tpu.memory_space<vmem>>)
      %mul3A_86 = arith.constant 8 : i32
      %mul3A_87 = arith.muli %while3A_62, %mul3A_86 : i32
      %add3A_88 = arith.constant 2 : i32
      %add3A_89 = arith.addi %mul3A_87, %add3A_88 : i32
      %dma_wait3A_90 = arith.constant 0 : i32
      %dma_wait3A_91 = tpu.memref_slice %arg7[%add3A_89, %dma_wait3A_90] : memref<56x128xf32, #tpu.memory_space<vmem>> -> memref<1x128xf32, #tpu.memory_space<vmem>>
      %dma_wait3A_92 = tpu.memref_squeeze %dma_wait3A_91 : memref<1x128xf32, #tpu.memory_space<vmem>> -> memref<128xf32, #tpu.memory_space<vmem>>
      %dma_wait3A_93 = arith.constant 0 : i32
      %dma_wait3A_94 = tpu.memref_slice %arg6[%add3A_89, %dma_wait3A_93] : memref<56x128xi32, #tpu.memory_space<vmem>> -> memref<1x128xi32, #tpu.memory_space<vmem>>
      %dma_wait3A_95 = tpu.memref_squeeze %dma_wait3A_94 : memref<1x128xi32, #tpu.memory_space<vmem>> -> memref<128xi32, #tpu.memory_space<vmem>>
      %dma_wait3A_96 = arith.constant 0 : i32
      %dma_wait3A_97 = tpu.memref_slice %arg2[%dma_wait3A_96] : memref<102400000xf32, #tpu.memory_space<hbm>> -> memref<102400000xf32, #tpu.memory_space<hbm>>
      tpu.wait_indirect_dma semaphore(%arg8 : memref<!tpu.dma_semaphore, #tpu.memory_space<semaphore_mem>>) src(%dma_wait3A_97 : memref<102400000xf32, #tpu.memory_space<hbm>>) dst(%dma_wait3A_92 : memref<128xf32, #tpu.memory_space<vmem>>)
      %mul3A_98 = arith.constant 8 : i32
      %mul3A_99 = arith.muli %while3A_62, %mul3A_98 : i32
      %add3A_100 = arith.constant 3 : i32
      %add3A_101 = arith.addi %mul3A_99, %add3A_100 : i32
      %dma_wait3A_102 = arith.constant 0 : i32
      %dma_wait3A_103 = tpu.memref_slice %arg7[%add3A_101, %dma_wait3A_102] : memref<56x128xf32, #tpu.memory_space<vmem>> -> memref<1x128xf32, #tpu.memory_space<vmem>>
      %dma_wait3A_104 = tpu.memref_squeeze %dma_wait3A_103 : memref<1x128xf32, #tpu.memory_space<vmem>> -> memref<128xf32, #tpu.memory_space<vmem>>
      %dma_wait3A_105 = arith.constant 0 : i32
      %dma_wait3A_106 = tpu.memref_slice %arg6[%add3A_101, %dma_wait3A_105] : memref<56x128xi32, #tpu.memory_space<vmem>> -> memref<1x128xi32, #tpu.memory_space<vmem>>
      %dma_wait3A_107 = tpu.memref_squeeze %dma_wait3A_106 : memref<1x128xi32, #tpu.memory_space<vmem>> -> memref<128xi32, #tpu.memory_space<vmem>>
      %dma_wait3A_108 = arith.constant 0 : i32
      %dma_wait3A_109 = tpu.memref_slice %arg2[%dma_wait3A_108] : memref<102400000xf32, #tpu.memory_space<hbm>> -> memref<102400000xf32, #tpu.memory_space<hbm>>
      tpu.wait_indirect_dma semaphore(%arg8 : memref<!tpu.dma_semaphore, #tpu.memory_space<semaphore_mem>>) src(%dma_wait3A_109 : memref<102400000xf32, #tpu.memory_space<hbm>>) dst(%dma_wait3A_104 : memref<128xf32, #tpu.memory_space<vmem>>)
      %mul3A_110 = arith.constant 8 : i32
      %mul3A_111 = arith.muli %while3A_62, %mul3A_110 : i32
      %add3A_112 = arith.constant 4 : i32
      %add3A_113 = arith.addi %mul3A_111, %add3A_112 : i32
      %dma_wait3A_114 = arith.constant 0 : i32
      %dma_wait3A_115 = tpu.memref_slice %arg7[%add3A_113, %dma_wait3A_114] : memref<56x128xf32, #tpu.memory_space<vmem>> -> memref<1x128xf32, #tpu.memory_space<vmem>>
      %dma_wait3A_116 = tpu.memref_squeeze %dma_wait3A_115 : memref<1x128xf32, #tpu.memory_space<vmem>> -> memref<128xf32, #tpu.memory_space<vmem>>
      %dma_wait3A_117 = arith.constant 0 : i32
      %dma_wait3A_118 = tpu.memref_slice %arg6[%add3A_113, %dma_wait3A_117] : memref<56x128xi32, #tpu.memory_space<vmem>> -> memref<1x128xi32, #tpu.memory_space<vmem>>
      %dma_wait3A_119 = tpu.memref_squeeze %dma_wait3A_118 : memref<1x128xi32, #tpu.memory_space<vmem>> -> memref<128xi32, #tpu.memory_space<vmem>>
      %dma_wait3A_120 = arith.constant 0 : i32
      %dma_wait3A_121 = tpu.memref_slice %arg2[%dma_wait3A_120] : memref<102400000xf32, #tpu.memory_space<hbm>> -> memref<102400000xf32, #tpu.memory_space<hbm>>
      tpu.wait_indirect_dma semaphore(%arg8 : memref<!tpu.dma_semaphore, #tpu.memory_space<semaphore_mem>>) src(%dma_wait3A_121 : memref<102400000xf32, #tpu.memory_space<hbm>>) dst(%dma_wait3A_116 : memref<128xf32, #tpu.memory_space<vmem>>)
      %mul3A_122 = arith.constant 8 : i32
      %mul3A_123 = arith.muli %while3A_62, %mul3A_122 : i32
      %add3A_124 = arith.constant 5 : i32
      %add3A_125 = arith.addi %mul3A_123, %add3A_124 : i32
      %dma_wait3A_126 = arith.constant 0 : i32
      %dma_wait3A_127 = tpu.memref_slice %arg7[%add3A_125, %dma_wait3A_126] : memref<56x128xf32, #tpu.memory_space<vmem>> -> memref<1x128xf32, #tpu.memory_space<vmem>>
      %dma_wait3A_128 = tpu.memref_squeeze %dma_wait3A_127 : memref<1x128xf32, #tpu.memory_space<vmem>> -> memref<128xf32, #tpu.memory_space<vmem>>
      %dma_wait3A_129 = arith.constant 0 : i32
      %dma_wait3A_130 = tpu.memref_slice %arg6[%add3A_125, %dma_wait3A_129] : memref<56x128xi32, #tpu.memory_space<vmem>> -> memref<1x128xi32, #tpu.memory_space<vmem>>
      %dma_wait3A_131 = tpu.memref_squeeze %dma_wait3A_130 : memref<1x128xi32, #tpu.memory_space<vmem>> -> memref<128xi32, #tpu.memory_space<vmem>>
      %dma_wait3A_132 = arith.constant 0 : i32
      %dma_wait3A_133 = tpu.memref_slice %arg2[%dma_wait3A_132] : memref<102400000xf32, #tpu.memory_space<hbm>> -> memref<102400000xf32, #tpu.memory_space<hbm>>
      tpu.wait_indirect_dma semaphore(%arg8 : memref<!tpu.dma_semaphore, #tpu.memory_space<semaphore_mem>>) src(%dma_wait3A_133 : memref<102400000xf32, #tpu.memory_space<hbm>>) dst(%dma_wait3A_128 : memref<128xf32, #tpu.memory_space<vmem>>)
      %mul3A_134 = arith.constant 8 : i32
      %mul3A_135 = arith.muli %while3A_62, %mul3A_134 : i32
      %add3A_136 = arith.constant 6 : i32
      %add3A_137 = arith.addi %mul3A_135, %add3A_136 : i32
      %dma_wait3A_138 = arith.constant 0 : i32
      %dma_wait3A_139 = tpu.memref_slice %arg7[%add3A_137, %dma_wait3A_138] : memref<56x128xf32, #tpu.memory_space<vmem>> -> memref<1x128xf32, #tpu.memory_space<vmem>>
      %dma_wait3A_140 = tpu.memref_squeeze %dma_wait3A_139 : memref<1x128xf32, #tpu.memory_space<vmem>> -> memref<128xf32, #tpu.memory_space<vmem>>
      %dma_wait3A_141 = arith.constant 0 : i32
      %dma_wait3A_142 = tpu.memref_slice %arg6[%add3A_137, %dma_wait3A_141] : memref<56x128xi32, #tpu.memory_space<vmem>> -> memref<1x128xi32, #tpu.memory_space<vmem>>
      %dma_wait3A_143 = tpu.memref_squeeze %dma_wait3A_142 : memref<1x128xi32, #tpu.memory_space<vmem>> -> memref<128xi32, #tpu.memory_space<vmem>>
      %dma_wait3A_144 = arith.constant 0 : i32
      %dma_wait3A_145 = tpu.memref_slice %arg2[%dma_wait3A_144] : memref<102400000xf32, #tpu.memory_space<hbm>> -> memref<102400000xf32, #tpu.memory_space<hbm>>
      tpu.wait_indirect_dma semaphore(%arg8 : memref<!tpu.dma_semaphore, #tpu.memory_space<semaphore_mem>>) src(%dma_wait3A_145 : memref<102400000xf32, #tpu.memory_space<hbm>>) dst(%dma_wait3A_140 : memref<128xf32, #tpu.memory_space<vmem>>)
      %mul3A_146 = arith.constant 8 : i32
      %mul3A_147 = arith.muli %while3A_62, %mul3A_146 : i32
      %add3A_148 = arith.constant 7 : i32
      %add3A_149 = arith.addi %mul3A_147, %add3A_148 : i32
      %dma_wait3A_150 = arith.constant 0 : i32
      %dma_wait3A_151 = tpu.memref_slice %arg7[%add3A_149, %dma_wait3A_150] : memref<56x128xf32, #tpu.memory_space<vmem>> -> memref<1x128xf32, #tpu.memory_space<vmem>>
      %dma_wait3A_152 = tpu.memref_squeeze %dma_wait3A_151 : memref<1x128xf32, #tpu.memory_space<vmem>> -> memref<128xf32, #tpu.memory_space<vmem>>
      %dma_wait3A_153 = arith.constant 0 : i32
      %dma_wait3A_154 = tpu.memref_slice %arg6[%add3A_149, %dma_wait3A_153] : memref<56x128xi32, #tpu.memory_space<vmem>> -> memref<1x128xi32, #tpu.memory_space<vmem>>
      %dma_wait3A_155 = tpu.memref_squeeze %dma_wait3A_154 : memref<1x128xi32, #tpu.memory_space<vmem>> -> memref<128xi32, #tpu.memory_space<vmem>>
      %dma_wait3A_156 = arith.constant 0 : i32
      %dma_wait3A_157 = tpu.memref_slice %arg2[%dma_wait3A_156] : memref<102400000xf32, #tpu.memory_space<hbm>> -> memref<102400000xf32, #tpu.memory_space<hbm>>
      tpu.wait_indirect_dma semaphore(%arg8 : memref<!tpu.dma_semaphore, #tpu.memory_space<semaphore_mem>>) src(%dma_wait3A_157 : memref<102400000xf32, #tpu.memory_space<hbm>>) dst(%dma_wait3A_152 : memref<128xf32, #tpu.memory_space<vmem>>)
      %mul3A_158 = arith.constant 8 : i32
      %mul3A_159 = arith.muli %while3A_62, %mul3A_158 : i32
      %add3A_160 = arith.addi %select_n3A, %while3A_62 : i32
      %dma_start3A = arith.constant 0 : i32
      %dma_start3A_161 = tpu.memref_slice %arg7[%mul3A_159, %dma_start3A] : memref<56x128xf32, #tpu.memory_space<vmem>> -> memref<8x128xf32, #tpu.memory_space<vmem>>
      %dma_start3A_162 = arith.constant 0 : i32
      %dma_start3A_163 = arith.constant 0 : i32
      %dma_start3A_164 = tpu.memref_slice %arg4[%add3A_160, %and3A_1, %dma_start3A_162, %dma_start3A_163] : memref<25x8x8x128xf32, #tpu.memory_space<hbm>> -> memref<1x1x8x128xf32, #tpu.memory_space<hbm>>
      %dma_start3A_165 = tpu.memref_squeeze %dma_start3A_164 : memref<1x1x8x128xf32, #tpu.memory_space<hbm>> -> memref<8x128xf32, #tpu.memory_space<hbm>>
      %dma_start3A_166 = arith.constant 0 : i32
      %dma_start3A_167 = arith.constant 0 : i32
      %dma_start3A_168 = tpu.memref_slice %arg4[%add3A_160, %and3A_1, %dma_start3A_166, %dma_start3A_167] : memref<25x8x8x128xf32, #tpu.memory_space<hbm>> -> memref<1x1x8x128xf32, #tpu.memory_space<hbm>>
      %dma_start3A_169 = tpu.memref_squeeze %dma_start3A_168 : memref<1x1x8x128xf32, #tpu.memory_space<hbm>> -> memref<8x128xf32, #tpu.memory_space<hbm>>
      %dma_start3A_170 = arith.constant 0 : i32
      %dma_start3A_171 = tpu.memref_slice %arg7[%mul3A_159, %dma_start3A_170] : memref<56x128xf32, #tpu.memory_space<vmem>> -> memref<8x128xf32, #tpu.memory_space<vmem>>
      tpu.enqueue_dma source(%dma_start3A_171 : memref<8x128xf32, #tpu.memory_space<vmem>>) target(%dma_start3A_169 : memref<8x128xf32, #tpu.memory_space<hbm>>) target_semaphore(%arg9 : memref<!tpu.dma_semaphore, #tpu.memory_space<semaphore_mem>>)
    }
    %while3A_52 = arith.constant 0 : i32
    %while3A_53 = arith.constant 0 : i32
    %while3A_54 = arith.subi %select_n3A_12, %while3A_53 : i32
    %while3A_55 = arith.addi %while3A_53, %while3A_54 : i32
    %while3A_56 = arith.constant 1 : i32
    %while3A_57 = arith.divsi %while3A_54, %while3A_56 : i32
    %while3A_58 = arith.muli %while3A_57, %while3A_56 : i32
    %while3A_59 = arith.addi %while3A_53, %while3A_58 : i32
    %while3A_60 = arith.constant 1 : i32
    scf.for %while3A_62 = %while3A_53 to %while3A_59 step %while3A_60  : i32 {
      %mul3A_63 = arith.constant 8 : i32
      %mul3A_64 = arith.muli %while3A_62, %mul3A_63 : i32
      %add3A_65 = arith.addi %select_n3A, %while3A_62 : i32
      %dma_wait3A = arith.constant 0 : i32
      %dma_wait3A_66 = tpu.memref_slice %arg7[%mul3A_64, %dma_wait3A] : memref<56x128xf32, #tpu.memory_space<vmem>> -> memref<8x128xf32, #tpu.memory_space<vmem>>
      %dma_wait3A_67 = arith.constant 0 : i32
      %dma_wait3A_68 = arith.constant 0 : i32
      %dma_wait3A_69 = tpu.memref_slice %arg4[%add3A_65, %and3A_1, %dma_wait3A_67, %dma_wait3A_68] : memref<25x8x8x128xf32, #tpu.memory_space<hbm>> -> memref<1x1x8x128xf32, #tpu.memory_space<hbm>>
      %dma_wait3A_70 = tpu.memref_squeeze %dma_wait3A_69 : memref<1x1x8x128xf32, #tpu.memory_space<hbm>> -> memref<8x128xf32, #tpu.memory_space<hbm>>
      %dma_wait3A_71 = arith.constant 0 : i32
      %dma_wait3A_72 = arith.constant 0 : i32
      %dma_wait3A_73 = tpu.memref_slice %arg4[%add3A_65, %and3A_1, %dma_wait3A_71, %dma_wait3A_72] : memref<25x8x8x128xf32, #tpu.memory_space<hbm>> -> memref<1x1x8x128xf32, #tpu.memory_space<hbm>>
      %dma_wait3A_74 = tpu.memref_squeeze %dma_wait3A_73 : memref<1x1x8x128xf32, #tpu.memory_space<hbm>> -> memref<8x128xf32, #tpu.memory_space<hbm>>
      %dma_wait3A_75 = arith.constant 0 : i32
      %dma_wait3A_76 = tpu.memref_slice %arg7[%mul3A_64, %dma_wait3A_75] : memref<56x128xf32, #tpu.memory_space<vmem>> -> memref<8x128xf32, #tpu.memory_space<vmem>>
      tpu.wait_dma2 semaphore(%arg9 : memref<!tpu.dma_semaphore, #tpu.memory_space<semaphore_mem>>) src(%dma_wait3A_76 : memref<8x128xf32, #tpu.memory_space<vmem>>) dst(%dma_wait3A_74 : memref<8x128xf32, #tpu.memory_space<hbm>>)
    }
    %while3A_61 = arith.constant 1 : i32
    scf.for %while3A_62 = %while3A_59 to %while3A_55 step %while3A_61  : i32 {
      %mul3A_63 = arith.constant 8 : i32
      %mul3A_64 = arith.muli %while3A_62, %mul3A_63 : i32
      %add3A_65 = arith.addi %select_n3A, %while3A_62 : i32
      %dma_wait3A = arith.constant 0 : i32
      %dma_wait3A_66 = tpu.memref_slice %arg7[%mul3A_64, %dma_wait3A] : memref<56x128xf32, #tpu.memory_space<vmem>> -> memref<8x128xf32, #tpu.memory_space<vmem>>
      %dma_wait3A_67 = arith.constant 0 : i32
      %dma_wait3A_68 = arith.constant 0 : i32
      %dma_wait3A_69 = tpu.memref_slice %arg4[%add3A_65, %and3A_1, %dma_wait3A_67, %dma_wait3A_68] : memref<25x8x8x128xf32, #tpu.memory_space<hbm>> -> memref<1x1x8x128xf32, #tpu.memory_space<hbm>>
      %dma_wait3A_70 = tpu.memref_squeeze %dma_wait3A_69 : memref<1x1x8x128xf32, #tpu.memory_space<hbm>> -> memref<8x128xf32, #tpu.memory_space<hbm>>
      %dma_wait3A_71 = arith.constant 0 : i32
      %dma_wait3A_72 = arith.constant 0 : i32
      %dma_wait3A_73 = tpu.memref_slice %arg4[%add3A_65, %and3A_1, %dma_wait3A_71, %dma_wait3A_72] : memref<25x8x8x128xf32, #tpu.memory_space<hbm>> -> memref<1x1x8x128xf32, #tpu.memory_space<hbm>>
      %dma_wait3A_74 = tpu.memref_squeeze %dma_wait3A_73 : memref<1x1x8x128xf32, #tpu.memory_space<hbm>> -> memref<8x128xf32, #tpu.memory_space<hbm>>
      %dma_wait3A_75 = arith.constant 0 : i32
      %dma_wait3A_76 = tpu.memref_slice %arg7[%mul3A_64, %dma_wait3A_75] : memref<56x128xf32, #tpu.memory_space<vmem>> -> memref<8x128xf32, #tpu.memory_space<vmem>>
      tpu.wait_dma2 semaphore(%arg9 : memref<!tpu.dma_semaphore, #tpu.memory_space<semaphore_mem>>) src(%dma_wait3A_76 : memref<8x128xf32, #tpu.memory_space<vmem>>) dst(%dma_wait3A_74 : memref<8x128xf32, #tpu.memory_space<hbm>>)
    }
    return
  }
}

</mosaic_0001>

<sc_bundles>
// kernel: kernel.3.cloned.1.call-start
scs
__scs_entry_jumppad:
0x0: {  	(pc) =	sbr.rel $0x88, $3  }
0x1: {  	(tag) =	ssettag $0x0;
	lr =	simm.s32 $0x1  }
0x2: {  	[smem:$0x3F9F] =	sst lr;
	_ =	strace $0xD0000000  }
0x3: {  	_ = 	snop  }
0x4: {  	_ = 	snop  }
0x5: {  	_ = 	snop  }
0x6: {  	_ = 	snop  }
0x7: {  	_ = 	snop  }
__scs_overlays_trampoline_lowered:
0x8: {  	[smem:$0x3FAE] =	sst s0  }
0x9: {  	[smem:$0x3FAF] =	sst s1  }
0xa: {  	[smem:$0x3FB0] =	sst s2  }
0xb: {  	[smem:$0x3FB1] =	sst s3  }
0xc: {  	[smem:$0x3FB2] =	sst s4  }
0xd: {  	[smem:$0x3FB3] =	sst s5  }
0xe: {  	[smem:$0x3FB4] =	sst s6  }
0xf: {  	[smem:$0x3FB5] =	sst s7  }
0x10: {  	[smem:$0x3FB6] =	sst s8  }
0x11: {  	[smem:$0x3FB7] =	sst s9;
	s0 =	simm.s32 @!p0 $0x0  }
0x12: {  	s1 =	sld [smem:$0x3F9D];
	s0 =	simm.s32 @p0 $0x1  }
0x13: {  	[smem:$0x3FB8] =	sst s0;
	s0 =	simm.s32 @!p1 $0x0  }
0x14: {  	s2 =	sld [smem:$0x3F9C];
	s0 =	simm.s32 @p1 $0x1  }
0x15: {  	[smem:$0x3FB9] =	sst s0;
	s0 =	simm.s32 @!p2 $0x0  }
0x16: {  	s3 =	sld [smem:$0x3FDB];
	s0 =	simm.s32 @p2 $0x1  }
0x17: {  	s4 =	simm.s32 $0x1BF5;
	[smem:$0x3FBB] =	sst s0  }
0x18: {  	s0 =	sld [smem:$0x3F9E];
	_ =	swait.ge [sflag:s4], $0x0  }
0x19: {  	s7 =	sld [smem:$0x3F9F]  }
0x1a: {  	s8 =	sadd.s32 $0xFFFFE003, lr  }
0x1b: {  	s9 =	sadd.s32 $0xFFFFFEF7, lr;
	s5 =	simm.s32 $0xFFFFFFFF;
	p2 =	slt.u32 s8, $0xFFFFF086  }
0x1c: {  	p1 =	slt.u32 s9, $0xF7A;
	s5 =	simm.s32 @!p2 $0x0  }
0x1d: {  	s5 =	simm.s32 @p1 $0x1;
	p0 =	seq.s32 s7, s2  }
0x1e: {  	s7 =	smul.u32 @!p0 $0xF7A, s2;
	p2 =	seq.s32 @!p0 s5, $0x0  }
0x1f: {  	s9 =	smul.u32 $0xF7A, s1;
	s8 =	simm.s32 @!p0 $0x1BF5;
	p2 =	por !p2, p0  }
0x20: {  	[sflag:s8] =	ssyncset.s32 @!p0 $0xFFFFF086;
	s6 =	sadd.s32 @!p0 s3, s7;
	s7 =	simm.s32 @!p0 $0x108  }
0x21: {  	s3 =	sadd.s32 s3, s9;
	s6 =	sadd.s32 @!p0 $0x88, s6;
	s7 =	simm.s32 @p2 $0x1082  }
0x22: {  	[simem:s7], [sflag:s8] =	dma.local @!p0 [hbm:s6], $0xF7A  }
0x23: {  	s9 =	sor.u32 $0xD0000000, s2;
	s6 =	simm.s32 $0x108;
	_ =	swait.ge @!p0 [sflag:s8], $0x0  }
0x24: {  	s3 =	sadd.s32 $0x88, s3;
	s6 =	simm.s32 @!p1 $0x1082;
	[sflag:s4] =	ssyncset.s32 $0xFFFFF086  }
0x25: {  	[simem:s6], [sflag:s4] =	dma.local [hbm:s3], $0xF7A  }
0x26: {  	[smem:$0x3F9F] =	sst s1;
	(tag) =	ssettag s2;
	_ =	strace s9  }
0x27: {  	s1 =	sld [smem:$0x3FAF]  }
0x28: {  	s2 =	sld [smem:$0x3FB0]  }
0x29: {  	s4 =	sld [smem:$0x3FB2]  }
0x2a: {  	p0 =	seq.s32 s5, $0x0;
	s5 =	sld [smem:$0x3FB3]  }
0x2b: {  	s6 =	sld [smem:$0x3FB4]  }
0x2c: {  	s7 =	sld [smem:$0x3FB5]  }
0x2d: {  	s3 =	simm.s32 $0x108;
	s8 =	sld [smem:$0x3FB6]  }
0x2e: {  	s3 =	simm.s32 @!p0 $0x1082;
	s9 =	sld [smem:$0x3FB7]  }
0x2f: {  	lr =	sadd.s32 s0, s3;
	s0 =	sld [smem:$0x3FAE]  }
0x30: {  	s3 =	sld [smem:$0x3FB1]  }
0x31: {  	[smem:$0x3FBA] =	sst s10  }
0x32: {  	s10 =	sld [smem:$0x3FB8];
	_ =	sdelay $0x3  }
0x33: {  	p0 =	seq.s32 s10, $0x1;
	s10 =	sld [smem:$0x3FBA];
	_ =	sdelay $0x3  }
0x34: {  	[smem:$0x3FBA] =	sst s10  }
0x35: {  	s10 =	sld [smem:$0x3FB9];
	_ =	sdelay $0x3  }
0x36: {  	p1 =	seq.s32 s10, $0x1;
	s10 =	sld [smem:$0x3FBA];
	_ =	sdelay $0x3  }
0x37: {  	[smem:$0x3FBA] =	sst s10  }
0x38: {  	s10 =	sld [smem:$0x3FBB]  }
0x39: {  	_ = 	snop;
	(pc) =	sbr.ind lr, $3  }
0x3a: {  	_ = 	snop  }
0x3b: {  	_ = 	snop  }
0x3c: {  	p2 =	seq.s32 s10, $0x1;
	s10 =	sld [smem:$0x3FBA]  }
0x3d: {  	_ =	shalt  }
0x3e: {  	_ =	shalt  }
0x3f: {  	_ =	shalt  }
0x40: {  	_ =	shalt  }
0x41: {  	_ =	shalt  }
0x42: {  	_ =	shalt  }
0x43: {  	_ =	shalt  }
0x44: {  	_ =	shalt  }
0x45: {  	_ =	shalt  }
0x46: {  	_ =	shalt  }
0x47: {  	_ =	shalt  }
0x48: {  	_ =	shalt  }
0x49: {  	_ =	shalt  }
0x4a: {  	_ =	shalt  }
0x4b: {  	_ =	shalt  }
0x4c: {  	_ =	shalt  }
0x4d: {  	_ =	shalt  }
0x4e: {  	_ =	shalt  }
0x4f: {  	_ =	shalt  }
0x50: {  	_ =	shalt  }
0x51: {  	_ =	shalt  }
0x52: {  	_ =	shalt  }
0x53: {  	_ =	shalt  }
0x54: {  	_ =	shalt  }
0x55: {  	_ =	shalt  }
0x56: {  	_ =	shalt  }
0x57: {  	_ =	shalt  }
0x58: {  	_ =	shalt  }
0x59: {  	_ =	shalt  }
0x5a: {  	_ =	shalt  }
0x5b: {  	_ =	shalt  }
0x5c: {  	_ =	shalt  }
0x5d: {  	_ =	shalt  }
0x5e: {  	_ =	shalt  }
0x5f: {  	_ =	shalt  }
0x60: {  	_ =	shalt  }
0x61: {  	_ =	shalt  }
0x62: {  	_ =	shalt  }
0x63: {  	_ =	shalt  }
0x64: {  	_ =	shalt  }
0x65: {  	_ =	shalt  }
0x66: {  	_ =	shalt  }
0x67: {  	_ =	shalt  }
0x68: {  	_ =	shalt  }
0x69: {  	_ =	shalt  }
0x6a: {  	_ =	shalt  }
0x6b: {  	_ =	shalt  }
0x6c: {  	_ =	shalt  }
0x6d: {  	_ =	shalt  }
0x6e: {  	_ =	shalt  }
0x6f: {  	_ =	shalt  }
0x70: {  	_ =	shalt  }
0x71: {  	_ =	shalt  }
0x72: {  	_ =	shalt  }
0x73: {  	_ =	shalt  }
0x74: {  	_ =	shalt  }
0x75: {  	_ =	shalt  }
0x76: {  	_ =	shalt  }
0x77: {  	_ =	shalt  }
0x78: {  	_ =	shalt  }
0x79: {  	_ =	shalt  }
0x7a: {  	_ =	shalt  }
0x7b: {  	_ =	shalt  }
0x7c: {  	_ =	shalt  }
0x7d: {  	_ =	shalt  }
0x7e: {  	_ =	shalt  }
0x7f: {  	_ =	shalt  }
0x80: {  	_ =	shalt  }
0x81: {  	_ =	shalt  }
0x82: {  	_ =	shalt  }
0x83: {  	_ =	shalt  }
0x84: {  	_ =	shalt  }
0x85: {  	_ =	shalt  }
0x86: {  	_ =	shalt  }
0x87: {  	_ =	shalt  }
.Lfunc_end0:
.L_simem_size_0:
called_computation_lowered:
.L_overlay_start_0:
0x88: {  	s2 =	sld [smem:$0x3FD9]  }
0x89: {  	s3 =	sld [smem:$0x3FFE];
	_ =	sdelay $0x1  }
0x8a: {  	s1 =	srdreg.scid  }
0x8b: {  	s0 =	sand.u32 $0x1, s1  }
0x8c: {  	s18 =	sshll.u32 s0, $0xA;
	s2 =	sadd.s32 s3, s2  }
0x8d: {  	s2 =	sadd.s32 s2, s18  }
0x8e: {  	[smem:$0x3FC6] =	sst s2  }
0x8f: {  	_ = 	snop  }
0x90: {  	s2 =	sld [smem:$0x3FC9]  }
0x91: {  	s19 =	sld [smem:$0x3FC8]  }
0x92: {  	s4 =	sld [smem:$0x3FD0];
	(tm) =	ssettm $0x1  }
0x93: {  	s5 =	sld [smem:$0x3FFB];
	_ =	sdelay $0x3  }
0x94: {  	_ =	strace s5  }
0x95: {  	s5 =	sld [smem:$0x3FFC];
	_ =	sdelay $0x3  }
0x96: {  	_ =	strace s5  }
0x97: {  	s5 =	sld [smem:$0x3FFD];
	_ =	sdelay $0x3  }
0x98: {  	_ =	strace s5  }
0x99: {  	_ =	strace $0x8FFFFFFF  }
0x9a: {  	s20 =	sld [smem:$0x3FDB];
	_ =	sdelay $0x1  }
0x9b: {  	s6 =	simm.s32 $_scs_section_size  }
0x9c: {  	s7 =	simm.s32 $_size__tile_overlayer_lowered;
	s8 =	simm.s32 $_tile_overlayer_lowered  }
0x9d: {  	s23 =	simm.s32 $0x1BFF;
	s22 =	sshll.u32 s8, $0x1;
	s5 =	sadd.s32 s6, s20  }
0x9e: {  	s9 =	simm.s32 $0x0;
	s21 =	sshll.u32 s7, $0x1;
	s7 =	sadd.s32 s22, s5  }
0x9f: {  	[timem:s9], [sflag:s23] =	dma.local [hbm:s7], s21  }
0xa0: {  	_ =	swait.ge [sflag:s23], s21  }
0xa1: {  	s6 =	ssub.s32 $0x0, s21;
	[sflag:s23] =	ssyncset.done $0x0  }
0xa2: {  	[sflag:s23] =	ssyncadd.s32 s6;
	_ =	sdelay $0x1  }
0xa3: {  	s24 =	simm.s32 $0x1B8B  }
0xa4: {  	_ =	swait.ge [sflag:s24], $0x1  }
0xa5: {  	[sflag:s24] =	ssyncset.done $0x0  }
0xa6: {  	s25 =	simm.s32 $0x1B8E;
	[sflag:s24] =	ssyncadd.s32 $0xFFFFFFFF  }
0xa7: {  	s26 =	simm.s32 $execute0_lowered;
	[smem:$0x3FD2] =	sst s25  }
0xa8: {  	s6 =	sshll.u32 s26, $0x1;
	_ =	strace $0x80000046;
	[dreg:$0x1] =	wrdreg $0xFFFFFFFF  }
0xa9: {  	s28 =	simm.s32 $_size_execute0_lowered;
	s5 =	sadd.s32 s5, s6;
	[dreg:$0x0] =	wrdreg $0x0  }
0xaa: {  	s6 =	sshll.u32 s28, $0x1;
	[dreg:$0x2] =	wrdreg s5  }
0xab: {  	[dreg:$0x3] =	wrdreg s6  }
0xac: {  	[dreg:$0x4] =	wrdreg $0xC0  }
0xad: {  	_ =	task [dreg:s9], $0x5FFFF  }
0xae: {  	[dreg:$0x1] =	wrdreg $0xFFFFFFFF  }
0xaf: {  	[dreg:$0x0] =	wrdreg $0x60  }
0xb0: {  	[dreg:$0x2] =	wrdreg s2  }
0xb1: {  	[dreg:$0x3] =	wrdreg s19  }
0xb2: {  	[dreg:$0x4] =	wrdreg s4  }
0xb3: {  	[dreg:$0x5] =	wrdreg $0x9  }
0xb4: {  	_ =	task.clear_ibuf [dreg:s9], $0x6FFFF;
	_ =	strace $0x90000046  }
0xb5: {  	s29 =	simm.s32 $0x9;
	_ =	strace $0x80000048  }
0xb6: {  	_ =	swait.ge [sflag:s29], $0x1  }
0xb7: {  	[sflag:s29] =	ssyncadd.s32 $0xFFFFFFFF  }
0xb8: {  	_ =	strace $0x90000048  }
0xb9: {  	_ =	sfence  }
0xba: {  	s30 =	sld [smem:$0x0];
	_ =	sdelay $0x2  }
0xbb: {  	s31 =	sshll.u32 s1, $0xD;
	s1 =	sshrl.u32 s1, $0x2  }
0xbc: {  	s3 =	sand.u32 $0x4000, s31;
	s1 =	sadd.s32 s1, s30  }
0xbd: {  	s0 =	sor.u32 s3, s0;
	s1 =	sshll.u32 s1, $0x11  }
0xbe: {  	s0 =	sor.u32 s1, s0  }
0xbf: {  	s0 =	sadd.s32 $0x8F2B, s0  }
0xc0: {  	[sflag:s0] =	ssyncadd.remote.s32 $0x1  }
0xc1: {  	_ =	sfence.sel $0xFFFF  }
0xc2: {  	[dreg:$0x0] =	wrdreg $0xFFFFFFFF;
	(pc) =	sbr.abs _section_cstart, $3  }
0xc3: {  	[dreg:$0x1] =	wrdreg $0xFFFFFFFF  }
0xc4: {  	_ =	task.clear_ibuf [dreg:s9], $0x2FFFF;
	_ =	strace $0x9FFFFFFF  }
0xc5: {  	(tm) =	ssettm $0x7FFFFFFF  }
tec
execute0_lowered:
.L_overlay_start_1:
0x0: {  	(tag) =	ssettag $0x1  }
0x1: {  	s1 =	rddreg [dreg:$0x0]  }
0x2: {  	s6 =	rddreg [dreg:$0x1]  }
0x3: {  	s8 =	rddreg [dreg:$0x2];
	s3 =	srdreg.scid  }
0x4: {  	s0 =	rddreg [dreg:$0x3];
	s2 =	stileid.u32;
	s5 =	sand.u32 $0x1, s3  }
0x5: {  	s3 =	simm.s32 $0x0;
	s7 =	sshrl.u32 s2, $0x2;
	s29 =	sshll.u32 s2, $0x1  }
0x6: {  	s11 =	sand.u32 $0x3, s2;
	s4 =	ssub.s32 $0x2, s5;
	[smem:$0x7FF] =	sst s3  }
0x7: {  	s10 =	smul.u32 $0x6, s7;
	p0 =	seq.s32 s7, $0x0;
	s9 =	sshrl.u32 s4, $0x1  }
0x8: {  	s11 =	sshll.u32 s11, $0xB;
	s9 =	ssub.s32 s4, s9;
	s4 =	sand.u32 $0x6, s29  }
0x9: {  	_ =	strace $0x80000047;
	s7 =	sor.u32 $0x1, s10;
	s30 =	sor.u32 s5, s4  }
0xa: {  	s7 =	simm.s32 @p0 $0x0;
	s4 =	simm.s32 $0x7;
	s5 =	sshll.u32 s5, $0xA  }
0xb: {  	s4 =	simm.s32 @!p0 $0x6;
	s10 =	sshll.u32 s30, $0xA;
	s7 =	sshll.u32 s7, $0xD  }
0xc: {  	v7 =	vlaneseq.u32;
	s12 =	sor.u32 $0x10, s10;
	s13 =	sor.u32 $0x20, s10;
	s7 =	sor.u32 s11, s7  }
0xd: {  	s31 =	sor.u32 $0x30, s10;
	s14 =	sor.u32 $0x40, s10;
	s15 =	sor.u32 $0x50, s10;
	v1 =	vor.u32 s10, v7;
	v0 =	vor.u32 s12, v7  }
0xe: {  	s16 =	sor.u32 $0x60, s10;
	s10 =	sor.u32 $0x70, s10;
	s11 =	simm.s32 $0x2;
	v2 =	vor.u32 s13, v7;
	v3 =	vor.u32 s31, v7;
	v4 =	vor.u32 s14, v7  }
0xf: {  	s5 =	sor.u32 s5, s7;
	s7 =	sshll.u32 s4, $0xC;
	v5 =	vor.u32 s15, v7;
	v6 =	vor.u32 s16, v7;
	v7 =	vor.u32 s10, v7;
	s10 =	simm.s32 $0x80  }
0x10: {  	s12 =	simm.s32 $0x0;
	s17 =	sshrl.u32 s5, $0x3;
	s5 =	smax.u32 s9, $0x1  }
0x11: {  	s9 =	simm.s32 $0x1;
	s6 =	sadd.s32 s17, s6;
	s8 =	sadd.s32 s17, s8  }
.LBB2_1:
0x12: {  	p0 =	sne.s32 s4, $0x1  }
.Ltmp0:
0x13: {  	_ = 	snop;
	(pc) =	sbr.rel @!p0 .LBB2_3-.Ltmp0, $3  }
0x14: {  	_ =	sdelay $0x1  }
0x15: {  	[tilespmem:s3], [sflag:$0x1] =	stream.linear.gather [hbm4b:s6+s3], $0x400, $0x38;
	[tilespmem:$0x5400] =	vst v63  }
0x16: {  	s13 =	sadd.s32 $0xFFFFFFFF, s4;
	s14 =	simm.s32 $0x0;
	s15 =	smov.u32 s6  }
.LBB2_2:
0x17: {  	p1 =	sne.s32 s13, $0x1  }
.Ltmp1:
0x18: {  	_ = 	snop;
	(pc) =	sbr.rel @p1 .LBB2_2-.Ltmp1, $4  }
0x19: {  	_ = 	snop  }
0x1a: {  	s14 =	sadd.s32 $0x400, s14;
	s15 =	sadd.s32 $0x400, s15  }
0x1b: {  	s13 =	sadd.s32 $0xFFFFFFFF, s13  }
0x1c: {  	[tilespmem:s14], [sflag:$0x1] =	stream.linear.gather [hbm4b:s15+s3], $0x400, $0x38;
	[tilespmem:$0x5400] =	vst v63  }
.LBB2_3:
0x1d: {  	s13 =	smov.u32 s4  }
.LBB2_4:
0x1e: {  	p1 =	sne.s32 s13, $0x1  }
.Ltmp2:
0x1f: {  	_ = 	snop;
	(pc) =	sbr.rel @p1 .LBB2_4-.Ltmp2, $4  }
0x20: {  	_ = 	snop  }
0x21: {  	_ =	swait.ge [sflag:s9], $0x400  }
0x22: {  	[sflag:s9] =	ssyncset.done $0x0  }
0x23: {  	s13 =	sadd.s32 $0xFFFFFFFF, s13;
	[sflag:s9] =	ssyncadd.s32 $0xFFFFFC00  }
0x24: {  	s13 =	simm.s32 $0x0  }
.LBB2_6:
0x25: {  	s14 =	sshra.s32 s13, $0x2  }
0x26: {  	v8 =	vld [tilespmem:s14+$0x0]  }
0x27: {  	v9 =	vld [tilespmem:s14+$0x10]  }
0x28: {  	v10 =	vld [tilespmem:s14+$0x20]  }
0x29: {  	v12 =	vld [tilespmem:s14+$0x30]  }
0x2a: {  	v43 =	vld [tilespmem:s14+$0x40]  }
0x2b: {  	v14 =	vld [tilespmem:s14+$0x50]  }
0x2c: {  	v46 =	vld [tilespmem:s14+$0x60]  }
0x2d: {  	v16 =	vld [tilespmem:s14+$0x70]  }
0x2e: {  	v11 =	vshll.u32 v8, $0xA;
	v8 =	vshll.u32 v8, $0x7;
	v13 =	vshll.u32 v9, $0xA  }
0x2f: {  	v9 =	vshll.u32 v9, $0x7;
	v44 =	vshll.u32 v10, $0xA;
	v10 =	vshll.u32 v10, $0x7  }
0x30: {  	v15 =	vshll.u32 v12, $0xA;
	v12 =	vshll.u32 v12, $0x7;
	v47 =	vshll.u32 v43, $0xA  }
0x31: {  	v17 =	vshll.u32 v14, $0xA;
	v14 =	vshll.u32 v14, $0x7;
	v51 =	vshll.u32 v46, $0xA  }
0x32: {  	v53 =	vshll.u32 v46, $0x7;
	v55 =	vshll.u32 v16, $0xA;
	v56 =	vshll.u32 v16, $0x7  }
0x33: {  	v11 =	vand.u32 $0xFFFFE000, v11;
	v8 =	vand.u32 $0x380, v8;
	v42 =	vand.u32 $0xFFFFE000, v13  }
0x34: {  	v9 =	vand.u32 $0x380, v9;
	v10 =	vand.u32 $0x380, v10;
	v45 =	vand.u32 $0xFFFFE000, v15  }
0x35: {  	v12 =	vand.u32 $0x380, v12;
	v13 =	vshll.u32 v43, $0x7;
	v48 =	vand.u32 $0xFFFFE000, v17  }
0x36: {  	v49 =	vand.u32 $0x380, v14;
	v52 =	vand.u32 $0xFFFFE000, v51;
	v8 =	vor.u32 v11, v8  }
0x37: {  	v9 =	vor.u32 v42, v9;
	v11 =	vand.u32 $0xFFFFE000, v44;
	v8 =	vor.u32 v1, v8  }
0x38: {  	v13 =	vand.u32 $0x380, v13;
	v9 =	vor.u32 v0, v9;
	v10 =	vor.u32 v11, v10;
	[tilespmem:s14+$0x1C00] =	vst v8  }
0x39: {  	v11 =	vor.u32 v45, v12;
	v12 =	vand.u32 $0xFFFFE000, v47;
	v10 =	vor.u32 v2, v10;
	[tilespmem:s14+$0x1C10] =	vst v9  }
0x3a: {  	v54 =	vand.u32 $0x380, v53;
	v11 =	vor.u32 v3, v11;
	v8 =	vor.u32 v12, v13;
	[tilespmem:s14+$0x1C20] =	vst v10  }
0x3b: {  	v57 =	vand.u32 $0xFFFFE000, v55;
	v50 =	vor.u32 v48, v49;
	v8 =	vor.u32 v4, v8;
	[tilespmem:s14+$0x1C30] =	vst v11  }
0x3c: {  	v58 =	vand.u32 $0x380, v56;
	v9 =	vor.u32 v5, v50;
	[tilespmem:s14+$0x1C40] =	vst v8;
	v8 =	vor.u32 v52, v54  }
0x3d: {  	v59 =	vor.u32 v57, v58;
	[tilespmem:s14+$0x1C50] =	vst v9;
	v8 =	vor.u32 v6, v8  }
0x3e: {  	[tilespmem:s14+$0x1C60] =	vst v8;
	v8 =	vor.u32 v7, v59  }
0x3f: {  	s15 =	sadd.s32 $0x1C00, s14;
	s16 =	sadd.s32 $0x3800, s14;
	[tilespmem:s14+$0x1C70] =	vst v8  }
0x40: {  	[tilespmem:s16], [sflag:$0x1] =	stream.indirect.gather [hbm4b:s1+s10], $0x1, s15, s10, $0xb8;
	[tilespmem:$0x5400] =	vst v63  }
0x41: {  	v8 =	vld [tilespmem:s14+$0x80]  }
0x42: {  	v60 =	vld [tilespmem:s14+$0x90]  }
0x43: {  	v61 =	vld [tilespmem:s14+$0xA0]  }
0x44: {  	v63 =	vld [tilespmem:s14+$0xB0]  }
0x45: {  	v20 =	vld [tilespmem:s14+$0xC0]  }
0x46: {  	v22 =	vld [tilespmem:s14+$0xD0]  }
0x47: {  	v25 =	vld [tilespmem:s14+$0xE0]  }
0x48: {  	v27 =	vld [tilespmem:s14+$0xF0]  }
0x49: {  	v62 =	vshll.u32 v8, $0xA;
	v8 =	vshll.u32 v8, $0x7;
	v18 =	vshll.u32 v60, $0xA  }
0x4a: {  	v9 =	vshll.u32 v60, $0x7;
	v21 =	vshll.u32 v61, $0xA;
	v10 =	vshll.u32 v61, $0x7  }
0x4b: {  	v23 =	vshll.u32 v63, $0xA;
	v12 =	vshll.u32 v63, $0x7;
	v26 =	vshll.u32 v20, $0xA  }
0x4c: {  	v13 =	vshll.u32 v20, $0x7;
	v28 =	vshll.u32 v22, $0xA;
	v14 =	vshll.u32 v22, $0x7  }
0x4d: {  	v32 =	vshll.u32 v25, $0xA;
	v34 =	vshll.u32 v25, $0x7;
	v36 =	vshll.u32 v27, $0xA  }
0x4e: {  	v37 =	vshll.u32 v27, $0x7;
	v11 =	vand.u32 $0xFFFFE000, v62;
	v8 =	vand.u32 $0x380, v8  }
0x4f: {  	v19 =	vand.u32 $0xFFFFE000, v18;
	v9 =	vand.u32 $0x380, v9;
	v10 =	vand.u32 $0x380, v10  }
0x50: {  	v24 =	vand.u32 $0xFFFFE000, v23;
	v12 =	vand.u32 $0x380, v12;
	v13 =	vand.u32 $0x380, v13  }
0x51: {  	v29 =	vand.u32 $0xFFFFE000, v28;
	v30 =	vand.u32 $0x380, v14;
	v8 =	vor.u32 v11, v8  }
0x52: {  	v9 =	vor.u32 v19, v9;
	v11 =	vand.u32 $0xFFFFE000, v21;
	v8 =	vor.u32 v1, v8  }
0x53: {  	v33 =	vand.u32 $0xFFFFE000, v32;
	v9 =	vor.u32 v0, v9;
	v10 =	vor.u32 v11, v10;
	[tilespmem:s14+$0x1C80] =	vst v8  }
0x54: {  	v11 =	vor.u32 v24, v12;
	v12 =	vand.u32 $0xFFFFE000, v26;
	v10 =	vor.u32 v2, v10;
	[tilespmem:s14+$0x1C90] =	vst v9  }
0x55: {  	v35 =	vand.u32 $0x380, v34;
	v11 =	vor.u32 v3, v11;
	v8 =	vor.u32 v12, v13;
	[tilespmem:s14+$0x1CA0] =	vst v10  }
0x56: {  	v38 =	vand.u32 $0xFFFFE000, v36;
	v31 =	vor.u32 v29, v30;
	v8 =	vor.u32 v4, v8;
	[tilespmem:s14+$0x1CB0] =	vst v11  }
0x57: {  	v39 =	vand.u32 $0x380, v37;
	v9 =	vor.u32 v5, v31;
	[tilespmem:s14+$0x1CC0] =	vst v8;
	v8 =	vor.u32 v33, v35  }
0x58: {  	v40 =	vor.u32 v38, v39;
	[tilespmem:s14+$0x1CD0] =	vst v9;
	v8 =	vor.u32 v6, v8  }
0x59: {  	[tilespmem:s14+$0x1CE0] =	vst v8;
	v8 =	vor.u32 v7, v40  }
0x5a: {  	s18 =	sadd.s32 $0x1C80, s14;
	s19 =	sadd.s32 $0x3880, s14;
	[tilespmem:s14+$0x1CF0] =	vst v8  }
0x5b: {  	[tilespmem:s19], [sflag:$0x1] =	stream.indirect.gather [hbm4b:s1+s10], $0x1, s18, s10, $0xb8;
	[tilespmem:$0x5400] =	vst v63  }
0x5c: {  	v8 =	vld [tilespmem:s14+$0x100]  }
0x5d: {  	v41 =	vld [tilespmem:s14+$0x110]  }
0x5e: {  	v42 =	vld [tilespmem:s14+$0x120]  }
0x5f: {  	v44 =	vld [tilespmem:s14+$0x130]  }
0x60: {  	v47 =	vld [tilespmem:s14+$0x140]  }
0x61: {  	v49 =	vld [tilespmem:s14+$0x150]  }
0x62: {  	v52 =	vld [tilespmem:s14+$0x160]  }
0x63: {  	v54 =	vld [tilespmem:s14+$0x170]  }
0x64: {  	v43 =	vshll.u32 v8, $0xA;
	v8 =	vshll.u32 v8, $0x7;
	v45 =	vshll.u32 v41, $0xA  }
0x65: {  	v9 =	vshll.u32 v41, $0x7;
	v48 =	vshll.u32 v42, $0xA;
	v10 =	vshll.u32 v42, $0x7  }
0x66: {  	v50 =	vshll.u32 v44, $0xA;
	v12 =	vshll.u32 v44, $0x7;
	v53 =	vshll.u32 v47, $0xA  }
0x67: {  	v13 =	vshll.u32 v47, $0x7;
	v55 =	vshll.u32 v49, $0xA;
	v14 =	vshll.u32 v49, $0x7  }
0x68: {  	v59 =	vshll.u32 v52, $0xA;
	v61 =	vshll.u32 v52, $0x7;
	v63 =	vshll.u32 v54, $0xA  }
0x69: {  	v17 =	vshll.u32 v54, $0x7;
	v11 =	vand.u32 $0xFFFFE000, v43;
	v8 =	vand.u32 $0x380, v8  }
0x6a: {  	v46 =	vand.u32 $0xFFFFE000, v45;
	v9 =	vand.u32 $0x380, v9;
	v10 =	vand.u32 $0x380, v10  }
0x6b: {  	v51 =	vand.u32 $0xFFFFE000, v50;
	v12 =	vand.u32 $0x380, v12;
	v13 =	vand.u32 $0x380, v13  }
0x6c: {  	v56 =	vand.u32 $0xFFFFE000, v55;
	v57 =	vand.u32 $0x380, v14;
	v8 =	vor.u32 v11, v8  }
0x6d: {  	v9 =	vor.u32 v46, v9;
	v11 =	vand.u32 $0xFFFFE000, v48;
	v8 =	vor.u32 v1, v8  }
0x6e: {  	v60 =	vand.u32 $0xFFFFE000, v59;
	v9 =	vor.u32 v0, v9;
	v10 =	vor.u32 v11, v10;
	[tilespmem:s14+$0x1D00] =	vst v8  }
0x6f: {  	v11 =	vor.u32 v51, v12;
	v12 =	vand.u32 $0xFFFFE000, v53;
	v10 =	vor.u32 v2, v10;
	[tilespmem:s14+$0x1D10] =	vst v9  }
0x70: {  	v62 =	vand.u32 $0x380, v61;
	v11 =	vor.u32 v3, v11;
	v8 =	vor.u32 v12, v13;
	[tilespmem:s14+$0x1D20] =	vst v10  }
0x71: {  	v18 =	vand.u32 $0xFFFFE000, v63;
	v58 =	vor.u32 v56, v57;
	v8 =	vor.u32 v4, v8;
	[tilespmem:s14+$0x1D30] =	vst v11  }
0x72: {  	v19 =	vand.u32 $0x380, v17;
	v9 =	vor.u32 v5, v58;
	[tilespmem:s14+$0x1D40] =	vst v8;
	v8 =	vor.u32 v60, v62  }
0x73: {  	v20 =	vor.u32 v18, v19;
	[tilespmem:s14+$0x1D50] =	vst v9;
	v8 =	vor.u32 v6, v8  }
0x74: {  	[tilespmem:s14+$0x1D60] =	vst v8;
	v8 =	vor.u32 v7, v20  }
0x75: {  	s20 =	sadd.s32 $0x1D00, s14;
	s21 =	sadd.s32 $0x3900, s14;
	[tilespmem:s14+$0x1D70] =	vst v8  }
0x76: {  	[tilespmem:s21], [sflag:$0x1] =	stream.indirect.gather [hbm4b:s1+s10], $0x1, s20, s10, $0xb8;
	[tilespmem:$0x5400] =	vst v63  }
0x77: {  	v8 =	vld [tilespmem:s14+$0x180]  }
0x78: {  	v21 =	vld [tilespmem:s14+$0x190]  }
0x79: {  	v22 =	vld [tilespmem:s14+$0x1A0]  }
0x7a: {  	v24 =	vld [tilespmem:s14+$0x1B0]  }
0x7b: {  	v27 =	vld [tilespmem:s14+$0x1C0]  }
0x7c: {  	v29 =	vld [tilespmem:s14+$0x1D0]  }
0x7d: {  	v32 =	vld [tilespmem:s14+$0x1E0]  }
0x7e: {  	v34 =	vld [tilespmem:s14+$0x1F0]  }
0x7f: {  	v23 =	vshll.u32 v8, $0xA;
	v8 =	vshll.u32 v8, $0x7;
	v25 =	vshll.u32 v21, $0xA  }
0x80: {  	v9 =	vshll.u32 v21, $0x7;
	v28 =	vshll.u32 v22, $0xA;
	v10 =	vshll.u32 v22, $0x7  }
0x81: {  	v30 =	vshll.u32 v24, $0xA;
	v12 =	vshll.u32 v24, $0x7;
	v33 =	vshll.u32 v27, $0xA  }
0x82: {  	v13 =	vshll.u32 v27, $0x7;
	v35 =	vshll.u32 v29, $0xA;
	v14 =	vshll.u32 v29, $0x7  }
0x83: {  	v39 =	vshll.u32 v32, $0xA;
	v41 =	vshll.u32 v32, $0x7;
	v43 =	vshll.u32 v34, $0xA  }
0x84: {  	v44 =	vshll.u32 v34, $0x7;
	v11 =	vand.u32 $0xFFFFE000, v23;
	v8 =	vand.u32 $0x380, v8  }
0x85: {  	v26 =	vand.u32 $0xFFFFE000, v25;
	v9 =	vand.u32 $0x380, v9;
	v10 =	vand.u32 $0x380, v10  }
0x86: {  	v31 =	vand.u32 $0xFFFFE000, v30;
	v12 =	vand.u32 $0x380, v12;
	v13 =	vand.u32 $0x380, v13  }
0x87: {  	v36 =	vand.u32 $0xFFFFE000, v35;
	v37 =	vand.u32 $0x380, v14;
	v8 =	vor.u32 v11, v8  }
0x88: {  	v9 =	vor.u32 v26, v9;
	v11 =	vand.u32 $0xFFFFE000, v28;
	v8 =	vor.u32 v1, v8  }
0x89: {  	v40 =	vand.u32 $0xFFFFE000, v39;
	v9 =	vor.u32 v0, v9;
	v10 =	vor.u32 v11, v10;
	[tilespmem:s14+$0x1D80] =	vst v8  }
0x8a: {  	v11 =	vor.u32 v31, v12;
	v12 =	vand.u32 $0xFFFFE000, v33;
	v10 =	vor.u32 v2, v10;
	[tilespmem:s14+$0x1D90] =	vst v9  }
0x8b: {  	v42 =	vand.u32 $0x380, v41;
	v11 =	vor.u32 v3, v11;
	v8 =	vor.u32 v12, v13;
	[tilespmem:s14+$0x1DA0] =	vst v10  }
0x8c: {  	v45 =	vand.u32 $0xFFFFE000, v43;
	v38 =	vor.u32 v36, v37;
	v8 =	vor.u32 v4, v8;
	[tilespmem:s14+$0x1DB0] =	vst v11  }
0x8d: {  	v46 =	vand.u32 $0x380, v44;
	v9 =	vor.u32 v5, v38;
	[tilespmem:s14+$0x1DC0] =	vst v8;
	v8 =	vor.u32 v40, v42  }
0x8e: {  	v47 =	vor.u32 v45, v46;
	[tilespmem:s14+$0x1DD0] =	vst v9;
	v8 =	vor.u32 v6, v8  }
0x8f: {  	[tilespmem:s14+$0x1DE0] =	vst v8;
	v8 =	vor.u32 v7, v47  }
0x90: {  	s22 =	sadd.s32 $0x1D80, s14;
	s23 =	sadd.s32 $0x3980, s14;
	[tilespmem:s14+$0x1DF0] =	vst v8  }
0x91: {  	[tilespmem:s23], [sflag:$0x1] =	stream.indirect.gather [hbm4b:s1+s10], $0x1, s22, s10, $0xb8;
	[tilespmem:$0x5400] =	vst v63  }
0x92: {  	v8 =	vld [tilespmem:s14+$0x200]  }
0x93: {  	v48 =	vld [tilespmem:s14+$0x210]  }
0x94: {  	v49 =	vld [tilespmem:s14+$0x220]  }
0x95: {  	v51 =	vld [tilespmem:s14+$0x230]  }
0x96: {  	v54 =	vld [tilespmem:s14+$0x240]  }
0x97: {  	v56 =	vld [tilespmem:s14+$0x250]  }
0x98: {  	v59 =	vld [tilespmem:s14+$0x260]  }
0x99: {  	v61 =	vld [tilespmem:s14+$0x270]  }
0x9a: {  	v50 =	vshll.u32 v8, $0xA;
	v8 =	vshll.u32 v8, $0x7;
	v52 =	vshll.u32 v48, $0xA  }
0x9b: {  	v9 =	vshll.u32 v48, $0x7;
	v55 =	vshll.u32 v49, $0xA;
	v10 =	vshll.u32 v49, $0x7  }
0x9c: {  	v57 =	vshll.u32 v51, $0xA;
	v12 =	vshll.u32 v51, $0x7;
	v60 =	vshll.u32 v54, $0xA  }
0x9d: {  	v13 =	vshll.u32 v54, $0x7;
	v62 =	vshll.u32 v56, $0xA;
	v14 =	vshll.u32 v56, $0x7  }
0x9e: {  	v19 =	vshll.u32 v59, $0xA;
	v21 =	vshll.u32 v59, $0x7;
	v23 =	vshll.u32 v61, $0xA  }
0x9f: {  	v24 =	vshll.u32 v61, $0x7;
	v11 =	vand.u32 $0xFFFFE000, v50;
	v8 =	vand.u32 $0x380, v8  }
0xa0: {  	v53 =	vand.u32 $0xFFFFE000, v52;
	v9 =	vand.u32 $0x380, v9;
	v10 =	vand.u32 $0x380, v10  }
0xa1: {  	v58 =	vand.u32 $0xFFFFE000, v57;
	v12 =	vand.u32 $0x380, v12;
	v13 =	vand.u32 $0x380, v13  }
0xa2: {  	v63 =	vand.u32 $0xFFFFE000, v62;
	v17 =	vand.u32 $0x380, v14;
	v8 =	vor.u32 v11, v8  }
0xa3: {  	v9 =	vor.u32 v53, v9;
	v11 =	vand.u32 $0xFFFFE000, v55;
	v8 =	vor.u32 v1, v8  }
0xa4: {  	v20 =	vand.u32 $0xFFFFE000, v19;
	v9 =	vor.u32 v0, v9;
	v10 =	vor.u32 v11, v10;
	[tilespmem:s14+$0x1E00] =	vst v8  }
0xa5: {  	v11 =	vor.u32 v58, v12;
	v12 =	vand.u32 $0xFFFFE000, v60;
	v10 =	vor.u32 v2, v10;
	[tilespmem:s14+$0x1E10] =	vst v9  }
0xa6: {  	v22 =	vand.u32 $0x380, v21;
	v11 =	vor.u32 v3, v11;
	v8 =	vor.u32 v12, v13;
	[tilespmem:s14+$0x1E20] =	vst v10  }
0xa7: {  	v25 =	vand.u32 $0xFFFFE000, v23;
	v18 =	vor.u32 v63, v17;
	v8 =	vor.u32 v4, v8;
	[tilespmem:s14+$0x1E30] =	vst v11  }
0xa8: {  	v26 =	vand.u32 $0x380, v24;
	v9 =	vor.u32 v5, v18;
	[tilespmem:s14+$0x1E40] =	vst v8;
	v8 =	vor.u32 v20, v22  }
0xa9: {  	v27 =	vor.u32 v25, v26;
	[tilespmem:s14+$0x1E50] =	vst v9;
	v8 =	vor.u32 v6, v8  }
0xaa: {  	[tilespmem:s14+$0x1E60] =	vst v8;
	v8 =	vor.u32 v7, v27  }
0xab: {  	s24 =	sadd.s32 $0x1E00, s14;
	s25 =	sadd.s32 $0x3A00, s14;
	[tilespmem:s14+$0x1E70] =	vst v8  }
0xac: {  	[tilespmem:s25], [sflag:$0x1] =	stream.indirect.gather [hbm4b:s1+s10], $0x1, s24, s10, $0xb8;
	[tilespmem:$0x5400] =	vst v63  }
0xad: {  	v8 =	vld [tilespmem:s14+$0x280]  }
0xae: {  	v28 =	vld [tilespmem:s14+$0x290]  }
0xaf: {  	v29 =	vld [tilespmem:s14+$0x2A0]  }
0xb0: {  	v31 =	vld [tilespmem:s14+$0x2B0]  }
0xb1: {  	v34 =	vld [tilespmem:s14+$0x2C0]  }
0xb2: {  	v36 =	vld [tilespmem:s14+$0x2D0]  }
0xb3: {  	v39 =	vld [tilespmem:s14+$0x2E0]  }
0xb4: {  	v41 =	vld [tilespmem:s14+$0x2F0]  }
0xb5: {  	v30 =	vshll.u32 v8, $0xA;
	v8 =	vshll.u32 v8, $0x7;
	v32 =	vshll.u32 v28, $0xA  }
0xb6: {  	v9 =	vshll.u32 v28, $0x7;
	v35 =	vshll.u32 v29, $0xA;
	v10 =	vshll.u32 v29, $0x7  }
0xb7: {  	v37 =	vshll.u32 v31, $0xA;
	v12 =	vshll.u32 v31, $0x7;
	v40 =	vshll.u32 v34, $0xA  }
0xb8: {  	v13 =	vshll.u32 v34, $0x7;
	v42 =	vshll.u32 v36, $0xA;
	v14 =	vshll.u32 v36, $0x7  }
0xb9: {  	v46 =	vshll.u32 v39, $0xA;
	v48 =	vshll.u32 v39, $0x7;
	v50 =	vshll.u32 v41, $0xA  }
0xba: {  	v51 =	vshll.u32 v41, $0x7;
	v11 =	vand.u32 $0xFFFFE000, v30;
	v8 =	vand.u32 $0x380, v8  }
0xbb: {  	v33 =	vand.u32 $0xFFFFE000, v32;
	v9 =	vand.u32 $0x380, v9;
	v10 =	vand.u32 $0x380, v10  }
0xbc: {  	v38 =	vand.u32 $0xFFFFE000, v37;
	v12 =	vand.u32 $0x380, v12;
	v13 =	vand.u32 $0x380, v13  }
0xbd: {  	v43 =	vand.u32 $0xFFFFE000, v42;
	v44 =	vand.u32 $0x380, v14;
	v8 =	vor.u32 v11, v8  }
0xbe: {  	v9 =	vor.u32 v33, v9;
	v11 =	vand.u32 $0xFFFFE000, v35;
	v8 =	vor.u32 v1, v8  }
0xbf: {  	v47 =	vand.u32 $0xFFFFE000, v46;
	v9 =	vor.u32 v0, v9;
	v10 =	vor.u32 v11, v10;
	[tilespmem:s14+$0x1E80] =	vst v8  }
0xc0: {  	v11 =	vor.u32 v38, v12;
	v12 =	vand.u32 $0xFFFFE000, v40;
	v10 =	vor.u32 v2, v10;
	[tilespmem:s14+$0x1E90] =	vst v9  }
0xc1: {  	v49 =	vand.u32 $0x380, v48;
	v11 =	vor.u32 v3, v11;
	v8 =	vor.u32 v12, v13;
	[tilespmem:s14+$0x1EA0] =	vst v10  }
0xc2: {  	v52 =	vand.u32 $0xFFFFE000, v50;
	v45 =	vor.u32 v43, v44;
	v8 =	vor.u32 v4, v8;
	[tilespmem:s14+$0x1EB0] =	vst v11  }
0xc3: {  	v53 =	vand.u32 $0x380, v51;
	v9 =	vor.u32 v5, v45;
	[tilespmem:s14+$0x1EC0] =	vst v8;
	v8 =	vor.u32 v47, v49  }
0xc4: {  	v54 =	vor.u32 v52, v53;
	[tilespmem:s14+$0x1ED0] =	vst v9;
	v8 =	vor.u32 v6, v8  }
0xc5: {  	[tilespmem:s14+$0x1EE0] =	vst v8;
	v8 =	vor.u32 v7, v54  }
0xc6: {  	s26 =	sadd.s32 $0x1E80, s14;
	s28 =	sadd.s32 $0x3A80, s14;
	[tilespmem:s14+$0x1EF0] =	vst v8  }
0xc7: {  	[tilespmem:s28], [sflag:$0x1] =	stream.indirect.gather [hbm4b:s1+s10], $0x1, s26, s10, $0xb8;
	[tilespmem:$0x5400] =	vst v63  }
0xc8: {  	v8 =	vld [tilespmem:s14+$0x300]  }
0xc9: {  	v55 =	vld [tilespmem:s14+$0x310]  }
0xca: {  	v56 =	vld [tilespmem:s14+$0x320]  }
0xcb: {  	v58 =	vld [tilespmem:s14+$0x330]  }
0xcc: {  	v61 =	vld [tilespmem:s14+$0x340]  }
0xcd: {  	v63 =	vld [tilespmem:s14+$0x350]  }
0xce: {  	v21 =	vld [tilespmem:s14+$0x360]  }
0xcf: {  	v23 =	vld [tilespmem:s14+$0x370]  }
0xd0: {  	v57 =	vshll.u32 v8, $0xA;
	v8 =	vshll.u32 v8, $0x7;
	v59 =	vshll.u32 v55, $0xA  }
0xd1: {  	v9 =	vshll.u32 v55, $0x7;
	v62 =	vshll.u32 v56, $0xA;
	v10 =	vshll.u32 v56, $0x7  }
0xd2: {  	v19 =	vshll.u32 v58, $0xA;
	v12 =	vshll.u32 v58, $0x7;
	v22 =	vshll.u32 v61, $0xA  }
0xd3: {  	v13 =	vshll.u32 v61, $0x7;
	v24 =	vshll.u32 v63, $0xA;
	v14 =	vshll.u32 v63, $0x7  }
0xd4: {  	v28 =	vshll.u32 v21, $0xA;
	v30 =	vshll.u32 v21, $0x7;
	v32 =	vshll.u32 v23, $0xA  }
0xd5: {  	v33 =	vshll.u32 v23, $0x7;
	v11 =	vand.u32 $0xFFFFE000, v57;
	v8 =	vand.u32 $0x380, v8  }
0xd6: {  	v60 =	vand.u32 $0xFFFFE000, v59;
	v9 =	vand.u32 $0x380, v9;
	v10 =	vand.u32 $0x380, v10  }
0xd7: {  	v20 =	vand.u32 $0xFFFFE000, v19;
	v12 =	vand.u32 $0x380, v12;
	v13 =	vand.u32 $0x380, v13  }
0xd8: {  	v25 =	vand.u32 $0xFFFFE000, v24;
	v26 =	vand.u32 $0x380, v14;
	v8 =	vor.u32 v11, v8  }
0xd9: {  	v9 =	vor.u32 v60, v9;
	v11 =	vand.u32 $0xFFFFE000, v62;
	v8 =	vor.u32 v1, v8  }
0xda: {  	v29 =	vand.u32 $0xFFFFE000, v28;
	v9 =	vor.u32 v0, v9;
	v10 =	vor.u32 v11, v10;
	[tilespmem:s14+$0x1F00] =	vst v8  }
0xdb: {  	v11 =	vor.u32 v20, v12;
	v12 =	vand.u32 $0xFFFFE000, v22;
	v10 =	vor.u32 v2, v10;
	[tilespmem:s14+$0x1F10] =	vst v9  }
0xdc: {  	v31 =	vand.u32 $0x380, v30;
	v11 =	vor.u32 v3, v11;
	v8 =	vor.u32 v12, v13;
	[tilespmem:s14+$0x1F20] =	vst v10  }
0xdd: {  	v34 =	vand.u32 $0xFFFFE000, v32;
	v27 =	vor.u32 v25, v26;
	v8 =	vor.u32 v4, v8;
	[tilespmem:s14+$0x1F30] =	vst v11  }
0xde: {  	v35 =	vand.u32 $0x380, v33;
	v9 =	vor.u32 v5, v27;
	[tilespmem:s14+$0x1F40] =	vst v8;
	v8 =	vor.u32 v29, v31  }
0xdf: {  	v36 =	vor.u32 v34, v35;
	[tilespmem:s14+$0x1F50] =	vst v9;
	v8 =	vor.u32 v6, v8  }
0xe0: {  	[tilespmem:s14+$0x1F60] =	vst v8;
	v8 =	vor.u32 v7, v36  }
0xe1: {  	s29 =	sadd.s32 $0x1F00, s14;
	s30 =	sadd.s32 $0x3B00, s14;
	[tilespmem:s14+$0x1F70] =	vst v8  }
0xe2: {  	[tilespmem:s30], [sflag:$0x1] =	stream.indirect.gather [hbm4b:s1+s10], $0x1, s29, s10, $0xb8;
	[tilespmem:$0x5400] =	vst v63  }
0xe3: {  	v8 =	vld [tilespmem:s14+$0x380]  }
0xe4: {  	v37 =	vld [tilespmem:s14+$0x390]  }
0xe5: {  	v38 =	vld [tilespmem:s14+$0x3A0]  }
0xe6: {  	v40 =	vld [tilespmem:s14+$0x3B0]  }
0xe7: {  	v42 =	vld [tilespmem:s14+$0x3C0]  }
0xe8: {  	v45 =	vld [tilespmem:s14+$0x3D0]  }
0xe9: {  	v47 =	vld [tilespmem:s14+$0x3E0]  }
0xea: {  	v50 =	vld [tilespmem:s14+$0x3F0]  }
0xeb: {  	v39 =	vshll.u32 v8, $0xA;
	v8 =	vshll.u32 v8, $0x7;
	v41 =	vshll.u32 v37, $0xA  }
0xec: {  	v9 =	vshll.u32 v37, $0x7;
	v43 =	vshll.u32 v38, $0xA;
	v10 =	vshll.u32 v38, $0x7  }
0xed: {  	v46 =	vshll.u32 v40, $0xA;
	v12 =	vshll.u32 v40, $0x7;
	v48 =	vshll.u32 v42, $0xA  }
0xee: {  	v13 =	vshll.u32 v42, $0x7;
	v51 =	vshll.u32 v45, $0xA;
	v14 =	vshll.u32 v45, $0x7  }
0xef: {  	v55 =	vshll.u32 v47, $0xA;
	v56 =	vshll.u32 v47, $0x7;
	v59 =	vshll.u32 v50, $0xA  }
0xf0: {  	v60 =	vshll.u32 v50, $0x7;
	v11 =	vand.u32 $0xFFFFE000, v39;
	v8 =	vand.u32 $0x380, v8  }
0xf1: {  	v9 =	vand.u32 $0x380, v9;
	v44 =	vand.u32 $0xFFFFE000, v43;
	v10 =	vand.u32 $0x380, v10  }
0xf2: {  	v12 =	vand.u32 $0x380, v12;
	v49 =	vand.u32 $0xFFFFE000, v48;
	v13 =	vand.u32 $0x380, v13  }
0xf3: {  	v52 =	vand.u32 $0xFFFFE000, v51;
	v53 =	vand.u32 $0x380, v14;
	v8 =	vor.u32 v11, v8  }
0xf4: {  	v11 =	vand.u32 $0xFFFFE000, v41;
	v10 =	vor.u32 v44, v10;
	v8 =	vor.u32 v1, v8  }
0xf5: {  	v9 =	vor.u32 v11, v9;
	v10 =	vor.u32 v2, v10;
	v11 =	vand.u32 $0xFFFFE000, v46;
	[tilespmem:s14+$0x1F80] =	vst v8  }
0xf6: {  	v58 =	vand.u32 $0x380, v56;
	v9 =	vor.u32 v0, v9;
	v11 =	vor.u32 v11, v12;
	[tilespmem:s14+$0x1FA0] =	vst v10  }
0xf7: {  	s13 =	sadd.s32 $0x1000, s13;
	v61 =	vand.u32 $0xFFFFE000, v59;
	v12 =	vor.u32 v49, v13;
	v8 =	vor.u32 v3, v11;
	[tilespmem:s14+$0x1F90] =	vst v9  }
0xf8: {  	p1 =	sne.s32 s7, s13;
	v54 =	vor.u32 v52, v53;
	v57 =	vor.u32 v4, v12;
	v11 =	vand.u32 $0xFFFFE000, v55;
	[tilespmem:s14+$0x1FB0] =	vst v8  }
.Ltmp3:
0xf9: {  	v62 =	vand.u32 $0x380, v60;
	v9 =	vor.u32 v5, v54;
	v8 =	vor.u32 v11, v58;
	[tilespmem:s14+$0x1FC0] =	vst v57;
	(pc) =	sbr.rel @p1 .LBB2_6-.Ltmp3, $4  }
0xfa: {  	v63 =	vor.u32 v61, v62;
	[tilespmem:s14+$0x1FD0] =	vst v9;
	v8 =	vor.u32 v6, v8  }
0xfb: {  	[tilespmem:s14+$0x1FE0] =	vst v8;
	v8 =	vor.u32 v7, v63  }
0xfc: {  	s31 =	sadd.s32 $0x1F80, s14;
	[tilespmem:s14+$0x1FF0] =	vst v8;
	s14 =	sadd.s32 $0x3B80, s14  }
0xfd: {  	[tilespmem:s14], [sflag:$0x1] =	stream.indirect.gather [hbm4b:s1+s10], $0x1, s31, s10, $0xb8;
	[tilespmem:$0x5400] =	vst v63  }
0xfe: {  	_ =	swait.ge [sflag:s9], $0x80  }
0xff: {  	[sflag:s9] =	ssyncset.done $0x0  }
0x100: {  	[sflag:s9] =	ssyncadd.s32 $0xFFFFFF80  }
0x101: {  	_ =	swait.ge [sflag:s9], $0x80  }
0x102: {  	[sflag:s9] =	ssyncset.done $0x0  }
0x103: {  	[sflag:s9] =	ssyncadd.s32 $0xFFFFFF80  }
0x104: {  	_ =	swait.ge [sflag:s9], $0x80  }
0x105: {  	[sflag:s9] =	ssyncset.done $0x0  }
0x106: {  	[sflag:s9] =	ssyncadd.s32 $0xFFFFFF80  }
0x107: {  	_ =	swait.ge [sflag:s9], $0x80  }
0x108: {  	[sflag:s9] =	ssyncset.done $0x0  }
0x109: {  	[sflag:s9] =	ssyncadd.s32 $0xFFFFFF80  }
0x10a: {  	_ =	swait.ge [sflag:s9], $0x80  }
0x10b: {  	[sflag:s9] =	ssyncset.done $0x0  }
0x10c: {  	[sflag:s9] =	ssyncadd.s32 $0xFFFFFF80  }
0x10d: {  	_ =	swait.ge [sflag:s9], $0x80  }
0x10e: {  	[sflag:s9] =	ssyncset.done $0x0  }
0x10f: {  	[sflag:s9] =	ssyncadd.s32 $0xFFFFFF80  }
0x110: {  	_ =	swait.ge [sflag:s9], $0x80  }
.Ltmp4:
0x111: {  	[sflag:s9] =	ssyncset.done $0x0;
	(pc) =	sbr.rel @!p0 .LBB2_9-.Ltmp4, $4  }
0x112: {  	[sflag:s9] =	ssyncadd.s32 $0xFFFFFF80  }
0x113: {  	s16 =	simm.s32 $0x3800;
	_ =	swait.ge [sflag:s9], $0x80  }
0x114: {  	s13 =	sadd.s32 $0xFFFFFFFF, s4;
	s14 =	simm.s32 $0x3C00;
	[sflag:s9] =	ssyncset.done $0x0  }
0x115: {  	s15 =	sadd.s32 $0x400, s8;
	s17 =	smov.u32 s8;
	[sflag:s9] =	ssyncadd.s32 $0xFFFFFF80  }
.LBB2_8:
0x116: {  	[hbm4b:s17+s3] =	stream.linear.scatter [tilespmem:s16], [sflag:$0x2], $0x400, $0x38;
	[tilespmem:$0x5400] =	vst v63  }
0x117: {  	p1 =	sne.s32 s13, $0x1;
	s13 =	sadd.s32 $0xFFFFFFFF, s13;
	_ =	swait.ge [sflag:s9], $0x80  }
0x118: {  	s16 =	smov.u32 s14;
	s17 =	smov.u32 s15;
	[sflag:s9] =	ssyncset.done $0x0  }
0x119: {  	[sflag:s9] =	ssyncadd.s32 $0xFFFFFF80  }
0x11a: {  	_ =	swait.ge [sflag:s9], $0x80  }
0x11b: {  	[sflag:s9] =	ssyncset.done $0x0  }
0x11c: {  	[sflag:s9] =	ssyncadd.s32 $0xFFFFFF80  }
0x11d: {  	_ =	swait.ge [sflag:s9], $0x80  }
0x11e: {  	[sflag:s9] =	ssyncset.done $0x0  }
0x11f: {  	[sflag:s9] =	ssyncadd.s32 $0xFFFFFF80  }
0x120: {  	_ =	swait.ge [sflag:s9], $0x80  }
0x121: {  	[sflag:s9] =	ssyncset.done $0x0  }
0x122: {  	[sflag:s9] =	ssyncadd.s32 $0xFFFFFF80  }
0x123: {  	_ =	swait.ge [sflag:s9], $0x80  }
0x124: {  	[sflag:s9] =	ssyncset.done $0x0  }
0x125: {  	[sflag:s9] =	ssyncadd.s32 $0xFFFFFF80  }
0x126: {  	_ =	swait.ge [sflag:s9], $0x80  }
0x127: {  	[sflag:s9] =	ssyncset.done $0x0  }
0x128: {  	[sflag:s9] =	ssyncadd.s32 $0xFFFFFF80  }
0x129: {  	_ =	swait.ge [sflag:s9], $0x80  }
.Ltmp5:
0x12a: {  	[sflag:s9] =	ssyncset.done $0x0;
	(pc) =	sbr.rel @p1 .LBB2_8-.Ltmp5, $4  }
0x12b: {  	[sflag:s9] =	ssyncadd.s32 $0xFFFFFF80  }
0x12c: {  	_ =	swait.ge [sflag:s9], $0x80  }
0x12d: {  	[sflag:s9] =	ssyncset.done $0x0  }
0x12e: {  	s14 =	sadd.s32 $0x400, s14;
	s15 =	sadd.s32 $0x400, s15;
	[sflag:s9] =	ssyncadd.s32 $0xFFFFFF80  }
.LBB2_9:
.Ltmp6:
0x12f: {  	(pc) =	sbr.rel @!p0 .LBB2_11-.Ltmp6, $4  }
0x130: {  	_ = 	snop  }
0x131: {  	[hbm4b:s17+s3] =	stream.linear.scatter [tilespmem:s16], [sflag:$0x2], $0x400, $0x38;
	[tilespmem:$0x5400] =	vst v63  }
0x132: {  	_ =	swait.ge [sflag:s11], $0x400  }
0x133: {  	s13 =	sadd.s32 $0xFFFFFFFF, s4;
	[sflag:s11] =	ssyncset.done $0x0  }
.LBB2_10:
0x134: {  	p0 =	sne.s32 s13, $0x1;
	s13 =	sadd.s32 $0xFFFFFFFF, s13;
	[sflag:s11] =	ssyncadd.s32 $0xFFFFFC00  }
.Ltmp7:
0x135: {  	(pc) =	sbr.rel @p0 .LBB2_10-.Ltmp7, $3  }
0x136: {  	_ =	sdelay $0x1  }
0x137: {  	_ =	swait.ge [sflag:s11], $0x400  }
0x138: {  	[sflag:s11] =	ssyncset.done $0x0  }
.LBB2_11:
0x139: {  	s12 =	sadd.s32 $0x1, s12  }
0x13a: {  	p0 =	sne.s32 s12, s5  }
.Ltmp8:
0x13b: {  	_ = 	snop;
	(pc) =	sbr.rel @p0 .LBB2_1-.Ltmp8, $2  }
0x13c: {  	_ =	sdelay $0x2  }
0x13d: {  	[sflag:s11] =	ssyncadd.s32 $0xFFFFFC00  }
0x13e: {  	_ =	sfence.sel $0x180000  }
0x13f: {  	[bflag:$0x0] =	sbarrier.arrive $0xFFFF  }
0x140: {  	p0 =	sne.s32 s2, $0x0;
	_ =	strace $0x90000047  }
0x141: {  	s0 =	sadd.s32 @!p0 $0x100000, s0;
	[bflag:$0x2] =	sbarrier.arrive $0xFFFF  }
0x142: {  	[sflag:s0] =	ssyncadd.tile.s32 @!p0 $0x1;
	_ =	shalt  }
.Lfunc_end2:
_tile_overlayer_lowered:
.L_overlay_start_2:
0x143: {  	(tag) =	ssettag $0x2  }
0x144: {  	s0 =	rddreg [dreg:$0x0];
	s2 =	stileid.u32  }
0x145: {  	s1 =	rddreg [dreg:$0x1];
	p0 =	sne.s32 s2, $0x0  }
0x146: {  	s3 =	rddreg [dreg:$0x2];
	[bflag:$0x3] =	sbarrier.arrive $0xFFFF;
	s2 =	simm.s32 @!p0 $0x1C03  }
0x147: {  	[timem:s3], [sflag:s2] =	dma.local @!p0 [hbm:s0], s1  }
0x148: {  	s0 =	simm.s32 @!p0 $0x3  }
0x149: {  	_ =	swait.ge @!p0 [sflag:s0], s1  }
0x14a: {  	s1 =	ssub.s32 @!p0 $0x0, s1;
	[sflag:s0] =	ssyncset.done @!p0 $0x0  }
0x14b: {  	[sflag:s0] =	ssyncadd.s32 @!p0 s1  }
0x14c: {  	[bflag:$0x3] =	sbarrier.arrive $0xFFFF  }
0x14d: {  	_ =	shalt  }

</sc_bundles>
